<compile_context>
chip_gen: v7x
topology: tpu7x:2x2x1
jax: 0.10.2.dev20260603
libtpu: 0.0.44.dev20260713+nightly
codegen_flags: <defaults>
</compile_context>

<pallas_src>
import functools

import jax
import jax.numpy as jnp
from jax import lax
from jax.experimental import pallas as pl
from jax.experimental.pallas import tpu as pltpu
from jax.experimental.pallas import tpu_sc as plsc

N = 10000
E = 320000
F = 128
H = 64
G = 32

NP = 10240
EP = 327680
K = 128
NC = 2
NS = 16
STRIPE = NP // NS
ZCH = 128
ST = 40

f32 = jnp.float32
i32 = jnp.int32


def _sc_mesh():
    return plsc.VectorSubcoreMesh(
        core_axis_name="c", subcore_axis_name="s", num_cores=NC, num_subcores=NS
    )


def _zero_acc(zeros_h, buf, acc, r0):
    pltpu.sync_copy(zeros_h, buf)
    for t in range(STRIPE // ZCH):
        pltpu.sync_copy(buf, acc.at[pl.ds(r0 + t * ZCH, ZCH)])


def _dump_acc(acc, buf, out, out_base, r0):
    for t in range(STRIPE // ZCH):
        pltpu.sync_copy(acc.at[pl.ds(r0 + t * ZCH, ZCH)], buf)
        pltpu.sync_copy(buf, out.at[pl.ds(out_base + r0 + t * ZCH, ZCH)])


def _scatter_run(hs, src2, dst2, row0, nchunks,
                 srcv, dstv, buf0, buf1, sem0, sem1, acc):
    def issue(j, buf, sem):
        pltpu.async_copy(hs.at[srcv.at[j]], buf, sem)

    def wait(j, buf, sem):
        pltpu.make_async_copy(hs.at[srcv.at[j]], buf, sem).wait()

    def stage(st, carry):
        pltpu.sync_copy(src2.at[pl.ds(row0 + st * ST, ST)], srcv)
        pltpu.sync_copy(dst2.at[pl.ds(row0 + st * ST, ST)], dstv)
        issue(0, buf0, sem0)
        issue(1, buf1, sem1)

        def pair(q, inner):
            for o, buf, sem in ((0, buf0, sem0), (1, buf1, sem1)):
                j = q * 2 + o
                wait(j, buf, sem)
                pltpu.sync_copy(buf, acc.at[dstv.at[j]], add=True)

                @pl.when(j + 2 < ST)
                def _():
                    issue(j + 2, buf, sem)

            return inner

        lax.fori_loop(0, ST // 2, pair, 0)
        return carry

    lax.fori_loop(0, nchunks // ST, stage, 0)


def _mk_deg_kernel():
    C = EP // K // (NC * NS)

    @functools.partial(
        pl.kernel,
        out_type=jax.ShapeDtypeStruct((NC * NP, 16), f32),
        mesh=_sc_mesh(),
        compiler_params=pltpu.CompilerParams(use_tc_tiling_on_sc=False),
        scratch_types=[
            pltpu.VMEM((ST, K), i32),
            pltpu.VMEM((K, 16), f32),
            pltpu.VMEM((ZCH, 16), f32),
            pltpu.VMEM_SHARED((NP, 16), f32),
        ],
    )
    def deg_kernel(dst2, ones_h, zeros_h, out, dstv, onesv, zbuf, acc):
        c = lax.axis_index("c")
        s = lax.axis_index("s")
        r0 = s * STRIPE
        row0 = (c * NS + s) * C
        pltpu.sync_copy(ones_h, onesv)
        _zero_acc(zeros_h, zbuf, acc, r0)
        plsc.subcore_barrier()

        def stage(st, carry):
            pltpu.sync_copy(dst2.at[pl.ds(row0 + st * ST, ST)], dstv)

            def step(j, inner):
                pltpu.sync_copy(onesv, acc.at[dstv.at[j]], add=True)
                return inner

            lax.fori_loop(0, ST, step, 0)
            return carry

        lax.fori_loop(0, C // ST, stage, 0)
        plsc.subcore_barrier()
        _dump_acc(acc, zbuf, out, c * NP, r0)

    return deg_kernel


def _mk_scatter_edges(hc, tc_tiling=False):
    C = EP // K // (NC * NS)

    @functools.partial(
        pl.kernel,
        out_type=jax.ShapeDtypeStruct((NC * NP, hc), f32),
        mesh=_sc_mesh(),
        compiler_params=pltpu.CompilerParams(use_tc_tiling_on_sc=tc_tiling),
        scratch_types=[
            pltpu.VMEM((ST, K), i32),
            pltpu.VMEM((ST, K), i32),
            pltpu.VMEM((K, hc), f32),
            pltpu.VMEM((K, hc), f32),
            pltpu.VMEM_SHARED((NP, hc), f32),
            pltpu.SemaphoreType.DMA,
            pltpu.SemaphoreType.DMA,
        ],
    )
    def scatter_kernel(hs, src2, dst2, zeros_h, out,
                       srcv, dstv, buf0, buf1, acc, sem0, sem1):
        c = lax.axis_index("c")
        s = lax.axis_index("s")
        r0 = s * STRIPE
        row0 = (c * NS + s) * C
        _zero_acc(zeros_h, buf0, acc, r0)
        plsc.subcore_barrier()
        _scatter_run(hs, src2, dst2, row0, C,
                     srcv, dstv, buf0, buf1, sem0, sem1, acc)
        plsc.subcore_barrier()
        _dump_acc(acc, buf0, out, c * NP, r0)

    return scatter_kernel



_BLK = 1024
_NBLK = NP // _BLK


def _dinv_of(d0_ref, d1_ref):
    deg = d0_ref[:, 0:1] + d1_ref[:, 0:1] + 1.0
    return lax.rsqrt(deg)


def _lrelu(t):
    return jnp.where(t > 0, t, 0.01 * t)


def _valid_rows():
    rowid = lax.broadcasted_iota(i32, (_BLK, 1), 0) + pl.program_id(0) * _BLK
    return rowid < N


def _tc_first(x_ref, w_ref, d0_ref, d1_ref, out_ref):
    dinv = _dinv_of(d0_ref, d1_ref)
    h = jnp.dot(x_ref[...], w_ref[...], preferred_element_type=f32)
    out_ref[...] = h * dinv


def _tc_a(s0_ref, s1_ref, hs_ref, d0_ref, d1_ref, b_ref, out_ref):
    dinv = _dinv_of(d0_ref, d1_ref)
    s = s0_ref[...] + s1_ref[...]
    xn = _lrelu(dinv * (s + hs_ref[...]) + b_ref[...])
    out_ref[...] = jnp.where(_valid_rows(), xn * dinv, 0.0)


def _tc_b(t0_ref, t1_ref, xs_ref, d0_ref, d1_ref, b_ref, w_ref, out_ref):
    dinv = _dinv_of(d0_ref, d1_ref)
    t = t0_ref[...] + t1_ref[...] + xs_ref[...]
    agg = dinv * jnp.dot(t, w_ref[...], preferred_element_type=f32) + b_ref[...]
    out_ref[...] = jnp.where(_valid_rows(), _lrelu(agg) * dinv, 0.0)


def _tc_final(t30_ref, t31_ref, xs_ref, d0_ref, d1_ref, b3_ref, w3_ref,
              batch_ref, wc1_ref, bc1_ref, wc2_ref, bc2_ref, wc3_ref, bc3_ref,
              out_ref, acc_ref):
    i = pl.program_id(0)

    @pl.when(i == 0)
    def _():
        acc_ref[...] = jnp.full((G, 4 * H), -1e30, f32)

    dinv = _dinv_of(d0_ref, d1_ref)
    t = t30_ref[...] + t31_ref[...] + xs_ref[...]
    f_blk = (dinv * jnp.dot(t, w3_ref[...], preferred_element_type=f32)
             + b3_ref[...])
    batch = batch_ref[0]
    bmin = jnp.min(batch)
    bmax = jnp.max(batch)
    for g in range(G):
        @pl.when((g >= bmin) & (g <= bmax))
        def _(g=g):
            vals = jnp.where(batch == g, f_blk, -1e30)
            m = jnp.max(vals, axis=0, keepdims=True)
            acc_ref[pl.ds(g, 1), :] = jnp.maximum(acc_ref[pl.ds(g, 1), :], m)

    @pl.when(i == _NBLK - 1)
    def _():
        f1 = acc_ref[...]
        fcat = jnp.concatenate((f1, f1), axis=1)
        z = jnp.maximum(
            jnp.dot(fcat, wc1_ref[...], preferred_element_type=f32)
            + bc1_ref[...], 0.0)
        z = jnp.maximum(
            jnp.dot(z, wc2_ref[...], preferred_element_type=f32)
            + bc2_ref[...], 0.0)
        out_ref[...] = (
            jnp.dot(z, wc3_ref[...], preferred_element_type=f32) + bc3_ref[...])


def _full(shape):
    nd = len(shape)
    return pl.BlockSpec(shape, lambda i, _nd=nd: (0,) * _nd)


def _rows(width):
    return pl.BlockSpec((_BLK, width), lambda i: (i, 0))


def _rows_hi(width):
    return pl.BlockSpec((_BLK, width), lambda i: (i + _NBLK, 0))


def kernel(x, edge_index, batch, W1, b1, W2, b2, W3, b3,
           Wc1, bc1, Wc2, bc2, Wc3, bc3):
    pad_e = EP - E
    pad_ar = jnp.arange(pad_e, dtype=i32)
    src2 = jnp.concatenate(
        [edge_index[0], N + pad_ar % (NP - N)]).reshape(EP // K, K)
    dst2 = jnp.concatenate(
        [edge_index[1], (pad_ar * 131) % NP]).reshape(EP // K, K)
    dst2_deg = jnp.concatenate(
        [edge_index[1], N + pad_ar % (NP - N)]).reshape(EP // K, K)
    xp = jnp.concatenate([x, jnp.zeros((NP - N, F), f32)])
    batch3 = jnp.concatenate(
        [batch, jnp.full((NP - N,), G, i32)]).reshape(_NBLK, _BLK, 1)
    ones16 = jnp.ones((K, 16), f32)
    z16 = jnp.zeros((ZCH, 16), f32)
    z64 = jnp.zeros((ZCH, H), f32)
    z128 = jnp.zeros((ZCH, 128), f32)

    degp = _mk_deg_kernel()(dst2_deg, ones16, z16)

    hs1 = pl.pallas_call(
        _tc_first,
        grid=(_NBLK,),
        in_specs=[_rows(F), _full((F, H)), _rows(16), _rows_hi(16)],
        out_specs=_rows(H),
        out_shape=jax.ShapeDtypeStruct((NP, H), f32),
    )(xp, W1, degp, degp)

    S1 = _mk_scatter_edges(H)(hs1, src2, dst2, z64)

    x2s = pl.pallas_call(
        _tc_a,
        grid=(_NBLK,),
        in_specs=[
            _rows(H), _rows_hi(H),
            _rows(H), _rows(16), _rows_hi(16), _full((1, H)),
        ],
        out_specs=_rows(H),
        out_shape=jax.ShapeDtypeStruct((NP, H), f32),
    )(S1, S1, hs1, degp, degp, b1.reshape(1, H))

    T2 = _mk_scatter_edges(H)(x2s, src2, dst2, z64)

    x3s = pl.pallas_call(
        _tc_b,
        grid=(_NBLK,),
        in_specs=[
            _rows(H), _rows_hi(H),
            _rows(H), _rows(16), _rows_hi(16), _full((1, 2 * H)),
            _full((H, 2 * H)),
        ],
        out_specs=_rows(2 * H),
        out_shape=jax.ShapeDtypeStruct((NP, 2 * H), f32),
    )(T2, T2, x2s, degp, degp, b2.reshape(1, 2 * H), W2)

    T3 = _mk_scatter_edges(2 * H, tc_tiling=True)(x3s, src2, dst2, z128)

    out = pl.pallas_call(
        _tc_final,
        grid=(_NBLK,),
        in_specs=[
            _rows(2 * H), _rows_hi(2 * H),
            _rows(2 * H), _rows(16), _rows_hi(16), _full((1, 4 * H)),
            _full((2 * H, 4 * H)),
            pl.BlockSpec((1, _BLK, 1), lambda i: (i, 0, 0)),
            _full((8 * H, 1024)), _full((1, 1024)),
            _full((1024, 512)), _full((1, 512)),
            _full((512, 4)), _full((1, 4)),
        ],
        out_specs=pl.BlockSpec((G, 4), lambda i: (0, 0)),
        out_shape=jax.ShapeDtypeStruct((G, 4), f32),
        scratch_shapes=[pltpu.VMEM((G, 4 * H), f32)],
    )(T3, T3, x3s, degp, degp, b3.reshape(1, 4 * H), W3, batch3,
      Wc1, bc1.reshape(1, 1024), Wc2, bc2.reshape(1, 512),
      Wc3, bc3.reshape(1, 4))

    return out

# --- scband reference (transcript-rebuilt; emitter-appended) ---
"""Pipeline reference for scband-mix-56478819943005 (READ-ONLY COPY).

The authoritative reference and input builder live on the scoring server;
editing this copy changes nothing except your own understanding.
"""

import jax, jax.numpy as jnp
import numpy as np

N = 10000
E = 320000
F = 128
H = 64
G = 32  # number of graphs in batch


def setup_inputs(seed: int = 0) -> dict:
    key = jax.random.key(seed)
    ks = jax.random.split(key, 20)
    x = jax.random.normal(ks[0], (N, F), dtype=jnp.float32)
    edge_index = jax.random.randint(ks[1], (2, E), 0, N, dtype=jnp.int32)
    batch = jnp.sort(jax.random.randint(ks[2], (N,), 0, G, dtype=jnp.int32))
    def lin(k, fin, fout):
        return jax.random.normal(k, (fin, fout), dtype=jnp.float32) / np.sqrt(fin)
    params = {
        'W1': lin(ks[3], F, H),        'b1': jnp.zeros((H,), jnp.float32),
        'W2': lin(ks[4], H, 2 * H),    'b2': jnp.zeros((2 * H,), jnp.float32),
        'W3': lin(ks[5], 2 * H, 4 * H),'b3': jnp.zeros((4 * H,), jnp.float32),
        'Wc1': lin(ks[6], 8 * H, 1024), 'bc1': jnp.zeros((1024,), jnp.float32),
        'Wc2': lin(ks[7], 1024, 512),   'bc2': jnp.zeros((512,), jnp.float32),
        'Wc3': lin(ks[8], 512, 4),      'bc3': jnp.zeros((4,), jnp.float32),
    }
    return {'x': x, 'edge_index': edge_index, 'batch': batch, **params}


def _gcn(x, W, b, src, dst):
    # GCNConv: x' = D^{-1/2} (A + I) D^{-1/2} X W + b
    h = x @ W
    deg = jnp.zeros((N,), x.dtype).at[dst].add(1.0) + 1.0  # +1 self loop
    dinv = jax.lax.rsqrt(deg)
    norm = dinv[src] * dinv[dst]
    agg = jnp.zeros_like(h).at[dst].add(h[src] * norm[:, None])
    agg = agg + h * (dinv * dinv)[:, None]  # self-loop contribution
    return agg + b


def reference(x, edge_index, batch, W1, b1, W2, b2, W3, b3, Wc1, bc1, Wc2, bc2, Wc3, bc3):
    src = edge_index[0]
    dst = edge_index[1]
    lrelu = lambda t: jax.nn.leaky_relu(t, negative_slope=0.01)

    def branch(x0):
        h = lrelu(_gcn(x0, W1, b1, src, dst))
        h = lrelu(_gcn(h, W2, b2, src, dst))
        h = _gcn(h, W3, b3, src, dst)
        return jax.ops.segment_max(h, batch, num_segments=G)

    f1 = branch(x)
    f2 = branch(x)  # forward runs the identical branch twice on the same inputs
    f = jnp.concatenate((f1, f2), axis=1)  # [G, hidden*8]
    f = jax.nn.relu(f @ Wc1 + bc1)
    f = jax.nn.relu(f @ Wc2 + bc2)
    f = f @ Wc3 + bc3
    return f

if __name__ == "__main__":
    import jax
    _d = setup_inputs()
    print(jax.jit(kernel)(*tuple(_d.values())))

</pallas_src>

<mosaic_0001>
#map = affine_map<(d0, d1) -> (0, 0)>
module attributes {stable_mosaic.version = 14 : i64} {
  func.func @deg_kernel(%arg0: i32, %arg1: i32, %arg2: memref<2560x128xi32, #tpu.memory_space<hbm>>, %arg3: memref<128x16xf32, #tpu.memory_space<hbm>>, %arg4: memref<128x16xf32, #tpu.memory_space<hbm>>, %arg5: memref<20480x16xf32, #tpu.memory_space<hbm>>, %arg6: memref<40x128xi32, #tpu.memory_space<vmem>>, %arg7: memref<128x16xf32, #tpu.memory_space<vmem>>, %arg8: memref<128x16xf32, #tpu.memory_space<vmem>>, %arg9: memref<10240x16xf32, #tpu.memory_space<vmem_shared>>) attributes {dimension_semantics = [#tpu.dimension_semantics<core_parallel>, #tpu.dimension_semantics<subcore_parallel>], iteration_bounds = array<i64: 2, 16>, scalar_prefetch = 0 : i64, scratch_operands = 4 : i64, tpu.core_type = #tpu.core_type<sc_vector_subcore>, window_params = [{transform_indices = #map}, {transform_indices = #map}, {transform_indices = #map}, {transform_indices = #map}]} {
    %mul3A = arith.constant 640 : i32
    %mul3A_0 = arith.muli %arg1, %mul3A : i32
    %mul3A_1 = arith.constant 16 : i32
    %mul3A_2 = arith.muli %arg0, %mul3A_1 : i32
    %add3A = arith.addi %mul3A_2, %arg1 : i32
    %mul3A_3 = arith.constant 80 : i32
    %mul3A_4 = arith.muli %add3A, %mul3A_3 : i32
    "tpu.region"() ({
      %run_scoped3A = tpu.sem_alloc : memref<!tpu.dma_semaphore, #tpu.memory_space<semaphore_mem>>
      tpu.enqueue_dma source(%arg3 : memref<128x16xf32, #tpu.memory_space<hbm>>) target(%arg7 : memref<128x16xf32, #tpu.memory_space<vmem>>) target_semaphore(%run_scoped3A : memref<!tpu.dma_semaphore, #tpu.memory_space<semaphore_mem>>)
      tpu.wait_dma2 semaphore(%run_scoped3A : memref<!tpu.dma_semaphore, #tpu.memory_space<semaphore_mem>>) src(%arg3 : memref<128x16xf32, #tpu.memory_space<hbm>>) dst(%arg7 : memref<128x16xf32, #tpu.memory_space<vmem>>)
      tpu.yield
    }) : () -> ()
    "tpu.region"() ({
      %run_scoped3A = tpu.sem_alloc : memref<!tpu.dma_semaphore, #tpu.memory_space<semaphore_mem>>
      tpu.enqueue_dma source(%arg4 : memref<128x16xf32, #tpu.memory_space<hbm>>) target(%arg8 : memref<128x16xf32, #tpu.memory_space<vmem>>) target_semaphore(%run_scoped3A : memref<!tpu.dma_semaphore, #tpu.memory_space<semaphore_mem>>)
      tpu.wait_dma2 semaphore(%run_scoped3A : memref<!tpu.dma_semaphore, #tpu.memory_space<semaphore_mem>>) src(%arg4 : memref<128x16xf32, #tpu.memory_space<hbm>>) dst(%arg8 : memref<128x16xf32, #tpu.memory_space<vmem>>)
      tpu.yield
    }) : () -> ()
    %add3A_5 = arith.constant 0 : i32
    %add3A_6 = arith.addi %mul3A_0, %add3A_5 : i32
    "tpu.region"() ({
      %run_scoped3A = tpu.sem_alloc : memref<!tpu.dma_semaphore, #tpu.memory_space<semaphore_mem>>
      %dma_start3A = arith.constant 0 : i32
      %dma_start3A_48 = tpu.memref_slice %arg9[%add3A_6, %dma_start3A] : memref<10240x16xf32, #tpu.memory_space<vmem_shared>> -> memref<128x16xf32, #tpu.memory_space<vmem_shared>>
      %dma_start3A_49 = arith.constant 0 : i32
      %dma_start3A_50 = tpu.memref_slice %arg9[%add3A_6, %dma_start3A_49] : memref<10240x16xf32, #tpu.memory_space<vmem_shared>> -> memref<128x16xf32, #tpu.memory_space<vmem_shared>>
      tpu.enqueue_dma source(%arg8 : memref<128x16xf32, #tpu.memory_space<vmem>>) target(%dma_start3A_50 : memref<128x16xf32, #tpu.memory_space<vmem_shared>>) target_semaphore(%run_scoped3A : memref<!tpu.dma_semaphore, #tpu.memory_space<semaphore_mem>>)
      %dma_wait3A = arith.constant 0 : i32
      %dma_wait3A_51 = tpu.memref_slice %arg9[%add3A_6, %dma_wait3A] : memref<10240x16xf32, #tpu.memory_space<vmem_shared>> -> memref<128x16xf32, #tpu.memory_space<vmem_shared>>
      %dma_wait3A_52 = arith.constant 0 : i32
      %dma_wait3A_53 = tpu.memref_slice %arg9[%add3A_6, %dma_wait3A_52] : memref<10240x16xf32, #tpu.memory_space<vmem_shared>> -> memref<128x16xf32, #tpu.memory_space<vmem_shared>>
      tpu.wait_dma2 semaphore(%run_scoped3A : memref<!tpu.dma_semaphore, #tpu.memory_space<semaphore_mem>>) src(%arg8 : memref<128x16xf32, #tpu.memory_space<vmem>>) dst(%dma_wait3A_53 : memref<128x16xf32, #tpu.memory_space<vmem_shared>>)
      tpu.yield
    }) : () -> ()
    %add3A_7 = arith.constant 128 : i32
    %add3A_8 = arith.addi %mul3A_0, %add3A_7 : i32
    "tpu.region"() ({
      %run_scoped3A = tpu.sem_alloc : memref<!tpu.dma_semaphore, #tpu.memory_space<semaphore_mem>>
      %dma_start3A = arith.constant 0 : i32
      %dma_start3A_48 = tpu.memref_slice %arg9[%add3A_8, %dma_start3A] : memref<10240x16xf32, #tpu.memory_space<vmem_shared>> -> memref<128x16xf32, #tpu.memory_space<vmem_shared>>
      %dma_start3A_49 = arith.constant 0 : i32
      %dma_start3A_50 = tpu.memref_slice %arg9[%add3A_8, %dma_start3A_49] : memref<10240x16xf32, #tpu.memory_space<vmem_shared>> -> memref<128x16xf32, #tpu.memory_space<vmem_shared>>
      tpu.enqueue_dma source(%arg8 : memref<128x16xf32, #tpu.memory_space<vmem>>) target(%dma_start3A_50 : memref<128x16xf32, #tpu.memory_space<vmem_shared>>) target_semaphore(%run_scoped3A : memref<!tpu.dma_semaphore, #tpu.memory_space<semaphore_mem>>)
      %dma_wait3A = arith.constant 0 : i32
      %dma_wait3A_51 = tpu.memref_slice %arg9[%add3A_8, %dma_wait3A] : memref<10240x16xf32, #tpu.memory_space<vmem_shared>> -> memref<128x16xf32, #tpu.memory_space<vmem_shared>>
      %dma_wait3A_52 = arith.constant 0 : i32
      %dma_wait3A_53 = tpu.memref_slice %arg9[%add3A_8, %dma_wait3A_52] : memref<10240x16xf32, #tpu.memory_space<vmem_shared>> -> memref<128x16xf32, #tpu.memory_space<vmem_shared>>
      tpu.wait_dma2 semaphore(%run_scoped3A : memref<!tpu.dma_semaphore, #tpu.memory_space<semaphore_mem>>) src(%arg8 : memref<128x16xf32, #tpu.memory_space<vmem>>) dst(%dma_wait3A_53 : memref<128x16xf32, #tpu.memory_space<vmem_shared>>)
      tpu.yield
    }) : () -> ()
    %add3A_9 = arith.constant 256 : i32
    %add3A_10 = arith.addi %mul3A_0, %add3A_9 : i32
    "tpu.region"() ({
      %run_scoped3A = tpu.sem_alloc : memref<!tpu.dma_semaphore, #tpu.memory_space<semaphore_mem>>
      %dma_start3A = arith.constant 0 : i32
      %dma_start3A_48 = tpu.memref_slice %arg9[%add3A_10, %dma_start3A] : memref<10240x16xf32, #tpu.memory_space<vmem_shared>> -> memref<128x16xf32, #tpu.memory_space<vmem_shared>>
      %dma_start3A_49 = arith.constant 0 : i32
      %dma_start3A_50 = tpu.memref_slice %arg9[%add3A_10, %dma_start3A_49] : memref<10240x16xf32, #tpu.memory_space<vmem_shared>> -> memref<128x16xf32, #tpu.memory_space<vmem_shared>>
      tpu.enqueue_dma source(%arg8 : memref<128x16xf32, #tpu.memory_space<vmem>>) target(%dma_start3A_50 : memref<128x16xf32, #tpu.memory_space<vmem_shared>>) target_semaphore(%run_scoped3A : memref<!tpu.dma_semaphore, #tpu.memory_space<semaphore_mem>>)
      %dma_wait3A = arith.constant 0 : i32
      %dma_wait3A_51 = tpu.memref_slice %arg9[%add3A_10, %dma_wait3A] : memref<10240x16xf32, #tpu.memory_space<vmem_shared>> -> memref<128x16xf32, #tpu.memory_space<vmem_shared>>
      %dma_wait3A_52 = arith.constant 0 : i32
      %dma_wait3A_53 = tpu.memref_slice %arg9[%add3A_10, %dma_wait3A_52] : memref<10240x16xf32, #tpu.memory_space<vmem_shared>> -> memref<128x16xf32, #tpu.memory_space<vmem_shared>>
      tpu.wait_dma2 semaphore(%run_scoped3A : memref<!tpu.dma_semaphore, #tpu.memory_space<semaphore_mem>>) src(%arg8 : memref<128x16xf32, #tpu.memory_space<vmem>>) dst(%dma_wait3A_53 : memref<128x16xf32, #tpu.memory_space<vmem_shared>>)
      tpu.yield
    }) : () -> ()
    %add3A_11 = arith.constant 384 : i32
    %add3A_12 = arith.addi %mul3A_0, %add3A_11 : i32
    "tpu.region"() ({
      %run_scoped3A = tpu.sem_alloc : memref<!tpu.dma_semaphore, #tpu.memory_space<semaphore_mem>>
      %dma_start3A = arith.constant 0 : i32
      %dma_start3A_48 = tpu.memref_slice %arg9[%add3A_12, %dma_start3A] : memref<10240x16xf32, #tpu.memory_space<vmem_shared>> -> memref<128x16xf32, #tpu.memory_space<vmem_shared>>
      %dma_start3A_49 = arith.constant 0 : i32
      %dma_start3A_50 = tpu.memref_slice %arg9[%add3A_12, %dma_start3A_49] : memref<10240x16xf32, #tpu.memory_space<vmem_shared>> -> memref<128x16xf32, #tpu.memory_space<vmem_shared>>
      tpu.enqueue_dma source(%arg8 : memref<128x16xf32, #tpu.memory_space<vmem>>) target(%dma_start3A_50 : memref<128x16xf32, #tpu.memory_space<vmem_shared>>) target_semaphore(%run_scoped3A : memref<!tpu.dma_semaphore, #tpu.memory_space<semaphore_mem>>)
      %dma_wait3A = arith.constant 0 : i32
      %dma_wait3A_51 = tpu.memref_slice %arg9[%add3A_12, %dma_wait3A] : memref<10240x16xf32, #tpu.memory_space<vmem_shared>> -> memref<128x16xf32, #tpu.memory_space<vmem_shared>>
      %dma_wait3A_52 = arith.constant 0 : i32
      %dma_wait3A_53 = tpu.memref_slice %arg9[%add3A_12, %dma_wait3A_52] : memref<10240x16xf32, #tpu.memory_space<vmem_shared>> -> memref<128x16xf32, #tpu.memory_space<vmem_shared>>
      tpu.wait_dma2 semaphore(%run_scoped3A : memref<!tpu.dma_semaphore, #tpu.memory_space<semaphore_mem>>) src(%arg8 : memref<128x16xf32, #tpu.memory_space<vmem>>) dst(%dma_wait3A_53 : memref<128x16xf32, #tpu.memory_space<vmem_shared>>)
      tpu.yield
    }) : () -> ()
    %add3A_13 = arith.constant 512 : i32
    %add3A_14 = arith.addi %mul3A_0, %add3A_13 : i32
    "tpu.region"() ({
      %run_scoped3A = tpu.sem_alloc : memref<!tpu.dma_semaphore, #tpu.memory_space<semaphore_mem>>
      %dma_start3A = arith.constant 0 : i32
      %dma_start3A_48 = tpu.memref_slice %arg9[%add3A_14, %dma_start3A] : memref<10240x16xf32, #tpu.memory_space<vmem_shared>> -> memref<128x16xf32, #tpu.memory_space<vmem_shared>>
      %dma_start3A_49 = arith.constant 0 : i32
      %dma_start3A_50 = tpu.memref_slice %arg9[%add3A_14, %dma_start3A_49] : memref<10240x16xf32, #tpu.memory_space<vmem_shared>> -> memref<128x16xf32, #tpu.memory_space<vmem_shared>>
      tpu.enqueue_dma source(%arg8 : memref<128x16xf32, #tpu.memory_space<vmem>>) target(%dma_start3A_50 : memref<128x16xf32, #tpu.memory_space<vmem_shared>>) target_semaphore(%run_scoped3A : memref<!tpu.dma_semaphore, #tpu.memory_space<semaphore_mem>>)
      %dma_wait3A = arith.constant 0 : i32
      %dma_wait3A_51 = tpu.memref_slice %arg9[%add3A_14, %dma_wait3A] : memref<10240x16xf32, #tpu.memory_space<vmem_shared>> -> memref<128x16xf32, #tpu.memory_space<vmem_shared>>
      %dma_wait3A_52 = arith.constant 0 : i32
      %dma_wait3A_53 = tpu.memref_slice %arg9[%add3A_14, %dma_wait3A_52] : memref<10240x16xf32, #tpu.memory_space<vmem_shared>> -> memref<128x16xf32, #tpu.memory_space<vmem_shared>>
      tpu.wait_dma2 semaphore(%run_scoped3A : memref<!tpu.dma_semaphore, #tpu.memory_space<semaphore_mem>>) src(%arg8 : memref<128x16xf32, #tpu.memory_space<vmem>>) dst(%dma_wait3A_53 : memref<128x16xf32, #tpu.memory_space<vmem_shared>>)
      tpu.yield
    }) : () -> ()
    %barrier3A = arith.constant 0 : index
    tpu.barrier barrier_id(%barrier3A)
    %scan3A = arith.constant 0 : i32
    %scan3A_15 = arith.constant 0 : i32
    %scan3A_16 = arith.constant 2 : i32
    %scan3A_17 = arith.addi %scan3A_15, %scan3A_16 : i32
    %scan3A_18 = arith.constant 1 : i32
    scf.for %scan3A_48 = %scan3A_15 to %scan3A_17 step %scan3A_18  : i32 {
      %mul3A_49 = arith.constant 40 : i32
      %mul3A_50 = arith.muli %scan3A_48, %mul3A_49 : i32
      %add3A_51 = arith.addi %mul3A_4, %mul3A_50 : i32
      "tpu.region"() ({
        %run_scoped3A = tpu.sem_alloc : memref<!tpu.dma_semaphore, #tpu.memory_space<semaphore_mem>>
        %dma_start3A = arith.constant 0 : i32
        %dma_start3A_58 = tpu.memref_slice %arg2[%add3A_51, %dma_start3A] : memref<2560x128xi32, #tpu.memory_space<hbm>> -> memref<40x128xi32, #tpu.memory_space<hbm>>
        %dma_start3A_59 = arith.constant 0 : i32
        %dma_start3A_60 = tpu.memref_slice %arg2[%add3A_51, %dma_start3A_59] : memref<2560x128xi32, #tpu.memory_space<hbm>> -> memref<40x128xi32, #tpu.memory_space<hbm>>
        tpu.enqueue_dma source(%dma_start3A_60 : memref<40x128xi32, #tpu.memory_space<hbm>>) target(%arg6 : memref<40x128xi32, #tpu.memory_space<vmem>>) target_semaphore(%run_scoped3A : memref<!tpu.dma_semaphore, #tpu.memory_space<semaphore_mem>>)
        %dma_wait3A = arith.constant 0 : i32
        %dma_wait3A_61 = tpu.memref_slice %arg2[%add3A_51, %dma_wait3A] : memref<2560x128xi32, #tpu.memory_space<hbm>> -> memref<40x128xi32, #tpu.memory_space<hbm>>
        %dma_wait3A_62 = arith.constant 0 : i32
        %dma_wait3A_63 = tpu.memref_slice %arg2[%add3A_51, %dma_wait3A_62] : memref<2560x128xi32, #tpu.memory_space<hbm>> -> memref<40x128xi32, #tpu.memory_space<hbm>>
        tpu.wait_dma2 semaphore(%run_scoped3A : memref<!tpu.dma_semaphore, #tpu.memory_space<semaphore_mem>>) src(%dma_wait3A_63 : memref<40x128xi32, #tpu.memory_space<hbm>>) dst(%arg6 : memref<40x128xi32, #tpu.memory_space<vmem>>)
        tpu.yield
      }) : () -> ()
      %scan3A_52 = arith.constant 0 : i32
      %scan3A_53 = arith.constant 0 : i32
      %scan3A_54 = arith.constant 40 : i32
      %scan3A_55 = arith.addi %scan3A_53, %scan3A_54 : i32
      %scan3A_56 = arith.constant 1 : i32
      scf.for %scan3A_58 = %scan3A_53 to %scan3A_55 step %scan3A_56  : i32 {
        "tpu.region"() ({
          %run_scoped3A = tpu.sem_alloc : memref<!tpu.dma_semaphore, #tpu.memory_space<semaphore_mem>>
          %dma_start3A = arith.constant 0 : i32
          %dma_start3A_59 = tpu.memref_slice %arg6[%scan3A_58, %dma_start3A] : memref<40x128xi32, #tpu.memory_space<vmem>> -> memref<1x128xi32, #tpu.memory_space<vmem>>
          %dma_start3A_60 = tpu.memref_squeeze %dma_start3A_59 : memref<1x128xi32, #tpu.memory_space<vmem>> -> memref<128xi32, #tpu.memory_space<vmem>>
          %dma_start3A_61 = arith.constant 0 : i32
          %dma_start3A_62 = arith.constant 0 : i32
          %dma_start3A_63 = tpu.memref_slice %arg9[%dma_start3A_61, %dma_start3A_62] : memref<10240x16xf32, #tpu.memory_space<vmem_shared>> -> memref<10240x16xf32, #tpu.memory_space<vmem_shared>>
          tpu.enqueue_indirect_dma source(%arg7 : memref<128x16xf32, #tpu.memory_space<vmem>>) target(%dma_start3A_63 : memref<10240x16xf32, #tpu.memory_space<vmem_shared>>) offsets(%dma_start3A_60 : memref<128xi32, #tpu.memory_space<vmem>>) semaphore(%run_scoped3A : memref<!tpu.dma_semaphore, #tpu.memory_space<semaphore_mem>>) {add = true}
          %dma_wait3A = arith.constant 0 : i32
          %dma_wait3A_64 = tpu.memref_slice %arg6[%scan3A_58, %dma_wait3A] : memref<40x128xi32, #tpu.memory_space<vmem>> -> memref<1x128xi32, #tpu.memory_space<vmem>>
          %dma_wait3A_65 = tpu.memref_squeeze %dma_wait3A_64 : memref<1x128xi32, #tpu.memory_space<vmem>> -> memref<128xi32, #tpu.memory_space<vmem>>
          %dma_wait3A_66 = arith.constant 0 : i32
          %dma_wait3A_67 = arith.constant 0 : i32
          %dma_wait3A_68 = tpu.memref_slice %arg9[%dma_wait3A_66, %dma_wait3A_67] : memref<10240x16xf32, #tpu.memory_space<vmem_shared>> -> memref<10240x16xf32, #tpu.memory_space<vmem_shared>>
          tpu.wait_indirect_dma semaphore(%run_scoped3A : memref<!tpu.dma_semaphore, #tpu.memory_space<semaphore_mem>>) src(%arg7 : memref<128x16xf32, #tpu.memory_space<vmem>>) dst(%dma_wait3A_68 : memref<10240x16xf32, #tpu.memory_space<vmem_shared>>)
          tpu.yield
        }) : () -> ()
      }
      %scan3A_57 = arith.constant 40 : i32
    }
    %scan3A_19 = arith.constant 2 : i32
    %barrier3A_20 = arith.constant 0 : index
    tpu.barrier barrier_id(%barrier3A_20)
    %mul3A_21 = arith.constant 10240 : i32
    %mul3A_22 = arith.muli %arg0, %mul3A_21 : i32
    %add3A_23 = arith.constant 0 : i32
    %add3A_24 = arith.addi %mul3A_0, %add3A_23 : i32
    "tpu.region"() ({
      %run_scoped3A = tpu.sem_alloc : memref<!tpu.dma_semaphore, #tpu.memory_space<semaphore_mem>>
      %dma_start3A = arith.constant 0 : i32
      %dma_start3A_48 = tpu.memref_slice %arg9[%add3A_24, %dma_start3A] : memref<10240x16xf32, #tpu.memory_space<vmem_shared>> -> memref<128x16xf32, #tpu.memory_space<vmem_shared>>
      %dma_start3A_49 = arith.constant 0 : i32
      %dma_start3A_50 = tpu.memref_slice %arg9[%add3A_24, %dma_start3A_49] : memref<10240x16xf32, #tpu.memory_space<vmem_shared>> -> memref<128x16xf32, #tpu.memory_space<vmem_shared>>
      tpu.enqueue_dma source(%dma_start3A_50 : memref<128x16xf32, #tpu.memory_space<vmem_shared>>) target(%arg8 : memref<128x16xf32, #tpu.memory_space<vmem>>) target_semaphore(%run_scoped3A : memref<!tpu.dma_semaphore, #tpu.memory_space<semaphore_mem>>)
      %dma_wait3A = arith.constant 0 : i32
      %dma_wait3A_51 = tpu.memref_slice %arg9[%add3A_24, %dma_wait3A] : memref<10240x16xf32, #tpu.memory_space<vmem_shared>> -> memref<128x16xf32, #tpu.memory_space<vmem_shared>>
      %dma_wait3A_52 = arith.constant 0 : i32
      %dma_wait3A_53 = tpu.memref_slice %arg9[%add3A_24, %dma_wait3A_52] : memref<10240x16xf32, #tpu.memory_space<vmem_shared>> -> memref<128x16xf32, #tpu.memory_space<vmem_shared>>
      tpu.wait_dma2 semaphore(%run_scoped3A : memref<!tpu.dma_semaphore, #tpu.memory_space<semaphore_mem>>) src(%dma_wait3A_53 : memref<128x16xf32, #tpu.memory_space<vmem_shared>>) dst(%arg8 : memref<128x16xf32, #tpu.memory_space<vmem>>)
      tpu.yield
    }) : () -> ()
    %add3A_25 = arith.addi %mul3A_22, %mul3A_0 : i32
    %add3A_26 = arith.constant 0 : i32
    %add3A_27 = arith.addi %add3A_25, %add3A_26 : i32
    "tpu.region"() ({
      %run_scoped3A = tpu.sem_alloc : memref<!tpu.dma_semaphore, #tpu.memory_space<semaphore_mem>>
      %dma_start3A = arith.constant 0 : i32
      %dma_start3A_48 = tpu.memref_slice %arg5[%add3A_27, %dma_start3A] : memref<20480x16xf32, #tpu.memory_space<hbm>> -> memref<128x16xf32, #tpu.memory_space<hbm>>
      %dma_start3A_49 = arith.constant 0 : i32
      %dma_start3A_50 = tpu.memref_slice %arg5[%add3A_27, %dma_start3A_49] : memref<20480x16xf32, #tpu.memory_space<hbm>> -> memref<128x16xf32, #tpu.memory_space<hbm>>
      tpu.enqueue_dma source(%arg8 : memref<128x16xf32, #tpu.memory_space<vmem>>) target(%dma_start3A_50 : memref<128x16xf32, #tpu.memory_space<hbm>>) target_semaphore(%run_scoped3A : memref<!tpu.dma_semaphore, #tpu.memory_space<semaphore_mem>>)
      %dma_wait3A = arith.constant 0 : i32
      %dma_wait3A_51 = tpu.memref_slice %arg5[%add3A_27, %dma_wait3A] : memref<20480x16xf32, #tpu.memory_space<hbm>> -> memref<128x16xf32, #tpu.memory_space<hbm>>
      %dma_wait3A_52 = arith.constant 0 : i32
      %dma_wait3A_53 = tpu.memref_slice %arg5[%add3A_27, %dma_wait3A_52] : memref<20480x16xf32, #tpu.memory_space<hbm>> -> memref<128x16xf32, #tpu.memory_space<hbm>>
      tpu.wait_dma2 semaphore(%run_scoped3A : memref<!tpu.dma_semaphore, #tpu.memory_space<semaphore_mem>>) src(%arg8 : memref<128x16xf32, #tpu.memory_space<vmem>>) dst(%dma_wait3A_53 : memref<128x16xf32, #tpu.memory_space<hbm>>)
      tpu.yield
    }) : () -> ()
    %add3A_28 = arith.constant 128 : i32
    %add3A_29 = arith.addi %mul3A_0, %add3A_28 : i32
    "tpu.region"() ({
      %run_scoped3A = tpu.sem_alloc : memref<!tpu.dma_semaphore, #tpu.memory_space<semaphore_mem>>
      %dma_start3A = arith.constant 0 : i32
      %dma_start3A_48 = tpu.memref_slice %arg9[%add3A_29, %dma_start3A] : memref<10240x16xf32, #tpu.memory_space<vmem_shared>> -> memref<128x16xf32, #tpu.memory_space<vmem_shared>>
      %dma_start3A_49 = arith.constant 0 : i32
      %dma_start3A_50 = tpu.memref_slice %arg9[%add3A_29, %dma_start3A_49] : memref<10240x16xf32, #tpu.memory_space<vmem_shared>> -> memref<128x16xf32, #tpu.memory_space<vmem_shared>>
      tpu.enqueue_dma source(%dma_start3A_50 : memref<128x16xf32, #tpu.memory_space<vmem_shared>>) target(%arg8 : memref<128x16xf32, #tpu.memory_space<vmem>>) target_semaphore(%run_scoped3A : memref<!tpu.dma_semaphore, #tpu.memory_space<semaphore_mem>>)
      %dma_wait3A = arith.constant 0 : i32
      %dma_wait3A_51 = tpu.memref_slice %arg9[%add3A_29, %dma_wait3A] : memref<10240x16xf32, #tpu.memory_space<vmem_shared>> -> memref<128x16xf32, #tpu.memory_space<vmem_shared>>
      %dma_wait3A_52 = arith.constant 0 : i32
      %dma_wait3A_53 = tpu.memref_slice %arg9[%add3A_29, %dma_wait3A_52] : memref<10240x16xf32, #tpu.memory_space<vmem_shared>> -> memref<128x16xf32, #tpu.memory_space<vmem_shared>>
      tpu.wait_dma2 semaphore(%run_scoped3A : memref<!tpu.dma_semaphore, #tpu.memory_space<semaphore_mem>>) src(%dma_wait3A_53 : memref<128x16xf32, #tpu.memory_space<vmem_shared>>) dst(%arg8 : memref<128x16xf32, #tpu.memory_space<vmem>>)
      tpu.yield
    }) : () -> ()
    %add3A_30 = arith.addi %mul3A_22, %mul3A_0 : i32
    %add3A_31 = arith.constant 128 : i32
    %add3A_32 = arith.addi %add3A_30, %add3A_31 : i32
    "tpu.region"() ({
      %run_scoped3A = tpu.sem_alloc : memref<!tpu.dma_semaphore, #tpu.memory_space<semaphore_mem>>
      %dma_start3A = arith.constant 0 : i32
      %dma_start3A_48 = tpu.memref_slice %arg5[%add3A_32, %dma_start3A] : memref<20480x16xf32, #tpu.memory_space<hbm>> -> memref<128x16xf32, #tpu.memory_space<hbm>>
      %dma_start3A_49 = arith.constant 0 : i32
      %dma_start3A_50 = tpu.memref_slice %arg5[%add3A_32, %dma_start3A_49] : memref<20480x16xf32, #tpu.memory_space<hbm>> -> memref<128x16xf32, #tpu.memory_space<hbm>>
      tpu.enqueue_dma source(%arg8 : memref<128x16xf32, #tpu.memory_space<vmem>>) target(%dma_start3A_50 : memref<128x16xf32, #tpu.memory_space<hbm>>) target_semaphore(%run_scoped3A : memref<!tpu.dma_semaphore, #tpu.memory_space<semaphore_mem>>)
      %dma_wait3A = arith.constant 0 : i32
      %dma_wait3A_51 = tpu.memref_slice %arg5[%add3A_32, %dma_wait3A] : memref<20480x16xf32, #tpu.memory_space<hbm>> -> memref<128x16xf32, #tpu.memory_space<hbm>>
      %dma_wait3A_52 = arith.constant 0 : i32
      %dma_wait3A_53 = tpu.memref_slice %arg5[%add3A_32, %dma_wait3A_52] : memref<20480x16xf32, #tpu.memory_space<hbm>> -> memref<128x16xf32, #tpu.memory_space<hbm>>
      tpu.wait_dma2 semaphore(%run_scoped3A : memref<!tpu.dma_semaphore, #tpu.memory_space<semaphore_mem>>) src(%arg8 : memref<128x16xf32, #tpu.memory_space<vmem>>) dst(%dma_wait3A_53 : memref<128x16xf32, #tpu.memory_space<hbm>>)
      tpu.yield
    }) : () -> ()
    %add3A_33 = arith.constant 256 : i32
    %add3A_34 = arith.addi %mul3A_0, %add3A_33 : i32
    "tpu.region"() ({
      %run_scoped3A = tpu.sem_alloc : memref<!tpu.dma_semaphore, #tpu.memory_space<semaphore_mem>>
      %dma_start3A = arith.constant 0 : i32
      %dma_start3A_48 = tpu.memref_slice %arg9[%add3A_34, %dma_start3A] : memref<10240x16xf32, #tpu.memory_space<vmem_shared>> -> memref<128x16xf32, #tpu.memory_space<vmem_shared>>
      %dma_start3A_49 = arith.constant 0 : i32
      %dma_start3A_50 = tpu.memref_slice %arg9[%add3A_34, %dma_start3A_49] : memref<10240x16xf32, #tpu.memory_space<vmem_shared>> -> memref<128x16xf32, #tpu.memory_space<vmem_shared>>
      tpu.enqueue_dma source(%dma_start3A_50 : memref<128x16xf32, #tpu.memory_space<vmem_shared>>) target(%arg8 : memref<128x16xf32, #tpu.memory_space<vmem>>) target_semaphore(%run_scoped3A : memref<!tpu.dma_semaphore, #tpu.memory_space<semaphore_mem>>)
      %dma_wait3A = arith.constant 0 : i32
      %dma_wait3A_51 = tpu.memref_slice %arg9[%add3A_34, %dma_wait3A] : memref<10240x16xf32, #tpu.memory_space<vmem_shared>> -> memref<128x16xf32, #tpu.memory_space<vmem_shared>>
      %dma_wait3A_52 = arith.constant 0 : i32
      %dma_wait3A_53 = tpu.memref_slice %arg9[%add3A_34, %dma_wait3A_52] : memref<10240x16xf32, #tpu.memory_space<vmem_shared>> -> memref<128x16xf32, #tpu.memory_space<vmem_shared>>
      tpu.wait_dma2 semaphore(%run_scoped3A : memref<!tpu.dma_semaphore, #tpu.memory_space<semaphore_mem>>) src(%dma_wait3A_53 : memref<128x16xf32, #tpu.memory_space<vmem_shared>>) dst(%arg8 : memref<128x16xf32, #tpu.memory_space<vmem>>)
      tpu.yield
    }) : () -> ()
    %add3A_35 = arith.addi %mul3A_22, %mul3A_0 : i32
    %add3A_36 = arith.constant 256 : i32
    %add3A_37 = arith.addi %add3A_35, %add3A_36 : i32
    "tpu.region"() ({
      %run_scoped3A = tpu.sem_alloc : memref<!tpu.dma_semaphore, #tpu.memory_space<semaphore_mem>>
      %dma_start3A = arith.constant 0 : i32
      %dma_start3A_48 = tpu.memref_slice %arg5[%add3A_37, %dma_start3A] : memref<20480x16xf32, #tpu.memory_space<hbm>> -> memref<128x16xf32, #tpu.memory_space<hbm>>
      %dma_start3A_49 = arith.constant 0 : i32
      %dma_start3A_50 = tpu.memref_slice %arg5[%add3A_37, %dma_start3A_49] : memref<20480x16xf32, #tpu.memory_space<hbm>> -> memref<128x16xf32, #tpu.memory_space<hbm>>
      tpu.enqueue_dma source(%arg8 : memref<128x16xf32, #tpu.memory_space<vmem>>) target(%dma_start3A_50 : memref<128x16xf32, #tpu.memory_space<hbm>>) target_semaphore(%run_scoped3A : memref<!tpu.dma_semaphore, #tpu.memory_space<semaphore_mem>>)
      %dma_wait3A = arith.constant 0 : i32
      %dma_wait3A_51 = tpu.memref_slice %arg5[%add3A_37, %dma_wait3A] : memref<20480x16xf32, #tpu.memory_space<hbm>> -> memref<128x16xf32, #tpu.memory_space<hbm>>
      %dma_wait3A_52 = arith.constant 0 : i32
      %dma_wait3A_53 = tpu.memref_slice %arg5[%add3A_37, %dma_wait3A_52] : memref<20480x16xf32, #tpu.memory_space<hbm>> -> memref<128x16xf32, #tpu.memory_space<hbm>>
      tpu.wait_dma2 semaphore(%run_scoped3A : memref<!tpu.dma_semaphore, #tpu.memory_space<semaphore_mem>>) src(%arg8 : memref<128x16xf32, #tpu.memory_space<vmem>>) dst(%dma_wait3A_53 : memref<128x16xf32, #tpu.memory_space<hbm>>)
      tpu.yield
    }) : () -> ()
    %add3A_38 = arith.constant 384 : i32
    %add3A_39 = arith.addi %mul3A_0, %add3A_38 : i32
    "tpu.region"() ({
      %run_scoped3A = tpu.sem_alloc : memref<!tpu.dma_semaphore, #tpu.memory_space<semaphore_mem>>
      %dma_start3A = arith.constant 0 : i32
      %dma_start3A_48 = tpu.memref_slice %arg9[%add3A_39, %dma_start3A] : memref<10240x16xf32, #tpu.memory_space<vmem_shared>> -> memref<128x16xf32, #tpu.memory_space<vmem_shared>>
      %dma_start3A_49 = arith.constant 0 : i32
      %dma_start3A_50 = tpu.memref_slice %arg9[%add3A_39, %dma_start3A_49] : memref<10240x16xf32, #tpu.memory_space<vmem_shared>> -> memref<128x16xf32, #tpu.memory_space<vmem_shared>>
      tpu.enqueue_dma source(%dma_start3A_50 : memref<128x16xf32, #tpu.memory_space<vmem_shared>>) target(%arg8 : memref<128x16xf32, #tpu.memory_space<vmem>>) target_semaphore(%run_scoped3A : memref<!tpu.dma_semaphore, #tpu.memory_space<semaphore_mem>>)
      %dma_wait3A = arith.constant 0 : i32
      %dma_wait3A_51 = tpu.memref_slice %arg9[%add3A_39, %dma_wait3A] : memref<10240x16xf32, #tpu.memory_space<vmem_shared>> -> memref<128x16xf32, #tpu.memory_space<vmem_shared>>
      %dma_wait3A_52 = arith.constant 0 : i32
      %dma_wait3A_53 = tpu.memref_slice %arg9[%add3A_39, %dma_wait3A_52] : memref<10240x16xf32, #tpu.memory_space<vmem_shared>> -> memref<128x16xf32, #tpu.memory_space<vmem_shared>>
      tpu.wait_dma2 semaphore(%run_scoped3A : memref<!tpu.dma_semaphore, #tpu.memory_space<semaphore_mem>>) src(%dma_wait3A_53 : memref<128x16xf32, #tpu.memory_space<vmem_shared>>) dst(%arg8 : memref<128x16xf32, #tpu.memory_space<vmem>>)
      tpu.yield
    }) : () -> ()
    %add3A_40 = arith.addi %mul3A_22, %mul3A_0 : i32
    %add3A_41 = arith.constant 384 : i32
    %add3A_42 = arith.addi %add3A_40, %add3A_41 : i32
    "tpu.region"() ({
      %run_scoped3A = tpu.sem_alloc : memref<!tpu.dma_semaphore, #tpu.memory_space<semaphore_mem>>
      %dma_start3A = arith.constant 0 : i32
      %dma_start3A_48 = tpu.memref_slice %arg5[%add3A_42, %dma_start3A] : memref<20480x16xf32, #tpu.memory_space<hbm>> -> memref<128x16xf32, #tpu.memory_space<hbm>>
      %dma_start3A_49 = arith.constant 0 : i32
      %dma_start3A_50 = tpu.memref_slice %arg5[%add3A_42, %dma_start3A_49] : memref<20480x16xf32, #tpu.memory_space<hbm>> -> memref<128x16xf32, #tpu.memory_space<hbm>>
      tpu.enqueue_dma source(%arg8 : memref<128x16xf32, #tpu.memory_space<vmem>>) target(%dma_start3A_50 : memref<128x16xf32, #tpu.memory_space<hbm>>) target_semaphore(%run_scoped3A : memref<!tpu.dma_semaphore, #tpu.memory_space<semaphore_mem>>)
      %dma_wait3A = arith.constant 0 : i32
      %dma_wait3A_51 = tpu.memref_slice %arg5[%add3A_42, %dma_wait3A] : memref<20480x16xf32, #tpu.memory_space<hbm>> -> memref<128x16xf32, #tpu.memory_space<hbm>>
      %dma_wait3A_52 = arith.constant 0 : i32
      %dma_wait3A_53 = tpu.memref_slice %arg5[%add3A_42, %dma_wait3A_52] : memref<20480x16xf32, #tpu.memory_space<hbm>> -> memref<128x16xf32, #tpu.memory_space<hbm>>
      tpu.wait_dma2 semaphore(%run_scoped3A : memref<!tpu.dma_semaphore, #tpu.memory_space<semaphore_mem>>) src(%arg8 : memref<128x16xf32, #tpu.memory_space<vmem>>) dst(%dma_wait3A_53 : memref<128x16xf32, #tpu.memory_space<hbm>>)
      tpu.yield
    }) : () -> ()
    %add3A_43 = arith.constant 512 : i32
    %add3A_44 = arith.addi %mul3A_0, %add3A_43 : i32
    "tpu.region"() ({
      %run_scoped3A = tpu.sem_alloc : memref<!tpu.dma_semaphore, #tpu.memory_space<semaphore_mem>>
      %dma_start3A = arith.constant 0 : i32
      %dma_start3A_48 = tpu.memref_slice %arg9[%add3A_44, %dma_start3A] : memref<10240x16xf32, #tpu.memory_space<vmem_shared>> -> memref<128x16xf32, #tpu.memory_space<vmem_shared>>
      %dma_start3A_49 = arith.constant 0 : i32
      %dma_start3A_50 = tpu.memref_slice %arg9[%add3A_44, %dma_start3A_49] : memref<10240x16xf32, #tpu.memory_space<vmem_shared>> -> memref<128x16xf32, #tpu.memory_space<vmem_shared>>
      tpu.enqueue_dma source(%dma_start3A_50 : memref<128x16xf32, #tpu.memory_space<vmem_shared>>) target(%arg8 : memref<128x16xf32, #tpu.memory_space<vmem>>) target_semaphore(%run_scoped3A : memref<!tpu.dma_semaphore, #tpu.memory_space<semaphore_mem>>)
      %dma_wait3A = arith.constant 0 : i32
      %dma_wait3A_51 = tpu.memref_slice %arg9[%add3A_44, %dma_wait3A] : memref<10240x16xf32, #tpu.memory_space<vmem_shared>> -> memref<128x16xf32, #tpu.memory_space<vmem_shared>>
      %dma_wait3A_52 = arith.constant 0 : i32
      %dma_wait3A_53 = tpu.memref_slice %arg9[%add3A_44, %dma_wait3A_52] : memref<10240x16xf32, #tpu.memory_space<vmem_shared>> -> memref<128x16xf32, #tpu.memory_space<vmem_shared>>
      tpu.wait_dma2 semaphore(%run_scoped3A : memref<!tpu.dma_semaphore, #tpu.memory_space<semaphore_mem>>) src(%dma_wait3A_53 : memref<128x16xf32, #tpu.memory_space<vmem_shared>>) dst(%arg8 : memref<128x16xf32, #tpu.memory_space<vmem>>)
      tpu.yield
    }) : () -> ()
    %add3A_45 = arith.addi %mul3A_22, %mul3A_0 : i32
    %add3A_46 = arith.constant 512 : i32
    %add3A_47 = arith.addi %add3A_45, %add3A_46 : i32
    "tpu.region"() ({
      %run_scoped3A = tpu.sem_alloc : memref<!tpu.dma_semaphore, #tpu.memory_space<semaphore_mem>>
      %dma_start3A = arith.constant 0 : i32
      %dma_start3A_48 = tpu.memref_slice %arg5[%add3A_47, %dma_start3A] : memref<20480x16xf32, #tpu.memory_space<hbm>> -> memref<128x16xf32, #tpu.memory_space<hbm>>
      %dma_start3A_49 = arith.constant 0 : i32
      %dma_start3A_50 = tpu.memref_slice %arg5[%add3A_47, %dma_start3A_49] : memref<20480x16xf32, #tpu.memory_space<hbm>> -> memref<128x16xf32, #tpu.memory_space<hbm>>
      tpu.enqueue_dma source(%arg8 : memref<128x16xf32, #tpu.memory_space<vmem>>) target(%dma_start3A_50 : memref<128x16xf32, #tpu.memory_space<hbm>>) target_semaphore(%run_scoped3A : memref<!tpu.dma_semaphore, #tpu.memory_space<semaphore_mem>>)
      %dma_wait3A = arith.constant 0 : i32
      %dma_wait3A_51 = tpu.memref_slice %arg5[%add3A_47, %dma_wait3A] : memref<20480x16xf32, #tpu.memory_space<hbm>> -> memref<128x16xf32, #tpu.memory_space<hbm>>
      %dma_wait3A_52 = arith.constant 0 : i32
      %dma_wait3A_53 = tpu.memref_slice %arg5[%add3A_47, %dma_wait3A_52] : memref<20480x16xf32, #tpu.memory_space<hbm>> -> memref<128x16xf32, #tpu.memory_space<hbm>>
      tpu.wait_dma2 semaphore(%run_scoped3A : memref<!tpu.dma_semaphore, #tpu.memory_space<semaphore_mem>>) src(%arg8 : memref<128x16xf32, #tpu.memory_space<vmem>>) dst(%dma_wait3A_53 : memref<128x16xf32, #tpu.memory_space<hbm>>)
      tpu.yield
    }) : () -> ()
    return
  }
}

#map = affine_map<(d0, d1) -> (0, 0)>
module attributes {stable_mosaic.version = 14 : i64} {
  func.func @scatter_kernel(%arg0: i32, %arg1: i32, %arg2: memref<10240x128xf32, #tpu.memory_space<hbm>>, %arg3: memref<2560x128xi32, #tpu.memory_space<hbm>>, %arg4: memref<2560x128xi32, #tpu.memory_space<hbm>>, %arg5: memref<128x128xf32, #tpu.memory_space<hbm>>, %arg6: memref<20480x128xf32, #tpu.memory_space<hbm>>, %arg7: memref<40x128xi32, #tpu.memory_space<vmem>>, %arg8: memref<40x128xi32, #tpu.memory_space<vmem>>, %arg9: memref<128x128xf32, #tpu.memory_space<vmem>>, %arg10: memref<128x128xf32, #tpu.memory_space<vmem>>, %arg11: memref<10240x128xf32, #tpu.memory_space<vmem_shared>>, %arg12: memref<!tpu.dma_semaphore, #tpu.memory_space<semaphore_mem>>, %arg13: memref<!tpu.dma_semaphore, #tpu.memory_space<semaphore_mem>>) attributes {dimension_semantics = [#tpu.dimension_semantics<core_parallel>, #tpu.dimension_semantics<subcore_parallel>], iteration_bounds = array<i64: 2, 16>, scalar_prefetch = 0 : i64, scratch_operands = 7 : i64, tpu.core_type = #tpu.core_type<sc_vector_subcore>, window_params = [{transform_indices = #map}, {transform_indices = #map}, {transform_indices = #map}, {transform_indices = #map}, {transform_indices = #map}]} {
    %mul3A = arith.constant 640 : i32
    %mul3A_0 = arith.muli %arg1, %mul3A : i32
    %mul3A_1 = arith.constant 16 : i32
    %mul3A_2 = arith.muli %arg0, %mul3A_1 : i32
    %add3A = arith.addi %mul3A_2, %arg1 : i32
    %mul3A_3 = arith.constant 80 : i32
    %mul3A_4 = arith.muli %add3A, %mul3A_3 : i32
    "tpu.region"() ({
      %run_scoped3A = tpu.sem_alloc : memref<!tpu.dma_semaphore, #tpu.memory_space<semaphore_mem>>
      tpu.enqueue_dma source(%arg5 : memref<128x128xf32, #tpu.memory_space<hbm>>) target(%arg9 : memref<128x128xf32, #tpu.memory_space<vmem>>) target_semaphore(%run_scoped3A : memref<!tpu.dma_semaphore, #tpu.memory_space<semaphore_mem>>)
      tpu.wait_dma2 semaphore(%run_scoped3A : memref<!tpu.dma_semaphore, #tpu.memory_space<semaphore_mem>>) src(%arg5 : memref<128x128xf32, #tpu.memory_space<hbm>>) dst(%arg9 : memref<128x128xf32, #tpu.memory_space<vmem>>)
      tpu.yield
    }) : () -> ()
    %add3A_5 = arith.constant 0 : i32
    %add3A_6 = arith.addi %mul3A_0, %add3A_5 : i32
    "tpu.region"() ({
      %run_scoped3A = tpu.sem_alloc : memref<!tpu.dma_semaphore, #tpu.memory_space<semaphore_mem>>
      %dma_start3A = arith.constant 0 : i32
      %dma_start3A_48 = tpu.memref_slice %arg11[%add3A_6, %dma_start3A] : memref<10240x128xf32, #tpu.memory_space<vmem_shared>> -> memref<128x128xf32, #tpu.memory_space<vmem_shared>>
      %dma_start3A_49 = arith.constant 0 : i32
      %dma_start3A_50 = tpu.memref_slice %arg11[%add3A_6, %dma_start3A_49] : memref<10240x128xf32, #tpu.memory_space<vmem_shared>> -> memref<128x128xf32, #tpu.memory_space<vmem_shared>>
      tpu.enqueue_dma source(%arg9 : memref<128x128xf32, #tpu.memory_space<vmem>>) target(%dma_start3A_50 : memref<128x128xf32, #tpu.memory_space<vmem_shared>>) target_semaphore(%run_scoped3A : memref<!tpu.dma_semaphore, #tpu.memory_space<semaphore_mem>>)
      %dma_wait3A = arith.constant 0 : i32
      %dma_wait3A_51 = tpu.memref_slice %arg11[%add3A_6, %dma_wait3A] : memref<10240x128xf32, #tpu.memory_space<vmem_shared>> -> memref<128x128xf32, #tpu.memory_space<vmem_shared>>
      %dma_wait3A_52 = arith.constant 0 : i32
      %dma_wait3A_53 = tpu.memref_slice %arg11[%add3A_6, %dma_wait3A_52] : memref<10240x128xf32, #tpu.memory_space<vmem_shared>> -> memref<128x128xf32, #tpu.memory_space<vmem_shared>>
      tpu.wait_dma2 semaphore(%run_scoped3A : memref<!tpu.dma_semaphore, #tpu.memory_space<semaphore_mem>>) src(%arg9 : memref<128x128xf32, #tpu.memory_space<vmem>>) dst(%dma_wait3A_53 : memref<128x128xf32, #tpu.memory_space<vmem_shared>>)
      tpu.yield
    }) : () -> ()
    %add3A_7 = arith.constant 128 : i32
    %add3A_8 = arith.addi %mul3A_0, %add3A_7 : i32
    "tpu.region"() ({
      %run_scoped3A = tpu.sem_alloc : memref<!tpu.dma_semaphore, #tpu.memory_space<semaphore_mem>>
      %dma_start3A = arith.constant 0 : i32
      %dma_start3A_48 = tpu.memref_slice %arg11[%add3A_8, %dma_start3A] : memref<10240x128xf32, #tpu.memory_space<vmem_shared>> -> memref<128x128xf32, #tpu.memory_space<vmem_shared>>
      %dma_start3A_49 = arith.constant 0 : i32
      %dma_start3A_50 = tpu.memref_slice %arg11[%add3A_8, %dma_start3A_49] : memref<10240x128xf32, #tpu.memory_space<vmem_shared>> -> memref<128x128xf32, #tpu.memory_space<vmem_shared>>
      tpu.enqueue_dma source(%arg9 : memref<128x128xf32, #tpu.memory_space<vmem>>) target(%dma_start3A_50 : memref<128x128xf32, #tpu.memory_space<vmem_shared>>) target_semaphore(%run_scoped3A : memref<!tpu.dma_semaphore, #tpu.memory_space<semaphore_mem>>)
      %dma_wait3A = arith.constant 0 : i32
      %dma_wait3A_51 = tpu.memref_slice %arg11[%add3A_8, %dma_wait3A] : memref<10240x128xf32, #tpu.memory_space<vmem_shared>> -> memref<128x128xf32, #tpu.memory_space<vmem_shared>>
      %dma_wait3A_52 = arith.constant 0 : i32
      %dma_wait3A_53 = tpu.memref_slice %arg11[%add3A_8, %dma_wait3A_52] : memref<10240x128xf32, #tpu.memory_space<vmem_shared>> -> memref<128x128xf32, #tpu.memory_space<vmem_shared>>
      tpu.wait_dma2 semaphore(%run_scoped3A : memref<!tpu.dma_semaphore, #tpu.memory_space<semaphore_mem>>) src(%arg9 : memref<128x128xf32, #tpu.memory_space<vmem>>) dst(%dma_wait3A_53 : memref<128x128xf32, #tpu.memory_space<vmem_shared>>)
      tpu.yield
    }) : () -> ()
    %add3A_9 = arith.constant 256 : i32
    %add3A_10 = arith.addi %mul3A_0, %add3A_9 : i32
    "tpu.region"() ({
      %run_scoped3A = tpu.sem_alloc : memref<!tpu.dma_semaphore, #tpu.memory_space<semaphore_mem>>
      %dma_start3A = arith.constant 0 : i32
      %dma_start3A_48 = tpu.memref_slice %arg11[%add3A_10, %dma_start3A] : memref<10240x128xf32, #tpu.memory_space<vmem_shared>> -> memref<128x128xf32, #tpu.memory_space<vmem_shared>>
      %dma_start3A_49 = arith.constant 0 : i32
      %dma_start3A_50 = tpu.memref_slice %arg11[%add3A_10, %dma_start3A_49] : memref<10240x128xf32, #tpu.memory_space<vmem_shared>> -> memref<128x128xf32, #tpu.memory_space<vmem_shared>>
      tpu.enqueue_dma source(%arg9 : memref<128x128xf32, #tpu.memory_space<vmem>>) target(%dma_start3A_50 : memref<128x128xf32, #tpu.memory_space<vmem_shared>>) target_semaphore(%run_scoped3A : memref<!tpu.dma_semaphore, #tpu.memory_space<semaphore_mem>>)
      %dma_wait3A = arith.constant 0 : i32
      %dma_wait3A_51 = tpu.memref_slice %arg11[%add3A_10, %dma_wait3A] : memref<10240x128xf32, #tpu.memory_space<vmem_shared>> -> memref<128x128xf32, #tpu.memory_space<vmem_shared>>
      %dma_wait3A_52 = arith.constant 0 : i32
      %dma_wait3A_53 = tpu.memref_slice %arg11[%add3A_10, %dma_wait3A_52] : memref<10240x128xf32, #tpu.memory_space<vmem_shared>> -> memref<128x128xf32, #tpu.memory_space<vmem_shared>>
      tpu.wait_dma2 semaphore(%run_scoped3A : memref<!tpu.dma_semaphore, #tpu.memory_space<semaphore_mem>>) src(%arg9 : memref<128x128xf32, #tpu.memory_space<vmem>>) dst(%dma_wait3A_53 : memref<128x128xf32, #tpu.memory_space<vmem_shared>>)
      tpu.yield
    }) : () -> ()
    %add3A_11 = arith.constant 384 : i32
    %add3A_12 = arith.addi %mul3A_0, %add3A_11 : i32
    "tpu.region"() ({
      %run_scoped3A = tpu.sem_alloc : memref<!tpu.dma_semaphore, #tpu.memory_space<semaphore_mem>>
      %dma_start3A = arith.constant 0 : i32
      %dma_start3A_48 = tpu.memref_slice %arg11[%add3A_12, %dma_start3A] : memref<10240x128xf32, #tpu.memory_space<vmem_shared>> -> memref<128x128xf32, #tpu.memory_space<vmem_shared>>
      %dma_start3A_49 = arith.constant 0 : i32
      %dma_start3A_50 = tpu.memref_slice %arg11[%add3A_12, %dma_start3A_49] : memref<10240x128xf32, #tpu.memory_space<vmem_shared>> -> memref<128x128xf32, #tpu.memory_space<vmem_shared>>
      tpu.enqueue_dma source(%arg9 : memref<128x128xf32, #tpu.memory_space<vmem>>) target(%dma_start3A_50 : memref<128x128xf32, #tpu.memory_space<vmem_shared>>) target_semaphore(%run_scoped3A : memref<!tpu.dma_semaphore, #tpu.memory_space<semaphore_mem>>)
      %dma_wait3A = arith.constant 0 : i32
      %dma_wait3A_51 = tpu.memref_slice %arg11[%add3A_12, %dma_wait3A] : memref<10240x128xf32, #tpu.memory_space<vmem_shared>> -> memref<128x128xf32, #tpu.memory_space<vmem_shared>>
      %dma_wait3A_52 = arith.constant 0 : i32
      %dma_wait3A_53 = tpu.memref_slice %arg11[%add3A_12, %dma_wait3A_52] : memref<10240x128xf32, #tpu.memory_space<vmem_shared>> -> memref<128x128xf32, #tpu.memory_space<vmem_shared>>
      tpu.wait_dma2 semaphore(%run_scoped3A : memref<!tpu.dma_semaphore, #tpu.memory_space<semaphore_mem>>) src(%arg9 : memref<128x128xf32, #tpu.memory_space<vmem>>) dst(%dma_wait3A_53 : memref<128x128xf32, #tpu.memory_space<vmem_shared>>)
      tpu.yield
    }) : () -> ()
    %add3A_13 = arith.constant 512 : i32
    %add3A_14 = arith.addi %mul3A_0, %add3A_13 : i32
    "tpu.region"() ({
      %run_scoped3A = tpu.sem_alloc : memref<!tpu.dma_semaphore, #tpu.memory_space<semaphore_mem>>
      %dma_start3A = arith.constant 0 : i32
      %dma_start3A_48 = tpu.memref_slice %arg11[%add3A_14, %dma_start3A] : memref<10240x128xf32, #tpu.memory_space<vmem_shared>> -> memref<128x128xf32, #tpu.memory_space<vmem_shared>>
      %dma_start3A_49 = arith.constant 0 : i32
      %dma_start3A_50 = tpu.memref_slice %arg11[%add3A_14, %dma_start3A_49] : memref<10240x128xf32, #tpu.memory_space<vmem_shared>> -> memref<128x128xf32, #tpu.memory_space<vmem_shared>>
      tpu.enqueue_dma source(%arg9 : memref<128x128xf32, #tpu.memory_space<vmem>>) target(%dma_start3A_50 : memref<128x128xf32, #tpu.memory_space<vmem_shared>>) target_semaphore(%run_scoped3A : memref<!tpu.dma_semaphore, #tpu.memory_space<semaphore_mem>>)
      %dma_wait3A = arith.constant 0 : i32
      %dma_wait3A_51 = tpu.memref_slice %arg11[%add3A_14, %dma_wait3A] : memref<10240x128xf32, #tpu.memory_space<vmem_shared>> -> memref<128x128xf32, #tpu.memory_space<vmem_shared>>
      %dma_wait3A_52 = arith.constant 0 : i32
      %dma_wait3A_53 = tpu.memref_slice %arg11[%add3A_14, %dma_wait3A_52] : memref<10240x128xf32, #tpu.memory_space<vmem_shared>> -> memref<128x128xf32, #tpu.memory_space<vmem_shared>>
      tpu.wait_dma2 semaphore(%run_scoped3A : memref<!tpu.dma_semaphore, #tpu.memory_space<semaphore_mem>>) src(%arg9 : memref<128x128xf32, #tpu.memory_space<vmem>>) dst(%dma_wait3A_53 : memref<128x128xf32, #tpu.memory_space<vmem_shared>>)
      tpu.yield
    }) : () -> ()
    %barrier3A = arith.constant 0 : index
    tpu.barrier barrier_id(%barrier3A)
    %scan3A = arith.constant 0 : i32
    %scan3A_15 = arith.constant 0 : i32
    %scan3A_16 = arith.constant 2 : i32
    %scan3A_17 = arith.addi %scan3A_15, %scan3A_16 : i32
    %scan3A_18 = arith.constant 1 : i32
    scf.for %scan3A_48 = %scan3A_15 to %scan3A_17 step %scan3A_18  : i32 {
      %mul3A_49 = arith.constant 40 : i32
      %mul3A_50 = arith.muli %scan3A_48, %mul3A_49 : i32
      %add3A_51 = arith.addi %mul3A_4, %mul3A_50 : i32
      "tpu.region"() ({
        %run_scoped3A = tpu.sem_alloc : memref<!tpu.dma_semaphore, #tpu.memory_space<semaphore_mem>>
        %dma_start3A_74 = arith.constant 0 : i32
        %dma_start3A_75 = tpu.memref_slice %arg3[%add3A_51, %dma_start3A_74] : memref<2560x128xi32, #tpu.memory_space<hbm>> -> memref<40x128xi32, #tpu.memory_space<hbm>>
        %dma_start3A_76 = arith.constant 0 : i32
        %dma_start3A_77 = tpu.memref_slice %arg3[%add3A_51, %dma_start3A_76] : memref<2560x128xi32, #tpu.memory_space<hbm>> -> memref<40x128xi32, #tpu.memory_space<hbm>>
        tpu.enqueue_dma source(%dma_start3A_77 : memref<40x128xi32, #tpu.memory_space<hbm>>) target(%arg7 : memref<40x128xi32, #tpu.memory_space<vmem>>) target_semaphore(%run_scoped3A : memref<!tpu.dma_semaphore, #tpu.memory_space<semaphore_mem>>)
        %dma_wait3A = arith.constant 0 : i32
        %dma_wait3A_78 = tpu.memref_slice %arg3[%add3A_51, %dma_wait3A] : memref<2560x128xi32, #tpu.memory_space<hbm>> -> memref<40x128xi32, #tpu.memory_space<hbm>>
        %dma_wait3A_79 = arith.constant 0 : i32
        %dma_wait3A_80 = tpu.memref_slice %arg3[%add3A_51, %dma_wait3A_79] : memref<2560x128xi32, #tpu.memory_space<hbm>> -> memref<40x128xi32, #tpu.memory_space<hbm>>
        tpu.wait_dma2 semaphore(%run_scoped3A : memref<!tpu.dma_semaphore, #tpu.memory_space<semaphore_mem>>) src(%dma_wait3A_80 : memref<40x128xi32, #tpu.memory_space<hbm>>) dst(%arg7 : memref<40x128xi32, #tpu.memory_space<vmem>>)
        tpu.yield
      }) : () -> ()
      %mul3A_52 = arith.constant 40 : i32
      %mul3A_53 = arith.muli %scan3A_48, %mul3A_52 : i32
      %add3A_54 = arith.addi %mul3A_4, %mul3A_53 : i32
      "tpu.region"() ({
        %run_scoped3A = tpu.sem_alloc : memref<!tpu.dma_semaphore, #tpu.memory_space<semaphore_mem>>
        %dma_start3A_74 = arith.constant 0 : i32
        %dma_start3A_75 = tpu.memref_slice %arg4[%add3A_54, %dma_start3A_74] : memref<2560x128xi32, #tpu.memory_space<hbm>> -> memref<40x128xi32, #tpu.memory_space<hbm>>
        %dma_start3A_76 = arith.constant 0 : i32
        %dma_start3A_77 = tpu.memref_slice %arg4[%add3A_54, %dma_start3A_76] : memref<2560x128xi32, #tpu.memory_space<hbm>> -> memref<40x128xi32, #tpu.memory_space<hbm>>
        tpu.enqueue_dma source(%dma_start3A_77 : memref<40x128xi32, #tpu.memory_space<hbm>>) target(%arg8 : memref<40x128xi32, #tpu.memory_space<vmem>>) target_semaphore(%run_scoped3A : memref<!tpu.dma_semaphore, #tpu.memory_space<semaphore_mem>>)
        %dma_wait3A = arith.constant 0 : i32
        %dma_wait3A_78 = tpu.memref_slice %arg4[%add3A_54, %dma_wait3A] : memref<2560x128xi32, #tpu.memory_space<hbm>> -> memref<40x128xi32, #tpu.memory_space<hbm>>
        %dma_wait3A_79 = arith.constant 0 : i32
        %dma_wait3A_80 = tpu.memref_slice %arg4[%add3A_54, %dma_wait3A_79] : memref<2560x128xi32, #tpu.memory_space<hbm>> -> memref<40x128xi32, #tpu.memory_space<hbm>>
        tpu.wait_dma2 semaphore(%run_scoped3A : memref<!tpu.dma_semaphore, #tpu.memory_space<semaphore_mem>>) src(%dma_wait3A_80 : memref<40x128xi32, #tpu.memory_space<hbm>>) dst(%arg8 : memref<40x128xi32, #tpu.memory_space<vmem>>)
        tpu.yield
      }) : () -> ()
      %dma_start3A = arith.constant 0 : i32
      %dma_start3A_55 = arith.constant 0 : i32
      %dma_start3A_56 = tpu.memref_slice %arg7[%dma_start3A, %dma_start3A_55] : memref<40x128xi32, #tpu.memory_space<vmem>> -> memref<1x128xi32, #tpu.memory_space<vmem>>
      %dma_start3A_57 = tpu.memref_squeeze %dma_start3A_56 : memref<1x128xi32, #tpu.memory_space<vmem>> -> memref<128xi32, #tpu.memory_space<vmem>>
      %dma_start3A_58 = arith.constant 0 : i32
      %dma_start3A_59 = arith.constant 0 : i32
      %dma_start3A_60 = tpu.memref_slice %arg2[%dma_start3A_58, %dma_start3A_59] : memref<10240x128xf32, #tpu.memory_space<hbm>> -> memref<10240x128xf32, #tpu.memory_space<hbm>>
      tpu.enqueue_indirect_dma source(%dma_start3A_60 : memref<10240x128xf32, #tpu.memory_space<hbm>>) target(%arg9 : memref<128x128xf32, #tpu.memory_space<vmem>>) offsets(%dma_start3A_57 : memref<128xi32, #tpu.memory_space<vmem>>) semaphore(%arg12 : memref<!tpu.dma_semaphore, #tpu.memory_space<semaphore_mem>>)
      %dma_start3A_61 = arith.constant 1 : i32
      %dma_start3A_62 = arith.constant 0 : i32
      %dma_start3A_63 = tpu.memref_slice %arg7[%dma_start3A_61, %dma_start3A_62] : memref<40x128xi32, #tpu.memory_space<vmem>> -> memref<1x128xi32, #tpu.memory_space<vmem>>
      %dma_start3A_64 = tpu.memref_squeeze %dma_start3A_63 : memref<1x128xi32, #tpu.memory_space<vmem>> -> memref<128xi32, #tpu.memory_space<vmem>>
      %dma_start3A_65 = arith.constant 0 : i32
      %dma_start3A_66 = arith.constant 0 : i32
      %dma_start3A_67 = tpu.memref_slice %arg2[%dma_start3A_65, %dma_start3A_66] : memref<10240x128xf32, #tpu.memory_space<hbm>> -> memref<10240x128xf32, #tpu.memory_space<hbm>>
      tpu.enqueue_indirect_dma source(%dma_start3A_67 : memref<10240x128xf32, #tpu.memory_space<hbm>>) target(%arg10 : memref<128x128xf32, #tpu.memory_space<vmem>>) offsets(%dma_start3A_64 : memref<128xi32, #tpu.memory_space<vmem>>) semaphore(%arg13 : memref<!tpu.dma_semaphore, #tpu.memory_space<semaphore_mem>>)
      %scan3A_68 = arith.constant 0 : i32
      %scan3A_69 = arith.constant 0 : i32
      %scan3A_70 = arith.constant 20 : i32
      %scan3A_71 = arith.addi %scan3A_69, %scan3A_70 : i32
      %scan3A_72 = arith.constant 1 : i32
      scf.for %scan3A_74 = %scan3A_69 to %scan3A_71 step %scan3A_72  : i32 {
        %mul3A_75 = arith.constant 2 : i32
        %mul3A_76 = arith.muli %scan3A_74, %mul3A_75 : i32
        %add3A_77 = arith.constant 0 : i32
        %add3A_78 = arith.addi %mul3A_76, %add3A_77 : i32
        %dma_wait3A = arith.constant 0 : i32
        %dma_wait3A_79 = tpu.memref_slice %arg7[%add3A_78, %dma_wait3A] : memref<40x128xi32, #tpu.memory_space<vmem>> -> memref<1x128xi32, #tpu.memory_space<vmem>>
        %dma_wait3A_80 = tpu.memref_squeeze %dma_wait3A_79 : memref<1x128xi32, #tpu.memory_space<vmem>> -> memref<128xi32, #tpu.memory_space<vmem>>
        %dma_wait3A_81 = arith.constant 0 : i32
        %dma_wait3A_82 = arith.constant 0 : i32
        %dma_wait3A_83 = tpu.memref_slice %arg2[%dma_wait3A_81, %dma_wait3A_82] : memref<10240x128xf32, #tpu.memory_space<hbm>> -> memref<10240x128xf32, #tpu.memory_space<hbm>>
        tpu.wait_indirect_dma semaphore(%arg12 : memref<!tpu.dma_semaphore, #tpu.memory_space<semaphore_mem>>) src(%dma_wait3A_83 : memref<10240x128xf32, #tpu.memory_space<hbm>>) dst(%arg9 : memref<128x128xf32, #tpu.memory_space<vmem>>)
        "tpu.region"() ({
          %run_scoped3A = tpu.sem_alloc : memref<!tpu.dma_semaphore, #tpu.memory_space<semaphore_mem>>
          %dma_start3A_105 = arith.constant 0 : i32
          %dma_start3A_106 = tpu.memref_slice %arg8[%add3A_78, %dma_start3A_105] : memref<40x128xi32, #tpu.memory_space<vmem>> -> memref<1x128xi32, #tpu.memory_space<vmem>>
          %dma_start3A_107 = tpu.memref_squeeze %dma_start3A_106 : memref<1x128xi32, #tpu.memory_space<vmem>> -> memref<128xi32, #tpu.memory_space<vmem>>
          %dma_start3A_108 = arith.constant 0 : i32
          %dma_start3A_109 = arith.constant 0 : i32
          %dma_start3A_110 = tpu.memref_slice %arg11[%dma_start3A_108, %dma_start3A_109] : memref<10240x128xf32, #tpu.memory_space<vmem_shared>> -> memref<10240x128xf32, #tpu.memory_space<vmem_shared>>
          tpu.enqueue_indirect_dma source(%arg9 : memref<128x128xf32, #tpu.memory_space<vmem>>) target(%dma_start3A_110 : memref<10240x128xf32, #tpu.memory_space<vmem_shared>>) offsets(%dma_start3A_107 : memref<128xi32, #tpu.memory_space<vmem>>) semaphore(%run_scoped3A : memref<!tpu.dma_semaphore, #tpu.memory_space<semaphore_mem>>) {add = true}
          %dma_wait3A_111 = arith.constant 0 : i32
          %dma_wait3A_112 = tpu.memref_slice %arg8[%add3A_78, %dma_wait3A_111] : memref<40x128xi32, #tpu.memory_space<vmem>> -> memref<1x128xi32, #tpu.memory_space<vmem>>
          %dma_wait3A_113 = tpu.memref_squeeze %dma_wait3A_112 : memref<1x128xi32, #tpu.memory_space<vmem>> -> memref<128xi32, #tpu.memory_space<vmem>>
          %dma_wait3A_114 = arith.constant 0 : i32
          %dma_wait3A_115 = arith.constant 0 : i32
          %dma_wait3A_116 = tpu.memref_slice %arg11[%dma_wait3A_114, %dma_wait3A_115] : memref<10240x128xf32, #tpu.memory_space<vmem_shared>> -> memref<10240x128xf32, #tpu.memory_space<vmem_shared>>
          tpu.wait_indirect_dma semaphore(%run_scoped3A : memref<!tpu.dma_semaphore, #tpu.memory_space<semaphore_mem>>) src(%arg9 : memref<128x128xf32, #tpu.memory_space<vmem>>) dst(%dma_wait3A_116 : memref<10240x128xf32, #tpu.memory_space<vmem_shared>>)
          tpu.yield
        }) : () -> ()
        %add3A_84 = arith.constant 2 : i32
        %add3A_85 = arith.addi %add3A_78, %add3A_84 : i32
        %lt3A = arith.constant 40 : i32
        %lt3A_86 = arith.cmpi slt, %add3A_85, %lt3A : i32
        %convert_element_type3A = arith.extui %lt3A_86 : i1 to i32
        %cond3A = arith.constant 0 : i32
        %cond3A_87 = arith.cmpi ne, %convert_element_type3A, %cond3A : i32
        scf.if %cond3A_87 {
          %add3A_105 = arith.constant 2 : i32
          %add3A_106 = arith.addi %add3A_78, %add3A_105 : i32
          %dma_start3A_107 = arith.constant 0 : i32
          %dma_start3A_108 = tpu.memref_slice %arg7[%add3A_106, %dma_start3A_107] : memref<40x128xi32, #tpu.memory_space<vmem>> -> memref<1x128xi32, #tpu.memory_space<vmem>>
          %dma_start3A_109 = tpu.memref_squeeze %dma_start3A_108 : memref<1x128xi32, #tpu.memory_space<vmem>> -> memref<128xi32, #tpu.memory_space<vmem>>
          %dma_start3A_110 = arith.constant 0 : i32
          %dma_start3A_111 = arith.constant 0 : i32
          %dma_start3A_112 = tpu.memref_slice %arg2[%dma_start3A_110, %dma_start3A_111] : memref<10240x128xf32, #tpu.memory_space<hbm>> -> memref<10240x128xf32, #tpu.memory_space<hbm>>
          tpu.enqueue_indirect_dma source(%dma_start3A_112 : memref<10240x128xf32, #tpu.memory_space<hbm>>) target(%arg9 : memref<128x128xf32, #tpu.memory_space<vmem>>) offsets(%dma_start3A_109 : memref<128xi32, #tpu.memory_space<vmem>>) semaphore(%arg12 : memref<!tpu.dma_semaphore, #tpu.memory_space<semaphore_mem>>)
        } else {
        }
        %mul3A_88 = arith.constant 2 : i32
        %mul3A_89 = arith.muli %scan3A_74, %mul3A_88 : i32
        %add3A_90 = arith.constant 1 : i32
        %add3A_91 = arith.addi %mul3A_89, %add3A_90 : i32
        %dma_wait3A_92 = arith.constant 0 : i32
        %dma_wait3A_93 = tpu.memref_slice %arg7[%add3A_91, %dma_wait3A_92] : memref<40x128xi32, #tpu.memory_space<vmem>> -> memref<1x128xi32, #tpu.memory_space<vmem>>
        %dma_wait3A_94 = tpu.memref_squeeze %dma_wait3A_93 : memref<1x128xi32, #tpu.memory_space<vmem>> -> memref<128xi32, #tpu.memory_space<vmem>>
        %dma_wait3A_95 = arith.constant 0 : i32
        %dma_wait3A_96 = arith.constant 0 : i32
        %dma_wait3A_97 = tpu.memref_slice %arg2[%dma_wait3A_95, %dma_wait3A_96] : memref<10240x128xf32, #tpu.memory_space<hbm>> -> memref<10240x128xf32, #tpu.memory_space<hbm>>
        tpu.wait_indirect_dma semaphore(%arg13 : memref<!tpu.dma_semaphore, #tpu.memory_space<semaphore_mem>>) src(%dma_wait3A_97 : memref<10240x128xf32, #tpu.memory_space<hbm>>) dst(%arg10 : memref<128x128xf32, #tpu.memory_space<vmem>>)
        "tpu.region"() ({
          %run_scoped3A = tpu.sem_alloc : memref<!tpu.dma_semaphore, #tpu.memory_space<semaphore_mem>>
          %dma_start3A_105 = arith.constant 0 : i32
          %dma_start3A_106 = tpu.memref_slice %arg8[%add3A_91, %dma_start3A_105] : memref<40x128xi32, #tpu.memory_space<vmem>> -> memref<1x128xi32, #tpu.memory_space<vmem>>
          %dma_start3A_107 = tpu.memref_squeeze %dma_start3A_106 : memref<1x128xi32, #tpu.memory_space<vmem>> -> memref<128xi32, #tpu.memory_space<vmem>>
          %dma_start3A_108 = arith.constant 0 : i32
          %dma_start3A_109 = arith.constant 0 : i32
          %dma_start3A_110 = tpu.memref_slice %arg11[%dma_start3A_108, %dma_start3A_109] : memref<10240x128xf32, #tpu.memory_space<vmem_shared>> -> memref<10240x128xf32, #tpu.memory_space<vmem_shared>>
          tpu.enqueue_indirect_dma source(%arg10 : memref<128x128xf32, #tpu.memory_space<vmem>>) target(%dma_start3A_110 : memref<10240x128xf32, #tpu.memory_space<vmem_shared>>) offsets(%dma_start3A_107 : memref<128xi32, #tpu.memory_space<vmem>>) semaphore(%run_scoped3A : memref<!tpu.dma_semaphore, #tpu.memory_space<semaphore_mem>>) {add = true}
          %dma_wait3A_111 = arith.constant 0 : i32
          %dma_wait3A_112 = tpu.memref_slice %arg8[%add3A_91, %dma_wait3A_111] : memref<40x128xi32, #tpu.memory_space<vmem>> -> memref<1x128xi32, #tpu.memory_space<vmem>>
          %dma_wait3A_113 = tpu.memref_squeeze %dma_wait3A_112 : memref<1x128xi32, #tpu.memory_space<vmem>> -> memref<128xi32, #tpu.memory_space<vmem>>
          %dma_wait3A_114 = arith.constant 0 : i32
          %dma_wait3A_115 = arith.constant 0 : i32
          %dma_wait3A_116 = tpu.memref_slice %arg11[%dma_wait3A_114, %dma_wait3A_115] : memref<10240x128xf32, #tpu.memory_space<vmem_shared>> -> memref<10240x128xf32, #tpu.memory_space<vmem_shared>>
          tpu.wait_indirect_dma semaphore(%run_scoped3A : memref<!tpu.dma_semaphore, #tpu.memory_space<semaphore_mem>>) src(%arg10 : memref<128x128xf32, #tpu.memory_space<vmem>>) dst(%dma_wait3A_116 : memref<10240x128xf32, #tpu.memory_space<vmem_shared>>)
          tpu.yield
        }) : () -> ()
        %add3A_98 = arith.constant 2 : i32
        %add3A_99 = arith.addi %add3A_91, %add3A_98 : i32
        %lt3A_100 = arith.constant 40 : i32
        %lt3A_101 = arith.cmpi slt, %add3A_99, %lt3A_100 : i32
        %convert_element_type3A_102 = arith.extui %lt3A_101 : i1 to i32
        %cond3A_103 = arith.constant 0 : i32
        %cond3A_104 = arith.cmpi ne, %convert_element_type3A_102, %cond3A_103 : i32
        scf.if %cond3A_104 {
          %add3A_105 = arith.constant 2 : i32
          %add3A_106 = arith.addi %add3A_91, %add3A_105 : i32
          %dma_start3A_107 = arith.constant 0 : i32
          %dma_start3A_108 = tpu.memref_slice %arg7[%add3A_106, %dma_start3A_107] : memref<40x128xi32, #tpu.memory_space<vmem>> -> memref<1x128xi32, #tpu.memory_space<vmem>>
          %dma_start3A_109 = tpu.memref_squeeze %dma_start3A_108 : memref<1x128xi32, #tpu.memory_space<vmem>> -> memref<128xi32, #tpu.memory_space<vmem>>
          %dma_start3A_110 = arith.constant 0 : i32
          %dma_start3A_111 = arith.constant 0 : i32
          %dma_start3A_112 = tpu.memref_slice %arg2[%dma_start3A_110, %dma_start3A_111] : memref<10240x128xf32, #tpu.memory_space<hbm>> -> memref<10240x128xf32, #tpu.memory_space<hbm>>
          tpu.enqueue_indirect_dma source(%dma_start3A_112 : memref<10240x128xf32, #tpu.memory_space<hbm>>) target(%arg10 : memref<128x128xf32, #tpu.memory_space<vmem>>) offsets(%dma_start3A_109 : memref<128xi32, #tpu.memory_space<vmem>>) semaphore(%arg13 : memref<!tpu.dma_semaphore, #tpu.memory_space<semaphore_mem>>)
        } else {
        }
      }
      %scan3A_73 = arith.constant 20 : i32
    }
    %scan3A_19 = arith.constant 2 : i32
    %barrier3A_20 = arith.constant 0 : index
    tpu.barrier barrier_id(%barrier3A_20)
    %mul3A_21 = arith.constant 10240 : i32
    %mul3A_22 = arith.muli %arg0, %mul3A_21 : i32
    %add3A_23 = arith.constant 0 : i32
    %add3A_24 = arith.addi %mul3A_0, %add3A_23 : i32
    "tpu.region"() ({
      %run_scoped3A = tpu.sem_alloc : memref<!tpu.dma_semaphore, #tpu.memory_space<semaphore_mem>>
      %dma_start3A = arith.constant 0 : i32
      %dma_start3A_48 = tpu.memref_slice %arg11[%add3A_24, %dma_start3A] : memref<10240x128xf32, #tpu.memory_space<vmem_shared>> -> memref<128x128xf32, #tpu.memory_space<vmem_shared>>
      %dma_start3A_49 = arith.constant 0 : i32
      %dma_start3A_50 = tpu.memref_slice %arg11[%add3A_24, %dma_start3A_49] : memref<10240x128xf32, #tpu.memory_space<vmem_shared>> -> memref<128x128xf32, #tpu.memory_space<vmem_shared>>
      tpu.enqueue_dma source(%dma_start3A_50 : memref<128x128xf32, #tpu.memory_space<vmem_shared>>) target(%arg9 : memref<128x128xf32, #tpu.memory_space<vmem>>) target_semaphore(%run_scoped3A : memref<!tpu.dma_semaphore, #tpu.memory_space<semaphore_mem>>)
      %dma_wait3A = arith.constant 0 : i32
      %dma_wait3A_51 = tpu.memref_slice %arg11[%add3A_24, %dma_wait3A] : memref<10240x128xf32, #tpu.memory_space<vmem_shared>> -> memref<128x128xf32, #tpu.memory_space<vmem_shared>>
      %dma_wait3A_52 = arith.constant 0 : i32
      %dma_wait3A_53 = tpu.memref_slice %arg11[%add3A_24, %dma_wait3A_52] : memref<10240x128xf32, #tpu.memory_space<vmem_shared>> -> memref<128x128xf32, #tpu.memory_space<vmem_shared>>
      tpu.wait_dma2 semaphore(%run_scoped3A : memref<!tpu.dma_semaphore, #tpu.memory_space<semaphore_mem>>) src(%dma_wait3A_53 : memref<128x128xf32, #tpu.memory_space<vmem_shared>>) dst(%arg9 : memref<128x128xf32, #tpu.memory_space<vmem>>)
      tpu.yield
    }) : () -> ()
    %add3A_25 = arith.addi %mul3A_22, %mul3A_0 : i32
    %add3A_26 = arith.constant 0 : i32
    %add3A_27 = arith.addi %add3A_25, %add3A_26 : i32
    "tpu.region"() ({
      %run_scoped3A = tpu.sem_alloc : memref<!tpu.dma_semaphore, #tpu.memory_space<semaphore_mem>>
      %dma_start3A = arith.constant 0 : i32
      %dma_start3A_48 = tpu.memref_slice %arg6[%add3A_27, %dma_start3A] : memref<20480x128xf32, #tpu.memory_space<hbm>> -> memref<128x128xf32, #tpu.memory_space<hbm>>
      %dma_start3A_49 = arith.constant 0 : i32
      %dma_start3A_50 = tpu.memref_slice %arg6[%add3A_27, %dma_start3A_49] : memref<20480x128xf32, #tpu.memory_space<hbm>> -> memref<128x128xf32, #tpu.memory_space<hbm>>
      tpu.enqueue_dma source(%arg9 : memref<128x128xf32, #tpu.memory_space<vmem>>) target(%dma_start3A_50 : memref<128x128xf32, #tpu.memory_space<hbm>>) target_semaphore(%run_scoped3A : memref<!tpu.dma_semaphore, #tpu.memory_space<semaphore_mem>>)
      %dma_wait3A = arith.constant 0 : i32
      %dma_wait3A_51 = tpu.memref_slice %arg6[%add3A_27, %dma_wait3A] : memref<20480x128xf32, #tpu.memory_space<hbm>> -> memref<128x128xf32, #tpu.memory_space<hbm>>
      %dma_wait3A_52 = arith.constant 0 : i32
      %dma_wait3A_53 = tpu.memref_slice %arg6[%add3A_27, %dma_wait3A_52] : memref<20480x128xf32, #tpu.memory_space<hbm>> -> memref<128x128xf32, #tpu.memory_space<hbm>>
      tpu.wait_dma2 semaphore(%run_scoped3A : memref<!tpu.dma_semaphore, #tpu.memory_space<semaphore_mem>>) src(%arg9 : memref<128x128xf32, #tpu.memory_space<vmem>>) dst(%dma_wait3A_53 : memref<128x128xf32, #tpu.memory_space<hbm>>)
      tpu.yield
    }) : () -> ()
    %add3A_28 = arith.constant 128 : i32
    %add3A_29 = arith.addi %mul3A_0, %add3A_28 : i32
    "tpu.region"() ({
      %run_scoped3A = tpu.sem_alloc : memref<!tpu.dma_semaphore, #tpu.memory_space<semaphore_mem>>
      %dma_start3A = arith.constant 0 : i32
      %dma_start3A_48 = tpu.memref_slice %arg11[%add3A_29, %dma_start3A] : memref<10240x128xf32, #tpu.memory_space<vmem_shared>> -> memref<128x128xf32, #tpu.memory_space<vmem_shared>>
      %dma_start3A_49 = arith.constant 0 : i32
      %dma_start3A_50 = tpu.memref_slice %arg11[%add3A_29, %dma_start3A_49] : memref<10240x128xf32, #tpu.memory_space<vmem_shared>> -> memref<128x128xf32, #tpu.memory_space<vmem_shared>>
      tpu.enqueue_dma source(%dma_start3A_50 : memref<128x128xf32, #tpu.memory_space<vmem_shared>>) target(%arg9 : memref<128x128xf32, #tpu.memory_space<vmem>>) target_semaphore(%run_scoped3A : memref<!tpu.dma_semaphore, #tpu.memory_space<semaphore_mem>>)
      %dma_wait3A = arith.constant 0 : i32
      %dma_wait3A_51 = tpu.memref_slice %arg11[%add3A_29, %dma_wait3A] : memref<10240x128xf32, #tpu.memory_space<vmem_shared>> -> memref<128x128xf32, #tpu.memory_space<vmem_shared>>
      %dma_wait3A_52 = arith.constant 0 : i32
      %dma_wait3A_53 = tpu.memref_slice %arg11[%add3A_29, %dma_wait3A_52] : memref<10240x128xf32, #tpu.memory_space<vmem_shared>> -> memref<128x128xf32, #tpu.memory_space<vmem_shared>>
      tpu.wait_dma2 semaphore(%run_scoped3A : memref<!tpu.dma_semaphore, #tpu.memory_space<semaphore_mem>>) src(%dma_wait3A_53 : memref<128x128xf32, #tpu.memory_space<vmem_shared>>) dst(%arg9 : memref<128x128xf32, #tpu.memory_space<vmem>>)
      tpu.yield
    }) : () -> ()
    %add3A_30 = arith.addi %mul3A_22, %mul3A_0 : i32
    %add3A_31 = arith.constant 128 : i32
    %add3A_32 = arith.addi %add3A_30, %add3A_31 : i32
    "tpu.region"() ({
      %run_scoped3A = tpu.sem_alloc : memref<!tpu.dma_semaphore, #tpu.memory_space<semaphore_mem>>
      %dma_start3A = arith.constant 0 : i32
      %dma_start3A_48 = tpu.memref_slice %arg6[%add3A_32, %dma_start3A] : memref<20480x128xf32, #tpu.memory_space<hbm>> -> memref<128x128xf32, #tpu.memory_space<hbm>>
      %dma_start3A_49 = arith.constant 0 : i32
      %dma_start3A_50 = tpu.memref_slice %arg6[%add3A_32, %dma_start3A_49] : memref<20480x128xf32, #tpu.memory_space<hbm>> -> memref<128x128xf32, #tpu.memory_space<hbm>>
      tpu.enqueue_dma source(%arg9 : memref<128x128xf32, #tpu.memory_space<vmem>>) target(%dma_start3A_50 : memref<128x128xf32, #tpu.memory_space<hbm>>) target_semaphore(%run_scoped3A : memref<!tpu.dma_semaphore, #tpu.memory_space<semaphore_mem>>)
      %dma_wait3A = arith.constant 0 : i32
      %dma_wait3A_51 = tpu.memref_slice %arg6[%add3A_32, %dma_wait3A] : memref<20480x128xf32, #tpu.memory_space<hbm>> -> memref<128x128xf32, #tpu.memory_space<hbm>>
      %dma_wait3A_52 = arith.constant 0 : i32
      %dma_wait3A_53 = tpu.memref_slice %arg6[%add3A_32, %dma_wait3A_52] : memref<20480x128xf32, #tpu.memory_space<hbm>> -> memref<128x128xf32, #tpu.memory_space<hbm>>
      tpu.wait_dma2 semaphore(%run_scoped3A : memref<!tpu.dma_semaphore, #tpu.memory_space<semaphore_mem>>) src(%arg9 : memref<128x128xf32, #tpu.memory_space<vmem>>) dst(%dma_wait3A_53 : memref<128x128xf32, #tpu.memory_space<hbm>>)
      tpu.yield
    }) : () -> ()
    %add3A_33 = arith.constant 256 : i32
    %add3A_34 = arith.addi %mul3A_0, %add3A_33 : i32
    "tpu.region"() ({
      %run_scoped3A = tpu.sem_alloc : memref<!tpu.dma_semaphore, #tpu.memory_space<semaphore_mem>>
      %dma_start3A = arith.constant 0 : i32
      %dma_start3A_48 = tpu.memref_slice %arg11[%add3A_34, %dma_start3A] : memref<10240x128xf32, #tpu.memory_space<vmem_shared>> -> memref<128x128xf32, #tpu.memory_space<vmem_shared>>
      %dma_start3A_49 = arith.constant 0 : i32
      %dma_start3A_50 = tpu.memref_slice %arg11[%add3A_34, %dma_start3A_49] : memref<10240x128xf32, #tpu.memory_space<vmem_shared>> -> memref<128x128xf32, #tpu.memory_space<vmem_shared>>
      tpu.enqueue_dma source(%dma_start3A_50 : memref<128x128xf32, #tpu.memory_space<vmem_shared>>) target(%arg9 : memref<128x128xf32, #tpu.memory_space<vmem>>) target_semaphore(%run_scoped3A : memref<!tpu.dma_semaphore, #tpu.memory_space<semaphore_mem>>)
      %dma_wait3A = arith.constant 0 : i32
      %dma_wait3A_51 = tpu.memref_slice %arg11[%add3A_34, %dma_wait3A] : memref<10240x128xf32, #tpu.memory_space<vmem_shared>> -> memref<128x128xf32, #tpu.memory_space<vmem_shared>>
      %dma_wait3A_52 = arith.constant 0 : i32
      %dma_wait3A_53 = tpu.memref_slice %arg11[%add3A_34, %dma_wait3A_52] : memref<10240x128xf32, #tpu.memory_space<vmem_shared>> -> memref<128x128xf32, #tpu.memory_space<vmem_shared>>
      tpu.wait_dma2 semaphore(%run_scoped3A : memref<!tpu.dma_semaphore, #tpu.memory_space<semaphore_mem>>) src(%dma_wait3A_53 : memref<128x128xf32, #tpu.memory_space<vmem_shared>>) dst(%arg9 : memref<128x128xf32, #tpu.memory_space<vmem>>)
      tpu.yield
    }) : () -> ()
    %add3A_35 = arith.addi %mul3A_22, %mul3A_0 : i32
    %add3A_36 = arith.constant 256 : i32
    %add3A_37 = arith.addi %add3A_35, %add3A_36 : i32
    "tpu.region"() ({
      %run_scoped3A = tpu.sem_alloc : memref<!tpu.dma_semaphore, #tpu.memory_space<semaphore_mem>>
      %dma_start3A = arith.constant 0 : i32
      %dma_start3A_48 = tpu.memref_slice %arg6[%add3A_37, %dma_start3A] : memref<20480x128xf32, #tpu.memory_space<hbm>> -> memref<128x128xf32, #tpu.memory_space<hbm>>
      %dma_start3A_49 = arith.constant 0 : i32
      %dma_start3A_50 = tpu.memref_slice %arg6[%add3A_37, %dma_start3A_49] : memref<20480x128xf32, #tpu.memory_space<hbm>> -> memref<128x128xf32, #tpu.memory_space<hbm>>
      tpu.enqueue_dma source(%arg9 : memref<128x128xf32, #tpu.memory_space<vmem>>) target(%dma_start3A_50 : memref<128x128xf32, #tpu.memory_space<hbm>>) target_semaphore(%run_scoped3A : memref<!tpu.dma_semaphore, #tpu.memory_space<semaphore_mem>>)
      %dma_wait3A = arith.constant 0 : i32
      %dma_wait3A_51 = tpu.memref_slice %arg6[%add3A_37, %dma_wait3A] : memref<20480x128xf32, #tpu.memory_space<hbm>> -> memref<128x128xf32, #tpu.memory_space<hbm>>
      %dma_wait3A_52 = arith.constant 0 : i32
      %dma_wait3A_53 = tpu.memref_slice %arg6[%add3A_37, %dma_wait3A_52] : memref<20480x128xf32, #tpu.memory_space<hbm>> -> memref<128x128xf32, #tpu.memory_space<hbm>>
      tpu.wait_dma2 semaphore(%run_scoped3A : memref<!tpu.dma_semaphore, #tpu.memory_space<semaphore_mem>>) src(%arg9 : memref<128x128xf32, #tpu.memory_space<vmem>>) dst(%dma_wait3A_53 : memref<128x128xf32, #tpu.memory_space<hbm>>)
      tpu.yield
    }) : () -> ()
    %add3A_38 = arith.constant 384 : i32
    %add3A_39 = arith.addi %mul3A_0, %add3A_38 : i32
    "tpu.region"() ({
      %run_scoped3A = tpu.sem_alloc : memref<!tpu.dma_semaphore, #tpu.memory_space<semaphore_mem>>
      %dma_start3A = arith.constant 0 : i32
      %dma_start3A_48 = tpu.memref_slice %arg11[%add3A_39, %dma_start3A] : memref<10240x128xf32, #tpu.memory_space<vmem_shared>> -> memref<128x128xf32, #tpu.memory_space<vmem_shared>>
      %dma_start3A_49 = arith.constant 0 : i32
      %dma_start3A_50 = tpu.memref_slice %arg11[%add3A_39, %dma_start3A_49] : memref<10240x128xf32, #tpu.memory_space<vmem_shared>> -> memref<128x128xf32, #tpu.memory_space<vmem_shared>>
      tpu.enqueue_dma source(%dma_start3A_50 : memref<128x128xf32, #tpu.memory_space<vmem_shared>>) target(%arg9 : memref<128x128xf32, #tpu.memory_space<vmem>>) target_semaphore(%run_scoped3A : memref<!tpu.dma_semaphore, #tpu.memory_space<semaphore_mem>>)
      %dma_wait3A = arith.constant 0 : i32
      %dma_wait3A_51 = tpu.memref_slice %arg11[%add3A_39, %dma_wait3A] : memref<10240x128xf32, #tpu.memory_space<vmem_shared>> -> memref<128x128xf32, #tpu.memory_space<vmem_shared>>
      %dma_wait3A_52 = arith.constant 0 : i32
      %dma_wait3A_53 = tpu.memref_slice %arg11[%add3A_39, %dma_wait3A_52] : memref<10240x128xf32, #tpu.memory_space<vmem_shared>> -> memref<128x128xf32, #tpu.memory_space<vmem_shared>>
      tpu.wait_dma2 semaphore(%run_scoped3A : memref<!tpu.dma_semaphore, #tpu.memory_space<semaphore_mem>>) src(%dma_wait3A_53 : memref<128x128xf32, #tpu.memory_space<vmem_shared>>) dst(%arg9 : memref<128x128xf32, #tpu.memory_space<vmem>>)
      tpu.yield
    }) : () -> ()
    %add3A_40 = arith.addi %mul3A_22, %mul3A_0 : i32
    %add3A_41 = arith.constant 384 : i32
    %add3A_42 = arith.addi %add3A_40, %add3A_41 : i32
    "tpu.region"() ({
      %run_scoped3A = tpu.sem_alloc : memref<!tpu.dma_semaphore, #tpu.memory_space<semaphore_mem>>
      %dma_start3A = arith.constant 0 : i32
      %dma_start3A_48 = tpu.memref_slice %arg6[%add3A_42, %dma_start3A] : memref<20480x128xf32, #tpu.memory_space<hbm>> -> memref<128x128xf32, #tpu.memory_space<hbm>>
      %dma_start3A_49 = arith.constant 0 : i32
      %dma_start3A_50 = tpu.memref_slice %arg6[%add3A_42, %dma_start3A_49] : memref<20480x128xf32, #tpu.memory_space<hbm>> -> memref<128x128xf32, #tpu.memory_space<hbm>>
      tpu.enqueue_dma source(%arg9 : memref<128x128xf32, #tpu.memory_space<vmem>>) target(%dma_start3A_50 : memref<128x128xf32, #tpu.memory_space<hbm>>) target_semaphore(%run_scoped3A : memref<!tpu.dma_semaphore, #tpu.memory_space<semaphore_mem>>)
      %dma_wait3A = arith.constant 0 : i32
      %dma_wait3A_51 = tpu.memref_slice %arg6[%add3A_42, %dma_wait3A] : memref<20480x128xf32, #tpu.memory_space<hbm>> -> memref<128x128xf32, #tpu.memory_space<hbm>>
      %dma_wait3A_52 = arith.constant 0 : i32
      %dma_wait3A_53 = tpu.memref_slice %arg6[%add3A_42, %dma_wait3A_52] : memref<20480x128xf32, #tpu.memory_space<hbm>> -> memref<128x128xf32, #tpu.memory_space<hbm>>
      tpu.wait_dma2 semaphore(%run_scoped3A : memref<!tpu.dma_semaphore, #tpu.memory_space<semaphore_mem>>) src(%arg9 : memref<128x128xf32, #tpu.memory_space<vmem>>) dst(%dma_wait3A_53 : memref<128x128xf32, #tpu.memory_space<hbm>>)
      tpu.yield
    }) : () -> ()
    %add3A_43 = arith.constant 512 : i32
    %add3A_44 = arith.addi %mul3A_0, %add3A_43 : i32
    "tpu.region"() ({
      %run_scoped3A = tpu.sem_alloc : memref<!tpu.dma_semaphore, #tpu.memory_space<semaphore_mem>>
      %dma_start3A = arith.constant 0 : i32
      %dma_start3A_48 = tpu.memref_slice %arg11[%add3A_44, %dma_start3A] : memref<10240x128xf32, #tpu.memory_space<vmem_shared>> -> memref<128x128xf32, #tpu.memory_space<vmem_shared>>
      %dma_start3A_49 = arith.constant 0 : i32
      %dma_start3A_50 = tpu.memref_slice %arg11[%add3A_44, %dma_start3A_49] : memref<10240x128xf32, #tpu.memory_space<vmem_shared>> -> memref<128x128xf32, #tpu.memory_space<vmem_shared>>
      tpu.enqueue_dma source(%dma_start3A_50 : memref<128x128xf32, #tpu.memory_space<vmem_shared>>) target(%arg9 : memref<128x128xf32, #tpu.memory_space<vmem>>) target_semaphore(%run_scoped3A : memref<!tpu.dma_semaphore, #tpu.memory_space<semaphore_mem>>)
      %dma_wait3A = arith.constant 0 : i32
      %dma_wait3A_51 = tpu.memref_slice %arg11[%add3A_44, %dma_wait3A] : memref<10240x128xf32, #tpu.memory_space<vmem_shared>> -> memref<128x128xf32, #tpu.memory_space<vmem_shared>>
      %dma_wait3A_52 = arith.constant 0 : i32
      %dma_wait3A_53 = tpu.memref_slice %arg11[%add3A_44, %dma_wait3A_52] : memref<10240x128xf32, #tpu.memory_space<vmem_shared>> -> memref<128x128xf32, #tpu.memory_space<vmem_shared>>
      tpu.wait_dma2 semaphore(%run_scoped3A : memref<!tpu.dma_semaphore, #tpu.memory_space<semaphore_mem>>) src(%dma_wait3A_53 : memref<128x128xf32, #tpu.memory_space<vmem_shared>>) dst(%arg9 : memref<128x128xf32, #tpu.memory_space<vmem>>)
      tpu.yield
    }) : () -> ()
    %add3A_45 = arith.addi %mul3A_22, %mul3A_0 : i32
    %add3A_46 = arith.constant 512 : i32
    %add3A_47 = arith.addi %add3A_45, %add3A_46 : i32
    "tpu.region"() ({
      %run_scoped3A = tpu.sem_alloc : memref<!tpu.dma_semaphore, #tpu.memory_space<semaphore_mem>>
      %dma_start3A = arith.constant 0 : i32
      %dma_start3A_48 = tpu.memref_slice %arg6[%add3A_47, %dma_start3A] : memref<20480x128xf32, #tpu.memory_space<hbm>> -> memref<128x128xf32, #tpu.memory_space<hbm>>
      %dma_start3A_49 = arith.constant 0 : i32
      %dma_start3A_50 = tpu.memref_slice %arg6[%add3A_47, %dma_start3A_49] : memref<20480x128xf32, #tpu.memory_space<hbm>> -> memref<128x128xf32, #tpu.memory_space<hbm>>
      tpu.enqueue_dma source(%arg9 : memref<128x128xf32, #tpu.memory_space<vmem>>) target(%dma_start3A_50 : memref<128x128xf32, #tpu.memory_space<hbm>>) target_semaphore(%run_scoped3A : memref<!tpu.dma_semaphore, #tpu.memory_space<semaphore_mem>>)
      %dma_wait3A = arith.constant 0 : i32
      %dma_wait3A_51 = tpu.memref_slice %arg6[%add3A_47, %dma_wait3A] : memref<20480x128xf32, #tpu.memory_space<hbm>> -> memref<128x128xf32, #tpu.memory_space<hbm>>
      %dma_wait3A_52 = arith.constant 0 : i32
      %dma_wait3A_53 = tpu.memref_slice %arg6[%add3A_47, %dma_wait3A_52] : memref<20480x128xf32, #tpu.memory_space<hbm>> -> memref<128x128xf32, #tpu.memory_space<hbm>>
      tpu.wait_dma2 semaphore(%run_scoped3A : memref<!tpu.dma_semaphore, #tpu.memory_space<semaphore_mem>>) src(%arg9 : memref<128x128xf32, #tpu.memory_space<vmem>>) dst(%dma_wait3A_53 : memref<128x128xf32, #tpu.memory_space<hbm>>)
      tpu.yield
    }) : () -> ()
    return
  }
}

#map = affine_map<(d0, d1) -> (0, 0)>
module attributes {stable_mosaic.version = 14 : i64} {
  func.func @scatter_kernel(%arg0: i32, %arg1: i32, %arg2: memref<10240x64xf32, #tpu.memory_space<hbm>>, %arg3: memref<2560x128xi32, #tpu.memory_space<hbm>>, %arg4: memref<2560x128xi32, #tpu.memory_space<hbm>>, %arg5: memref<128x64xf32, #tpu.memory_space<hbm>>, %arg6: memref<20480x64xf32, #tpu.memory_space<hbm>>, %arg7: memref<40x128xi32, #tpu.memory_space<vmem>>, %arg8: memref<40x128xi32, #tpu.memory_space<vmem>>, %arg9: memref<128x64xf32, #tpu.memory_space<vmem>>, %arg10: memref<128x64xf32, #tpu.memory_space<vmem>>, %arg11: memref<10240x64xf32, #tpu.memory_space<vmem_shared>>, %arg12: memref<!tpu.dma_semaphore, #tpu.memory_space<semaphore_mem>>, %arg13: memref<!tpu.dma_semaphore, #tpu.memory_space<semaphore_mem>>) attributes {dimension_semantics = [#tpu.dimension_semantics<core_parallel>, #tpu.dimension_semantics<subcore_parallel>], iteration_bounds = array<i64: 2, 16>, scalar_prefetch = 0 : i64, scratch_operands = 7 : i64, tpu.core_type = #tpu.core_type<sc_vector_subcore>, window_params = [{transform_indices = #map}, {transform_indices = #map}, {transform_indices = #map}, {transform_indices = #map}, {transform_indices = #map}]} {
    %mul3A = arith.constant 640 : i32
    %mul3A_0 = arith.muli %arg1, %mul3A : i32
    %mul3A_1 = arith.constant 16 : i32
    %mul3A_2 = arith.muli %arg0, %mul3A_1 : i32
    %add3A = arith.addi %mul3A_2, %arg1 : i32
    %mul3A_3 = arith.constant 80 : i32
    %mul3A_4 = arith.muli %add3A, %mul3A_3 : i32
    "tpu.region"() ({
      %run_scoped3A = tpu.sem_alloc : memref<!tpu.dma_semaphore, #tpu.memory_space<semaphore_mem>>
      tpu.enqueue_dma source(%arg5 : memref<128x64xf32, #tpu.memory_space<hbm>>) target(%arg9 : memref<128x64xf32, #tpu.memory_space<vmem>>) target_semaphore(%run_scoped3A : memref<!tpu.dma_semaphore, #tpu.memory_space<semaphore_mem>>)
      tpu.wait_dma2 semaphore(%run_scoped3A : memref<!tpu.dma_semaphore, #tpu.memory_space<semaphore_mem>>) src(%arg5 : memref<128x64xf32, #tpu.memory_space<hbm>>) dst(%arg9 : memref<128x64xf32, #tpu.memory_space<vmem>>)
      tpu.yield
    }) : () -> ()
    %add3A_5 = arith.constant 0 : i32
    %add3A_6 = arith.addi %mul3A_0, %add3A_5 : i32
    "tpu.region"() ({
      %run_scoped3A = tpu.sem_alloc : memref<!tpu.dma_semaphore, #tpu.memory_space<semaphore_mem>>
      %dma_start3A = arith.constant 0 : i32
      %dma_start3A_48 = tpu.memref_slice %arg11[%add3A_6, %dma_start3A] : memref<10240x64xf32, #tpu.memory_space<vmem_shared>> -> memref<128x64xf32, #tpu.memory_space<vmem_shared>>
      %dma_start3A_49 = arith.constant 0 : i32
      %dma_start3A_50 = tpu.memref_slice %arg11[%add3A_6, %dma_start3A_49] : memref<10240x64xf32, #tpu.memory_space<vmem_shared>> -> memref<128x64xf32, #tpu.memory_space<vmem_shared>>
      tpu.enqueue_dma source(%arg9 : memref<128x64xf32, #tpu.memory_space<vmem>>) target(%dma_start3A_50 : memref<128x64xf32, #tpu.memory_space<vmem_shared>>) target_semaphore(%run_scoped3A : memref<!tpu.dma_semaphore, #tpu.memory_space<semaphore_mem>>)
      %dma_wait3A = arith.constant 0 : i32
      %dma_wait3A_51 = tpu.memref_slice %arg11[%add3A_6, %dma_wait3A] : memref<10240x64xf32, #tpu.memory_space<vmem_shared>> -> memref<128x64xf32, #tpu.memory_space<vmem_shared>>
      %dma_wait3A_52 = arith.constant 0 : i32
      %dma_wait3A_53 = tpu.memref_slice %arg11[%add3A_6, %dma_wait3A_52] : memref<10240x64xf32, #tpu.memory_space<vmem_shared>> -> memref<128x64xf32, #tpu.memory_space<vmem_shared>>
      tpu.wait_dma2 semaphore(%run_scoped3A : memref<!tpu.dma_semaphore, #tpu.memory_space<semaphore_mem>>) src(%arg9 : memref<128x64xf32, #tpu.memory_space<vmem>>) dst(%dma_wait3A_53 : memref<128x64xf32, #tpu.memory_space<vmem_shared>>)
      tpu.yield
    }) : () -> ()
    %add3A_7 = arith.constant 128 : i32
    %add3A_8 = arith.addi %mul3A_0, %add3A_7 : i32
    "tpu.region"() ({
      %run_scoped3A = tpu.sem_alloc : memref<!tpu.dma_semaphore, #tpu.memory_space<semaphore_mem>>
      %dma_start3A = arith.constant 0 : i32
      %dma_start3A_48 = tpu.memref_slice %arg11[%add3A_8, %dma_start3A] : memref<10240x64xf32, #tpu.memory_space<vmem_shared>> -> memref<128x64xf32, #tpu.memory_space<vmem_shared>>
      %dma_start3A_49 = arith.constant 0 : i32
      %dma_start3A_50 = tpu.memref_slice %arg11[%add3A_8, %dma_start3A_49] : memref<10240x64xf32, #tpu.memory_space<vmem_shared>> -> memref<128x64xf32, #tpu.memory_space<vmem_shared>>
      tpu.enqueue_dma source(%arg9 : memref<128x64xf32, #tpu.memory_space<vmem>>) target(%dma_start3A_50 : memref<128x64xf32, #tpu.memory_space<vmem_shared>>) target_semaphore(%run_scoped3A : memref<!tpu.dma_semaphore, #tpu.memory_space<semaphore_mem>>)
      %dma_wait3A = arith.constant 0 : i32
      %dma_wait3A_51 = tpu.memref_slice %arg11[%add3A_8, %dma_wait3A] : memref<10240x64xf32, #tpu.memory_space<vmem_shared>> -> memref<128x64xf32, #tpu.memory_space<vmem_shared>>
      %dma_wait3A_52 = arith.constant 0 : i32
      %dma_wait3A_53 = tpu.memref_slice %arg11[%add3A_8, %dma_wait3A_52] : memref<10240x64xf32, #tpu.memory_space<vmem_shared>> -> memref<128x64xf32, #tpu.memory_space<vmem_shared>>
      tpu.wait_dma2 semaphore(%run_scoped3A : memref<!tpu.dma_semaphore, #tpu.memory_space<semaphore_mem>>) src(%arg9 : memref<128x64xf32, #tpu.memory_space<vmem>>) dst(%dma_wait3A_53 : memref<128x64xf32, #tpu.memory_space<vmem_shared>>)
      tpu.yield
    }) : () -> ()
    %add3A_9 = arith.constant 256 : i32
    %add3A_10 = arith.addi %mul3A_0, %add3A_9 : i32
    "tpu.region"() ({
      %run_scoped3A = tpu.sem_alloc : memref<!tpu.dma_semaphore, #tpu.memory_space<semaphore_mem>>
      %dma_start3A = arith.constant 0 : i32
      %dma_start3A_48 = tpu.memref_slice %arg11[%add3A_10, %dma_start3A] : memref<10240x64xf32, #tpu.memory_space<vmem_shared>> -> memref<128x64xf32, #tpu.memory_space<vmem_shared>>
      %dma_start3A_49 = arith.constant 0 : i32
      %dma_start3A_50 = tpu.memref_slice %arg11[%add3A_10, %dma_start3A_49] : memref<10240x64xf32, #tpu.memory_space<vmem_shared>> -> memref<128x64xf32, #tpu.memory_space<vmem_shared>>
      tpu.enqueue_dma source(%arg9 : memref<128x64xf32, #tpu.memory_space<vmem>>) target(%dma_start3A_50 : memref<128x64xf32, #tpu.memory_space<vmem_shared>>) target_semaphore(%run_scoped3A : memref<!tpu.dma_semaphore, #tpu.memory_space<semaphore_mem>>)
      %dma_wait3A = arith.constant 0 : i32
      %dma_wait3A_51 = tpu.memref_slice %arg11[%add3A_10, %dma_wait3A] : memref<10240x64xf32, #tpu.memory_space<vmem_shared>> -> memref<128x64xf32, #tpu.memory_space<vmem_shared>>
      %dma_wait3A_52 = arith.constant 0 : i32
      %dma_wait3A_53 = tpu.memref_slice %arg11[%add3A_10, %dma_wait3A_52] : memref<10240x64xf32, #tpu.memory_space<vmem_shared>> -> memref<128x64xf32, #tpu.memory_space<vmem_shared>>
      tpu.wait_dma2 semaphore(%run_scoped3A : memref<!tpu.dma_semaphore, #tpu.memory_space<semaphore_mem>>) src(%arg9 : memref<128x64xf32, #tpu.memory_space<vmem>>) dst(%dma_wait3A_53 : memref<128x64xf32, #tpu.memory_space<vmem_shared>>)
      tpu.yield
    }) : () -> ()
    %add3A_11 = arith.constant 384 : i32
    %add3A_12 = arith.addi %mul3A_0, %add3A_11 : i32
    "tpu.region"() ({
      %run_scoped3A = tpu.sem_alloc : memref<!tpu.dma_semaphore, #tpu.memory_space<semaphore_mem>>
      %dma_start3A = arith.constant 0 : i32
      %dma_start3A_48 = tpu.memref_slice %arg11[%add3A_12, %dma_start3A] : memref<10240x64xf32, #tpu.memory_space<vmem_shared>> -> memref<128x64xf32, #tpu.memory_space<vmem_shared>>
      %dma_start3A_49 = arith.constant 0 : i32
      %dma_start3A_50 = tpu.memref_slice %arg11[%add3A_12, %dma_start3A_49] : memref<10240x64xf32, #tpu.memory_space<vmem_shared>> -> memref<128x64xf32, #tpu.memory_space<vmem_shared>>
      tpu.enqueue_dma source(%arg9 : memref<128x64xf32, #tpu.memory_space<vmem>>) target(%dma_start3A_50 : memref<128x64xf32, #tpu.memory_space<vmem_shared>>) target_semaphore(%run_scoped3A : memref<!tpu.dma_semaphore, #tpu.memory_space<semaphore_mem>>)
      %dma_wait3A = arith.constant 0 : i32
      %dma_wait3A_51 = tpu.memref_slice %arg11[%add3A_12, %dma_wait3A] : memref<10240x64xf32, #tpu.memory_space<vmem_shared>> -> memref<128x64xf32, #tpu.memory_space<vmem_shared>>
      %dma_wait3A_52 = arith.constant 0 : i32
      %dma_wait3A_53 = tpu.memref_slice %arg11[%add3A_12, %dma_wait3A_52] : memref<10240x64xf32, #tpu.memory_space<vmem_shared>> -> memref<128x64xf32, #tpu.memory_space<vmem_shared>>
      tpu.wait_dma2 semaphore(%run_scoped3A : memref<!tpu.dma_semaphore, #tpu.memory_space<semaphore_mem>>) src(%arg9 : memref<128x64xf32, #tpu.memory_space<vmem>>) dst(%dma_wait3A_53 : memref<128x64xf32, #tpu.memory_space<vmem_shared>>)
      tpu.yield
    }) : () -> ()
    %add3A_13 = arith.constant 512 : i32
    %add3A_14 = arith.addi %mul3A_0, %add3A_13 : i32
    "tpu.region"() ({
      %run_scoped3A = tpu.sem_alloc : memref<!tpu.dma_semaphore, #tpu.memory_space<semaphore_mem>>
      %dma_start3A = arith.constant 0 : i32
      %dma_start3A_48 = tpu.memref_slice %arg11[%add3A_14, %dma_start3A] : memref<10240x64xf32, #tpu.memory_space<vmem_shared>> -> memref<128x64xf32, #tpu.memory_space<vmem_shared>>
      %dma_start3A_49 = arith.constant 0 : i32
      %dma_start3A_50 = tpu.memref_slice %arg11[%add3A_14, %dma_start3A_49] : memref<10240x64xf32, #tpu.memory_space<vmem_shared>> -> memref<128x64xf32, #tpu.memory_space<vmem_shared>>
      tpu.enqueue_dma source(%arg9 : memref<128x64xf32, #tpu.memory_space<vmem>>) target(%dma_start3A_50 : memref<128x64xf32, #tpu.memory_space<vmem_shared>>) target_semaphore(%run_scoped3A : memref<!tpu.dma_semaphore, #tpu.memory_space<semaphore_mem>>)
      %dma_wait3A = arith.constant 0 : i32
      %dma_wait3A_51 = tpu.memref_slice %arg11[%add3A_14, %dma_wait3A] : memref<10240x64xf32, #tpu.memory_space<vmem_shared>> -> memref<128x64xf32, #tpu.memory_space<vmem_shared>>
      %dma_wait3A_52 = arith.constant 0 : i32
      %dma_wait3A_53 = tpu.memref_slice %arg11[%add3A_14, %dma_wait3A_52] : memref<10240x64xf32, #tpu.memory_space<vmem_shared>> -> memref<128x64xf32, #tpu.memory_space<vmem_shared>>
      tpu.wait_dma2 semaphore(%run_scoped3A : memref<!tpu.dma_semaphore, #tpu.memory_space<semaphore_mem>>) src(%arg9 : memref<128x64xf32, #tpu.memory_space<vmem>>) dst(%dma_wait3A_53 : memref<128x64xf32, #tpu.memory_space<vmem_shared>>)
      tpu.yield
    }) : () -> ()
    %barrier3A = arith.constant 0 : index
    tpu.barrier barrier_id(%barrier3A)
    %scan3A = arith.constant 0 : i32
    %scan3A_15 = arith.constant 0 : i32
    %scan3A_16 = arith.constant 2 : i32
    %scan3A_17 = arith.addi %scan3A_15, %scan3A_16 : i32
    %scan3A_18 = arith.constant 1 : i32
    scf.for %scan3A_48 = %scan3A_15 to %scan3A_17 step %scan3A_18  : i32 {
      %mul3A_49 = arith.constant 40 : i32
      %mul3A_50 = arith.muli %scan3A_48, %mul3A_49 : i32
      %add3A_51 = arith.addi %mul3A_4, %mul3A_50 : i32
      "tpu.region"() ({
        %run_scoped3A = tpu.sem_alloc : memref<!tpu.dma_semaphore, #tpu.memory_space<semaphore_mem>>
        %dma_start3A_74 = arith.constant 0 : i32
        %dma_start3A_75 = tpu.memref_slice %arg3[%add3A_51, %dma_start3A_74] : memref<2560x128xi32, #tpu.memory_space<hbm>> -> memref<40x128xi32, #tpu.memory_space<hbm>>
        %dma_start3A_76 = arith.constant 0 : i32
        %dma_start3A_77 = tpu.memref_slice %arg3[%add3A_51, %dma_start3A_76] : memref<2560x128xi32, #tpu.memory_space<hbm>> -> memref<40x128xi32, #tpu.memory_space<hbm>>
        tpu.enqueue_dma source(%dma_start3A_77 : memref<40x128xi32, #tpu.memory_space<hbm>>) target(%arg7 : memref<40x128xi32, #tpu.memory_space<vmem>>) target_semaphore(%run_scoped3A : memref<!tpu.dma_semaphore, #tpu.memory_space<semaphore_mem>>)
        %dma_wait3A = arith.constant 0 : i32
        %dma_wait3A_78 = tpu.memref_slice %arg3[%add3A_51, %dma_wait3A] : memref<2560x128xi32, #tpu.memory_space<hbm>> -> memref<40x128xi32, #tpu.memory_space<hbm>>
        %dma_wait3A_79 = arith.constant 0 : i32
        %dma_wait3A_80 = tpu.memref_slice %arg3[%add3A_51, %dma_wait3A_79] : memref<2560x128xi32, #tpu.memory_space<hbm>> -> memref<40x128xi32, #tpu.memory_space<hbm>>
        tpu.wait_dma2 semaphore(%run_scoped3A : memref<!tpu.dma_semaphore, #tpu.memory_space<semaphore_mem>>) src(%dma_wait3A_80 : memref<40x128xi32, #tpu.memory_space<hbm>>) dst(%arg7 : memref<40x128xi32, #tpu.memory_space<vmem>>)
        tpu.yield
      }) : () -> ()
      %mul3A_52 = arith.constant 40 : i32
      %mul3A_53 = arith.muli %scan3A_48, %mul3A_52 : i32
      %add3A_54 = arith.addi %mul3A_4, %mul3A_53 : i32
      "tpu.region"() ({
        %run_scoped3A = tpu.sem_alloc : memref<!tpu.dma_semaphore, #tpu.memory_space<semaphore_mem>>
        %dma_start3A_74 = arith.constant 0 : i32
        %dma_start3A_75 = tpu.memref_slice %arg4[%add3A_54, %dma_start3A_74] : memref<2560x128xi32, #tpu.memory_space<hbm>> -> memref<40x128xi32, #tpu.memory_space<hbm>>
        %dma_start3A_76 = arith.constant 0 : i32
        %dma_start3A_77 = tpu.memref_slice %arg4[%add3A_54, %dma_start3A_76] : memref<2560x128xi32, #tpu.memory_space<hbm>> -> memref<40x128xi32, #tpu.memory_space<hbm>>
        tpu.enqueue_dma source(%dma_start3A_77 : memref<40x128xi32, #tpu.memory_space<hbm>>) target(%arg8 : memref<40x128xi32, #tpu.memory_space<vmem>>) target_semaphore(%run_scoped3A : memref<!tpu.dma_semaphore, #tpu.memory_space<semaphore_mem>>)
        %dma_wait3A = arith.constant 0 : i32
        %dma_wait3A_78 = tpu.memref_slice %arg4[%add3A_54, %dma_wait3A] : memref<2560x128xi32, #tpu.memory_space<hbm>> -> memref<40x128xi32, #tpu.memory_space<hbm>>
        %dma_wait3A_79 = arith.constant 0 : i32
        %dma_wait3A_80 = tpu.memref_slice %arg4[%add3A_54, %dma_wait3A_79] : memref<2560x128xi32, #tpu.memory_space<hbm>> -> memref<40x128xi32, #tpu.memory_space<hbm>>
        tpu.wait_dma2 semaphore(%run_scoped3A : memref<!tpu.dma_semaphore, #tpu.memory_space<semaphore_mem>>) src(%dma_wait3A_80 : memref<40x128xi32, #tpu.memory_space<hbm>>) dst(%arg8 : memref<40x128xi32, #tpu.memory_space<vmem>>)
        tpu.yield
      }) : () -> ()
      %dma_start3A = arith.constant 0 : i32
      %dma_start3A_55 = arith.constant 0 : i32
      %dma_start3A_56 = tpu.memref_slice %arg7[%dma_start3A, %dma_start3A_55] : memref<40x128xi32, #tpu.memory_space<vmem>> -> memref<1x128xi32, #tpu.memory_space<vmem>>
      %dma_start3A_57 = tpu.memref_squeeze %dma_start3A_56 : memref<1x128xi32, #tpu.memory_space<vmem>> -> memref<128xi32, #tpu.memory_space<vmem>>
      %dma_start3A_58 = arith.constant 0 : i32
      %dma_start3A_59 = arith.constant 0 : i32
      %dma_start3A_60 = tpu.memref_slice %arg2[%dma_start3A_58, %dma_start3A_59] : memref<10240x64xf32, #tpu.memory_space<hbm>> -> memref<10240x64xf32, #tpu.memory_space<hbm>>
      tpu.enqueue_indirect_dma source(%dma_start3A_60 : memref<10240x64xf32, #tpu.memory_space<hbm>>) target(%arg9 : memref<128x64xf32, #tpu.memory_space<vmem>>) offsets(%dma_start3A_57 : memref<128xi32, #tpu.memory_space<vmem>>) semaphore(%arg12 : memref<!tpu.dma_semaphore, #tpu.memory_space<semaphore_mem>>)
      %dma_start3A_61 = arith.constant 1 : i32
      %dma_start3A_62 = arith.constant 0 : i32
      %dma_start3A_63 = tpu.memref_slice %arg7[%dma_start3A_61, %dma_start3A_62] : memref<40x128xi32, #tpu.memory_space<vmem>> -> memref<1x128xi32, #tpu.memory_space<vmem>>
      %dma_start3A_64 = tpu.memref_squeeze %dma_start3A_63 : memref<1x128xi32, #tpu.memory_space<vmem>> -> memref<128xi32, #tpu.memory_space<vmem>>
      %dma_start3A_65 = arith.constant 0 : i32
      %dma_start3A_66 = arith.constant 0 : i32
      %dma_start3A_67 = tpu.memref_slice %arg2[%dma_start3A_65, %dma_start3A_66] : memref<10240x64xf32, #tpu.memory_space<hbm>> -> memref<10240x64xf32, #tpu.memory_space<hbm>>
      tpu.enqueue_indirect_dma source(%dma_start3A_67 : memref<10240x64xf32, #tpu.memory_space<hbm>>) target(%arg10 : memref<128x64xf32, #tpu.memory_space<vmem>>) offsets(%dma_start3A_64 : memref<128xi32, #tpu.memory_space<vmem>>) semaphore(%arg13 : memref<!tpu.dma_semaphore, #tpu.memory_space<semaphore_mem>>)
      %scan3A_68 = arith.constant 0 : i32
      %scan3A_69 = arith.constant 0 : i32
      %scan3A_70 = arith.constant 20 : i32
      %scan3A_71 = arith.addi %scan3A_69, %scan3A_70 : i32
      %scan3A_72 = arith.constant 1 : i32
      scf.for %scan3A_74 = %scan3A_69 to %scan3A_71 step %scan3A_72  : i32 {
        %mul3A_75 = arith.constant 2 : i32
        %mul3A_76 = arith.muli %scan3A_74, %mul3A_75 : i32
        %add3A_77 = arith.constant 0 : i32
        %add3A_78 = arith.addi %mul3A_76, %add3A_77 : i32
        %dma_wait3A = arith.constant 0 : i32
        %dma_wait3A_79 = tpu.memref_slice %arg7[%add3A_78, %dma_wait3A] : memref<40x128xi32, #tpu.memory_space<vmem>> -> memref<1x128xi32, #tpu.memory_space<vmem>>
        %dma_wait3A_80 = tpu.memref_squeeze %dma_wait3A_79 : memref<1x128xi32, #tpu.memory_space<vmem>> -> memref<128xi32, #tpu.memory_space<vmem>>
        %dma_wait3A_81 = arith.constant 0 : i32
        %dma_wait3A_82 = arith.constant 0 : i32
        %dma_wait3A_83 = tpu.memref_slice %arg2[%dma_wait3A_81, %dma_wait3A_82] : memref<10240x64xf32, #tpu.memory_space<hbm>> -> memref<10240x64xf32, #tpu.memory_space<hbm>>
        tpu.wait_indirect_dma semaphore(%arg12 : memref<!tpu.dma_semaphore, #tpu.memory_space<semaphore_mem>>) src(%dma_wait3A_83 : memref<10240x64xf32, #tpu.memory_space<hbm>>) dst(%arg9 : memref<128x64xf32, #tpu.memory_space<vmem>>)
        "tpu.region"() ({
          %run_scoped3A = tpu.sem_alloc : memref<!tpu.dma_semaphore, #tpu.memory_space<semaphore_mem>>
          %dma_start3A_105 = arith.constant 0 : i32
          %dma_start3A_106 = tpu.memref_slice %arg8[%add3A_78, %dma_start3A_105] : memref<40x128xi32, #tpu.memory_space<vmem>> -> memref<1x128xi32, #tpu.memory_space<vmem>>
          %dma_start3A_107 = tpu.memref_squeeze %dma_start3A_106 : memref<1x128xi32, #tpu.memory_space<vmem>> -> memref<128xi32, #tpu.memory_space<vmem>>
          %dma_start3A_108 = arith.constant 0 : i32
          %dma_start3A_109 = arith.constant 0 : i32
          %dma_start3A_110 = tpu.memref_slice %arg11[%dma_start3A_108, %dma_start3A_109] : memref<10240x64xf32, #tpu.memory_space<vmem_shared>> -> memref<10240x64xf32, #tpu.memory_space<vmem_shared>>
          tpu.enqueue_indirect_dma source(%arg9 : memref<128x64xf32, #tpu.memory_space<vmem>>) target(%dma_start3A_110 : memref<10240x64xf32, #tpu.memory_space<vmem_shared>>) offsets(%dma_start3A_107 : memref<128xi32, #tpu.memory_space<vmem>>) semaphore(%run_scoped3A : memref<!tpu.dma_semaphore, #tpu.memory_space<semaphore_mem>>) {add = true}
          %dma_wait3A_111 = arith.constant 0 : i32
          %dma_wait3A_112 = tpu.memref_slice %arg8[%add3A_78, %dma_wait3A_111] : memref<40x128xi32, #tpu.memory_space<vmem>> -> memref<1x128xi32, #tpu.memory_space<vmem>>
          %dma_wait3A_113 = tpu.memref_squeeze %dma_wait3A_112 : memref<1x128xi32, #tpu.memory_space<vmem>> -> memref<128xi32, #tpu.memory_space<vmem>>
          %dma_wait3A_114 = arith.constant 0 : i32
          %dma_wait3A_115 = arith.constant 0 : i32
          %dma_wait3A_116 = tpu.memref_slice %arg11[%dma_wait3A_114, %dma_wait3A_115] : memref<10240x64xf32, #tpu.memory_space<vmem_shared>> -> memref<10240x64xf32, #tpu.memory_space<vmem_shared>>
          tpu.wait_indirect_dma semaphore(%run_scoped3A : memref<!tpu.dma_semaphore, #tpu.memory_space<semaphore_mem>>) src(%arg9 : memref<128x64xf32, #tpu.memory_space<vmem>>) dst(%dma_wait3A_116 : memref<10240x64xf32, #tpu.memory_space<vmem_shared>>)
          tpu.yield
        }) : () -> ()
        %add3A_84 = arith.constant 2 : i32
        %add3A_85 = arith.addi %add3A_78, %add3A_84 : i32
        %lt3A = arith.constant 40 : i32
        %lt3A_86 = arith.cmpi slt, %add3A_85, %lt3A : i32
        %convert_element_type3A = arith.extui %lt3A_86 : i1 to i32
        %cond3A = arith.constant 0 : i32
        %cond3A_87 = arith.cmpi ne, %convert_element_type3A, %cond3A : i32
        scf.if %cond3A_87 {
          %add3A_105 = arith.constant 2 : i32
          %add3A_106 = arith.addi %add3A_78, %add3A_105 : i32
          %dma_start3A_107 = arith.constant 0 : i32
          %dma_start3A_108 = tpu.memref_slice %arg7[%add3A_106, %dma_start3A_107] : memref<40x128xi32, #tpu.memory_space<vmem>> -> memref<1x128xi32, #tpu.memory_space<vmem>>
          %dma_start3A_109 = tpu.memref_squeeze %dma_start3A_108 : memref<1x128xi32, #tpu.memory_space<vmem>> -> memref<128xi32, #tpu.memory_space<vmem>>
          %dma_start3A_110 = arith.constant 0 : i32
          %dma_start3A_111 = arith.constant 0 : i32
          %dma_start3A_112 = tpu.memref_slice %arg2[%dma_start3A_110, %dma_start3A_111] : memref<10240x64xf32, #tpu.memory_space<hbm>> -> memref<10240x64xf32, #tpu.memory_space<hbm>>
          tpu.enqueue_indirect_dma source(%dma_start3A_112 : memref<10240x64xf32, #tpu.memory_space<hbm>>) target(%arg9 : memref<128x64xf32, #tpu.memory_space<vmem>>) offsets(%dma_start3A_109 : memref<128xi32, #tpu.memory_space<vmem>>) semaphore(%arg12 : memref<!tpu.dma_semaphore, #tpu.memory_space<semaphore_mem>>)
        } else {
        }
        %mul3A_88 = arith.constant 2 : i32
        %mul3A_89 = arith.muli %scan3A_74, %mul3A_88 : i32
        %add3A_90 = arith.constant 1 : i32
        %add3A_91 = arith.addi %mul3A_89, %add3A_90 : i32
        %dma_wait3A_92 = arith.constant 0 : i32
        %dma_wait3A_93 = tpu.memref_slice %arg7[%add3A_91, %dma_wait3A_92] : memref<40x128xi32, #tpu.memory_space<vmem>> -> memref<1x128xi32, #tpu.memory_space<vmem>>
        %dma_wait3A_94 = tpu.memref_squeeze %dma_wait3A_93 : memref<1x128xi32, #tpu.memory_space<vmem>> -> memref<128xi32, #tpu.memory_space<vmem>>
        %dma_wait3A_95 = arith.constant 0 : i32
        %dma_wait3A_96 = arith.constant 0 : i32
        %dma_wait3A_97 = tpu.memref_slice %arg2[%dma_wait3A_95, %dma_wait3A_96] : memref<10240x64xf32, #tpu.memory_space<hbm>> -> memref<10240x64xf32, #tpu.memory_space<hbm>>
        tpu.wait_indirect_dma semaphore(%arg13 : memref<!tpu.dma_semaphore, #tpu.memory_space<semaphore_mem>>) src(%dma_wait3A_97 : memref<10240x64xf32, #tpu.memory_space<hbm>>) dst(%arg10 : memref<128x64xf32, #tpu.memory_space<vmem>>)
        "tpu.region"() ({
          %run_scoped3A = tpu.sem_alloc : memref<!tpu.dma_semaphore, #tpu.memory_space<semaphore_mem>>
          %dma_start3A_105 = arith.constant 0 : i32
          %dma_start3A_106 = tpu.memref_slice %arg8[%add3A_91, %dma_start3A_105] : memref<40x128xi32, #tpu.memory_space<vmem>> -> memref<1x128xi32, #tpu.memory_space<vmem>>
          %dma_start3A_107 = tpu.memref_squeeze %dma_start3A_106 : memref<1x128xi32, #tpu.memory_space<vmem>> -> memref<128xi32, #tpu.memory_space<vmem>>
          %dma_start3A_108 = arith.constant 0 : i32
          %dma_start3A_109 = arith.constant 0 : i32
          %dma_start3A_110 = tpu.memref_slice %arg11[%dma_start3A_108, %dma_start3A_109] : memref<10240x64xf32, #tpu.memory_space<vmem_shared>> -> memref<10240x64xf32, #tpu.memory_space<vmem_shared>>
          tpu.enqueue_indirect_dma source(%arg10 : memref<128x64xf32, #tpu.memory_space<vmem>>) target(%dma_start3A_110 : memref<10240x64xf32, #tpu.memory_space<vmem_shared>>) offsets(%dma_start3A_107 : memref<128xi32, #tpu.memory_space<vmem>>) semaphore(%run_scoped3A : memref<!tpu.dma_semaphore, #tpu.memory_space<semaphore_mem>>) {add = true}
          %dma_wait3A_111 = arith.constant 0 : i32
          %dma_wait3A_112 = tpu.memref_slice %arg8[%add3A_91, %dma_wait3A_111] : memref<40x128xi32, #tpu.memory_space<vmem>> -> memref<1x128xi32, #tpu.memory_space<vmem>>
          %dma_wait3A_113 = tpu.memref_squeeze %dma_wait3A_112 : memref<1x128xi32, #tpu.memory_space<vmem>> -> memref<128xi32, #tpu.memory_space<vmem>>
          %dma_wait3A_114 = arith.constant 0 : i32
          %dma_wait3A_115 = arith.constant 0 : i32
          %dma_wait3A_116 = tpu.memref_slice %arg11[%dma_wait3A_114, %dma_wait3A_115] : memref<10240x64xf32, #tpu.memory_space<vmem_shared>> -> memref<10240x64xf32, #tpu.memory_space<vmem_shared>>
          tpu.wait_indirect_dma semaphore(%run_scoped3A : memref<!tpu.dma_semaphore, #tpu.memory_space<semaphore_mem>>) src(%arg10 : memref<128x64xf32, #tpu.memory_space<vmem>>) dst(%dma_wait3A_116 : memref<10240x64xf32, #tpu.memory_space<vmem_shared>>)
          tpu.yield
        }) : () -> ()
        %add3A_98 = arith.constant 2 : i32
        %add3A_99 = arith.addi %add3A_91, %add3A_98 : i32
        %lt3A_100 = arith.constant 40 : i32
        %lt3A_101 = arith.cmpi slt, %add3A_99, %lt3A_100 : i32
        %convert_element_type3A_102 = arith.extui %lt3A_101 : i1 to i32
        %cond3A_103 = arith.constant 0 : i32
        %cond3A_104 = arith.cmpi ne, %convert_element_type3A_102, %cond3A_103 : i32
        scf.if %cond3A_104 {
          %add3A_105 = arith.constant 2 : i32
          %add3A_106 = arith.addi %add3A_91, %add3A_105 : i32
          %dma_start3A_107 = arith.constant 0 : i32
          %dma_start3A_108 = tpu.memref_slice %arg7[%add3A_106, %dma_start3A_107] : memref<40x128xi32, #tpu.memory_space<vmem>> -> memref<1x128xi32, #tpu.memory_space<vmem>>
          %dma_start3A_109 = tpu.memref_squeeze %dma_start3A_108 : memref<1x128xi32, #tpu.memory_space<vmem>> -> memref<128xi32, #tpu.memory_space<vmem>>
          %dma_start3A_110 = arith.constant 0 : i32
          %dma_start3A_111 = arith.constant 0 : i32
          %dma_start3A_112 = tpu.memref_slice %arg2[%dma_start3A_110, %dma_start3A_111] : memref<10240x64xf32, #tpu.memory_space<hbm>> -> memref<10240x64xf32, #tpu.memory_space<hbm>>
          tpu.enqueue_indirect_dma source(%dma_start3A_112 : memref<10240x64xf32, #tpu.memory_space<hbm>>) target(%arg10 : memref<128x64xf32, #tpu.memory_space<vmem>>) offsets(%dma_start3A_109 : memref<128xi32, #tpu.memory_space<vmem>>) semaphore(%arg13 : memref<!tpu.dma_semaphore, #tpu.memory_space<semaphore_mem>>)
        } else {
        }
      }
      %scan3A_73 = arith.constant 20 : i32
    }
    %scan3A_19 = arith.constant 2 : i32
    %barrier3A_20 = arith.constant 0 : index
    tpu.barrier barrier_id(%barrier3A_20)
    %mul3A_21 = arith.constant 10240 : i32
    %mul3A_22 = arith.muli %arg0, %mul3A_21 : i32
    %add3A_23 = arith.constant 0 : i32
    %add3A_24 = arith.addi %mul3A_0, %add3A_23 : i32
    "tpu.region"() ({
      %run_scoped3A = tpu.sem_alloc : memref<!tpu.dma_semaphore, #tpu.memory_space<semaphore_mem>>
      %dma_start3A = arith.constant 0 : i32
      %dma_start3A_48 = tpu.memref_slice %arg11[%add3A_24, %dma_start3A] : memref<10240x64xf32, #tpu.memory_space<vmem_shared>> -> memref<128x64xf32, #tpu.memory_space<vmem_shared>>
      %dma_start3A_49 = arith.constant 0 : i32
      %dma_start3A_50 = tpu.memref_slice %arg11[%add3A_24, %dma_start3A_49] : memref<10240x64xf32, #tpu.memory_space<vmem_shared>> -> memref<128x64xf32, #tpu.memory_space<vmem_shared>>
      tpu.enqueue_dma source(%dma_start3A_50 : memref<128x64xf32, #tpu.memory_space<vmem_shared>>) target(%arg9 : memref<128x64xf32, #tpu.memory_space<vmem>>) target_semaphore(%run_scoped3A : memref<!tpu.dma_semaphore, #tpu.memory_space<semaphore_mem>>)
      %dma_wait3A = arith.constant 0 : i32
      %dma_wait3A_51 = tpu.memref_slice %arg11[%add3A_24, %dma_wait3A] : memref<10240x64xf32, #tpu.memory_space<vmem_shared>> -> memref<128x64xf32, #tpu.memory_space<vmem_shared>>
      %dma_wait3A_52 = arith.constant 0 : i32
      %dma_wait3A_53 = tpu.memref_slice %arg11[%add3A_24, %dma_wait3A_52] : memref<10240x64xf32, #tpu.memory_space<vmem_shared>> -> memref<128x64xf32, #tpu.memory_space<vmem_shared>>
      tpu.wait_dma2 semaphore(%run_scoped3A : memref<!tpu.dma_semaphore, #tpu.memory_space<semaphore_mem>>) src(%dma_wait3A_53 : memref<128x64xf32, #tpu.memory_space<vmem_shared>>) dst(%arg9 : memref<128x64xf32, #tpu.memory_space<vmem>>)
      tpu.yield
    }) : () -> ()
    %add3A_25 = arith.addi %mul3A_22, %mul3A_0 : i32
    %add3A_26 = arith.constant 0 : i32
    %add3A_27 = arith.addi %add3A_25, %add3A_26 : i32
    "tpu.region"() ({
      %run_scoped3A = tpu.sem_alloc : memref<!tpu.dma_semaphore, #tpu.memory_space<semaphore_mem>>
      %dma_start3A = arith.constant 0 : i32
      %dma_start3A_48 = tpu.memref_slice %arg6[%add3A_27, %dma_start3A] : memref<20480x64xf32, #tpu.memory_space<hbm>> -> memref<128x64xf32, #tpu.memory_space<hbm>>
      %dma_start3A_49 = arith.constant 0 : i32
      %dma_start3A_50 = tpu.memref_slice %arg6[%add3A_27, %dma_start3A_49] : memref<20480x64xf32, #tpu.memory_space<hbm>> -> memref<128x64xf32, #tpu.memory_space<hbm>>
      tpu.enqueue_dma source(%arg9 : memref<128x64xf32, #tpu.memory_space<vmem>>) target(%dma_start3A_50 : memref<128x64xf32, #tpu.memory_space<hbm>>) target_semaphore(%run_scoped3A : memref<!tpu.dma_semaphore, #tpu.memory_space<semaphore_mem>>)
      %dma_wait3A = arith.constant 0 : i32
      %dma_wait3A_51 = tpu.memref_slice %arg6[%add3A_27, %dma_wait3A] : memref<20480x64xf32, #tpu.memory_space<hbm>> -> memref<128x64xf32, #tpu.memory_space<hbm>>
      %dma_wait3A_52 = arith.constant 0 : i32
      %dma_wait3A_53 = tpu.memref_slice %arg6[%add3A_27, %dma_wait3A_52] : memref<20480x64xf32, #tpu.memory_space<hbm>> -> memref<128x64xf32, #tpu.memory_space<hbm>>
      tpu.wait_dma2 semaphore(%run_scoped3A : memref<!tpu.dma_semaphore, #tpu.memory_space<semaphore_mem>>) src(%arg9 : memref<128x64xf32, #tpu.memory_space<vmem>>) dst(%dma_wait3A_53 : memref<128x64xf32, #tpu.memory_space<hbm>>)
      tpu.yield
    }) : () -> ()
    %add3A_28 = arith.constant 128 : i32
    %add3A_29 = arith.addi %mul3A_0, %add3A_28 : i32
    "tpu.region"() ({
      %run_scoped3A = tpu.sem_alloc : memref<!tpu.dma_semaphore, #tpu.memory_space<semaphore_mem>>
      %dma_start3A = arith.constant 0 : i32
      %dma_start3A_48 = tpu.memref_slice %arg11[%add3A_29, %dma_start3A] : memref<10240x64xf32, #tpu.memory_space<vmem_shared>> -> memref<128x64xf32, #tpu.memory_space<vmem_shared>>
      %dma_start3A_49 = arith.constant 0 : i32
      %dma_start3A_50 = tpu.memref_slice %arg11[%add3A_29, %dma_start3A_49] : memref<10240x64xf32, #tpu.memory_space<vmem_shared>> -> memref<128x64xf32, #tpu.memory_space<vmem_shared>>
      tpu.enqueue_dma source(%dma_start3A_50 : memref<128x64xf32, #tpu.memory_space<vmem_shared>>) target(%arg9 : memref<128x64xf32, #tpu.memory_space<vmem>>) target_semaphore(%run_scoped3A : memref<!tpu.dma_semaphore, #tpu.memory_space<semaphore_mem>>)
      %dma_wait3A = arith.constant 0 : i32
      %dma_wait3A_51 = tpu.memref_slice %arg11[%add3A_29, %dma_wait3A] : memref<10240x64xf32, #tpu.memory_space<vmem_shared>> -> memref<128x64xf32, #tpu.memory_space<vmem_shared>>
      %dma_wait3A_52 = arith.constant 0 : i32
      %dma_wait3A_53 = tpu.memref_slice %arg11[%add3A_29, %dma_wait3A_52] : memref<10240x64xf32, #tpu.memory_space<vmem_shared>> -> memref<128x64xf32, #tpu.memory_space<vmem_shared>>
      tpu.wait_dma2 semaphore(%run_scoped3A : memref<!tpu.dma_semaphore, #tpu.memory_space<semaphore_mem>>) src(%dma_wait3A_53 : memref<128x64xf32, #tpu.memory_space<vmem_shared>>) dst(%arg9 : memref<128x64xf32, #tpu.memory_space<vmem>>)
      tpu.yield
    }) : () -> ()
    %add3A_30 = arith.addi %mul3A_22, %mul3A_0 : i32
    %add3A_31 = arith.constant 128 : i32
    %add3A_32 = arith.addi %add3A_30, %add3A_31 : i32
    "tpu.region"() ({
      %run_scoped3A = tpu.sem_alloc : memref<!tpu.dma_semaphore, #tpu.memory_space<semaphore_mem>>
      %dma_start3A = arith.constant 0 : i32
      %dma_start3A_48 = tpu.memref_slice %arg6[%add3A_32, %dma_start3A] : memref<20480x64xf32, #tpu.memory_space<hbm>> -> memref<128x64xf32, #tpu.memory_space<hbm>>
      %dma_start3A_49 = arith.constant 0 : i32
      %dma_start3A_50 = tpu.memref_slice %arg6[%add3A_32, %dma_start3A_49] : memref<20480x64xf32, #tpu.memory_space<hbm>> -> memref<128x64xf32, #tpu.memory_space<hbm>>
      tpu.enqueue_dma source(%arg9 : memref<128x64xf32, #tpu.memory_space<vmem>>) target(%dma_start3A_50 : memref<128x64xf32, #tpu.memory_space<hbm>>) target_semaphore(%run_scoped3A : memref<!tpu.dma_semaphore, #tpu.memory_space<semaphore_mem>>)
      %dma_wait3A = arith.constant 0 : i32
      %dma_wait3A_51 = tpu.memref_slice %arg6[%add3A_32, %dma_wait3A] : memref<20480x64xf32, #tpu.memory_space<hbm>> -> memref<128x64xf32, #tpu.memory_space<hbm>>
      %dma_wait3A_52 = arith.constant 0 : i32
      %dma_wait3A_53 = tpu.memref_slice %arg6[%add3A_32, %dma_wait3A_52] : memref<20480x64xf32, #tpu.memory_space<hbm>> -> memref<128x64xf32, #tpu.memory_space<hbm>>
      tpu.wait_dma2 semaphore(%run_scoped3A : memref<!tpu.dma_semaphore, #tpu.memory_space<semaphore_mem>>) src(%arg9 : memref<128x64xf32, #tpu.memory_space<vmem>>) dst(%dma_wait3A_53 : memref<128x64xf32, #tpu.memory_space<hbm>>)
      tpu.yield
    }) : () -> ()
    %add3A_33 = arith.constant 256 : i32
    %add3A_34 = arith.addi %mul3A_0, %add3A_33 : i32
    "tpu.region"() ({
      %run_scoped3A = tpu.sem_alloc : memref<!tpu.dma_semaphore, #tpu.memory_space<semaphore_mem>>
      %dma_start3A = arith.constant 0 : i32
      %dma_start3A_48 = tpu.memref_slice %arg11[%add3A_34, %dma_start3A] : memref<10240x64xf32, #tpu.memory_space<vmem_shared>> -> memref<128x64xf32, #tpu.memory_space<vmem_shared>>
      %dma_start3A_49 = arith.constant 0 : i32
      %dma_start3A_50 = tpu.memref_slice %arg11[%add3A_34, %dma_start3A_49] : memref<10240x64xf32, #tpu.memory_space<vmem_shared>> -> memref<128x64xf32, #tpu.memory_space<vmem_shared>>
      tpu.enqueue_dma source(%dma_start3A_50 : memref<128x64xf32, #tpu.memory_space<vmem_shared>>) target(%arg9 : memref<128x64xf32, #tpu.memory_space<vmem>>) target_semaphore(%run_scoped3A : memref<!tpu.dma_semaphore, #tpu.memory_space<semaphore_mem>>)
      %dma_wait3A = arith.constant 0 : i32
      %dma_wait3A_51 = tpu.memref_slice %arg11[%add3A_34, %dma_wait3A] : memref<10240x64xf32, #tpu.memory_space<vmem_shared>> -> memref<128x64xf32, #tpu.memory_space<vmem_shared>>
      %dma_wait3A_52 = arith.constant 0 : i32
      %dma_wait3A_53 = tpu.memref_slice %arg11[%add3A_34, %dma_wait3A_52] : memref<10240x64xf32, #tpu.memory_space<vmem_shared>> -> memref<128x64xf32, #tpu.memory_space<vmem_shared>>
      tpu.wait_dma2 semaphore(%run_scoped3A : memref<!tpu.dma_semaphore, #tpu.memory_space<semaphore_mem>>) src(%dma_wait3A_53 : memref<128x64xf32, #tpu.memory_space<vmem_shared>>) dst(%arg9 : memref<128x64xf32, #tpu.memory_space<vmem>>)
      tpu.yield
    }) : () -> ()
    %add3A_35 = arith.addi %mul3A_22, %mul3A_0 : i32
    %add3A_36 = arith.constant 256 : i32
    %add3A_37 = arith.addi %add3A_35, %add3A_36 : i32
    "tpu.region"() ({
      %run_scoped3A = tpu.sem_alloc : memref<!tpu.dma_semaphore, #tpu.memory_space<semaphore_mem>>
      %dma_start3A = arith.constant 0 : i32
      %dma_start3A_48 = tpu.memref_slice %arg6[%add3A_37, %dma_start3A] : memref<20480x64xf32, #tpu.memory_space<hbm>> -> memref<128x64xf32, #tpu.memory_space<hbm>>
      %dma_start3A_49 = arith.constant 0 : i32
      %dma_start3A_50 = tpu.memref_slice %arg6[%add3A_37, %dma_start3A_49] : memref<20480x64xf32, #tpu.memory_space<hbm>> -> memref<128x64xf32, #tpu.memory_space<hbm>>
      tpu.enqueue_dma source(%arg9 : memref<128x64xf32, #tpu.memory_space<vmem>>) target(%dma_start3A_50 : memref<128x64xf32, #tpu.memory_space<hbm>>) target_semaphore(%run_scoped3A : memref<!tpu.dma_semaphore, #tpu.memory_space<semaphore_mem>>)
      %dma_wait3A = arith.constant 0 : i32
      %dma_wait3A_51 = tpu.memref_slice %arg6[%add3A_37, %dma_wait3A] : memref<20480x64xf32, #tpu.memory_space<hbm>> -> memref<128x64xf32, #tpu.memory_space<hbm>>
      %dma_wait3A_52 = arith.constant 0 : i32
      %dma_wait3A_53 = tpu.memref_slice %arg6[%add3A_37, %dma_wait3A_52] : memref<20480x64xf32, #tpu.memory_space<hbm>> -> memref<128x64xf32, #tpu.memory_space<hbm>>
      tpu.wait_dma2 semaphore(%run_scoped3A : memref<!tpu.dma_semaphore, #tpu.memory_space<semaphore_mem>>) src(%arg9 : memref<128x64xf32, #tpu.memory_space<vmem>>) dst(%dma_wait3A_53 : memref<128x64xf32, #tpu.memory_space<hbm>>)
      tpu.yield
    }) : () -> ()
    %add3A_38 = arith.constant 384 : i32
    %add3A_39 = arith.addi %mul3A_0, %add3A_38 : i32
    "tpu.region"() ({
      %run_scoped3A = tpu.sem_alloc : memref<!tpu.dma_semaphore, #tpu.memory_space<semaphore_mem>>
      %dma_start3A = arith.constant 0 : i32
      %dma_start3A_48 = tpu.memref_slice %arg11[%add3A_39, %dma_start3A] : memref<10240x64xf32, #tpu.memory_space<vmem_shared>> -> memref<128x64xf32, #tpu.memory_space<vmem_shared>>
      %dma_start3A_49 = arith.constant 0 : i32
      %dma_start3A_50 = tpu.memref_slice %arg11[%add3A_39, %dma_start3A_49] : memref<10240x64xf32, #tpu.memory_space<vmem_shared>> -> memref<128x64xf32, #tpu.memory_space<vmem_shared>>
      tpu.enqueue_dma source(%dma_start3A_50 : memref<128x64xf32, #tpu.memory_space<vmem_shared>>) target(%arg9 : memref<128x64xf32, #tpu.memory_space<vmem>>) target_semaphore(%run_scoped3A : memref<!tpu.dma_semaphore, #tpu.memory_space<semaphore_mem>>)
      %dma_wait3A = arith.constant 0 : i32
      %dma_wait3A_51 = tpu.memref_slice %arg11[%add3A_39, %dma_wait3A] : memref<10240x64xf32, #tpu.memory_space<vmem_shared>> -> memref<128x64xf32, #tpu.memory_space<vmem_shared>>
      %dma_wait3A_52 = arith.constant 0 : i32
      %dma_wait3A_53 = tpu.memref_slice %arg11[%add3A_39, %dma_wait3A_52] : memref<10240x64xf32, #tpu.memory_space<vmem_shared>> -> memref<128x64xf32, #tpu.memory_space<vmem_shared>>
      tpu.wait_dma2 semaphore(%run_scoped3A : memref<!tpu.dma_semaphore, #tpu.memory_space<semaphore_mem>>) src(%dma_wait3A_53 : memref<128x64xf32, #tpu.memory_space<vmem_shared>>) dst(%arg9 : memref<128x64xf32, #tpu.memory_space<vmem>>)
      tpu.yield
    }) : () -> ()
    %add3A_40 = arith.addi %mul3A_22, %mul3A_0 : i32
    %add3A_41 = arith.constant 384 : i32
    %add3A_42 = arith.addi %add3A_40, %add3A_41 : i32
    "tpu.region"() ({
      %run_scoped3A = tpu.sem_alloc : memref<!tpu.dma_semaphore, #tpu.memory_space<semaphore_mem>>
      %dma_start3A = arith.constant 0 : i32
      %dma_start3A_48 = tpu.memref_slice %arg6[%add3A_42, %dma_start3A] : memref<20480x64xf32, #tpu.memory_space<hbm>> -> memref<128x64xf32, #tpu.memory_space<hbm>>
      %dma_start3A_49 = arith.constant 0 : i32
      %dma_start3A_50 = tpu.memref_slice %arg6[%add3A_42, %dma_start3A_49] : memref<20480x64xf32, #tpu.memory_space<hbm>> -> memref<128x64xf32, #tpu.memory_space<hbm>>
      tpu.enqueue_dma source(%arg9 : memref<128x64xf32, #tpu.memory_space<vmem>>) target(%dma_start3A_50 : memref<128x64xf32, #tpu.memory_space<hbm>>) target_semaphore(%run_scoped3A : memref<!tpu.dma_semaphore, #tpu.memory_space<semaphore_mem>>)
      %dma_wait3A = arith.constant 0 : i32
      %dma_wait3A_51 = tpu.memref_slice %arg6[%add3A_42, %dma_wait3A] : memref<20480x64xf32, #tpu.memory_space<hbm>> -> memref<128x64xf32, #tpu.memory_space<hbm>>
      %dma_wait3A_52 = arith.constant 0 : i32
      %dma_wait3A_53 = tpu.memref_slice %arg6[%add3A_42, %dma_wait3A_52] : memref<20480x64xf32, #tpu.memory_space<hbm>> -> memref<128x64xf32, #tpu.memory_space<hbm>>
      tpu.wait_dma2 semaphore(%run_scoped3A : memref<!tpu.dma_semaphore, #tpu.memory_space<semaphore_mem>>) src(%arg9 : memref<128x64xf32, #tpu.memory_space<vmem>>) dst(%dma_wait3A_53 : memref<128x64xf32, #tpu.memory_space<hbm>>)
      tpu.yield
    }) : () -> ()
    %add3A_43 = arith.constant 512 : i32
    %add3A_44 = arith.addi %mul3A_0, %add3A_43 : i32
    "tpu.region"() ({
      %run_scoped3A = tpu.sem_alloc : memref<!tpu.dma_semaphore, #tpu.memory_space<semaphore_mem>>
      %dma_start3A = arith.constant 0 : i32
      %dma_start3A_48 = tpu.memref_slice %arg11[%add3A_44, %dma_start3A] : memref<10240x64xf32, #tpu.memory_space<vmem_shared>> -> memref<128x64xf32, #tpu.memory_space<vmem_shared>>
      %dma_start3A_49 = arith.constant 0 : i32
      %dma_start3A_50 = tpu.memref_slice %arg11[%add3A_44, %dma_start3A_49] : memref<10240x64xf32, #tpu.memory_space<vmem_shared>> -> memref<128x64xf32, #tpu.memory_space<vmem_shared>>
      tpu.enqueue_dma source(%dma_start3A_50 : memref<128x64xf32, #tpu.memory_space<vmem_shared>>) target(%arg9 : memref<128x64xf32, #tpu.memory_space<vmem>>) target_semaphore(%run_scoped3A : memref<!tpu.dma_semaphore, #tpu.memory_space<semaphore_mem>>)
      %dma_wait3A = arith.constant 0 : i32
      %dma_wait3A_51 = tpu.memref_slice %arg11[%add3A_44, %dma_wait3A] : memref<10240x64xf32, #tpu.memory_space<vmem_shared>> -> memref<128x64xf32, #tpu.memory_space<vmem_shared>>
      %dma_wait3A_52 = arith.constant 0 : i32
      %dma_wait3A_53 = tpu.memref_slice %arg11[%add3A_44, %dma_wait3A_52] : memref<10240x64xf32, #tpu.memory_space<vmem_shared>> -> memref<128x64xf32, #tpu.memory_space<vmem_shared>>
      tpu.wait_dma2 semaphore(%run_scoped3A : memref<!tpu.dma_semaphore, #tpu.memory_space<semaphore_mem>>) src(%dma_wait3A_53 : memref<128x64xf32, #tpu.memory_space<vmem_shared>>) dst(%arg9 : memref<128x64xf32, #tpu.memory_space<vmem>>)
      tpu.yield
    }) : () -> ()
    %add3A_45 = arith.addi %mul3A_22, %mul3A_0 : i32
    %add3A_46 = arith.constant 512 : i32
    %add3A_47 = arith.addi %add3A_45, %add3A_46 : i32
    "tpu.region"() ({
      %run_scoped3A = tpu.sem_alloc : memref<!tpu.dma_semaphore, #tpu.memory_space<semaphore_mem>>
      %dma_start3A = arith.constant 0 : i32
      %dma_start3A_48 = tpu.memref_slice %arg6[%add3A_47, %dma_start3A] : memref<20480x64xf32, #tpu.memory_space<hbm>> -> memref<128x64xf32, #tpu.memory_space<hbm>>
      %dma_start3A_49 = arith.constant 0 : i32
      %dma_start3A_50 = tpu.memref_slice %arg6[%add3A_47, %dma_start3A_49] : memref<20480x64xf32, #tpu.memory_space<hbm>> -> memref<128x64xf32, #tpu.memory_space<hbm>>
      tpu.enqueue_dma source(%arg9 : memref<128x64xf32, #tpu.memory_space<vmem>>) target(%dma_start3A_50 : memref<128x64xf32, #tpu.memory_space<hbm>>) target_semaphore(%run_scoped3A : memref<!tpu.dma_semaphore, #tpu.memory_space<semaphore_mem>>)
      %dma_wait3A = arith.constant 0 : i32
      %dma_wait3A_51 = tpu.memref_slice %arg6[%add3A_47, %dma_wait3A] : memref<20480x64xf32, #tpu.memory_space<hbm>> -> memref<128x64xf32, #tpu.memory_space<hbm>>
      %dma_wait3A_52 = arith.constant 0 : i32
      %dma_wait3A_53 = tpu.memref_slice %arg6[%add3A_47, %dma_wait3A_52] : memref<20480x64xf32, #tpu.memory_space<hbm>> -> memref<128x64xf32, #tpu.memory_space<hbm>>
      tpu.wait_dma2 semaphore(%run_scoped3A : memref<!tpu.dma_semaphore, #tpu.memory_space<semaphore_mem>>) src(%arg9 : memref<128x64xf32, #tpu.memory_space<vmem>>) dst(%dma_wait3A_53 : memref<128x64xf32, #tpu.memory_space<hbm>>)
      tpu.yield
    }) : () -> ()
    return
  }
}

#map = affine_map<(d0, d1) -> (0, 0)>
module attributes {stable_mosaic.version = 14 : i64} {
  func.func @scatter_kernel(%arg0: i32, %arg1: i32, %arg2: memref<10240x64xf32, #tpu.memory_space<hbm>>, %arg3: memref<2560x128xi32, #tpu.memory_space<hbm>>, %arg4: memref<2560x128xi32, #tpu.memory_space<hbm>>, %arg5: memref<128x64xf32, #tpu.memory_space<hbm>>, %arg6: memref<20480x64xf32, #tpu.memory_space<hbm>>, %arg7: memref<40x128xi32, #tpu.memory_space<vmem>>, %arg8: memref<40x128xi32, #tpu.memory_space<vmem>>, %arg9: memref<128x64xf32, #tpu.memory_space<vmem>>, %arg10: memref<128x64xf32, #tpu.memory_space<vmem>>, %arg11: memref<10240x64xf32, #tpu.memory_space<vmem_shared>>, %arg12: memref<!tpu.dma_semaphore, #tpu.memory_space<semaphore_mem>>, %arg13: memref<!tpu.dma_semaphore, #tpu.memory_space<semaphore_mem>>) attributes {dimension_semantics = [#tpu.dimension_semantics<core_parallel>, #tpu.dimension_semantics<subcore_parallel>], iteration_bounds = array<i64: 2, 16>, scalar_prefetch = 0 : i64, scratch_operands = 7 : i64, tpu.core_type = #tpu.core_type<sc_vector_subcore>, window_params = [{transform_indices = #map}, {transform_indices = #map}, {transform_indices = #map}, {transform_indices = #map}, {transform_indices = #map}]} {
    %mul3A = arith.constant 640 : i32
    %mul3A_0 = arith.muli %arg1, %mul3A : i32
    %mul3A_1 = arith.constant 16 : i32
    %mul3A_2 = arith.muli %arg0, %mul3A_1 : i32
    %add3A = arith.addi %mul3A_2, %arg1 : i32
    %mul3A_3 = arith.constant 80 : i32
    %mul3A_4 = arith.muli %add3A, %mul3A_3 : i32
    "tpu.region"() ({
      %run_scoped3A = tpu.sem_alloc : memref<!tpu.dma_semaphore, #tpu.memory_space<semaphore_mem>>
      tpu.enqueue_dma source(%arg5 : memref<128x64xf32, #tpu.memory_space<hbm>>) target(%arg9 : memref<128x64xf32, #tpu.memory_space<vmem>>) target_semaphore(%run_scoped3A : memref<!tpu.dma_semaphore, #tpu.memory_space<semaphore_mem>>)
      tpu.wait_dma2 semaphore(%run_scoped3A : memref<!tpu.dma_semaphore, #tpu.memory_space<semaphore_mem>>) src(%arg5 : memref<128x64xf32, #tpu.memory_space<hbm>>) dst(%arg9 : memref<128x64xf32, #tpu.memory_space<vmem>>)
      tpu.yield
    }) : () -> ()
    %add3A_5 = arith.constant 0 : i32
    %add3A_6 = arith.addi %mul3A_0, %add3A_5 : i32
    "tpu.region"() ({
      %run_scoped3A = tpu.sem_alloc : memref<!tpu.dma_semaphore, #tpu.memory_space<semaphore_mem>>
      %dma_start3A = arith.constant 0 : i32
      %dma_start3A_48 = tpu.memref_slice %arg11[%add3A_6, %dma_start3A] : memref<10240x64xf32, #tpu.memory_space<vmem_shared>> -> memref<128x64xf32, #tpu.memory_space<vmem_shared>>
      %dma_start3A_49 = arith.constant 0 : i32
      %dma_start3A_50 = tpu.memref_slice %arg11[%add3A_6, %dma_start3A_49] : memref<10240x64xf32, #tpu.memory_space<vmem_shared>> -> memref<128x64xf32, #tpu.memory_space<vmem_shared>>
      tpu.enqueue_dma source(%arg9 : memref<128x64xf32, #tpu.memory_space<vmem>>) target(%dma_start3A_50 : memref<128x64xf32, #tpu.memory_space<vmem_shared>>) target_semaphore(%run_scoped3A : memref<!tpu.dma_semaphore, #tpu.memory_space<semaphore_mem>>)
      %dma_wait3A = arith.constant 0 : i32
      %dma_wait3A_51 = tpu.memref_slice %arg11[%add3A_6, %dma_wait3A] : memref<10240x64xf32, #tpu.memory_space<vmem_shared>> -> memref<128x64xf32, #tpu.memory_space<vmem_shared>>
      %dma_wait3A_52 = arith.constant 0 : i32
      %dma_wait3A_53 = tpu.memref_slice %arg11[%add3A_6, %dma_wait3A_52] : memref<10240x64xf32, #tpu.memory_space<vmem_shared>> -> memref<128x64xf32, #tpu.memory_space<vmem_shared>>
      tpu.wait_dma2 semaphore(%run_scoped3A : memref<!tpu.dma_semaphore, #tpu.memory_space<semaphore_mem>>) src(%arg9 : memref<128x64xf32, #tpu.memory_space<vmem>>) dst(%dma_wait3A_53 : memref<128x64xf32, #tpu.memory_space<vmem_shared>>)
      tpu.yield
    }) : () -> ()
    %add3A_7 = arith.constant 128 : i32
    %add3A_8 = arith.addi %mul3A_0, %add3A_7 : i32
    "tpu.region"() ({
      %run_scoped3A = tpu.sem_alloc : memref<!tpu.dma_semaphore, #tpu.memory_space<semaphore_mem>>
      %dma_start3A = arith.constant 0 : i32
      %dma_start3A_48 = tpu.memref_slice %arg11[%add3A_8, %dma_start3A] : memref<10240x64xf32, #tpu.memory_space<vmem_shared>> -> memref<128x64xf32, #tpu.memory_space<vmem_shared>>
      %dma_start3A_49 = arith.constant 0 : i32
      %dma_start3A_50 = tpu.memref_slice %arg11[%add3A_8, %dma_start3A_49] : memref<10240x64xf32, #tpu.memory_space<vmem_shared>> -> memref<128x64xf32, #tpu.memory_space<vmem_shared>>
      tpu.enqueue_dma source(%arg9 : memref<128x64xf32, #tpu.memory_space<vmem>>) target(%dma_start3A_50 : memref<128x64xf32, #tpu.memory_space<vmem_shared>>) target_semaphore(%run_scoped3A : memref<!tpu.dma_semaphore, #tpu.memory_space<semaphore_mem>>)
      %dma_wait3A = arith.constant 0 : i32
      %dma_wait3A_51 = tpu.memref_slice %arg11[%add3A_8, %dma_wait3A] : memref<10240x64xf32, #tpu.memory_space<vmem_shared>> -> memref<128x64xf32, #tpu.memory_space<vmem_shared>>
      %dma_wait3A_52 = arith.constant 0 : i32
      %dma_wait3A_53 = tpu.memref_slice %arg11[%add3A_8, %dma_wait3A_52] : memref<10240x64xf32, #tpu.memory_space<vmem_shared>> -> memref<128x64xf32, #tpu.memory_space<vmem_shared>>
      tpu.wait_dma2 semaphore(%run_scoped3A : memref<!tpu.dma_semaphore, #tpu.memory_space<semaphore_mem>>) src(%arg9 : memref<128x64xf32, #tpu.memory_space<vmem>>) dst(%dma_wait3A_53 : memref<128x64xf32, #tpu.memory_space<vmem_shared>>)
      tpu.yield
    }) : () -> ()
    %add3A_9 = arith.constant 256 : i32
    %add3A_10 = arith.addi %mul3A_0, %add3A_9 : i32
    "tpu.region"() ({
      %run_scoped3A = tpu.sem_alloc : memref<!tpu.dma_semaphore, #tpu.memory_space<semaphore_mem>>
      %dma_start3A = arith.constant 0 : i32
      %dma_start3A_48 = tpu.memref_slice %arg11[%add3A_10, %dma_start3A] : memref<10240x64xf32, #tpu.memory_space<vmem_shared>> -> memref<128x64xf32, #tpu.memory_space<vmem_shared>>
      %dma_start3A_49 = arith.constant 0 : i32
      %dma_start3A_50 = tpu.memref_slice %arg11[%add3A_10, %dma_start3A_49] : memref<10240x64xf32, #tpu.memory_space<vmem_shared>> -> memref<128x64xf32, #tpu.memory_space<vmem_shared>>
      tpu.enqueue_dma source(%arg9 : memref<128x64xf32, #tpu.memory_space<vmem>>) target(%dma_start3A_50 : memref<128x64xf32, #tpu.memory_space<vmem_shared>>) target_semaphore(%run_scoped3A : memref<!tpu.dma_semaphore, #tpu.memory_space<semaphore_mem>>)
      %dma_wait3A = arith.constant 0 : i32
      %dma_wait3A_51 = tpu.memref_slice %arg11[%add3A_10, %dma_wait3A] : memref<10240x64xf32, #tpu.memory_space<vmem_shared>> -> memref<128x64xf32, #tpu.memory_space<vmem_shared>>
      %dma_wait3A_52 = arith.constant 0 : i32
      %dma_wait3A_53 = tpu.memref_slice %arg11[%add3A_10, %dma_wait3A_52] : memref<10240x64xf32, #tpu.memory_space<vmem_shared>> -> memref<128x64xf32, #tpu.memory_space<vmem_shared>>
      tpu.wait_dma2 semaphore(%run_scoped3A : memref<!tpu.dma_semaphore, #tpu.memory_space<semaphore_mem>>) src(%arg9 : memref<128x64xf32, #tpu.memory_space<vmem>>) dst(%dma_wait3A_53 : memref<128x64xf32, #tpu.memory_space<vmem_shared>>)
      tpu.yield
    }) : () -> ()
    %add3A_11 = arith.constant 384 : i32
    %add3A_12 = arith.addi %mul3A_0, %add3A_11 : i32
    "tpu.region"() ({
      %run_scoped3A = tpu.sem_alloc : memref<!tpu.dma_semaphore, #tpu.memory_space<semaphore_mem>>
      %dma_start3A = arith.constant 0 : i32
      %dma_start3A_48 = tpu.memref_slice %arg11[%add3A_12, %dma_start3A] : memref<10240x64xf32, #tpu.memory_space<vmem_shared>> -> memref<128x64xf32, #tpu.memory_space<vmem_shared>>
      %dma_start3A_49 = arith.constant 0 : i32
      %dma_start3A_50 = tpu.memref_slice %arg11[%add3A_12, %dma_start3A_49] : memref<10240x64xf32, #tpu.memory_space<vmem_shared>> -> memref<128x64xf32, #tpu.memory_space<vmem_shared>>
      tpu.enqueue_dma source(%arg9 : memref<128x64xf32, #tpu.memory_space<vmem>>) target(%dma_start3A_50 : memref<128x64xf32, #tpu.memory_space<vmem_shared>>) target_semaphore(%run_scoped3A : memref<!tpu.dma_semaphore, #tpu.memory_space<semaphore_mem>>)
      %dma_wait3A = arith.constant 0 : i32
      %dma_wait3A_51 = tpu.memref_slice %arg11[%add3A_12, %dma_wait3A] : memref<10240x64xf32, #tpu.memory_space<vmem_shared>> -> memref<128x64xf32, #tpu.memory_space<vmem_shared>>
      %dma_wait3A_52 = arith.constant 0 : i32
      %dma_wait3A_53 = tpu.memref_slice %arg11[%add3A_12, %dma_wait3A_52] : memref<10240x64xf32, #tpu.memory_space<vmem_shared>> -> memref<128x64xf32, #tpu.memory_space<vmem_shared>>
      tpu.wait_dma2 semaphore(%run_scoped3A : memref<!tpu.dma_semaphore, #tpu.memory_space<semaphore_mem>>) src(%arg9 : memref<128x64xf32, #tpu.memory_space<vmem>>) dst(%dma_wait3A_53 : memref<128x64xf32, #tpu.memory_space<vmem_shared>>)
      tpu.yield
    }) : () -> ()
    %add3A_13 = arith.constant 512 : i32
    %add3A_14 = arith.addi %mul3A_0, %add3A_13 : i32
    "tpu.region"() ({
      %run_scoped3A = tpu.sem_alloc : memref<!tpu.dma_semaphore, #tpu.memory_space<semaphore_mem>>
      %dma_start3A = arith.constant 0 : i32
      %dma_start3A_48 = tpu.memref_slice %arg11[%add3A_14, %dma_start3A] : memref<10240x64xf32, #tpu.memory_space<vmem_shared>> -> memref<128x64xf32, #tpu.memory_space<vmem_shared>>
      %dma_start3A_49 = arith.constant 0 : i32
      %dma_start3A_50 = tpu.memref_slice %arg11[%add3A_14, %dma_start3A_49] : memref<10240x64xf32, #tpu.memory_space<vmem_shared>> -> memref<128x64xf32, #tpu.memory_space<vmem_shared>>
      tpu.enqueue_dma source(%arg9 : memref<128x64xf32, #tpu.memory_space<vmem>>) target(%dma_start3A_50 : memref<128x64xf32, #tpu.memory_space<vmem_shared>>) target_semaphore(%run_scoped3A : memref<!tpu.dma_semaphore, #tpu.memory_space<semaphore_mem>>)
      %dma_wait3A = arith.constant 0 : i32
      %dma_wait3A_51 = tpu.memref_slice %arg11[%add3A_14, %dma_wait3A] : memref<10240x64xf32, #tpu.memory_space<vmem_shared>> -> memref<128x64xf32, #tpu.memory_space<vmem_shared>>
      %dma_wait3A_52 = arith.constant 0 : i32
      %dma_wait3A_53 = tpu.memref_slice %arg11[%add3A_14, %dma_wait3A_52] : memref<10240x64xf32, #tpu.memory_space<vmem_shared>> -> memref<128x64xf32, #tpu.memory_space<vmem_shared>>
      tpu.wait_dma2 semaphore(%run_scoped3A : memref<!tpu.dma_semaphore, #tpu.memory_space<semaphore_mem>>) src(%arg9 : memref<128x64xf32, #tpu.memory_space<vmem>>) dst(%dma_wait3A_53 : memref<128x64xf32, #tpu.memory_space<vmem_shared>>)
      tpu.yield
    }) : () -> ()
    %barrier3A = arith.constant 0 : index
    tpu.barrier barrier_id(%barrier3A)
    %scan3A = arith.constant 0 : i32
    %scan3A_15 = arith.constant 0 : i32
    %scan3A_16 = arith.constant 2 : i32
    %scan3A_17 = arith.addi %scan3A_15, %scan3A_16 : i32
    %scan3A_18 = arith.constant 1 : i32
    scf.for %scan3A_48 = %scan3A_15 to %scan3A_17 step %scan3A_18  : i32 {
      %mul3A_49 = arith.constant 40 : i32
      %mul3A_50 = arith.muli %scan3A_48, %mul3A_49 : i32
      %add3A_51 = arith.addi %mul3A_4, %mul3A_50 : i32
      "tpu.region"() ({
        %run_scoped3A = tpu.sem_alloc : memref<!tpu.dma_semaphore, #tpu.memory_space<semaphore_mem>>
        %dma_start3A_74 = arith.constant 0 : i32
        %dma_start3A_75 = tpu.memref_slice %arg3[%add3A_51, %dma_start3A_74] : memref<2560x128xi32, #tpu.memory_space<hbm>> -> memref<40x128xi32, #tpu.memory_space<hbm>>
        %dma_start3A_76 = arith.constant 0 : i32
        %dma_start3A_77 = tpu.memref_slice %arg3[%add3A_51, %dma_start3A_76] : memref<2560x128xi32, #tpu.memory_space<hbm>> -> memref<40x128xi32, #tpu.memory_space<hbm>>
        tpu.enqueue_dma source(%dma_start3A_77 : memref<40x128xi32, #tpu.memory_space<hbm>>) target(%arg7 : memref<40x128xi32, #tpu.memory_space<vmem>>) target_semaphore(%run_scoped3A : memref<!tpu.dma_semaphore, #tpu.memory_space<semaphore_mem>>)
        %dma_wait3A = arith.constant 0 : i32
        %dma_wait3A_78 = tpu.memref_slice %arg3[%add3A_51, %dma_wait3A] : memref<2560x128xi32, #tpu.memory_space<hbm>> -> memref<40x128xi32, #tpu.memory_space<hbm>>
        %dma_wait3A_79 = arith.constant 0 : i32
        %dma_wait3A_80 = tpu.memref_slice %arg3[%add3A_51, %dma_wait3A_79] : memref<2560x128xi32, #tpu.memory_space<hbm>> -> memref<40x128xi32, #tpu.memory_space<hbm>>
        tpu.wait_dma2 semaphore(%run_scoped3A : memref<!tpu.dma_semaphore, #tpu.memory_space<semaphore_mem>>) src(%dma_wait3A_80 : memref<40x128xi32, #tpu.memory_space<hbm>>) dst(%arg7 : memref<40x128xi32, #tpu.memory_space<vmem>>)
        tpu.yield
      }) : () -> ()
      %mul3A_52 = arith.constant 40 : i32
      %mul3A_53 = arith.muli %scan3A_48, %mul3A_52 : i32
      %add3A_54 = arith.addi %mul3A_4, %mul3A_53 : i32
      "tpu.region"() ({
        %run_scoped3A = tpu.sem_alloc : memref<!tpu.dma_semaphore, #tpu.memory_space<semaphore_mem>>
        %dma_start3A_74 = arith.constant 0 : i32
        %dma_start3A_75 = tpu.memref_slice %arg4[%add3A_54, %dma_start3A_74] : memref<2560x128xi32, #tpu.memory_space<hbm>> -> memref<40x128xi32, #tpu.memory_space<hbm>>
        %dma_start3A_76 = arith.constant 0 : i32
        %dma_start3A_77 = tpu.memref_slice %arg4[%add3A_54, %dma_start3A_76] : memref<2560x128xi32, #tpu.memory_space<hbm>> -> memref<40x128xi32, #tpu.memory_space<hbm>>
        tpu.enqueue_dma source(%dma_start3A_77 : memref<40x128xi32, #tpu.memory_space<hbm>>) target(%arg8 : memref<40x128xi32, #tpu.memory_space<vmem>>) target_semaphore(%run_scoped3A : memref<!tpu.dma_semaphore, #tpu.memory_space<semaphore_mem>>)
        %dma_wait3A = arith.constant 0 : i32
        %dma_wait3A_78 = tpu.memref_slice %arg4[%add3A_54, %dma_wait3A] : memref<2560x128xi32, #tpu.memory_space<hbm>> -> memref<40x128xi32, #tpu.memory_space<hbm>>
        %dma_wait3A_79 = arith.constant 0 : i32
        %dma_wait3A_80 = tpu.memref_slice %arg4[%add3A_54, %dma_wait3A_79] : memref<2560x128xi32, #tpu.memory_space<hbm>> -> memref<40x128xi32, #tpu.memory_space<hbm>>
        tpu.wait_dma2 semaphore(%run_scoped3A : memref<!tpu.dma_semaphore, #tpu.memory_space<semaphore_mem>>) src(%dma_wait3A_80 : memref<40x128xi32, #tpu.memory_space<hbm>>) dst(%arg8 : memref<40x128xi32, #tpu.memory_space<vmem>>)
        tpu.yield
      }) : () -> ()
      %dma_start3A = arith.constant 0 : i32
      %dma_start3A_55 = arith.constant 0 : i32
      %dma_start3A_56 = tpu.memref_slice %arg7[%dma_start3A, %dma_start3A_55] : memref<40x128xi32, #tpu.memory_space<vmem>> -> memref<1x128xi32, #tpu.memory_space<vmem>>
      %dma_start3A_57 = tpu.memref_squeeze %dma_start3A_56 : memref<1x128xi32, #tpu.memory_space<vmem>> -> memref<128xi32, #tpu.memory_space<vmem>>
      %dma_start3A_58 = arith.constant 0 : i32
      %dma_start3A_59 = arith.constant 0 : i32
      %dma_start3A_60 = tpu.memref_slice %arg2[%dma_start3A_58, %dma_start3A_59] : memref<10240x64xf32, #tpu.memory_space<hbm>> -> memref<10240x64xf32, #tpu.memory_space<hbm>>
      tpu.enqueue_indirect_dma source(%dma_start3A_60 : memref<10240x64xf32, #tpu.memory_space<hbm>>) target(%arg9 : memref<128x64xf32, #tpu.memory_space<vmem>>) offsets(%dma_start3A_57 : memref<128xi32, #tpu.memory_space<vmem>>) semaphore(%arg12 : memref<!tpu.dma_semaphore, #tpu.memory_space<semaphore_mem>>)
      %dma_start3A_61 = arith.constant 1 : i32
      %dma_start3A_62 = arith.constant 0 : i32
      %dma_start3A_63 = tpu.memref_slice %arg7[%dma_start3A_61, %dma_start3A_62] : memref<40x128xi32, #tpu.memory_space<vmem>> -> memref<1x128xi32, #tpu.memory_space<vmem>>
      %dma_start3A_64 = tpu.memref_squeeze %dma_start3A_63 : memref<1x128xi32, #tpu.memory_space<vmem>> -> memref<128xi32, #tpu.memory_space<vmem>>
      %dma_start3A_65 = arith.constant 0 : i32
      %dma_start3A_66 = arith.constant 0 : i32
      %dma_start3A_67 = tpu.memref_slice %arg2[%dma_start3A_65, %dma_start3A_66] : memref<10240x64xf32, #tpu.memory_space<hbm>> -> memref<10240x64xf32, #tpu.memory_space<hbm>>
      tpu.enqueue_indirect_dma source(%dma_start3A_67 : memref<10240x64xf32, #tpu.memory_space<hbm>>) target(%arg10 : memref<128x64xf32, #tpu.memory_space<vmem>>) offsets(%dma_start3A_64 : memref<128xi32, #tpu.memory_space<vmem>>) semaphore(%arg13 : memref<!tpu.dma_semaphore, #tpu.memory_space<semaphore_mem>>)
      %scan3A_68 = arith.constant 0 : i32
      %scan3A_69 = arith.constant 0 : i32
      %scan3A_70 = arith.constant 20 : i32
      %scan3A_71 = arith.addi %scan3A_69, %scan3A_70 : i32
      %scan3A_72 = arith.constant 1 : i32
      scf.for %scan3A_74 = %scan3A_69 to %scan3A_71 step %scan3A_72  : i32 {
        %mul3A_75 = arith.constant 2 : i32
        %mul3A_76 = arith.muli %scan3A_74, %mul3A_75 : i32
        %add3A_77 = arith.constant 0 : i32
        %add3A_78 = arith.addi %mul3A_76, %add3A_77 : i32
        %dma_wait3A = arith.constant 0 : i32
        %dma_wait3A_79 = tpu.memref_slice %arg7[%add3A_78, %dma_wait3A] : memref<40x128xi32, #tpu.memory_space<vmem>> -> memref<1x128xi32, #tpu.memory_space<vmem>>
        %dma_wait3A_80 = tpu.memref_squeeze %dma_wait3A_79 : memref<1x128xi32, #tpu.memory_space<vmem>> -> memref<128xi32, #tpu.memory_space<vmem>>
        %dma_wait3A_81 = arith.constant 0 : i32
        %dma_wait3A_82 = arith.constant 0 : i32
        %dma_wait3A_83 = tpu.memref_slice %arg2[%dma_wait3A_81, %dma_wait3A_82] : memref<10240x64xf32, #tpu.memory_space<hbm>> -> memref<10240x64xf32, #tpu.memory_space<hbm>>
        tpu.wait_indirect_dma semaphore(%arg12 : memref<!tpu.dma_semaphore, #tpu.memory_space<semaphore_mem>>) src(%dma_wait3A_83 : memref<10240x64xf32, #tpu.memory_space<hbm>>) dst(%arg9 : memref<128x64xf32, #tpu.memory_space<vmem>>)
        "tpu.region"() ({
          %run_scoped3A = tpu.sem_alloc : memref<!tpu.dma_semaphore, #tpu.memory_space<semaphore_mem>>
          %dma_start3A_105 = arith.constant 0 : i32
          %dma_start3A_106 = tpu.memref_slice %arg8[%add3A_78, %dma_start3A_105] : memref<40x128xi32, #tpu.memory_space<vmem>> -> memref<1x128xi32, #tpu.memory_space<vmem>>
          %dma_start3A_107 = tpu.memref_squeeze %dma_start3A_106 : memref<1x128xi32, #tpu.memory_space<vmem>> -> memref<128xi32, #tpu.memory_space<vmem>>
          %dma_start3A_108 = arith.constant 0 : i32
          %dma_start3A_109 = arith.constant 0 : i32
          %dma_start3A_110 = tpu.memref_slice %arg11[%dma_start3A_108, %dma_start3A_109] : memref<10240x64xf32, #tpu.memory_space<vmem_shared>> -> memref<10240x64xf32, #tpu.memory_space<vmem_shared>>
          tpu.enqueue_indirect_dma source(%arg9 : memref<128x64xf32, #tpu.memory_space<vmem>>) target(%dma_start3A_110 : memref<10240x64xf32, #tpu.memory_space<vmem_shared>>) offsets(%dma_start3A_107 : memref<128xi32, #tpu.memory_space<vmem>>) semaphore(%run_scoped3A : memref<!tpu.dma_semaphore, #tpu.memory_space<semaphore_mem>>) {add = true}
          %dma_wait3A_111 = arith.constant 0 : i32
          %dma_wait3A_112 = tpu.memref_slice %arg8[%add3A_78, %dma_wait3A_111] : memref<40x128xi32, #tpu.memory_space<vmem>> -> memref<1x128xi32, #tpu.memory_space<vmem>>
          %dma_wait3A_113 = tpu.memref_squeeze %dma_wait3A_112 : memref<1x128xi32, #tpu.memory_space<vmem>> -> memref<128xi32, #tpu.memory_space<vmem>>
          %dma_wait3A_114 = arith.constant 0 : i32
          %dma_wait3A_115 = arith.constant 0 : i32
          %dma_wait3A_116 = tpu.memref_slice %arg11[%dma_wait3A_114, %dma_wait3A_115] : memref<10240x64xf32, #tpu.memory_space<vmem_shared>> -> memref<10240x64xf32, #tpu.memory_space<vmem_shared>>
          tpu.wait_indirect_dma semaphore(%run_scoped3A : memref<!tpu.dma_semaphore, #tpu.memory_space<semaphore_mem>>) src(%arg9 : memref<128x64xf32, #tpu.memory_space<vmem>>) dst(%dma_wait3A_116 : memref<10240x64xf32, #tpu.memory_space<vmem_shared>>)
          tpu.yield
        }) : () -> ()
        %add3A_84 = arith.constant 2 : i32
        %add3A_85 = arith.addi %add3A_78, %add3A_84 : i32
        %lt3A = arith.constant 40 : i32
        %lt3A_86 = arith.cmpi slt, %add3A_85, %lt3A : i32
        %convert_element_type3A = arith.extui %lt3A_86 : i1 to i32
        %cond3A = arith.constant 0 : i32
        %cond3A_87 = arith.cmpi ne, %convert_element_type3A, %cond3A : i32
        scf.if %cond3A_87 {
          %add3A_105 = arith.constant 2 : i32
          %add3A_106 = arith.addi %add3A_78, %add3A_105 : i32
          %dma_start3A_107 = arith.constant 0 : i32
          %dma_start3A_108 = tpu.memref_slice %arg7[%add3A_106, %dma_start3A_107] : memref<40x128xi32, #tpu.memory_space<vmem>> -> memref<1x128xi32, #tpu.memory_space<vmem>>
          %dma_start3A_109 = tpu.memref_squeeze %dma_start3A_108 : memref<1x128xi32, #tpu.memory_space<vmem>> -> memref<128xi32, #tpu.memory_space<vmem>>
          %dma_start3A_110 = arith.constant 0 : i32
          %dma_start3A_111 = arith.constant 0 : i32
          %dma_start3A_112 = tpu.memref_slice %arg2[%dma_start3A_110, %dma_start3A_111] : memref<10240x64xf32, #tpu.memory_space<hbm>> -> memref<10240x64xf32, #tpu.memory_space<hbm>>
          tpu.enqueue_indirect_dma source(%dma_start3A_112 : memref<10240x64xf32, #tpu.memory_space<hbm>>) target(%arg9 : memref<128x64xf32, #tpu.memory_space<vmem>>) offsets(%dma_start3A_109 : memref<128xi32, #tpu.memory_space<vmem>>) semaphore(%arg12 : memref<!tpu.dma_semaphore, #tpu.memory_space<semaphore_mem>>)
        } else {
        }
        %mul3A_88 = arith.constant 2 : i32
        %mul3A_89 = arith.muli %scan3A_74, %mul3A_88 : i32
        %add3A_90 = arith.constant 1 : i32
        %add3A_91 = arith.addi %mul3A_89, %add3A_90 : i32
        %dma_wait3A_92 = arith.constant 0 : i32
        %dma_wait3A_93 = tpu.memref_slice %arg7[%add3A_91, %dma_wait3A_92] : memref<40x128xi32, #tpu.memory_space<vmem>> -> memref<1x128xi32, #tpu.memory_space<vmem>>
        %dma_wait3A_94 = tpu.memref_squeeze %dma_wait3A_93 : memref<1x128xi32, #tpu.memory_space<vmem>> -> memref<128xi32, #tpu.memory_space<vmem>>
        %dma_wait3A_95 = arith.constant 0 : i32
        %dma_wait3A_96 = arith.constant 0 : i32
        %dma_wait3A_97 = tpu.memref_slice %arg2[%dma_wait3A_95, %dma_wait3A_96] : memref<10240x64xf32, #tpu.memory_space<hbm>> -> memref<10240x64xf32, #tpu.memory_space<hbm>>
        tpu.wait_indirect_dma semaphore(%arg13 : memref<!tpu.dma_semaphore, #tpu.memory_space<semaphore_mem>>) src(%dma_wait3A_97 : memref<10240x64xf32, #tpu.memory_space<hbm>>) dst(%arg10 : memref<128x64xf32, #tpu.memory_space<vmem>>)
        "tpu.region"() ({
          %run_scoped3A = tpu.sem_alloc : memref<!tpu.dma_semaphore, #tpu.memory_space<semaphore_mem>>
          %dma_start3A_105 = arith.constant 0 : i32
          %dma_start3A_106 = tpu.memref_slice %arg8[%add3A_91, %dma_start3A_105] : memref<40x128xi32, #tpu.memory_space<vmem>> -> memref<1x128xi32, #tpu.memory_space<vmem>>
          %dma_start3A_107 = tpu.memref_squeeze %dma_start3A_106 : memref<1x128xi32, #tpu.memory_space<vmem>> -> memref<128xi32, #tpu.memory_space<vmem>>
          %dma_start3A_108 = arith.constant 0 : i32
          %dma_start3A_109 = arith.constant 0 : i32
          %dma_start3A_110 = tpu.memref_slice %arg11[%dma_start3A_108, %dma_start3A_109] : memref<10240x64xf32, #tpu.memory_space<vmem_shared>> -> memref<10240x64xf32, #tpu.memory_space<vmem_shared>>
          tpu.enqueue_indirect_dma source(%arg10 : memref<128x64xf32, #tpu.memory_space<vmem>>) target(%dma_start3A_110 : memref<10240x64xf32, #tpu.memory_space<vmem_shared>>) offsets(%dma_start3A_107 : memref<128xi32, #tpu.memory_space<vmem>>) semaphore(%run_scoped3A : memref<!tpu.dma_semaphore, #tpu.memory_space<semaphore_mem>>) {add = true}
          %dma_wait3A_111 = arith.constant 0 : i32
          %dma_wait3A_112 = tpu.memref_slice %arg8[%add3A_91, %dma_wait3A_111] : memref<40x128xi32, #tpu.memory_space<vmem>> -> memref<1x128xi32, #tpu.memory_space<vmem>>
          %dma_wait3A_113 = tpu.memref_squeeze %dma_wait3A_112 : memref<1x128xi32, #tpu.memory_space<vmem>> -> memref<128xi32, #tpu.memory_space<vmem>>
          %dma_wait3A_114 = arith.constant 0 : i32
          %dma_wait3A_115 = arith.constant 0 : i32
          %dma_wait3A_116 = tpu.memref_slice %arg11[%dma_wait3A_114, %dma_wait3A_115] : memref<10240x64xf32, #tpu.memory_space<vmem_shared>> -> memref<10240x64xf32, #tpu.memory_space<vmem_shared>>
          tpu.wait_indirect_dma semaphore(%run_scoped3A : memref<!tpu.dma_semaphore, #tpu.memory_space<semaphore_mem>>) src(%arg10 : memref<128x64xf32, #tpu.memory_space<vmem>>) dst(%dma_wait3A_116 : memref<10240x64xf32, #tpu.memory_space<vmem_shared>>)
          tpu.yield
        }) : () -> ()
        %add3A_98 = arith.constant 2 : i32
        %add3A_99 = arith.addi %add3A_91, %add3A_98 : i32
        %lt3A_100 = arith.constant 40 : i32
        %lt3A_101 = arith.cmpi slt, %add3A_99, %lt3A_100 : i32
        %convert_element_type3A_102 = arith.extui %lt3A_101 : i1 to i32
        %cond3A_103 = arith.constant 0 : i32
        %cond3A_104 = arith.cmpi ne, %convert_element_type3A_102, %cond3A_103 : i32
        scf.if %cond3A_104 {
          %add3A_105 = arith.constant 2 : i32
          %add3A_106 = arith.addi %add3A_91, %add3A_105 : i32
          %dma_start3A_107 = arith.constant 0 : i32
          %dma_start3A_108 = tpu.memref_slice %arg7[%add3A_106, %dma_start3A_107] : memref<40x128xi32, #tpu.memory_space<vmem>> -> memref<1x128xi32, #tpu.memory_space<vmem>>
          %dma_start3A_109 = tpu.memref_squeeze %dma_start3A_108 : memref<1x128xi32, #tpu.memory_space<vmem>> -> memref<128xi32, #tpu.memory_space<vmem>>
          %dma_start3A_110 = arith.constant 0 : i32
          %dma_start3A_111 = arith.constant 0 : i32
          %dma_start3A_112 = tpu.memref_slice %arg2[%dma_start3A_110, %dma_start3A_111] : memref<10240x64xf32, #tpu.memory_space<hbm>> -> memref<10240x64xf32, #tpu.memory_space<hbm>>
          tpu.enqueue_indirect_dma source(%dma_start3A_112 : memref<10240x64xf32, #tpu.memory_space<hbm>>) target(%arg10 : memref<128x64xf32, #tpu.memory_space<vmem>>) offsets(%dma_start3A_109 : memref<128xi32, #tpu.memory_space<vmem>>) semaphore(%arg13 : memref<!tpu.dma_semaphore, #tpu.memory_space<semaphore_mem>>)
        } else {
        }
      }
      %scan3A_73 = arith.constant 20 : i32
    }
    %scan3A_19 = arith.constant 2 : i32
    %barrier3A_20 = arith.constant 0 : index
    tpu.barrier barrier_id(%barrier3A_20)
    %mul3A_21 = arith.constant 10240 : i32
    %mul3A_22 = arith.muli %arg0, %mul3A_21 : i32
    %add3A_23 = arith.constant 0 : i32
    %add3A_24 = arith.addi %mul3A_0, %add3A_23 : i32
    "tpu.region"() ({
      %run_scoped3A = tpu.sem_alloc : memref<!tpu.dma_semaphore, #tpu.memory_space<semaphore_mem>>
      %dma_start3A = arith.constant 0 : i32
      %dma_start3A_48 = tpu.memref_slice %arg11[%add3A_24, %dma_start3A] : memref<10240x64xf32, #tpu.memory_space<vmem_shared>> -> memref<128x64xf32, #tpu.memory_space<vmem_shared>>
      %dma_start3A_49 = arith.constant 0 : i32
      %dma_start3A_50 = tpu.memref_slice %arg11[%add3A_24, %dma_start3A_49] : memref<10240x64xf32, #tpu.memory_space<vmem_shared>> -> memref<128x64xf32, #tpu.memory_space<vmem_shared>>
      tpu.enqueue_dma source(%dma_start3A_50 : memref<128x64xf32, #tpu.memory_space<vmem_shared>>) target(%arg9 : memref<128x64xf32, #tpu.memory_space<vmem>>) target_semaphore(%run_scoped3A : memref<!tpu.dma_semaphore, #tpu.memory_space<semaphore_mem>>)
      %dma_wait3A = arith.constant 0 : i32
      %dma_wait3A_51 = tpu.memref_slice %arg11[%add3A_24, %dma_wait3A] : memref<10240x64xf32, #tpu.memory_space<vmem_shared>> -> memref<128x64xf32, #tpu.memory_space<vmem_shared>>
      %dma_wait3A_52 = arith.constant 0 : i32
      %dma_wait3A_53 = tpu.memref_slice %arg11[%add3A_24, %dma_wait3A_52] : memref<10240x64xf32, #tpu.memory_space<vmem_shared>> -> memref<128x64xf32, #tpu.memory_space<vmem_shared>>
      tpu.wait_dma2 semaphore(%run_scoped3A : memref<!tpu.dma_semaphore, #tpu.memory_space<semaphore_mem>>) src(%dma_wait3A_53 : memref<128x64xf32, #tpu.memory_space<vmem_shared>>) dst(%arg9 : memref<128x64xf32, #tpu.memory_space<vmem>>)
      tpu.yield
    }) : () -> ()
    %add3A_25 = arith.addi %mul3A_22, %mul3A_0 : i32
    %add3A_26 = arith.constant 0 : i32
    %add3A_27 = arith.addi %add3A_25, %add3A_26 : i32
    "tpu.region"() ({
      %run_scoped3A = tpu.sem_alloc : memref<!tpu.dma_semaphore, #tpu.memory_space<semaphore_mem>>
      %dma_start3A = arith.constant 0 : i32
      %dma_start3A_48 = tpu.memref_slice %arg6[%add3A_27, %dma_start3A] : memref<20480x64xf32, #tpu.memory_space<hbm>> -> memref<128x64xf32, #tpu.memory_space<hbm>>
      %dma_start3A_49 = arith.constant 0 : i32
      %dma_start3A_50 = tpu.memref_slice %arg6[%add3A_27, %dma_start3A_49] : memref<20480x64xf32, #tpu.memory_space<hbm>> -> memref<128x64xf32, #tpu.memory_space<hbm>>
      tpu.enqueue_dma source(%arg9 : memref<128x64xf32, #tpu.memory_space<vmem>>) target(%dma_start3A_50 : memref<128x64xf32, #tpu.memory_space<hbm>>) target_semaphore(%run_scoped3A : memref<!tpu.dma_semaphore, #tpu.memory_space<semaphore_mem>>)
      %dma_wait3A = arith.constant 0 : i32
      %dma_wait3A_51 = tpu.memref_slice %arg6[%add3A_27, %dma_wait3A] : memref<20480x64xf32, #tpu.memory_space<hbm>> -> memref<128x64xf32, #tpu.memory_space<hbm>>
      %dma_wait3A_52 = arith.constant 0 : i32
      %dma_wait3A_53 = tpu.memref_slice %arg6[%add3A_27, %dma_wait3A_52] : memref<20480x64xf32, #tpu.memory_space<hbm>> -> memref<128x64xf32, #tpu.memory_space<hbm>>
      tpu.wait_dma2 semaphore(%run_scoped3A : memref<!tpu.dma_semaphore, #tpu.memory_space<semaphore_mem>>) src(%arg9 : memref<128x64xf32, #tpu.memory_space<vmem>>) dst(%dma_wait3A_53 : memref<128x64xf32, #tpu.memory_space<hbm>>)
      tpu.yield
    }) : () -> ()
    %add3A_28 = arith.constant 128 : i32
    %add3A_29 = arith.addi %mul3A_0, %add3A_28 : i32
    "tpu.region"() ({
      %run_scoped3A = tpu.sem_alloc : memref<!tpu.dma_semaphore, #tpu.memory_space<semaphore_mem>>
      %dma_start3A = arith.constant 0 : i32
      %dma_start3A_48 = tpu.memref_slice %arg11[%add3A_29, %dma_start3A] : memref<10240x64xf32, #tpu.memory_space<vmem_shared>> -> memref<128x64xf32, #tpu.memory_space<vmem_shared>>
      %dma_start3A_49 = arith.constant 0 : i32
      %dma_start3A_50 = tpu.memref_slice %arg11[%add3A_29, %dma_start3A_49] : memref<10240x64xf32, #tpu.memory_space<vmem_shared>> -> memref<128x64xf32, #tpu.memory_space<vmem_shared>>
      tpu.enqueue_dma source(%dma_start3A_50 : memref<128x64xf32, #tpu.memory_space<vmem_shared>>) target(%arg9 : memref<128x64xf32, #tpu.memory_space<vmem>>) target_semaphore(%run_scoped3A : memref<!tpu.dma_semaphore, #tpu.memory_space<semaphore_mem>>)
      %dma_wait3A = arith.constant 0 : i32
      %dma_wait3A_51 = tpu.memref_slice %arg11[%add3A_29, %dma_wait3A] : memref<10240x64xf32, #tpu.memory_space<vmem_shared>> -> memref<128x64xf32, #tpu.memory_space<vmem_shared>>
      %dma_wait3A_52 = arith.constant 0 : i32
      %dma_wait3A_53 = tpu.memref_slice %arg11[%add3A_29, %dma_wait3A_52] : memref<10240x64xf32, #tpu.memory_space<vmem_shared>> -> memref<128x64xf32, #tpu.memory_space<vmem_shared>>
      tpu.wait_dma2 semaphore(%run_scoped3A : memref<!tpu.dma_semaphore, #tpu.memory_space<semaphore_mem>>) src(%dma_wait3A_53 : memref<128x64xf32, #tpu.memory_space<vmem_shared>>) dst(%arg9 : memref<128x64xf32, #tpu.memory_space<vmem>>)
      tpu.yield
    }) : () -> ()
    %add3A_30 = arith.addi %mul3A_22, %mul3A_0 : i32
    %add3A_31 = arith.constant 128 : i32
    %add3A_32 = arith.addi %add3A_30, %add3A_31 : i32
    "tpu.region"() ({
      %run_scoped3A = tpu.sem_alloc : memref<!tpu.dma_semaphore, #tpu.memory_space<semaphore_mem>>
      %dma_start3A = arith.constant 0 : i32
      %dma_start3A_48 = tpu.memref_slice %arg6[%add3A_32, %dma_start3A] : memref<20480x64xf32, #tpu.memory_space<hbm>> -> memref<128x64xf32, #tpu.memory_space<hbm>>
      %dma_start3A_49 = arith.constant 0 : i32
      %dma_start3A_50 = tpu.memref_slice %arg6[%add3A_32, %dma_start3A_49] : memref<20480x64xf32, #tpu.memory_space<hbm>> -> memref<128x64xf32, #tpu.memory_space<hbm>>
      tpu.enqueue_dma source(%arg9 : memref<128x64xf32, #tpu.memory_space<vmem>>) target(%dma_start3A_50 : memref<128x64xf32, #tpu.memory_space<hbm>>) target_semaphore(%run_scoped3A : memref<!tpu.dma_semaphore, #tpu.memory_space<semaphore_mem>>)
      %dma_wait3A = arith.constant 0 : i32
      %dma_wait3A_51 = tpu.memref_slice %arg6[%add3A_32, %dma_wait3A] : memref<20480x64xf32, #tpu.memory_space<hbm>> -> memref<128x64xf32, #tpu.memory_space<hbm>>
      %dma_wait3A_52 = arith.constant 0 : i32
      %dma_wait3A_53 = tpu.memref_slice %arg6[%add3A_32, %dma_wait3A_52] : memref<20480x64xf32, #tpu.memory_space<hbm>> -> memref<128x64xf32, #tpu.memory_space<hbm>>
      tpu.wait_dma2 semaphore(%run_scoped3A : memref<!tpu.dma_semaphore, #tpu.memory_space<semaphore_mem>>) src(%arg9 : memref<128x64xf32, #tpu.memory_space<vmem>>) dst(%dma_wait3A_53 : memref<128x64xf32, #tpu.memory_space<hbm>>)
      tpu.yield
    }) : () -> ()
    %add3A_33 = arith.constant 256 : i32
    %add3A_34 = arith.addi %mul3A_0, %add3A_33 : i32
    "tpu.region"() ({
      %run_scoped3A = tpu.sem_alloc : memref<!tpu.dma_semaphore, #tpu.memory_space<semaphore_mem>>
      %dma_start3A = arith.constant 0 : i32
      %dma_start3A_48 = tpu.memref_slice %arg11[%add3A_34, %dma_start3A] : memref<10240x64xf32, #tpu.memory_space<vmem_shared>> -> memref<128x64xf32, #tpu.memory_space<vmem_shared>>
      %dma_start3A_49 = arith.constant 0 : i32
      %dma_start3A_50 = tpu.memref_slice %arg11[%add3A_34, %dma_start3A_49] : memref<10240x64xf32, #tpu.memory_space<vmem_shared>> -> memref<128x64xf32, #tpu.memory_space<vmem_shared>>
      tpu.enqueue_dma source(%dma_start3A_50 : memref<128x64xf32, #tpu.memory_space<vmem_shared>>) target(%arg9 : memref<128x64xf32, #tpu.memory_space<vmem>>) target_semaphore(%run_scoped3A : memref<!tpu.dma_semaphore, #tpu.memory_space<semaphore_mem>>)
      %dma_wait3A = arith.constant 0 : i32
      %dma_wait3A_51 = tpu.memref_slice %arg11[%add3A_34, %dma_wait3A] : memref<10240x64xf32, #tpu.memory_space<vmem_shared>> -> memref<128x64xf32, #tpu.memory_space<vmem_shared>>
      %dma_wait3A_52 = arith.constant 0 : i32
      %dma_wait3A_53 = tpu.memref_slice %arg11[%add3A_34, %dma_wait3A_52] : memref<10240x64xf32, #tpu.memory_space<vmem_shared>> -> memref<128x64xf32, #tpu.memory_space<vmem_shared>>
      tpu.wait_dma2 semaphore(%run_scoped3A : memref<!tpu.dma_semaphore, #tpu.memory_space<semaphore_mem>>) src(%dma_wait3A_53 : memref<128x64xf32, #tpu.memory_space<vmem_shared>>) dst(%arg9 : memref<128x64xf32, #tpu.memory_space<vmem>>)
      tpu.yield
    }) : () -> ()
    %add3A_35 = arith.addi %mul3A_22, %mul3A_0 : i32
    %add3A_36 = arith.constant 256 : i32
    %add3A_37 = arith.addi %add3A_35, %add3A_36 : i32
    "tpu.region"() ({
      %run_scoped3A = tpu.sem_alloc : memref<!tpu.dma_semaphore, #tpu.memory_space<semaphore_mem>>
      %dma_start3A = arith.constant 0 : i32
      %dma_start3A_48 = tpu.memref_slice %arg6[%add3A_37, %dma_start3A] : memref<20480x64xf32, #tpu.memory_space<hbm>> -> memref<128x64xf32, #tpu.memory_space<hbm>>
      %dma_start3A_49 = arith.constant 0 : i32
      %dma_start3A_50 = tpu.memref_slice %arg6[%add3A_37, %dma_start3A_49] : memref<20480x64xf32, #tpu.memory_space<hbm>> -> memref<128x64xf32, #tpu.memory_space<hbm>>
      tpu.enqueue_dma source(%arg9 : memref<128x64xf32, #tpu.memory_space<vmem>>) target(%dma_start3A_50 : memref<128x64xf32, #tpu.memory_space<hbm>>) target_semaphore(%run_scoped3A : memref<!tpu.dma_semaphore, #tpu.memory_space<semaphore_mem>>)
      %dma_wait3A = arith.constant 0 : i32
      %dma_wait3A_51 = tpu.memref_slice %arg6[%add3A_37, %dma_wait3A] : memref<20480x64xf32, #tpu.memory_space<hbm>> -> memref<128x64xf32, #tpu.memory_space<hbm>>
      %dma_wait3A_52 = arith.constant 0 : i32
      %dma_wait3A_53 = tpu.memref_slice %arg6[%add3A_37, %dma_wait3A_52] : memref<20480x64xf32, #tpu.memory_space<hbm>> -> memref<128x64xf32, #tpu.memory_space<hbm>>
      tpu.wait_dma2 semaphore(%run_scoped3A : memref<!tpu.dma_semaphore, #tpu.memory_space<semaphore_mem>>) src(%arg9 : memref<128x64xf32, #tpu.memory_space<vmem>>) dst(%dma_wait3A_53 : memref<128x64xf32, #tpu.memory_space<hbm>>)
      tpu.yield
    }) : () -> ()
    %add3A_38 = arith.constant 384 : i32
    %add3A_39 = arith.addi %mul3A_0, %add3A_38 : i32
    "tpu.region"() ({
      %run_scoped3A = tpu.sem_alloc : memref<!tpu.dma_semaphore, #tpu.memory_space<semaphore_mem>>
      %dma_start3A = arith.constant 0 : i32
      %dma_start3A_48 = tpu.memref_slice %arg11[%add3A_39, %dma_start3A] : memref<10240x64xf32, #tpu.memory_space<vmem_shared>> -> memref<128x64xf32, #tpu.memory_space<vmem_shared>>
      %dma_start3A_49 = arith.constant 0 : i32
      %dma_start3A_50 = tpu.memref_slice %arg11[%add3A_39, %dma_start3A_49] : memref<10240x64xf32, #tpu.memory_space<vmem_shared>> -> memref<128x64xf32, #tpu.memory_space<vmem_shared>>
      tpu.enqueue_dma source(%dma_start3A_50 : memref<128x64xf32, #tpu.memory_space<vmem_shared>>) target(%arg9 : memref<128x64xf32, #tpu.memory_space<vmem>>) target_semaphore(%run_scoped3A : memref<!tpu.dma_semaphore, #tpu.memory_space<semaphore_mem>>)
      %dma_wait3A = arith.constant 0 : i32
      %dma_wait3A_51 = tpu.memref_slice %arg11[%add3A_39, %dma_wait3A] : memref<10240x64xf32, #tpu.memory_space<vmem_shared>> -> memref<128x64xf32, #tpu.memory_space<vmem_shared>>
      %dma_wait3A_52 = arith.constant 0 : i32
      %dma_wait3A_53 = tpu.memref_slice %arg11[%add3A_39, %dma_wait3A_52] : memref<10240x64xf32, #tpu.memory_space<vmem_shared>> -> memref<128x64xf32, #tpu.memory_space<vmem_shared>>
      tpu.wait_dma2 semaphore(%run_scoped3A : memref<!tpu.dma_semaphore, #tpu.memory_space<semaphore_mem>>) src(%dma_wait3A_53 : memref<128x64xf32, #tpu.memory_space<vmem_shared>>) dst(%arg9 : memref<128x64xf32, #tpu.memory_space<vmem>>)
      tpu.yield
    }) : () -> ()
    %add3A_40 = arith.addi %mul3A_22, %mul3A_0 : i32
    %add3A_41 = arith.constant 384 : i32
    %add3A_42 = arith.addi %add3A_40, %add3A_41 : i32
    "tpu.region"() ({
      %run_scoped3A = tpu.sem_alloc : memref<!tpu.dma_semaphore, #tpu.memory_space<semaphore_mem>>
      %dma_start3A = arith.constant 0 : i32
      %dma_start3A_48 = tpu.memref_slice %arg6[%add3A_42, %dma_start3A] : memref<20480x64xf32, #tpu.memory_space<hbm>> -> memref<128x64xf32, #tpu.memory_space<hbm>>
      %dma_start3A_49 = arith.constant 0 : i32
      %dma_start3A_50 = tpu.memref_slice %arg6[%add3A_42, %dma_start3A_49] : memref<20480x64xf32, #tpu.memory_space<hbm>> -> memref<128x64xf32, #tpu.memory_space<hbm>>
      tpu.enqueue_dma source(%arg9 : memref<128x64xf32, #tpu.memory_space<vmem>>) target(%dma_start3A_50 : memref<128x64xf32, #tpu.memory_space<hbm>>) target_semaphore(%run_scoped3A : memref<!tpu.dma_semaphore, #tpu.memory_space<semaphore_mem>>)
      %dma_wait3A = arith.constant 0 : i32
      %dma_wait3A_51 = tpu.memref_slice %arg6[%add3A_42, %dma_wait3A] : memref<20480x64xf32, #tpu.memory_space<hbm>> -> memref<128x64xf32, #tpu.memory_space<hbm>>
      %dma_wait3A_52 = arith.constant 0 : i32
      %dma_wait3A_53 = tpu.memref_slice %arg6[%add3A_42, %dma_wait3A_52] : memref<20480x64xf32, #tpu.memory_space<hbm>> -> memref<128x64xf32, #tpu.memory_space<hbm>>
      tpu.wait_dma2 semaphore(%run_scoped3A : memref<!tpu.dma_semaphore, #tpu.memory_space<semaphore_mem>>) src(%arg9 : memref<128x64xf32, #tpu.memory_space<vmem>>) dst(%dma_wait3A_53 : memref<128x64xf32, #tpu.memory_space<hbm>>)
      tpu.yield
    }) : () -> ()
    %add3A_43 = arith.constant 512 : i32
    %add3A_44 = arith.addi %mul3A_0, %add3A_43 : i32
    "tpu.region"() ({
      %run_scoped3A = tpu.sem_alloc : memref<!tpu.dma_semaphore, #tpu.memory_space<semaphore_mem>>
      %dma_start3A = arith.constant 0 : i32
      %dma_start3A_48 = tpu.memref_slice %arg11[%add3A_44, %dma_start3A] : memref<10240x64xf32, #tpu.memory_space<vmem_shared>> -> memref<128x64xf32, #tpu.memory_space<vmem_shared>>
      %dma_start3A_49 = arith.constant 0 : i32
      %dma_start3A_50 = tpu.memref_slice %arg11[%add3A_44, %dma_start3A_49] : memref<10240x64xf32, #tpu.memory_space<vmem_shared>> -> memref<128x64xf32, #tpu.memory_space<vmem_shared>>
      tpu.enqueue_dma source(%dma_start3A_50 : memref<128x64xf32, #tpu.memory_space<vmem_shared>>) target(%arg9 : memref<128x64xf32, #tpu.memory_space<vmem>>) target_semaphore(%run_scoped3A : memref<!tpu.dma_semaphore, #tpu.memory_space<semaphore_mem>>)
      %dma_wait3A = arith.constant 0 : i32
      %dma_wait3A_51 = tpu.memref_slice %arg11[%add3A_44, %dma_wait3A] : memref<10240x64xf32, #tpu.memory_space<vmem_shared>> -> memref<128x64xf32, #tpu.memory_space<vmem_shared>>
      %dma_wait3A_52 = arith.constant 0 : i32
      %dma_wait3A_53 = tpu.memref_slice %arg11[%add3A_44, %dma_wait3A_52] : memref<10240x64xf32, #tpu.memory_space<vmem_shared>> -> memref<128x64xf32, #tpu.memory_space<vmem_shared>>
      tpu.wait_dma2 semaphore(%run_scoped3A : memref<!tpu.dma_semaphore, #tpu.memory_space<semaphore_mem>>) src(%dma_wait3A_53 : memref<128x64xf32, #tpu.memory_space<vmem_shared>>) dst(%arg9 : memref<128x64xf32, #tpu.memory_space<vmem>>)
      tpu.yield
    }) : () -> ()
    %add3A_45 = arith.addi %mul3A_22, %mul3A_0 : i32
    %add3A_46 = arith.constant 512 : i32
    %add3A_47 = arith.addi %add3A_45, %add3A_46 : i32
    "tpu.region"() ({
      %run_scoped3A = tpu.sem_alloc : memref<!tpu.dma_semaphore, #tpu.memory_space<semaphore_mem>>
      %dma_start3A = arith.constant 0 : i32
      %dma_start3A_48 = tpu.memref_slice %arg6[%add3A_47, %dma_start3A] : memref<20480x64xf32, #tpu.memory_space<hbm>> -> memref<128x64xf32, #tpu.memory_space<hbm>>
      %dma_start3A_49 = arith.constant 0 : i32
      %dma_start3A_50 = tpu.memref_slice %arg6[%add3A_47, %dma_start3A_49] : memref<20480x64xf32, #tpu.memory_space<hbm>> -> memref<128x64xf32, #tpu.memory_space<hbm>>
      tpu.enqueue_dma source(%arg9 : memref<128x64xf32, #tpu.memory_space<vmem>>) target(%dma_start3A_50 : memref<128x64xf32, #tpu.memory_space<hbm>>) target_semaphore(%run_scoped3A : memref<!tpu.dma_semaphore, #tpu.memory_space<semaphore_mem>>)
      %dma_wait3A = arith.constant 0 : i32
      %dma_wait3A_51 = tpu.memref_slice %arg6[%add3A_47, %dma_wait3A] : memref<20480x64xf32, #tpu.memory_space<hbm>> -> memref<128x64xf32, #tpu.memory_space<hbm>>
      %dma_wait3A_52 = arith.constant 0 : i32
      %dma_wait3A_53 = tpu.memref_slice %arg6[%add3A_47, %dma_wait3A_52] : memref<20480x64xf32, #tpu.memory_space<hbm>> -> memref<128x64xf32, #tpu.memory_space<hbm>>
      tpu.wait_dma2 semaphore(%run_scoped3A : memref<!tpu.dma_semaphore, #tpu.memory_space<semaphore_mem>>) src(%arg9 : memref<128x64xf32, #tpu.memory_space<vmem>>) dst(%dma_wait3A_53 : memref<128x64xf32, #tpu.memory_space<hbm>>)
      tpu.yield
    }) : () -> ()
    return
  }
}

module attributes {stable_mosaic.version = 14 : i64} {
  func.func @_tc_first(%arg0: i32, %arg1: memref<1024x128xf32, #tpu.memory_space<vmem>>, %arg2: memref<128x64xf32, #tpu.memory_space<vmem>>, %arg3: memref<1024x16xf32, #tpu.memory_space<vmem>>, %arg4: memref<1024x16xf32, #tpu.memory_space<vmem>>, %arg5: memref<1024x64xf32, #tpu.memory_space<vmem>>) attributes {dimension_semantics = [#tpu.dimension_semantics<arbitrary>], iteration_bounds = array<i64: 10>, scalar_prefetch = 0 : i64, scratch_operands = 0 : i64, tpu.core_type = #tpu.core_type<tc>, window_params = [{transform_indices = @transform_0, window_bounds = array<i64: 1024, 128>}, {pipeline_mode = #tpu.pipeline_mode<synchronous>, transform_indices = @transform_1, window_bounds = array<i64: 128, 64>}, {transform_indices = @transform_2, window_bounds = array<i64: 1024, 16>}, {transform_indices = @transform_3, window_bounds = array<i64: 1024, 16>}, {transform_indices = @transform_4, window_bounds = array<i64: 1024, 64>}]} {
    %get3A = arith.constant 0 : index
    %get3A_0 = arith.constant 0 : index
    %get3A_1 = vector.load %arg3[%get3A, %get3A_0] : memref<1024x16xf32, #tpu.memory_space<vmem>>, vector<1024x1xf32>
    %get3A_2 = arith.constant 0 : index
    %get3A_3 = arith.constant 0 : index
    %get3A_4 = vector.load %arg4[%get3A_2, %get3A_3] : memref<1024x16xf32, #tpu.memory_space<vmem>>, vector<1024x1xf32>
    %add3A = arith.addf %get3A_1, %get3A_4 : vector<1024x1xf32>
    %add3A_5 = arith.constant 1.000000e+00 : f32
    %add3A_6 = vector.broadcast %add3A_5 : f32 to vector<1024x1xf32>
    %add3A_7 = arith.addf %add3A, %add3A_6 : vector<1024x1xf32>
    %rsqrt3A = math.rsqrt %add3A_7 : vector<1024x1xf32>
    %get3A_8 = arith.constant 0 : index
    %get3A_9 = arith.constant 0 : index
    %get3A_10 = vector.load %arg1[%get3A_8, %get3A_9] : memref<1024x128xf32, #tpu.memory_space<vmem>>, vector<1024x128xf32>
    %get3A_11 = arith.constant 0 : index
    %get3A_12 = arith.constant 0 : index
    %get3A_13 = vector.load %arg2[%get3A_11, %get3A_12] : memref<128x64xf32, #tpu.memory_space<vmem>>, vector<128x64xf32>
    %dot_general3A = arith.constant dense<0.000000e+00> : vector<1024x64xf32>
    %dot_general3A_14 = tpu.matmul %get3A_10, %get3A_13, %dot_general3A {dimension_numbers = #tpu.dot_dimension_numbers<[1], [0], [0], [1], [0, 0, 1, 1], [], []>, transpose_lhs_hint = false} : vector<1024x128xf32>, vector<128x64xf32>, vector<1024x64xf32> -> vector<1024x64xf32>
    %mul3A = vector.broadcast %rsqrt3A : vector<1024x1xf32> to vector<1024x64xf32>
    %mul3A_15 = arith.mulf %dot_general3A_14, %mul3A : vector<1024x64xf32>
    %swap3A = arith.constant 0 : index
    %swap3A_16 = arith.constant 0 : index
    %swap3A_17 = vector.load %arg5[%swap3A, %swap3A_16] : memref<1024x64xf32, #tpu.memory_space<vmem>>, vector<1024x64xf32>
    tpu.vector_store %arg5[%swap3A, %swap3A_16], %mul3A_15 {strides = array<i32>} : memref<1024x64xf32, #tpu.memory_space<vmem>>, vector<1024x64xf32>,
    return
  }
  func.func @transform_0(%arg0: i32) -> (i32, i32) {
    %c0_i32 = arith.constant 0 : i32
    %c0_i32_0 = arith.constant 0 : i32
    return %arg0, %c0_i32 : i32, i32
  }
  func.func @transform_1(%arg0: i32) -> (i32, i32) {
    %c0_i32 = arith.constant 0 : i32
    %c0_i32_0 = arith.constant 0 : i32
    %c0_i32_1 = arith.constant 0 : i32
    return %c0_i32, %c0_i32_0 : i32, i32
  }
  func.func @transform_2(%arg0: i32) -> (i32, i32) {
    %c0_i32 = arith.constant 0 : i32
    %c0_i32_0 = arith.constant 0 : i32
    return %arg0, %c0_i32 : i32, i32
  }
  func.func @transform_3(%arg0: i32) -> (i32, i32) {
    %add3A = arith.constant 10 : i32
    %add3A_0 = arith.addi %arg0, %add3A : i32
    %c0_i32 = arith.constant 0 : i32
    %c0_i32_1 = arith.constant 0 : i32
    return %add3A_0, %c0_i32 : i32, i32
  }
  func.func @transform_4(%arg0: i32) -> (i32, i32) {
    %c0_i32 = arith.constant 0 : i32
    %c0_i32_0 = arith.constant 0 : i32
    return %arg0, %c0_i32 : i32, i32
  }
}

module attributes {stable_mosaic.version = 14 : i64} {
  func.func @_tc_a(%arg0: i32, %arg1: memref<1024x64xf32, #tpu.memory_space<vmem>>, %arg2: memref<1024x64xf32, #tpu.memory_space<vmem>>, %arg3: memref<1024x64xf32, #tpu.memory_space<vmem>>, %arg4: memref<1024x16xf32, #tpu.memory_space<vmem>>, %arg5: memref<1024x16xf32, #tpu.memory_space<vmem>>, %arg6: memref<1x64xf32, #tpu.memory_space<vmem>>, %arg7: memref<1024x64xf32, #tpu.memory_space<vmem>>) attributes {dimension_semantics = [#tpu.dimension_semantics<arbitrary>], iteration_bounds = array<i64: 10>, scalar_prefetch = 0 : i64, scratch_operands = 0 : i64, tpu.core_type = #tpu.core_type<tc>, window_params = [{transform_indices = @transform_0, window_bounds = array<i64: 1024, 64>}, {transform_indices = @transform_1, window_bounds = array<i64: 1024, 64>}, {transform_indices = @transform_2, window_bounds = array<i64: 1024, 64>}, {transform_indices = @transform_3, window_bounds = array<i64: 1024, 16>}, {transform_indices = @transform_4, window_bounds = array<i64: 1024, 16>}, {pipeline_mode = #tpu.pipeline_mode<synchronous>, transform_indices = @transform_5, window_bounds = array<i64: 1, 64>}, {transform_indices = @transform_6, window_bounds = array<i64: 1024, 64>}]} {
    %get3A = arith.constant 0 : index
    %get3A_0 = arith.constant 0 : index
    %get3A_1 = vector.load %arg4[%get3A, %get3A_0] : memref<1024x16xf32, #tpu.memory_space<vmem>>, vector<1024x1xf32>
    %get3A_2 = arith.constant 0 : index
    %get3A_3 = arith.constant 0 : index
    %get3A_4 = vector.load %arg5[%get3A_2, %get3A_3] : memref<1024x16xf32, #tpu.memory_space<vmem>>, vector<1024x1xf32>
    %add3A = arith.addf %get3A_1, %get3A_4 : vector<1024x1xf32>
    %add3A_5 = arith.constant 1.000000e+00 : f32
    %add3A_6 = vector.broadcast %add3A_5 : f32 to vector<1024x1xf32>
    %add3A_7 = arith.addf %add3A, %add3A_6 : vector<1024x1xf32>
    %rsqrt3A = math.rsqrt %add3A_7 : vector<1024x1xf32>
    %get3A_8 = arith.constant 0 : index
    %get3A_9 = arith.constant 0 : index
    %get3A_10 = vector.load %arg1[%get3A_8, %get3A_9] : memref<1024x64xf32, #tpu.memory_space<vmem>>, vector<1024x64xf32>
    %get3A_11 = arith.constant 0 : index
    %get3A_12 = arith.constant 0 : index
    %get3A_13 = vector.load %arg2[%get3A_11, %get3A_12] : memref<1024x64xf32, #tpu.memory_space<vmem>>, vector<1024x64xf32>
    %add3A_14 = arith.addf %get3A_10, %get3A_13 : vector<1024x64xf32>
    %get3A_15 = arith.constant 0 : index
    %get3A_16 = arith.constant 0 : index
    %get3A_17 = vector.load %arg3[%get3A_15, %get3A_16] : memref<1024x64xf32, #tpu.memory_space<vmem>>, vector<1024x64xf32>
    %add3A_18 = arith.addf %add3A_14, %get3A_17 : vector<1024x64xf32>
    %mul3A = vector.broadcast %rsqrt3A : vector<1024x1xf32> to vector<1024x64xf32>
    %mul3A_19 = arith.mulf %mul3A, %add3A_18 : vector<1024x64xf32>
    %get3A_20 = arith.constant 0 : index
    %get3A_21 = arith.constant 0 : index
    %get3A_22 = vector.load %arg6[%get3A_20, %get3A_21] : memref<1x64xf32, #tpu.memory_space<vmem>>, vector<1x64xf32>
    %add3A_23 = vector.broadcast %get3A_22 : vector<1x64xf32> to vector<1024x64xf32>
    %add3A_24 = arith.addf %mul3A_19, %add3A_23 : vector<1024x64xf32>
    %gt3A = arith.constant 0.000000e+00 : f32
    %gt3A_25 = vector.broadcast %gt3A : f32 to vector<1024x64xf32>
    %gt3A_26 = arith.cmpf ogt, %add3A_24, %gt3A_25 : vector<1024x64xf32>
    %mul3A_27 = arith.constant 0.00999999977 : f32
    %mul3A_28 = vector.broadcast %mul3A_27 : f32 to vector<1024x64xf32>
    %mul3A_29 = arith.mulf %mul3A_28, %add3A_24 : vector<1024x64xf32>
    %select_n3A = arith.select %gt3A_26, %add3A_24, %mul3A_29 : vector<1024x64xi1>, vector<1024x64xf32>
    %iota3A = tpu.iota {dimensions = array<i32: 0>} : vector<1024x1xi32>
    %mul3A_30 = arith.constant 1024 : i32
    %mul3A_31 = arith.muli %arg0, %mul3A_30 : i32
    %add3A_32 = vector.broadcast %mul3A_31 : i32 to vector<1024x1xi32>
    %add3A_33 = arith.addi %iota3A, %add3A_32 : vector<1024x1xi32>
    %lt3A = arith.constant 10000 : i32
    %lt3A_34 = vector.broadcast %lt3A : i32 to vector<1024x1xi32>
    %lt3A_35 = arith.cmpi slt, %add3A_33, %lt3A_34 : vector<1024x1xi32>
    %mul3A_36 = vector.broadcast %rsqrt3A : vector<1024x1xf32> to vector<1024x64xf32>
    %mul3A_37 = arith.mulf %select_n3A, %mul3A_36 : vector<1024x64xf32>
    %jit3A = arith.constant 0.000000e+00 : f32
    %broadcast_in_dim3A = vector.shape_cast %lt3A_35 : vector<1024x1xi1> to vector<1024x1xi1>
    %broadcast_in_dim3A_38 = vector.broadcast %broadcast_in_dim3A : vector<1024x1xi1> to vector<1024x64xi1>
    %broadcast_in_dim3A_39 = vector.broadcast %jit3A : f32 to vector<1024x64xf32>
    %select_n3A_40 = arith.select %broadcast_in_dim3A_38, %mul3A_37, %broadcast_in_dim3A_39 : vector<1024x64xi1>, vector<1024x64xf32>
    %swap3A = arith.constant 0 : index
    %swap3A_41 = arith.constant 0 : index
    %swap3A_42 = vector.load %arg7[%swap3A, %swap3A_41] : memref<1024x64xf32, #tpu.memory_space<vmem>>, vector<1024x64xf32>
    tpu.vector_store %arg7[%swap3A, %swap3A_41], %select_n3A_40 {strides = array<i32>} : memref<1024x64xf32, #tpu.memory_space<vmem>>, vector<1024x64xf32>,
    return
  }
  func.func @transform_0(%arg0: i32) -> (i32, i32) {
    %c0_i32 = arith.constant 0 : i32
    %c0_i32_0 = arith.constant 0 : i32
    return %arg0, %c0_i32 : i32, i32
  }
  func.func @transform_1(%arg0: i32) -> (i32, i32) {
    %add3A = arith.constant 10 : i32
    %add3A_0 = arith.addi %arg0, %add3A : i32
    %c0_i32 = arith.constant 0 : i32
    %c0_i32_1 = arith.constant 0 : i32
    return %add3A_0, %c0_i32 : i32, i32
  }
  func.func @transform_2(%arg0: i32) -> (i32, i32) {
    %c0_i32 = arith.constant 0 : i32
    %c0_i32_0 = arith.constant 0 : i32
    return %arg0, %c0_i32 : i32, i32
  }
  func.func @transform_3(%arg0: i32) -> (i32, i32) {
    %c0_i32 = arith.constant 0 : i32
    %c0_i32_0 = arith.constant 0 : i32
    return %arg0, %c0_i32 : i32, i32
  }
  func.func @transform_4(%arg0: i32) -> (i32, i32) {
    %add3A = arith.constant 10 : i32
    %add3A_0 = arith.addi %arg0, %add3A : i32
    %c0_i32 = arith.constant 0 : i32
    %c0_i32_1 = arith.constant 0 : i32
    return %add3A_0, %c0_i32 : i32, i32
  }
  func.func @transform_5(%arg0: i32) -> (i32, i32) {
    %c0_i32 = arith.constant 0 : i32
    %c0_i32_0 = arith.constant 0 : i32
    %c0_i32_1 = arith.constant 0 : i32
    return %c0_i32, %c0_i32_0 : i32, i32
  }
  func.func @transform_6(%arg0: i32) -> (i32, i32) {
    %c0_i32 = arith.constant 0 : i32
    %c0_i32_0 = arith.constant 0 : i32
    return %arg0, %c0_i32 : i32, i32
  }
}

module attributes {stable_mosaic.version = 14 : i64} {
  func.func @_tc_b(%arg0: i32, %arg1: memref<1024x64xf32, #tpu.memory_space<vmem>>, %arg2: memref<1024x64xf32, #tpu.memory_space<vmem>>, %arg3: memref<1024x64xf32, #tpu.memory_space<vmem>>, %arg4: memref<1024x16xf32, #tpu.memory_space<vmem>>, %arg5: memref<1024x16xf32, #tpu.memory_space<vmem>>, %arg6: memref<1x128xf32, #tpu.memory_space<vmem>>, %arg7: memref<64x128xf32, #tpu.memory_space<vmem>>, %arg8: memref<1024x128xf32, #tpu.memory_space<vmem>>) attributes {dimension_semantics = [#tpu.dimension_semantics<arbitrary>], iteration_bounds = array<i64: 10>, scalar_prefetch = 0 : i64, scratch_operands = 0 : i64, tpu.core_type = #tpu.core_type<tc>, window_params = [{transform_indices = @transform_0, window_bounds = array<i64: 1024, 64>}, {transform_indices = @transform_1, window_bounds = array<i64: 1024, 64>}, {transform_indices = @transform_2, window_bounds = array<i64: 1024, 64>}, {transform_indices = @transform_3, window_bounds = array<i64: 1024, 16>}, {transform_indices = @transform_4, window_bounds = array<i64: 1024, 16>}, {pipeline_mode = #tpu.pipeline_mode<synchronous>, transform_indices = @transform_5, window_bounds = array<i64: 1, 128>}, {pipeline_mode = #tpu.pipeline_mode<synchronous>, transform_indices = @transform_6, window_bounds = array<i64: 64, 128>}, {transform_indices = @transform_7, window_bounds = array<i64: 1024, 128>}]} {
    %get3A = arith.constant 0 : index
    %get3A_0 = arith.constant 0 : index
    %get3A_1 = vector.load %arg4[%get3A, %get3A_0] : memref<1024x16xf32, #tpu.memory_space<vmem>>, vector<1024x1xf32>
    %get3A_2 = arith.constant 0 : index
    %get3A_3 = arith.constant 0 : index
    %get3A_4 = vector.load %arg5[%get3A_2, %get3A_3] : memref<1024x16xf32, #tpu.memory_space<vmem>>, vector<1024x1xf32>
    %add3A = arith.addf %get3A_1, %get3A_4 : vector<1024x1xf32>
    %add3A_5 = arith.constant 1.000000e+00 : f32
    %add3A_6 = vector.broadcast %add3A_5 : f32 to vector<1024x1xf32>
    %add3A_7 = arith.addf %add3A, %add3A_6 : vector<1024x1xf32>
    %rsqrt3A = math.rsqrt %add3A_7 : vector<1024x1xf32>
    %get3A_8 = arith.constant 0 : index
    %get3A_9 = arith.constant 0 : index
    %get3A_10 = vector.load %arg1[%get3A_8, %get3A_9] : memref<1024x64xf32, #tpu.memory_space<vmem>>, vector<1024x64xf32>
    %get3A_11 = arith.constant 0 : index
    %get3A_12 = arith.constant 0 : index
    %get3A_13 = vector.load %arg2[%get3A_11, %get3A_12] : memref<1024x64xf32, #tpu.memory_space<vmem>>, vector<1024x64xf32>
    %add3A_14 = arith.addf %get3A_10, %get3A_13 : vector<1024x64xf32>
    %get3A_15 = arith.constant 0 : index
    %get3A_16 = arith.constant 0 : index
    %get3A_17 = vector.load %arg3[%get3A_15, %get3A_16] : memref<1024x64xf32, #tpu.memory_space<vmem>>, vector<1024x64xf32>
    %add3A_18 = arith.addf %add3A_14, %get3A_17 : vector<1024x64xf32>
    %get3A_19 = arith.constant 0 : index
    %get3A_20 = arith.constant 0 : index
    %get3A_21 = vector.load %arg7[%get3A_19, %get3A_20] : memref<64x128xf32, #tpu.memory_space<vmem>>, vector<64x128xf32>
    %dot_general3A = arith.constant dense<0.000000e+00> : vector<1024x128xf32>
    %dot_general3A_22 = tpu.matmul %add3A_18, %get3A_21, %dot_general3A {dimension_numbers = #tpu.dot_dimension_numbers<[1], [0], [0], [1], [0, 0, 1, 1], [], []>, transpose_lhs_hint = false} : vector<1024x64xf32>, vector<64x128xf32>, vector<1024x128xf32> -> vector<1024x128xf32>
    %mul3A = vector.broadcast %rsqrt3A : vector<1024x1xf32> to vector<1024x128xf32>
    %mul3A_23 = arith.mulf %mul3A, %dot_general3A_22 : vector<1024x128xf32>
    %get3A_24 = arith.constant 0 : index
    %get3A_25 = arith.constant 0 : index
    %get3A_26 = vector.load %arg6[%get3A_24, %get3A_25] : memref<1x128xf32, #tpu.memory_space<vmem>>, vector<1x128xf32>
    %add3A_27 = vector.broadcast %get3A_26 : vector<1x128xf32> to vector<1024x128xf32>
    %add3A_28 = arith.addf %mul3A_23, %add3A_27 : vector<1024x128xf32>
    %iota3A = tpu.iota {dimensions = array<i32: 0>} : vector<1024x1xi32>
    %mul3A_29 = arith.constant 1024 : i32
    %mul3A_30 = arith.muli %arg0, %mul3A_29 : i32
    %add3A_31 = vector.broadcast %mul3A_30 : i32 to vector<1024x1xi32>
    %add3A_32 = arith.addi %iota3A, %add3A_31 : vector<1024x1xi32>
    %lt3A = arith.constant 10000 : i32
    %lt3A_33 = vector.broadcast %lt3A : i32 to vector<1024x1xi32>
    %lt3A_34 = arith.cmpi slt, %add3A_32, %lt3A_33 : vector<1024x1xi32>
    %gt3A = arith.constant 0.000000e+00 : f32
    %gt3A_35 = vector.broadcast %gt3A : f32 to vector<1024x128xf32>
    %gt3A_36 = arith.cmpf ogt, %add3A_28, %gt3A_35 : vector<1024x128xf32>
    %mul3A_37 = arith.constant 0.00999999977 : f32
    %mul3A_38 = vector.broadcast %mul3A_37 : f32 to vector<1024x128xf32>
    %mul3A_39 = arith.mulf %mul3A_38, %add3A_28 : vector<1024x128xf32>
    %select_n3A = arith.select %gt3A_36, %add3A_28, %mul3A_39 : vector<1024x128xi1>, vector<1024x128xf32>
    %mul3A_40 = vector.broadcast %rsqrt3A : vector<1024x1xf32> to vector<1024x128xf32>
    %mul3A_41 = arith.mulf %select_n3A, %mul3A_40 : vector<1024x128xf32>
    %jit3A = arith.constant 0.000000e+00 : f32
    %broadcast_in_dim3A = vector.shape_cast %lt3A_34 : vector<1024x1xi1> to vector<1024x1xi1>
    %broadcast_in_dim3A_42 = vector.broadcast %broadcast_in_dim3A : vector<1024x1xi1> to vector<1024x128xi1>
    %broadcast_in_dim3A_43 = vector.broadcast %jit3A : f32 to vector<1024x128xf32>
    %select_n3A_44 = arith.select %broadcast_in_dim3A_42, %mul3A_41, %broadcast_in_dim3A_43 : vector<1024x128xi1>, vector<1024x128xf32>
    %swap3A = arith.constant 0 : index
    %swap3A_45 = arith.constant 0 : index
    %swap3A_46 = vector.load %arg8[%swap3A, %swap3A_45] : memref<1024x128xf32, #tpu.memory_space<vmem>>, vector<1024x128xf32>
    tpu.vector_store %arg8[%swap3A, %swap3A_45], %select_n3A_44 {strides = array<i32>} : memref<1024x128xf32, #tpu.memory_space<vmem>>, vector<1024x128xf32>,
    return
  }
  func.func @transform_0(%arg0: i32) -> (i32, i32) {
    %c0_i32 = arith.constant 0 : i32
    %c0_i32_0 = arith.constant 0 : i32
    return %arg0, %c0_i32 : i32, i32
  }
  func.func @transform_1(%arg0: i32) -> (i32, i32) {
    %add3A = arith.constant 10 : i32
    %add3A_0 = arith.addi %arg0, %add3A : i32
    %c0_i32 = arith.constant 0 : i32
    %c0_i32_1 = arith.constant 0 : i32
    return %add3A_0, %c0_i32 : i32, i32
  }
  func.func @transform_2(%arg0: i32) -> (i32, i32) {
    %c0_i32 = arith.constant 0 : i32
    %c0_i32_0 = arith.constant 0 : i32
    return %arg0, %c0_i32 : i32, i32
  }
  func.func @transform_3(%arg0: i32) -> (i32, i32) {
    %c0_i32 = arith.constant 0 : i32
    %c0_i32_0 = arith.constant 0 : i32
    return %arg0, %c0_i32 : i32, i32
  }
  func.func @transform_4(%arg0: i32) -> (i32, i32) {
    %add3A = arith.constant 10 : i32
    %add3A_0 = arith.addi %arg0, %add3A : i32
    %c0_i32 = arith.constant 0 : i32
    %c0_i32_1 = arith.constant 0 : i32
    return %add3A_0, %c0_i32 : i32, i32
  }
  func.func @transform_5(%arg0: i32) -> (i32, i32) {
    %c0_i32 = arith.constant 0 : i32
    %c0_i32_0 = arith.constant 0 : i32
    %c0_i32_1 = arith.constant 0 : i32
    return %c0_i32, %c0_i32_0 : i32, i32
  }
  func.func @transform_6(%arg0: i32) -> (i32, i32) {
    %c0_i32 = arith.constant 0 : i32
    %c0_i32_0 = arith.constant 0 : i32
    %c0_i32_1 = arith.constant 0 : i32
    return %c0_i32, %c0_i32_0 : i32, i32
  }
  func.func @transform_7(%arg0: i32) -> (i32, i32) {
    %c0_i32 = arith.constant 0 : i32
    %c0_i32_0 = arith.constant 0 : i32
    return %arg0, %c0_i32 : i32, i32
  }
}

module attributes {stable_mosaic.version = 14 : i64} {
  func.func @_tc_final(%arg0: i32, %arg1: memref<1024x128xf32, #tpu.memory_space<vmem>>, %arg2: memref<1024x128xf32, #tpu.memory_space<vmem>>, %arg3: memref<1024x128xf32, #tpu.memory_space<vmem>>, %arg4: memref<1024x16xf32, #tpu.memory_space<vmem>>, %arg5: memref<1024x16xf32, #tpu.memory_space<vmem>>, %arg6: memref<1x256xf32, #tpu.memory_space<vmem>>, %arg7: memref<128x256xf32, #tpu.memory_space<vmem>>, %arg8: memref<1x1024x1xi32, #tpu.memory_space<vmem>>, %arg9: memref<512x1024xf32, #tpu.memory_space<vmem>>, %arg10: memref<1x1024xf32, #tpu.memory_space<vmem>>, %arg11: memref<1024x512xf32, #tpu.memory_space<vmem>>, %arg12: memref<1x512xf32, #tpu.memory_space<vmem>>, %arg13: memref<512x4xf32, #tpu.memory_space<vmem>>, %arg14: memref<1x4xf32, #tpu.memory_space<vmem>>, %arg15: memref<32x4xf32, #tpu.memory_space<vmem>>, %arg16: memref<32x256xf32, #tpu.memory_space<vmem>>) attributes {dimension_semantics = [#tpu.dimension_semantics<arbitrary>], iteration_bounds = array<i64: 10>, scalar_prefetch = 0 : i64, scratch_operands = 1 : i64, tpu.core_type = #tpu.core_type<tc>, window_params = [{transform_indices = @transform_0, window_bounds = array<i64: 1024, 128>}, {transform_indices = @transform_1, window_bounds = array<i64: 1024, 128>}, {transform_indices = @transform_2, window_bounds = array<i64: 1024, 128>}, {transform_indices = @transform_3, window_bounds = array<i64: 1024, 16>}, {transform_indices = @transform_4, window_bounds = array<i64: 1024, 16>}, {pipeline_mode = #tpu.pipeline_mode<synchronous>, transform_indices = @transform_5, window_bounds = array<i64: 1, 256>}, {pipeline_mode = #tpu.pipeline_mode<synchronous>, transform_indices = @transform_6, window_bounds = array<i64: 128, 256>}, {transform_indices = @transform_7, window_bounds = array<i64: 1, 1024, 1>}, {pipeline_mode = #tpu.pipeline_mode<synchronous>, transform_indices = @transform_8, window_bounds = array<i64: 512, 1024>}, {pipeline_mode = #tpu.pipeline_mode<synchronous>, transform_indices = @transform_9, window_bounds = array<i64: 1, 1024>}, {pipeline_mode = #tpu.pipeline_mode<synchronous>, transform_indices = @transform_10, window_bounds = array<i64: 1024, 512>}, {pipeline_mode = #tpu.pipeline_mode<synchronous>, transform_indices = @transform_11, window_bounds = array<i64: 1, 512>}, {pipeline_mode = #tpu.pipeline_mode<synchronous>, transform_indices = @transform_12, window_bounds = array<i64: 512, 4>}, {pipeline_mode = #tpu.pipeline_mode<synchronous>, transform_indices = @transform_13, window_bounds = array<i64: 1, 4>}, {pipeline_mode = #tpu.pipeline_mode<synchronous>, transform_indices = @transform_14, window_bounds = array<i64: 32, 4>}]} {
    %eq3A = arith.constant 0 : i32
    %eq3A_0 = arith.cmpi eq, %arg0, %eq3A : i32
    %convert_element_type3A = arith.extui %eq3A_0 : i1 to i32
    %cond3A = arith.constant 0 : i32
    %cond3A_1 = arith.cmpi ne, %convert_element_type3A, %cond3A : i32
    scf.if %cond3A_1 {
      %broadcast_in_dim3A = arith.constant -1.000000e+30 : f32
      %broadcast_in_dim3A_302 = vector.broadcast %broadcast_in_dim3A : f32 to vector<32x256xf32>
      %swap3A = arith.constant 0 : index
      %swap3A_303 = arith.constant 0 : index
      %swap3A_304 = vector.load %arg16[%swap3A, %swap3A_303] : memref<32x256xf32, #tpu.memory_space<vmem>>, vector<32x256xf32>
      tpu.vector_store %arg16[%swap3A, %swap3A_303], %broadcast_in_dim3A_302 {strides = array<i32>} : memref<32x256xf32, #tpu.memory_space<vmem>>, vector<32x256xf32>,
    } else {
    }
    %get3A = arith.constant 0 : index
    %get3A_2 = arith.constant 0 : index
    %get3A_3 = vector.load %arg4[%get3A, %get3A_2] : memref<1024x16xf32, #tpu.memory_space<vmem>>, vector<1024x1xf32>
    %get3A_4 = arith.constant 0 : index
    %get3A_5 = arith.constant 0 : index
    %get3A_6 = vector.load %arg5[%get3A_4, %get3A_5] : memref<1024x16xf32, #tpu.memory_space<vmem>>, vector<1024x1xf32>
    %add3A = arith.addf %get3A_3, %get3A_6 : vector<1024x1xf32>
    %add3A_7 = arith.constant 1.000000e+00 : f32
    %add3A_8 = vector.broadcast %add3A_7 : f32 to vector<1024x1xf32>
    %add3A_9 = arith.addf %add3A, %add3A_8 : vector<1024x1xf32>
    %rsqrt3A = math.rsqrt %add3A_9 : vector<1024x1xf32>
    %get3A_10 = arith.constant 0 : index
    %get3A_11 = arith.constant 0 : index
    %get3A_12 = vector.load %arg1[%get3A_10, %get3A_11] : memref<1024x128xf32, #tpu.memory_space<vmem>>, vector<1024x128xf32>
    %get3A_13 = arith.constant 0 : index
    %get3A_14 = arith.constant 0 : index
    %get3A_15 = vector.load %arg2[%get3A_13, %get3A_14] : memref<1024x128xf32, #tpu.memory_space<vmem>>, vector<1024x128xf32>
    %add3A_16 = arith.addf %get3A_12, %get3A_15 : vector<1024x128xf32>
    %get3A_17 = arith.constant 0 : index
    %get3A_18 = arith.constant 0 : index
    %get3A_19 = vector.load %arg3[%get3A_17, %get3A_18] : memref<1024x128xf32, #tpu.memory_space<vmem>>, vector<1024x128xf32>
    %add3A_20 = arith.addf %add3A_16, %get3A_19 : vector<1024x128xf32>
    %get3A_21 = arith.constant 0 : index
    %get3A_22 = arith.constant 0 : index
    %get3A_23 = vector.load %arg7[%get3A_21, %get3A_22] : memref<128x256xf32, #tpu.memory_space<vmem>>, vector<128x256xf32>
    %dot_general3A = arith.constant dense<0.000000e+00> : vector<1024x256xf32>
    %dot_general3A_24 = tpu.matmul %add3A_20, %get3A_23, %dot_general3A {dimension_numbers = #tpu.dot_dimension_numbers<[1], [0], [0], [1], [0, 0, 1, 1], [], []>, transpose_lhs_hint = false} : vector<1024x128xf32>, vector<128x256xf32>, vector<1024x256xf32> -> vector<1024x256xf32>
    %mul3A = vector.broadcast %rsqrt3A : vector<1024x1xf32> to vector<1024x256xf32>
    %mul3A_25 = arith.mulf %mul3A, %dot_general3A_24 : vector<1024x256xf32>
    %get3A_26 = arith.constant 0 : index
    %get3A_27 = arith.constant 0 : index
    %get3A_28 = vector.load %arg6[%get3A_26, %get3A_27] : memref<1x256xf32, #tpu.memory_space<vmem>>, vector<1x256xf32>
    %add3A_29 = vector.broadcast %get3A_28 : vector<1x256xf32> to vector<1024x256xf32>
    %add3A_30 = arith.addf %mul3A_25, %add3A_29 : vector<1024x256xf32>
    %get3A_31 = arith.constant 0 : index
    %get3A_32 = arith.constant 0 : index
    %get3A_33 = arith.constant 0 : index
    %get3A_34 = vector.load %arg8[%get3A_31, %get3A_32, %get3A_33] : memref<1x1024x1xi32, #tpu.memory_space<vmem>>, vector<1x1024x1xi32>
    %get3A_35 = vector.shape_cast %get3A_34 : vector<1x1024x1xi32> to vector<1024x1xi32>
    %reduce_min3A = vector.shape_cast %get3A_35 : vector<1024x1xi32> to vector<1x1024x1xi32>
    %reduce_min3A_36 = arith.constant dense<2147483647> : vector<1xi32>
    %reduce_min3A_37 = vector.multi_reduction <minsi>, %reduce_min3A, %reduce_min3A_36 [1, 2] : vector<1x1024x1xi32> to vector<1xi32>
    %reduce_min3A_38 = vector.shape_cast %reduce_min3A_37 : vector<1xi32> to vector<1x1x1xi32>
    %reduce_min3A_39 = vector.extract %reduce_min3A_38[0, 0, 0] : i32 from vector<1x1x1xi32>
    %reduce_max3A = vector.shape_cast %get3A_35 : vector<1024x1xi32> to vector<1x1024x1xi32>
    %reduce_max3A_40 = arith.constant dense<-2147483648> : vector<1xi32>
    %reduce_max3A_41 = vector.multi_reduction <maxsi>, %reduce_max3A, %reduce_max3A_40 [1, 2] : vector<1x1024x1xi32> to vector<1xi32>
    %reduce_max3A_42 = vector.shape_cast %reduce_max3A_41 : vector<1xi32> to vector<1x1x1xi32>
    %reduce_max3A_43 = vector.extract %reduce_max3A_42[0, 0, 0] : i32 from vector<1x1x1xi32>
    %le3A = arith.constant 0 : i32
    %le3A_44 = arith.cmpi sle, %reduce_min3A_39, %le3A : i32
    %ge3A = arith.constant 0 : i32
    %ge3A_45 = arith.cmpi sge, %reduce_max3A_43, %ge3A : i32
    %and3A = arith.andi %le3A_44, %ge3A_45 : i1
    %convert_element_type3A_46 = arith.extui %and3A : i1 to i32
    %cond3A_47 = arith.constant 0 : i32
    %cond3A_48 = arith.cmpi ne, %convert_element_type3A_46, %cond3A_47 : i32
    scf.if %cond3A_48 {
      %eq3A_302 = arith.constant 0 : i32
      %eq3A_303 = vector.broadcast %eq3A_302 : i32 to vector<1024x1xi32>
      %eq3A_304 = arith.cmpi eq, %get3A_35, %eq3A_303 : vector<1024x1xi32>
      %jit3A = arith.constant -1.000000e+30 : f32
      %broadcast_in_dim3A = vector.shape_cast %eq3A_304 : vector<1024x1xi1> to vector<1024x1xi1>
      %broadcast_in_dim3A_305 = vector.broadcast %broadcast_in_dim3A : vector<1024x1xi1> to vector<1024x256xi1>
      %broadcast_in_dim3A_306 = vector.broadcast %jit3A : f32 to vector<1024x256xf32>
      %select_n3A = arith.select %broadcast_in_dim3A_305, %add3A_30, %broadcast_in_dim3A_306 : vector<1024x256xi1>, vector<1024x256xf32>
      %reduce_max3A_307 = arith.constant dense<0xFF800000> : vector<256xf32>
      %reduce_max3A_308 = vector.multi_reduction <maximumf>, %select_n3A, %reduce_max3A_307 [0] : vector<1024x256xf32> to vector<256xf32>
      %broadcast_in_dim3A_309 = vector.shape_cast %reduce_max3A_308 : vector<256xf32> to vector<1x256xf32>
      %get3A_310 = arith.constant 0 : index
      %get3A_311 = arith.constant 0 : index
      %get3A_312 = vector.load %arg16[%get3A_310, %get3A_311] : memref<32x256xf32, #tpu.memory_space<vmem>>, vector<1x256xf32>
      %max3A = arith.maximumf %get3A_312, %broadcast_in_dim3A_309 : vector<1x256xf32>
      %swap3A = arith.constant 0 : index
      %swap3A_313 = arith.constant 0 : index
      %swap3A_314 = vector.load %arg16[%swap3A, %swap3A_313] : memref<32x256xf32, #tpu.memory_space<vmem>>, vector<1x256xf32>
      tpu.vector_store %arg16[%swap3A, %swap3A_313], %max3A {strides = array<i32>} : memref<32x256xf32, #tpu.memory_space<vmem>>, vector<1x256xf32>,
    } else {
    }
    %le3A_49 = arith.constant 1 : i32
    %le3A_50 = arith.cmpi sle, %reduce_min3A_39, %le3A_49 : i32
    %ge3A_51 = arith.constant 1 : i32
    %ge3A_52 = arith.cmpi sge, %reduce_max3A_43, %ge3A_51 : i32
    %and3A_53 = arith.andi %le3A_50, %ge3A_52 : i1
    %convert_element_type3A_54 = arith.extui %and3A_53 : i1 to i32
    %cond3A_55 = arith.constant 0 : i32
    %cond3A_56 = arith.cmpi ne, %convert_element_type3A_54, %cond3A_55 : i32
    scf.if %cond3A_56 {
      %eq3A_302 = arith.constant 1 : i32
      %eq3A_303 = vector.broadcast %eq3A_302 : i32 to vector<1024x1xi32>
      %eq3A_304 = arith.cmpi eq, %get3A_35, %eq3A_303 : vector<1024x1xi32>
      %jit3A = arith.constant -1.000000e+30 : f32
      %broadcast_in_dim3A = vector.shape_cast %eq3A_304 : vector<1024x1xi1> to vector<1024x1xi1>
      %broadcast_in_dim3A_305 = vector.broadcast %broadcast_in_dim3A : vector<1024x1xi1> to vector<1024x256xi1>
      %broadcast_in_dim3A_306 = vector.broadcast %jit3A : f32 to vector<1024x256xf32>
      %select_n3A = arith.select %broadcast_in_dim3A_305, %add3A_30, %broadcast_in_dim3A_306 : vector<1024x256xi1>, vector<1024x256xf32>
      %reduce_max3A_307 = arith.constant dense<0xFF800000> : vector<256xf32>
      %reduce_max3A_308 = vector.multi_reduction <maximumf>, %select_n3A, %reduce_max3A_307 [0] : vector<1024x256xf32> to vector<256xf32>
      %broadcast_in_dim3A_309 = vector.shape_cast %reduce_max3A_308 : vector<256xf32> to vector<1x256xf32>
      %get3A_310 = arith.constant 1 : index
      %get3A_311 = arith.constant 0 : index
      %get3A_312 = vector.load %arg16[%get3A_310, %get3A_311] : memref<32x256xf32, #tpu.memory_space<vmem>>, vector<1x256xf32>
      %max3A = arith.maximumf %get3A_312, %broadcast_in_dim3A_309 : vector<1x256xf32>
      %swap3A = arith.constant 1 : index
      %swap3A_313 = arith.constant 0 : index
      %swap3A_314 = vector.load %arg16[%swap3A, %swap3A_313] : memref<32x256xf32, #tpu.memory_space<vmem>>, vector<1x256xf32>
      tpu.vector_store %arg16[%swap3A, %swap3A_313], %max3A {strides = array<i32>} : memref<32x256xf32, #tpu.memory_space<vmem>>, vector<1x256xf32>,
    } else {
    }
    %le3A_57 = arith.constant 2 : i32
    %le3A_58 = arith.cmpi sle, %reduce_min3A_39, %le3A_57 : i32
    %ge3A_59 = arith.constant 2 : i32
    %ge3A_60 = arith.cmpi sge, %reduce_max3A_43, %ge3A_59 : i32
    %and3A_61 = arith.andi %le3A_58, %ge3A_60 : i1
    %convert_element_type3A_62 = arith.extui %and3A_61 : i1 to i32
    %cond3A_63 = arith.constant 0 : i32
    %cond3A_64 = arith.cmpi ne, %convert_element_type3A_62, %cond3A_63 : i32
    scf.if %cond3A_64 {
      %eq3A_302 = arith.constant 2 : i32
      %eq3A_303 = vector.broadcast %eq3A_302 : i32 to vector<1024x1xi32>
      %eq3A_304 = arith.cmpi eq, %get3A_35, %eq3A_303 : vector<1024x1xi32>
      %jit3A = arith.constant -1.000000e+30 : f32
      %broadcast_in_dim3A = vector.shape_cast %eq3A_304 : vector<1024x1xi1> to vector<1024x1xi1>
      %broadcast_in_dim3A_305 = vector.broadcast %broadcast_in_dim3A : vector<1024x1xi1> to vector<1024x256xi1>
      %broadcast_in_dim3A_306 = vector.broadcast %jit3A : f32 to vector<1024x256xf32>
      %select_n3A = arith.select %broadcast_in_dim3A_305, %add3A_30, %broadcast_in_dim3A_306 : vector<1024x256xi1>, vector<1024x256xf32>
      %reduce_max3A_307 = arith.constant dense<0xFF800000> : vector<256xf32>
      %reduce_max3A_308 = vector.multi_reduction <maximumf>, %select_n3A, %reduce_max3A_307 [0] : vector<1024x256xf32> to vector<256xf32>
      %broadcast_in_dim3A_309 = vector.shape_cast %reduce_max3A_308 : vector<256xf32> to vector<1x256xf32>
      %get3A_310 = arith.constant 2 : index
      %get3A_311 = arith.constant 0 : index
      %get3A_312 = vector.load %arg16[%get3A_310, %get3A_311] : memref<32x256xf32, #tpu.memory_space<vmem>>, vector<1x256xf32>
      %max3A = arith.maximumf %get3A_312, %broadcast_in_dim3A_309 : vector<1x256xf32>
      %swap3A = arith.constant 2 : index
      %swap3A_313 = arith.constant 0 : index
      %swap3A_314 = vector.load %arg16[%swap3A, %swap3A_313] : memref<32x256xf32, #tpu.memory_space<vmem>>, vector<1x256xf32>
      tpu.vector_store %arg16[%swap3A, %swap3A_313], %max3A {strides = array<i32>} : memref<32x256xf32, #tpu.memory_space<vmem>>, vector<1x256xf32>,
    } else {
    }
    %le3A_65 = arith.constant 3 : i32
    %le3A_66 = arith.cmpi sle, %reduce_min3A_39, %le3A_65 : i32
    %ge3A_67 = arith.constant 3 : i32
    %ge3A_68 = arith.cmpi sge, %reduce_max3A_43, %ge3A_67 : i32
    %and3A_69 = arith.andi %le3A_66, %ge3A_68 : i1
    %convert_element_type3A_70 = arith.extui %and3A_69 : i1 to i32
    %cond3A_71 = arith.constant 0 : i32
    %cond3A_72 = arith.cmpi ne, %convert_element_type3A_70, %cond3A_71 : i32
    scf.if %cond3A_72 {
      %eq3A_302 = arith.constant 3 : i32
      %eq3A_303 = vector.broadcast %eq3A_302 : i32 to vector<1024x1xi32>
      %eq3A_304 = arith.cmpi eq, %get3A_35, %eq3A_303 : vector<1024x1xi32>
      %jit3A = arith.constant -1.000000e+30 : f32
      %broadcast_in_dim3A = vector.shape_cast %eq3A_304 : vector<1024x1xi1> to vector<1024x1xi1>
      %broadcast_in_dim3A_305 = vector.broadcast %broadcast_in_dim3A : vector<1024x1xi1> to vector<1024x256xi1>
      %broadcast_in_dim3A_306 = vector.broadcast %jit3A : f32 to vector<1024x256xf32>
      %select_n3A = arith.select %broadcast_in_dim3A_305, %add3A_30, %broadcast_in_dim3A_306 : vector<1024x256xi1>, vector<1024x256xf32>
      %reduce_max3A_307 = arith.constant dense<0xFF800000> : vector<256xf32>
      %reduce_max3A_308 = vector.multi_reduction <maximumf>, %select_n3A, %reduce_max3A_307 [0] : vector<1024x256xf32> to vector<256xf32>
      %broadcast_in_dim3A_309 = vector.shape_cast %reduce_max3A_308 : vector<256xf32> to vector<1x256xf32>
      %get3A_310 = arith.constant 3 : index
      %get3A_311 = arith.constant 0 : index
      %get3A_312 = vector.load %arg16[%get3A_310, %get3A_311] : memref<32x256xf32, #tpu.memory_space<vmem>>, vector<1x256xf32>
      %max3A = arith.maximumf %get3A_312, %broadcast_in_dim3A_309 : vector<1x256xf32>
      %swap3A = arith.constant 3 : index
      %swap3A_313 = arith.constant 0 : index
      %swap3A_314 = vector.load %arg16[%swap3A, %swap3A_313] : memref<32x256xf32, #tpu.memory_space<vmem>>, vector<1x256xf32>
      tpu.vector_store %arg16[%swap3A, %swap3A_313], %max3A {strides = array<i32>} : memref<32x256xf32, #tpu.memory_space<vmem>>, vector<1x256xf32>,
    } else {
    }
    %le3A_73 = arith.constant 4 : i32
    %le3A_74 = arith.cmpi sle, %reduce_min3A_39, %le3A_73 : i32
    %ge3A_75 = arith.constant 4 : i32
    %ge3A_76 = arith.cmpi sge, %reduce_max3A_43, %ge3A_75 : i32
    %and3A_77 = arith.andi %le3A_74, %ge3A_76 : i1
    %convert_element_type3A_78 = arith.extui %and3A_77 : i1 to i32
    %cond3A_79 = arith.constant 0 : i32
    %cond3A_80 = arith.cmpi ne, %convert_element_type3A_78, %cond3A_79 : i32
    scf.if %cond3A_80 {
      %eq3A_302 = arith.constant 4 : i32
      %eq3A_303 = vector.broadcast %eq3A_302 : i32 to vector<1024x1xi32>
      %eq3A_304 = arith.cmpi eq, %get3A_35, %eq3A_303 : vector<1024x1xi32>
      %jit3A = arith.constant -1.000000e+30 : f32
      %broadcast_in_dim3A = vector.shape_cast %eq3A_304 : vector<1024x1xi1> to vector<1024x1xi1>
      %broadcast_in_dim3A_305 = vector.broadcast %broadcast_in_dim3A : vector<1024x1xi1> to vector<1024x256xi1>
      %broadcast_in_dim3A_306 = vector.broadcast %jit3A : f32 to vector<1024x256xf32>
      %select_n3A = arith.select %broadcast_in_dim3A_305, %add3A_30, %broadcast_in_dim3A_306 : vector<1024x256xi1>, vector<1024x256xf32>
      %reduce_max3A_307 = arith.constant dense<0xFF800000> : vector<256xf32>
      %reduce_max3A_308 = vector.multi_reduction <maximumf>, %select_n3A, %reduce_max3A_307 [0] : vector<1024x256xf32> to vector<256xf32>
      %broadcast_in_dim3A_309 = vector.shape_cast %reduce_max3A_308 : vector<256xf32> to vector<1x256xf32>
      %get3A_310 = arith.constant 4 : index
      %get3A_311 = arith.constant 0 : index
      %get3A_312 = vector.load %arg16[%get3A_310, %get3A_311] : memref<32x256xf32, #tpu.memory_space<vmem>>, vector<1x256xf32>
      %max3A = arith.maximumf %get3A_312, %broadcast_in_dim3A_309 : vector<1x256xf32>
      %swap3A = arith.constant 4 : index
      %swap3A_313 = arith.constant 0 : index
      %swap3A_314 = vector.load %arg16[%swap3A, %swap3A_313] : memref<32x256xf32, #tpu.memory_space<vmem>>, vector<1x256xf32>
      tpu.vector_store %arg16[%swap3A, %swap3A_313], %max3A {strides = array<i32>} : memref<32x256xf32, #tpu.memory_space<vmem>>, vector<1x256xf32>,
    } else {
    }
    %le3A_81 = arith.constant 5 : i32
    %le3A_82 = arith.cmpi sle, %reduce_min3A_39, %le3A_81 : i32
    %ge3A_83 = arith.constant 5 : i32
    %ge3A_84 = arith.cmpi sge, %reduce_max3A_43, %ge3A_83 : i32
    %and3A_85 = arith.andi %le3A_82, %ge3A_84 : i1
    %convert_element_type3A_86 = arith.extui %and3A_85 : i1 to i32
    %cond3A_87 = arith.constant 0 : i32
    %cond3A_88 = arith.cmpi ne, %convert_element_type3A_86, %cond3A_87 : i32
    scf.if %cond3A_88 {
      %eq3A_302 = arith.constant 5 : i32
      %eq3A_303 = vector.broadcast %eq3A_302 : i32 to vector<1024x1xi32>
      %eq3A_304 = arith.cmpi eq, %get3A_35, %eq3A_303 : vector<1024x1xi32>
      %jit3A = arith.constant -1.000000e+30 : f32
      %broadcast_in_dim3A = vector.shape_cast %eq3A_304 : vector<1024x1xi1> to vector<1024x1xi1>
      %broadcast_in_dim3A_305 = vector.broadcast %broadcast_in_dim3A : vector<1024x1xi1> to vector<1024x256xi1>
      %broadcast_in_dim3A_306 = vector.broadcast %jit3A : f32 to vector<1024x256xf32>
      %select_n3A = arith.select %broadcast_in_dim3A_305, %add3A_30, %broadcast_in_dim3A_306 : vector<1024x256xi1>, vector<1024x256xf32>
      %reduce_max3A_307 = arith.constant dense<0xFF800000> : vector<256xf32>
      %reduce_max3A_308 = vector.multi_reduction <maximumf>, %select_n3A, %reduce_max3A_307 [0] : vector<1024x256xf32> to vector<256xf32>
      %broadcast_in_dim3A_309 = vector.shape_cast %reduce_max3A_308 : vector<256xf32> to vector<1x256xf32>
      %get3A_310 = arith.constant 5 : index
      %get3A_311 = arith.constant 0 : index
      %get3A_312 = vector.load %arg16[%get3A_310, %get3A_311] : memref<32x256xf32, #tpu.memory_space<vmem>>, vector<1x256xf32>
      %max3A = arith.maximumf %get3A_312, %broadcast_in_dim3A_309 : vector<1x256xf32>
      %swap3A = arith.constant 5 : index
      %swap3A_313 = arith.constant 0 : index
      %swap3A_314 = vector.load %arg16[%swap3A, %swap3A_313] : memref<32x256xf32, #tpu.memory_space<vmem>>, vector<1x256xf32>
      tpu.vector_store %arg16[%swap3A, %swap3A_313], %max3A {strides = array<i32>} : memref<32x256xf32, #tpu.memory_space<vmem>>, vector<1x256xf32>,
    } else {
    }
    %le3A_89 = arith.constant 6 : i32
    %le3A_90 = arith.cmpi sle, %reduce_min3A_39, %le3A_89 : i32
    %ge3A_91 = arith.constant 6 : i32
    %ge3A_92 = arith.cmpi sge, %reduce_max3A_43, %ge3A_91 : i32
    %and3A_93 = arith.andi %le3A_90, %ge3A_92 : i1
    %convert_element_type3A_94 = arith.extui %and3A_93 : i1 to i32
    %cond3A_95 = arith.constant 0 : i32
    %cond3A_96 = arith.cmpi ne, %convert_element_type3A_94, %cond3A_95 : i32
    scf.if %cond3A_96 {
      %eq3A_302 = arith.constant 6 : i32
      %eq3A_303 = vector.broadcast %eq3A_302 : i32 to vector<1024x1xi32>
      %eq3A_304 = arith.cmpi eq, %get3A_35, %eq3A_303 : vector<1024x1xi32>
      %jit3A = arith.constant -1.000000e+30 : f32
      %broadcast_in_dim3A = vector.shape_cast %eq3A_304 : vector<1024x1xi1> to vector<1024x1xi1>
      %broadcast_in_dim3A_305 = vector.broadcast %broadcast_in_dim3A : vector<1024x1xi1> to vector<1024x256xi1>
      %broadcast_in_dim3A_306 = vector.broadcast %jit3A : f32 to vector<1024x256xf32>
      %select_n3A = arith.select %broadcast_in_dim3A_305, %add3A_30, %broadcast_in_dim3A_306 : vector<1024x256xi1>, vector<1024x256xf32>
      %reduce_max3A_307 = arith.constant dense<0xFF800000> : vector<256xf32>
      %reduce_max3A_308 = vector.multi_reduction <maximumf>, %select_n3A, %reduce_max3A_307 [0] : vector<1024x256xf32> to vector<256xf32>
      %broadcast_in_dim3A_309 = vector.shape_cast %reduce_max3A_308 : vector<256xf32> to vector<1x256xf32>
      %get3A_310 = arith.constant 6 : index
      %get3A_311 = arith.constant 0 : index
      %get3A_312 = vector.load %arg16[%get3A_310, %get3A_311] : memref<32x256xf32, #tpu.memory_space<vmem>>, vector<1x256xf32>
      %max3A = arith.maximumf %get3A_312, %broadcast_in_dim3A_309 : vector<1x256xf32>
      %swap3A = arith.constant 6 : index
      %swap3A_313 = arith.constant 0 : index
      %swap3A_314 = vector.load %arg16[%swap3A, %swap3A_313] : memref<32x256xf32, #tpu.memory_space<vmem>>, vector<1x256xf32>
      tpu.vector_store %arg16[%swap3A, %swap3A_313], %max3A {strides = array<i32>} : memref<32x256xf32, #tpu.memory_space<vmem>>, vector<1x256xf32>,
    } else {
    }
    %le3A_97 = arith.constant 7 : i32
    %le3A_98 = arith.cmpi sle, %reduce_min3A_39, %le3A_97 : i32
    %ge3A_99 = arith.constant 7 : i32
    %ge3A_100 = arith.cmpi sge, %reduce_max3A_43, %ge3A_99 : i32
    %and3A_101 = arith.andi %le3A_98, %ge3A_100 : i1
    %convert_element_type3A_102 = arith.extui %and3A_101 : i1 to i32
    %cond3A_103 = arith.constant 0 : i32
    %cond3A_104 = arith.cmpi ne, %convert_element_type3A_102, %cond3A_103 : i32
    scf.if %cond3A_104 {
      %eq3A_302 = arith.constant 7 : i32
      %eq3A_303 = vector.broadcast %eq3A_302 : i32 to vector<1024x1xi32>
      %eq3A_304 = arith.cmpi eq, %get3A_35, %eq3A_303 : vector<1024x1xi32>
      %jit3A = arith.constant -1.000000e+30 : f32
      %broadcast_in_dim3A = vector.shape_cast %eq3A_304 : vector<1024x1xi1> to vector<1024x1xi1>
      %broadcast_in_dim3A_305 = vector.broadcast %broadcast_in_dim3A : vector<1024x1xi1> to vector<1024x256xi1>
      %broadcast_in_dim3A_306 = vector.broadcast %jit3A : f32 to vector<1024x256xf32>
      %select_n3A = arith.select %broadcast_in_dim3A_305, %add3A_30, %broadcast_in_dim3A_306 : vector<1024x256xi1>, vector<1024x256xf32>
      %reduce_max3A_307 = arith.constant dense<0xFF800000> : vector<256xf32>
      %reduce_max3A_308 = vector.multi_reduction <maximumf>, %select_n3A, %reduce_max3A_307 [0] : vector<1024x256xf32> to vector<256xf32>
      %broadcast_in_dim3A_309 = vector.shape_cast %reduce_max3A_308 : vector<256xf32> to vector<1x256xf32>
      %get3A_310 = arith.constant 7 : index
      %get3A_311 = arith.constant 0 : index
      %get3A_312 = vector.load %arg16[%get3A_310, %get3A_311] : memref<32x256xf32, #tpu.memory_space<vmem>>, vector<1x256xf32>
      %max3A = arith.maximumf %get3A_312, %broadcast_in_dim3A_309 : vector<1x256xf32>
      %swap3A = arith.constant 7 : index
      %swap3A_313 = arith.constant 0 : index
      %swap3A_314 = vector.load %arg16[%swap3A, %swap3A_313] : memref<32x256xf32, #tpu.memory_space<vmem>>, vector<1x256xf32>
      tpu.vector_store %arg16[%swap3A, %swap3A_313], %max3A {strides = array<i32>} : memref<32x256xf32, #tpu.memory_space<vmem>>, vector<1x256xf32>,
    } else {
    }
    %le3A_105 = arith.constant 8 : i32
    %le3A_106 = arith.cmpi sle, %reduce_min3A_39, %le3A_105 : i32
    %ge3A_107 = arith.constant 8 : i32
    %ge3A_108 = arith.cmpi sge, %reduce_max3A_43, %ge3A_107 : i32
    %and3A_109 = arith.andi %le3A_106, %ge3A_108 : i1
    %convert_element_type3A_110 = arith.extui %and3A_109 : i1 to i32
    %cond3A_111 = arith.constant 0 : i32
    %cond3A_112 = arith.cmpi ne, %convert_element_type3A_110, %cond3A_111 : i32
    scf.if %cond3A_112 {
      %eq3A_302 = arith.constant 8 : i32
      %eq3A_303 = vector.broadcast %eq3A_302 : i32 to vector<1024x1xi32>
      %eq3A_304 = arith.cmpi eq, %get3A_35, %eq3A_303 : vector<1024x1xi32>
      %jit3A = arith.constant -1.000000e+30 : f32
      %broadcast_in_dim3A = vector.shape_cast %eq3A_304 : vector<1024x1xi1> to vector<1024x1xi1>
      %broadcast_in_dim3A_305 = vector.broadcast %broadcast_in_dim3A : vector<1024x1xi1> to vector<1024x256xi1>
      %broadcast_in_dim3A_306 = vector.broadcast %jit3A : f32 to vector<1024x256xf32>
      %select_n3A = arith.select %broadcast_in_dim3A_305, %add3A_30, %broadcast_in_dim3A_306 : vector<1024x256xi1>, vector<1024x256xf32>
      %reduce_max3A_307 = arith.constant dense<0xFF800000> : vector<256xf32>
      %reduce_max3A_308 = vector.multi_reduction <maximumf>, %select_n3A, %reduce_max3A_307 [0] : vector<1024x256xf32> to vector<256xf32>
      %broadcast_in_dim3A_309 = vector.shape_cast %reduce_max3A_308 : vector<256xf32> to vector<1x256xf32>
      %get3A_310 = arith.constant 8 : index
      %get3A_311 = arith.constant 0 : index
      %get3A_312 = vector.load %arg16[%get3A_310, %get3A_311] : memref<32x256xf32, #tpu.memory_space<vmem>>, vector<1x256xf32>
      %max3A = arith.maximumf %get3A_312, %broadcast_in_dim3A_309 : vector<1x256xf32>
      %swap3A = arith.constant 8 : index
      %swap3A_313 = arith.constant 0 : index
      %swap3A_314 = vector.load %arg16[%swap3A, %swap3A_313] : memref<32x256xf32, #tpu.memory_space<vmem>>, vector<1x256xf32>
      tpu.vector_store %arg16[%swap3A, %swap3A_313], %max3A {strides = array<i32>} : memref<32x256xf32, #tpu.memory_space<vmem>>, vector<1x256xf32>,
    } else {
    }
    %le3A_113 = arith.constant 9 : i32
    %le3A_114 = arith.cmpi sle, %reduce_min3A_39, %le3A_113 : i32
    %ge3A_115 = arith.constant 9 : i32
    %ge3A_116 = arith.cmpi sge, %reduce_max3A_43, %ge3A_115 : i32
    %and3A_117 = arith.andi %le3A_114, %ge3A_116 : i1
    %convert_element_type3A_118 = arith.extui %and3A_117 : i1 to i32
    %cond3A_119 = arith.constant 0 : i32
    %cond3A_120 = arith.cmpi ne, %convert_element_type3A_118, %cond3A_119 : i32
    scf.if %cond3A_120 {
      %eq3A_302 = arith.constant 9 : i32
      %eq3A_303 = vector.broadcast %eq3A_302 : i32 to vector<1024x1xi32>
      %eq3A_304 = arith.cmpi eq, %get3A_35, %eq3A_303 : vector<1024x1xi32>
      %jit3A = arith.constant -1.000000e+30 : f32
      %broadcast_in_dim3A = vector.shape_cast %eq3A_304 : vector<1024x1xi1> to vector<1024x1xi1>
      %broadcast_in_dim3A_305 = vector.broadcast %broadcast_in_dim3A : vector<1024x1xi1> to vector<1024x256xi1>
      %broadcast_in_dim3A_306 = vector.broadcast %jit3A : f32 to vector<1024x256xf32>
      %select_n3A = arith.select %broadcast_in_dim3A_305, %add3A_30, %broadcast_in_dim3A_306 : vector<1024x256xi1>, vector<1024x256xf32>
      %reduce_max3A_307 = arith.constant dense<0xFF800000> : vector<256xf32>
      %reduce_max3A_308 = vector.multi_reduction <maximumf>, %select_n3A, %reduce_max3A_307 [0] : vector<1024x256xf32> to vector<256xf32>
      %broadcast_in_dim3A_309 = vector.shape_cast %reduce_max3A_308 : vector<256xf32> to vector<1x256xf32>
      %get3A_310 = arith.constant 9 : index
      %get3A_311 = arith.constant 0 : index
      %get3A_312 = vector.load %arg16[%get3A_310, %get3A_311] : memref<32x256xf32, #tpu.memory_space<vmem>>, vector<1x256xf32>
      %max3A = arith.maximumf %get3A_312, %broadcast_in_dim3A_309 : vector<1x256xf32>
      %swap3A = arith.constant 9 : index
      %swap3A_313 = arith.constant 0 : index
      %swap3A_314 = vector.load %arg16[%swap3A, %swap3A_313] : memref<32x256xf32, #tpu.memory_space<vmem>>, vector<1x256xf32>
      tpu.vector_store %arg16[%swap3A, %swap3A_313], %max3A {strides = array<i32>} : memref<32x256xf32, #tpu.memory_space<vmem>>, vector<1x256xf32>,
    } else {
    }
    %le3A_121 = arith.constant 10 : i32
    %le3A_122 = arith.cmpi sle, %reduce_min3A_39, %le3A_121 : i32
    %ge3A_123 = arith.constant 10 : i32
    %ge3A_124 = arith.cmpi sge, %reduce_max3A_43, %ge3A_123 : i32
    %and3A_125 = arith.andi %le3A_122, %ge3A_124 : i1
    %convert_element_type3A_126 = arith.extui %and3A_125 : i1 to i32
    %cond3A_127 = arith.constant 0 : i32
    %cond3A_128 = arith.cmpi ne, %convert_element_type3A_126, %cond3A_127 : i32
    scf.if %cond3A_128 {
      %eq3A_302 = arith.constant 10 : i32
      %eq3A_303 = vector.broadcast %eq3A_302 : i32 to vector<1024x1xi32>
      %eq3A_304 = arith.cmpi eq, %get3A_35, %eq3A_303 : vector<1024x1xi32>
      %jit3A = arith.constant -1.000000e+30 : f32
      %broadcast_in_dim3A = vector.shape_cast %eq3A_304 : vector<1024x1xi1> to vector<1024x1xi1>
      %broadcast_in_dim3A_305 = vector.broadcast %broadcast_in_dim3A : vector<1024x1xi1> to vector<1024x256xi1>
      %broadcast_in_dim3A_306 = vector.broadcast %jit3A : f32 to vector<1024x256xf32>
      %select_n3A = arith.select %broadcast_in_dim3A_305, %add3A_30, %broadcast_in_dim3A_306 : vector<1024x256xi1>, vector<1024x256xf32>
      %reduce_max3A_307 = arith.constant dense<0xFF800000> : vector<256xf32>
      %reduce_max3A_308 = vector.multi_reduction <maximumf>, %select_n3A, %reduce_max3A_307 [0] : vector<1024x256xf32> to vector<256xf32>
      %broadcast_in_dim3A_309 = vector.shape_cast %reduce_max3A_308 : vector<256xf32> to vector<1x256xf32>
      %get3A_310 = arith.constant 10 : index
      %get3A_311 = arith.constant 0 : index
      %get3A_312 = vector.load %arg16[%get3A_310, %get3A_311] : memref<32x256xf32, #tpu.memory_space<vmem>>, vector<1x256xf32>
      %max3A = arith.maximumf %get3A_312, %broadcast_in_dim3A_309 : vector<1x256xf32>
      %swap3A = arith.constant 10 : index
      %swap3A_313 = arith.constant 0 : index
      %swap3A_314 = vector.load %arg16[%swap3A, %swap3A_313] : memref<32x256xf32, #tpu.memory_space<vmem>>, vector<1x256xf32>
      tpu.vector_store %arg16[%swap3A, %swap3A_313], %max3A {strides = array<i32>} : memref<32x256xf32, #tpu.memory_space<vmem>>, vector<1x256xf32>,
    } else {
    }
    %le3A_129 = arith.constant 11 : i32
    %le3A_130 = arith.cmpi sle, %reduce_min3A_39, %le3A_129 : i32
    %ge3A_131 = arith.constant 11 : i32
    %ge3A_132 = arith.cmpi sge, %reduce_max3A_43, %ge3A_131 : i32
    %and3A_133 = arith.andi %le3A_130, %ge3A_132 : i1
    %convert_element_type3A_134 = arith.extui %and3A_133 : i1 to i32
    %cond3A_135 = arith.constant 0 : i32
    %cond3A_136 = arith.cmpi ne, %convert_element_type3A_134, %cond3A_135 : i32
    scf.if %cond3A_136 {
      %eq3A_302 = arith.constant 11 : i32
      %eq3A_303 = vector.broadcast %eq3A_302 : i32 to vector<1024x1xi32>
      %eq3A_304 = arith.cmpi eq, %get3A_35, %eq3A_303 : vector<1024x1xi32>
      %jit3A = arith.constant -1.000000e+30 : f32
      %broadcast_in_dim3A = vector.shape_cast %eq3A_304 : vector<1024x1xi1> to vector<1024x1xi1>
      %broadcast_in_dim3A_305 = vector.broadcast %broadcast_in_dim3A : vector<1024x1xi1> to vector<1024x256xi1>
      %broadcast_in_dim3A_306 = vector.broadcast %jit3A : f32 to vector<1024x256xf32>
      %select_n3A = arith.select %broadcast_in_dim3A_305, %add3A_30, %broadcast_in_dim3A_306 : vector<1024x256xi1>, vector<1024x256xf32>
      %reduce_max3A_307 = arith.constant dense<0xFF800000> : vector<256xf32>
      %reduce_max3A_308 = vector.multi_reduction <maximumf>, %select_n3A, %reduce_max3A_307 [0] : vector<1024x256xf32> to vector<256xf32>
      %broadcast_in_dim3A_309 = vector.shape_cast %reduce_max3A_308 : vector<256xf32> to vector<1x256xf32>
      %get3A_310 = arith.constant 11 : index
      %get3A_311 = arith.constant 0 : index
      %get3A_312 = vector.load %arg16[%get3A_310, %get3A_311] : memref<32x256xf32, #tpu.memory_space<vmem>>, vector<1x256xf32>
      %max3A = arith.maximumf %get3A_312, %broadcast_in_dim3A_309 : vector<1x256xf32>
      %swap3A = arith.constant 11 : index
      %swap3A_313 = arith.constant 0 : index
      %swap3A_314 = vector.load %arg16[%swap3A, %swap3A_313] : memref<32x256xf32, #tpu.memory_space<vmem>>, vector<1x256xf32>
      tpu.vector_store %arg16[%swap3A, %swap3A_313], %max3A {strides = array<i32>} : memref<32x256xf32, #tpu.memory_space<vmem>>, vector<1x256xf32>,
    } else {
    }
    %le3A_137 = arith.constant 12 : i32
    %le3A_138 = arith.cmpi sle, %reduce_min3A_39, %le3A_137 : i32
    %ge3A_139 = arith.constant 12 : i32
    %ge3A_140 = arith.cmpi sge, %reduce_max3A_43, %ge3A_139 : i32
    %and3A_141 = arith.andi %le3A_138, %ge3A_140 : i1
    %convert_element_type3A_142 = arith.extui %and3A_141 : i1 to i32
    %cond3A_143 = arith.constant 0 : i32
    %cond3A_144 = arith.cmpi ne, %convert_element_type3A_142, %cond3A_143 : i32
    scf.if %cond3A_144 {
      %eq3A_302 = arith.constant 12 : i32
      %eq3A_303 = vector.broadcast %eq3A_302 : i32 to vector<1024x1xi32>
      %eq3A_304 = arith.cmpi eq, %get3A_35, %eq3A_303 : vector<1024x1xi32>
      %jit3A = arith.constant -1.000000e+30 : f32
      %broadcast_in_dim3A = vector.shape_cast %eq3A_304 : vector<1024x1xi1> to vector<1024x1xi1>
      %broadcast_in_dim3A_305 = vector.broadcast %broadcast_in_dim3A : vector<1024x1xi1> to vector<1024x256xi1>
      %broadcast_in_dim3A_306 = vector.broadcast %jit3A : f32 to vector<1024x256xf32>
      %select_n3A = arith.select %broadcast_in_dim3A_305, %add3A_30, %broadcast_in_dim3A_306 : vector<1024x256xi1>, vector<1024x256xf32>
      %reduce_max3A_307 = arith.constant dense<0xFF800000> : vector<256xf32>
      %reduce_max3A_308 = vector.multi_reduction <maximumf>, %select_n3A, %reduce_max3A_307 [0] : vector<1024x256xf32> to vector<256xf32>
      %broadcast_in_dim3A_309 = vector.shape_cast %reduce_max3A_308 : vector<256xf32> to vector<1x256xf32>
      %get3A_310 = arith.constant 12 : index
      %get3A_311 = arith.constant 0 : index
      %get3A_312 = vector.load %arg16[%get3A_310, %get3A_311] : memref<32x256xf32, #tpu.memory_space<vmem>>, vector<1x256xf32>
      %max3A = arith.maximumf %get3A_312, %broadcast_in_dim3A_309 : vector<1x256xf32>
      %swap3A = arith.constant 12 : index
      %swap3A_313 = arith.constant 0 : index
      %swap3A_314 = vector.load %arg16[%swap3A, %swap3A_313] : memref<32x256xf32, #tpu.memory_space<vmem>>, vector<1x256xf32>
      tpu.vector_store %arg16[%swap3A, %swap3A_313], %max3A {strides = array<i32>} : memref<32x256xf32, #tpu.memory_space<vmem>>, vector<1x256xf32>,
    } else {
    }
    %le3A_145 = arith.constant 13 : i32
    %le3A_146 = arith.cmpi sle, %reduce_min3A_39, %le3A_145 : i32
    %ge3A_147 = arith.constant 13 : i32
    %ge3A_148 = arith.cmpi sge, %reduce_max3A_43, %ge3A_147 : i32
    %and3A_149 = arith.andi %le3A_146, %ge3A_148 : i1
    %convert_element_type3A_150 = arith.extui %and3A_149 : i1 to i32
    %cond3A_151 = arith.constant 0 : i32
    %cond3A_152 = arith.cmpi ne, %convert_element_type3A_150, %cond3A_151 : i32
    scf.if %cond3A_152 {
      %eq3A_302 = arith.constant 13 : i32
      %eq3A_303 = vector.broadcast %eq3A_302 : i32 to vector<1024x1xi32>
      %eq3A_304 = arith.cmpi eq, %get3A_35, %eq3A_303 : vector<1024x1xi32>
      %jit3A = arith.constant -1.000000e+30 : f32
      %broadcast_in_dim3A = vector.shape_cast %eq3A_304 : vector<1024x1xi1> to vector<1024x1xi1>
      %broadcast_in_dim3A_305 = vector.broadcast %broadcast_in_dim3A : vector<1024x1xi1> to vector<1024x256xi1>
      %broadcast_in_dim3A_306 = vector.broadcast %jit3A : f32 to vector<1024x256xf32>
      %select_n3A = arith.select %broadcast_in_dim3A_305, %add3A_30, %broadcast_in_dim3A_306 : vector<1024x256xi1>, vector<1024x256xf32>
      %reduce_max3A_307 = arith.constant dense<0xFF800000> : vector<256xf32>
      %reduce_max3A_308 = vector.multi_reduction <maximumf>, %select_n3A, %reduce_max3A_307 [0] : vector<1024x256xf32> to vector<256xf32>
      %broadcast_in_dim3A_309 = vector.shape_cast %reduce_max3A_308 : vector<256xf32> to vector<1x256xf32>
      %get3A_310 = arith.constant 13 : index
      %get3A_311 = arith.constant 0 : index
      %get3A_312 = vector.load %arg16[%get3A_310, %get3A_311] : memref<32x256xf32, #tpu.memory_space<vmem>>, vector<1x256xf32>
      %max3A = arith.maximumf %get3A_312, %broadcast_in_dim3A_309 : vector<1x256xf32>
      %swap3A = arith.constant 13 : index
      %swap3A_313 = arith.constant 0 : index
      %swap3A_314 = vector.load %arg16[%swap3A, %swap3A_313] : memref<32x256xf32, #tpu.memory_space<vmem>>, vector<1x256xf32>
      tpu.vector_store %arg16[%swap3A, %swap3A_313], %max3A {strides = array<i32>} : memref<32x256xf32, #tpu.memory_space<vmem>>, vector<1x256xf32>,
    } else {
    }
    %le3A_153 = arith.constant 14 : i32
    %le3A_154 = arith.cmpi sle, %reduce_min3A_39, %le3A_153 : i32
    %ge3A_155 = arith.constant 14 : i32
    %ge3A_156 = arith.cmpi sge, %reduce_max3A_43, %ge3A_155 : i32
    %and3A_157 = arith.andi %le3A_154, %ge3A_156 : i1
    %convert_element_type3A_158 = arith.extui %and3A_157 : i1 to i32
    %cond3A_159 = arith.constant 0 : i32
    %cond3A_160 = arith.cmpi ne, %convert_element_type3A_158, %cond3A_159 : i32
    scf.if %cond3A_160 {
      %eq3A_302 = arith.constant 14 : i32
      %eq3A_303 = vector.broadcast %eq3A_302 : i32 to vector<1024x1xi32>
      %eq3A_304 = arith.cmpi eq, %get3A_35, %eq3A_303 : vector<1024x1xi32>
      %jit3A = arith.constant -1.000000e+30 : f32
      %broadcast_in_dim3A = vector.shape_cast %eq3A_304 : vector<1024x1xi1> to vector<1024x1xi1>
      %broadcast_in_dim3A_305 = vector.broadcast %broadcast_in_dim3A : vector<1024x1xi1> to vector<1024x256xi1>
      %broadcast_in_dim3A_306 = vector.broadcast %jit3A : f32 to vector<1024x256xf32>
      %select_n3A = arith.select %broadcast_in_dim3A_305, %add3A_30, %broadcast_in_dim3A_306 : vector<1024x256xi1>, vector<1024x256xf32>
      %reduce_max3A_307 = arith.constant dense<0xFF800000> : vector<256xf32>
      %reduce_max3A_308 = vector.multi_reduction <maximumf>, %select_n3A, %reduce_max3A_307 [0] : vector<1024x256xf32> to vector<256xf32>
      %broadcast_in_dim3A_309 = vector.shape_cast %reduce_max3A_308 : vector<256xf32> to vector<1x256xf32>
      %get3A_310 = arith.constant 14 : index
      %get3A_311 = arith.constant 0 : index
      %get3A_312 = vector.load %arg16[%get3A_310, %get3A_311] : memref<32x256xf32, #tpu.memory_space<vmem>>, vector<1x256xf32>
      %max3A = arith.maximumf %get3A_312, %broadcast_in_dim3A_309 : vector<1x256xf32>
      %swap3A = arith.constant 14 : index
      %swap3A_313 = arith.constant 0 : index
      %swap3A_314 = vector.load %arg16[%swap3A, %swap3A_313] : memref<32x256xf32, #tpu.memory_space<vmem>>, vector<1x256xf32>
      tpu.vector_store %arg16[%swap3A, %swap3A_313], %max3A {strides = array<i32>} : memref<32x256xf32, #tpu.memory_space<vmem>>, vector<1x256xf32>,
    } else {
    }
    %le3A_161 = arith.constant 15 : i32
    %le3A_162 = arith.cmpi sle, %reduce_min3A_39, %le3A_161 : i32
    %ge3A_163 = arith.constant 15 : i32
    %ge3A_164 = arith.cmpi sge, %reduce_max3A_43, %ge3A_163 : i32
    %and3A_165 = arith.andi %le3A_162, %ge3A_164 : i1
    %convert_element_type3A_166 = arith.extui %and3A_165 : i1 to i32
    %cond3A_167 = arith.constant 0 : i32
    %cond3A_168 = arith.cmpi ne, %convert_element_type3A_166, %cond3A_167 : i32
    scf.if %cond3A_168 {
      %eq3A_302 = arith.constant 15 : i32
      %eq3A_303 = vector.broadcast %eq3A_302 : i32 to vector<1024x1xi32>
      %eq3A_304 = arith.cmpi eq, %get3A_35, %eq3A_303 : vector<1024x1xi32>
      %jit3A = arith.constant -1.000000e+30 : f32
      %broadcast_in_dim3A = vector.shape_cast %eq3A_304 : vector<1024x1xi1> to vector<1024x1xi1>
      %broadcast_in_dim3A_305 = vector.broadcast %broadcast_in_dim3A : vector<1024x1xi1> to vector<1024x256xi1>
      %broadcast_in_dim3A_306 = vector.broadcast %jit3A : f32 to vector<1024x256xf32>
      %select_n3A = arith.select %broadcast_in_dim3A_305, %add3A_30, %broadcast_in_dim3A_306 : vector<1024x256xi1>, vector<1024x256xf32>
      %reduce_max3A_307 = arith.constant dense<0xFF800000> : vector<256xf32>
      %reduce_max3A_308 = vector.multi_reduction <maximumf>, %select_n3A, %reduce_max3A_307 [0] : vector<1024x256xf32> to vector<256xf32>
      %broadcast_in_dim3A_309 = vector.shape_cast %reduce_max3A_308 : vector<256xf32> to vector<1x256xf32>
      %get3A_310 = arith.constant 15 : index
      %get3A_311 = arith.constant 0 : index
      %get3A_312 = vector.load %arg16[%get3A_310, %get3A_311] : memref<32x256xf32, #tpu.memory_space<vmem>>, vector<1x256xf32>
      %max3A = arith.maximumf %get3A_312, %broadcast_in_dim3A_309 : vector<1x256xf32>
      %swap3A = arith.constant 15 : index
      %swap3A_313 = arith.constant 0 : index
      %swap3A_314 = vector.load %arg16[%swap3A, %swap3A_313] : memref<32x256xf32, #tpu.memory_space<vmem>>, vector<1x256xf32>
      tpu.vector_store %arg16[%swap3A, %swap3A_313], %max3A {strides = array<i32>} : memref<32x256xf32, #tpu.memory_space<vmem>>, vector<1x256xf32>,
    } else {
    }
    %le3A_169 = arith.constant 16 : i32
    %le3A_170 = arith.cmpi sle, %reduce_min3A_39, %le3A_169 : i32
    %ge3A_171 = arith.constant 16 : i32
    %ge3A_172 = arith.cmpi sge, %reduce_max3A_43, %ge3A_171 : i32
    %and3A_173 = arith.andi %le3A_170, %ge3A_172 : i1
    %convert_element_type3A_174 = arith.extui %and3A_173 : i1 to i32
    %cond3A_175 = arith.constant 0 : i32
    %cond3A_176 = arith.cmpi ne, %convert_element_type3A_174, %cond3A_175 : i32
    scf.if %cond3A_176 {
      %eq3A_302 = arith.constant 16 : i32
      %eq3A_303 = vector.broadcast %eq3A_302 : i32 to vector<1024x1xi32>
      %eq3A_304 = arith.cmpi eq, %get3A_35, %eq3A_303 : vector<1024x1xi32>
      %jit3A = arith.constant -1.000000e+30 : f32
      %broadcast_in_dim3A = vector.shape_cast %eq3A_304 : vector<1024x1xi1> to vector<1024x1xi1>
      %broadcast_in_dim3A_305 = vector.broadcast %broadcast_in_dim3A : vector<1024x1xi1> to vector<1024x256xi1>
      %broadcast_in_dim3A_306 = vector.broadcast %jit3A : f32 to vector<1024x256xf32>
      %select_n3A = arith.select %broadcast_in_dim3A_305, %add3A_30, %broadcast_in_dim3A_306 : vector<1024x256xi1>, vector<1024x256xf32>
      %reduce_max3A_307 = arith.constant dense<0xFF800000> : vector<256xf32>
      %reduce_max3A_308 = vector.multi_reduction <maximumf>, %select_n3A, %reduce_max3A_307 [0] : vector<1024x256xf32> to vector<256xf32>
      %broadcast_in_dim3A_309 = vector.shape_cast %reduce_max3A_308 : vector<256xf32> to vector<1x256xf32>
      %get3A_310 = arith.constant 16 : index
      %get3A_311 = arith.constant 0 : index
      %get3A_312 = vector.load %arg16[%get3A_310, %get3A_311] : memref<32x256xf32, #tpu.memory_space<vmem>>, vector<1x256xf32>
      %max3A = arith.maximumf %get3A_312, %broadcast_in_dim3A_309 : vector<1x256xf32>
      %swap3A = arith.constant 16 : index
      %swap3A_313 = arith.constant 0 : index
      %swap3A_314 = vector.load %arg16[%swap3A, %swap3A_313] : memref<32x256xf32, #tpu.memory_space<vmem>>, vector<1x256xf32>
      tpu.vector_store %arg16[%swap3A, %swap3A_313], %max3A {strides = array<i32>} : memref<32x256xf32, #tpu.memory_space<vmem>>, vector<1x256xf32>,
    } else {
    }
    %le3A_177 = arith.constant 17 : i32
    %le3A_178 = arith.cmpi sle, %reduce_min3A_39, %le3A_177 : i32
    %ge3A_179 = arith.constant 17 : i32
    %ge3A_180 = arith.cmpi sge, %reduce_max3A_43, %ge3A_179 : i32
    %and3A_181 = arith.andi %le3A_178, %ge3A_180 : i1
    %convert_element_type3A_182 = arith.extui %and3A_181 : i1 to i32
    %cond3A_183 = arith.constant 0 : i32
    %cond3A_184 = arith.cmpi ne, %convert_element_type3A_182, %cond3A_183 : i32
    scf.if %cond3A_184 {
      %eq3A_302 = arith.constant 17 : i32
      %eq3A_303 = vector.broadcast %eq3A_302 : i32 to vector<1024x1xi32>
      %eq3A_304 = arith.cmpi eq, %get3A_35, %eq3A_303 : vector<1024x1xi32>
      %jit3A = arith.constant -1.000000e+30 : f32
      %broadcast_in_dim3A = vector.shape_cast %eq3A_304 : vector<1024x1xi1> to vector<1024x1xi1>
      %broadcast_in_dim3A_305 = vector.broadcast %broadcast_in_dim3A : vector<1024x1xi1> to vector<1024x256xi1>
      %broadcast_in_dim3A_306 = vector.broadcast %jit3A : f32 to vector<1024x256xf32>
      %select_n3A = arith.select %broadcast_in_dim3A_305, %add3A_30, %broadcast_in_dim3A_306 : vector<1024x256xi1>, vector<1024x256xf32>
      %reduce_max3A_307 = arith.constant dense<0xFF800000> : vector<256xf32>
      %reduce_max3A_308 = vector.multi_reduction <maximumf>, %select_n3A, %reduce_max3A_307 [0] : vector<1024x256xf32> to vector<256xf32>
      %broadcast_in_dim3A_309 = vector.shape_cast %reduce_max3A_308 : vector<256xf32> to vector<1x256xf32>
      %get3A_310 = arith.constant 17 : index
      %get3A_311 = arith.constant 0 : index
      %get3A_312 = vector.load %arg16[%get3A_310, %get3A_311] : memref<32x256xf32, #tpu.memory_space<vmem>>, vector<1x256xf32>
      %max3A = arith.maximumf %get3A_312, %broadcast_in_dim3A_309 : vector<1x256xf32>
      %swap3A = arith.constant 17 : index
      %swap3A_313 = arith.constant 0 : index
      %swap3A_314 = vector.load %arg16[%swap3A, %swap3A_313] : memref<32x256xf32, #tpu.memory_space<vmem>>, vector<1x256xf32>
      tpu.vector_store %arg16[%swap3A, %swap3A_313], %max3A {strides = array<i32>} : memref<32x256xf32, #tpu.memory_space<vmem>>, vector<1x256xf32>,
    } else {
    }
    %le3A_185 = arith.constant 18 : i32
    %le3A_186 = arith.cmpi sle, %reduce_min3A_39, %le3A_185 : i32
    %ge3A_187 = arith.constant 18 : i32
    %ge3A_188 = arith.cmpi sge, %reduce_max3A_43, %ge3A_187 : i32
    %and3A_189 = arith.andi %le3A_186, %ge3A_188 : i1
    %convert_element_type3A_190 = arith.extui %and3A_189 : i1 to i32
    %cond3A_191 = arith.constant 0 : i32
    %cond3A_192 = arith.cmpi ne, %convert_element_type3A_190, %cond3A_191 : i32
    scf.if %cond3A_192 {
      %eq3A_302 = arith.constant 18 : i32
      %eq3A_303 = vector.broadcast %eq3A_302 : i32 to vector<1024x1xi32>
      %eq3A_304 = arith.cmpi eq, %get3A_35, %eq3A_303 : vector<1024x1xi32>
      %jit3A = arith.constant -1.000000e+30 : f32
      %broadcast_in_dim3A = vector.shape_cast %eq3A_304 : vector<1024x1xi1> to vector<1024x1xi1>
      %broadcast_in_dim3A_305 = vector.broadcast %broadcast_in_dim3A : vector<1024x1xi1> to vector<1024x256xi1>
      %broadcast_in_dim3A_306 = vector.broadcast %jit3A : f32 to vector<1024x256xf32>
      %select_n3A = arith.select %broadcast_in_dim3A_305, %add3A_30, %broadcast_in_dim3A_306 : vector<1024x256xi1>, vector<1024x256xf32>
      %reduce_max3A_307 = arith.constant dense<0xFF800000> : vector<256xf32>
      %reduce_max3A_308 = vector.multi_reduction <maximumf>, %select_n3A, %reduce_max3A_307 [0] : vector<1024x256xf32> to vector<256xf32>
      %broadcast_in_dim3A_309 = vector.shape_cast %reduce_max3A_308 : vector<256xf32> to vector<1x256xf32>
      %get3A_310 = arith.constant 18 : index
      %get3A_311 = arith.constant 0 : index
      %get3A_312 = vector.load %arg16[%get3A_310, %get3A_311] : memref<32x256xf32, #tpu.memory_space<vmem>>, vector<1x256xf32>
      %max3A = arith.maximumf %get3A_312, %broadcast_in_dim3A_309 : vector<1x256xf32>
      %swap3A = arith.constant 18 : index
      %swap3A_313 = arith.constant 0 : index
      %swap3A_314 = vector.load %arg16[%swap3A, %swap3A_313] : memref<32x256xf32, #tpu.memory_space<vmem>>, vector<1x256xf32>
      tpu.vector_store %arg16[%swap3A, %swap3A_313], %max3A {strides = array<i32>} : memref<32x256xf32, #tpu.memory_space<vmem>>, vector<1x256xf32>,
    } else {
    }
    %le3A_193 = arith.constant 19 : i32
    %le3A_194 = arith.cmpi sle, %reduce_min3A_39, %le3A_193 : i32
    %ge3A_195 = arith.constant 19 : i32
    %ge3A_196 = arith.cmpi sge, %reduce_max3A_43, %ge3A_195 : i32
    %and3A_197 = arith.andi %le3A_194, %ge3A_196 : i1
    %convert_element_type3A_198 = arith.extui %and3A_197 : i1 to i32
    %cond3A_199 = arith.constant 0 : i32
    %cond3A_200 = arith.cmpi ne, %convert_element_type3A_198, %cond3A_199 : i32
    scf.if %cond3A_200 {
      %eq3A_302 = arith.constant 19 : i32
      %eq3A_303 = vector.broadcast %eq3A_302 : i32 to vector<1024x1xi32>
      %eq3A_304 = arith.cmpi eq, %get3A_35, %eq3A_303 : vector<1024x1xi32>
      %jit3A = arith.constant -1.000000e+30 : f32
      %broadcast_in_dim3A = vector.shape_cast %eq3A_304 : vector<1024x1xi1> to vector<1024x1xi1>
      %broadcast_in_dim3A_305 = vector.broadcast %broadcast_in_dim3A : vector<1024x1xi1> to vector<1024x256xi1>
      %broadcast_in_dim3A_306 = vector.broadcast %jit3A : f32 to vector<1024x256xf32>
      %select_n3A = arith.select %broadcast_in_dim3A_305, %add3A_30, %broadcast_in_dim3A_306 : vector<1024x256xi1>, vector<1024x256xf32>
      %reduce_max3A_307 = arith.constant dense<0xFF800000> : vector<256xf32>
      %reduce_max3A_308 = vector.multi_reduction <maximumf>, %select_n3A, %reduce_max3A_307 [0] : vector<1024x256xf32> to vector<256xf32>
      %broadcast_in_dim3A_309 = vector.shape_cast %reduce_max3A_308 : vector<256xf32> to vector<1x256xf32>
      %get3A_310 = arith.constant 19 : index
      %get3A_311 = arith.constant 0 : index
      %get3A_312 = vector.load %arg16[%get3A_310, %get3A_311] : memref<32x256xf32, #tpu.memory_space<vmem>>, vector<1x256xf32>
      %max3A = arith.maximumf %get3A_312, %broadcast_in_dim3A_309 : vector<1x256xf32>
      %swap3A = arith.constant 19 : index
      %swap3A_313 = arith.constant 0 : index
      %swap3A_314 = vector.load %arg16[%swap3A, %swap3A_313] : memref<32x256xf32, #tpu.memory_space<vmem>>, vector<1x256xf32>
      tpu.vector_store %arg16[%swap3A, %swap3A_313], %max3A {strides = array<i32>} : memref<32x256xf32, #tpu.memory_space<vmem>>, vector<1x256xf32>,
    } else {
    }
    %le3A_201 = arith.constant 20 : i32
    %le3A_202 = arith.cmpi sle, %reduce_min3A_39, %le3A_201 : i32
    %ge3A_203 = arith.constant 20 : i32
    %ge3A_204 = arith.cmpi sge, %reduce_max3A_43, %ge3A_203 : i32
    %and3A_205 = arith.andi %le3A_202, %ge3A_204 : i1
    %convert_element_type3A_206 = arith.extui %and3A_205 : i1 to i32
    %cond3A_207 = arith.constant 0 : i32
    %cond3A_208 = arith.cmpi ne, %convert_element_type3A_206, %cond3A_207 : i32
    scf.if %cond3A_208 {
      %eq3A_302 = arith.constant 20 : i32
      %eq3A_303 = vector.broadcast %eq3A_302 : i32 to vector<1024x1xi32>
      %eq3A_304 = arith.cmpi eq, %get3A_35, %eq3A_303 : vector<1024x1xi32>
      %jit3A = arith.constant -1.000000e+30 : f32
      %broadcast_in_dim3A = vector.shape_cast %eq3A_304 : vector<1024x1xi1> to vector<1024x1xi1>
      %broadcast_in_dim3A_305 = vector.broadcast %broadcast_in_dim3A : vector<1024x1xi1> to vector<1024x256xi1>
      %broadcast_in_dim3A_306 = vector.broadcast %jit3A : f32 to vector<1024x256xf32>
      %select_n3A = arith.select %broadcast_in_dim3A_305, %add3A_30, %broadcast_in_dim3A_306 : vector<1024x256xi1>, vector<1024x256xf32>
      %reduce_max3A_307 = arith.constant dense<0xFF800000> : vector<256xf32>
      %reduce_max3A_308 = vector.multi_reduction <maximumf>, %select_n3A, %reduce_max3A_307 [0] : vector<1024x256xf32> to vector<256xf32>
      %broadcast_in_dim3A_309 = vector.shape_cast %reduce_max3A_308 : vector<256xf32> to vector<1x256xf32>
      %get3A_310 = arith.constant 20 : index
      %get3A_311 = arith.constant 0 : index
      %get3A_312 = vector.load %arg16[%get3A_310, %get3A_311] : memref<32x256xf32, #tpu.memory_space<vmem>>, vector<1x256xf32>
      %max3A = arith.maximumf %get3A_312, %broadcast_in_dim3A_309 : vector<1x256xf32>
      %swap3A = arith.constant 20 : index
      %swap3A_313 = arith.constant 0 : index
      %swap3A_314 = vector.load %arg16[%swap3A, %swap3A_313] : memref<32x256xf32, #tpu.memory_space<vmem>>, vector<1x256xf32>
      tpu.vector_store %arg16[%swap3A, %swap3A_313], %max3A {strides = array<i32>} : memref<32x256xf32, #tpu.memory_space<vmem>>, vector<1x256xf32>,
    } else {
    }
    %le3A_209 = arith.constant 21 : i32
    %le3A_210 = arith.cmpi sle, %reduce_min3A_39, %le3A_209 : i32
    %ge3A_211 = arith.constant 21 : i32
    %ge3A_212 = arith.cmpi sge, %reduce_max3A_43, %ge3A_211 : i32
    %and3A_213 = arith.andi %le3A_210, %ge3A_212 : i1
    %convert_element_type3A_214 = arith.extui %and3A_213 : i1 to i32
    %cond3A_215 = arith.constant 0 : i32
    %cond3A_216 = arith.cmpi ne, %convert_element_type3A_214, %cond3A_215 : i32
    scf.if %cond3A_216 {
      %eq3A_302 = arith.constant 21 : i32
      %eq3A_303 = vector.broadcast %eq3A_302 : i32 to vector<1024x1xi32>
      %eq3A_304 = arith.cmpi eq, %get3A_35, %eq3A_303 : vector<1024x1xi32>
      %jit3A = arith.constant -1.000000e+30 : f32
      %broadcast_in_dim3A = vector.shape_cast %eq3A_304 : vector<1024x1xi1> to vector<1024x1xi1>
      %broadcast_in_dim3A_305 = vector.broadcast %broadcast_in_dim3A : vector<1024x1xi1> to vector<1024x256xi1>
      %broadcast_in_dim3A_306 = vector.broadcast %jit3A : f32 to vector<1024x256xf32>
      %select_n3A = arith.select %broadcast_in_dim3A_305, %add3A_30, %broadcast_in_dim3A_306 : vector<1024x256xi1>, vector<1024x256xf32>
      %reduce_max3A_307 = arith.constant dense<0xFF800000> : vector<256xf32>
      %reduce_max3A_308 = vector.multi_reduction <maximumf>, %select_n3A, %reduce_max3A_307 [0] : vector<1024x256xf32> to vector<256xf32>
      %broadcast_in_dim3A_309 = vector.shape_cast %reduce_max3A_308 : vector<256xf32> to vector<1x256xf32>
      %get3A_310 = arith.constant 21 : index
      %get3A_311 = arith.constant 0 : index
      %get3A_312 = vector.load %arg16[%get3A_310, %get3A_311] : memref<32x256xf32, #tpu.memory_space<vmem>>, vector<1x256xf32>
      %max3A = arith.maximumf %get3A_312, %broadcast_in_dim3A_309 : vector<1x256xf32>
      %swap3A = arith.constant 21 : index
      %swap3A_313 = arith.constant 0 : index
      %swap3A_314 = vector.load %arg16[%swap3A, %swap3A_313] : memref<32x256xf32, #tpu.memory_space<vmem>>, vector<1x256xf32>
      tpu.vector_store %arg16[%swap3A, %swap3A_313], %max3A {strides = array<i32>} : memref<32x256xf32, #tpu.memory_space<vmem>>, vector<1x256xf32>,
    } else {
    }
    %le3A_217 = arith.constant 22 : i32
    %le3A_218 = arith.cmpi sle, %reduce_min3A_39, %le3A_217 : i32
    %ge3A_219 = arith.constant 22 : i32
    %ge3A_220 = arith.cmpi sge, %reduce_max3A_43, %ge3A_219 : i32
    %and3A_221 = arith.andi %le3A_218, %ge3A_220 : i1
    %convert_element_type3A_222 = arith.extui %and3A_221 : i1 to i32
    %cond3A_223 = arith.constant 0 : i32
    %cond3A_224 = arith.cmpi ne, %convert_element_type3A_222, %cond3A_223 : i32
    scf.if %cond3A_224 {
      %eq3A_302 = arith.constant 22 : i32
      %eq3A_303 = vector.broadcast %eq3A_302 : i32 to vector<1024x1xi32>
      %eq3A_304 = arith.cmpi eq, %get3A_35, %eq3A_303 : vector<1024x1xi32>
      %jit3A = arith.constant -1.000000e+30 : f32
      %broadcast_in_dim3A = vector.shape_cast %eq3A_304 : vector<1024x1xi1> to vector<1024x1xi1>
      %broadcast_in_dim3A_305 = vector.broadcast %broadcast_in_dim3A : vector<1024x1xi1> to vector<1024x256xi1>
      %broadcast_in_dim3A_306 = vector.broadcast %jit3A : f32 to vector<1024x256xf32>
      %select_n3A = arith.select %broadcast_in_dim3A_305, %add3A_30, %broadcast_in_dim3A_306 : vector<1024x256xi1>, vector<1024x256xf32>
      %reduce_max3A_307 = arith.constant dense<0xFF800000> : vector<256xf32>
      %reduce_max3A_308 = vector.multi_reduction <maximumf>, %select_n3A, %reduce_max3A_307 [0] : vector<1024x256xf32> to vector<256xf32>
      %broadcast_in_dim3A_309 = vector.shape_cast %reduce_max3A_308 : vector<256xf32> to vector<1x256xf32>
      %get3A_310 = arith.constant 22 : index
      %get3A_311 = arith.constant 0 : index
      %get3A_312 = vector.load %arg16[%get3A_310, %get3A_311] : memref<32x256xf32, #tpu.memory_space<vmem>>, vector<1x256xf32>
      %max3A = arith.maximumf %get3A_312, %broadcast_in_dim3A_309 : vector<1x256xf32>
      %swap3A = arith.constant 22 : index
      %swap3A_313 = arith.constant 0 : index
      %swap3A_314 = vector.load %arg16[%swap3A, %swap3A_313] : memref<32x256xf32, #tpu.memory_space<vmem>>, vector<1x256xf32>
      tpu.vector_store %arg16[%swap3A, %swap3A_313], %max3A {strides = array<i32>} : memref<32x256xf32, #tpu.memory_space<vmem>>, vector<1x256xf32>,
    } else {
    }
    %le3A_225 = arith.constant 23 : i32
    %le3A_226 = arith.cmpi sle, %reduce_min3A_39, %le3A_225 : i32
    %ge3A_227 = arith.constant 23 : i32
    %ge3A_228 = arith.cmpi sge, %reduce_max3A_43, %ge3A_227 : i32
    %and3A_229 = arith.andi %le3A_226, %ge3A_228 : i1
    %convert_element_type3A_230 = arith.extui %and3A_229 : i1 to i32
    %cond3A_231 = arith.constant 0 : i32
    %cond3A_232 = arith.cmpi ne, %convert_element_type3A_230, %cond3A_231 : i32
    scf.if %cond3A_232 {
      %eq3A_302 = arith.constant 23 : i32
      %eq3A_303 = vector.broadcast %eq3A_302 : i32 to vector<1024x1xi32>
      %eq3A_304 = arith.cmpi eq, %get3A_35, %eq3A_303 : vector<1024x1xi32>
      %jit3A = arith.constant -1.000000e+30 : f32
      %broadcast_in_dim3A = vector.shape_cast %eq3A_304 : vector<1024x1xi1> to vector<1024x1xi1>
      %broadcast_in_dim3A_305 = vector.broadcast %broadcast_in_dim3A : vector<1024x1xi1> to vector<1024x256xi1>
      %broadcast_in_dim3A_306 = vector.broadcast %jit3A : f32 to vector<1024x256xf32>
      %select_n3A = arith.select %broadcast_in_dim3A_305, %add3A_30, %broadcast_in_dim3A_306 : vector<1024x256xi1>, vector<1024x256xf32>
      %reduce_max3A_307 = arith.constant dense<0xFF800000> : vector<256xf32>
      %reduce_max3A_308 = vector.multi_reduction <maximumf>, %select_n3A, %reduce_max3A_307 [0] : vector<1024x256xf32> to vector<256xf32>
      %broadcast_in_dim3A_309 = vector.shape_cast %reduce_max3A_308 : vector<256xf32> to vector<1x256xf32>
      %get3A_310 = arith.constant 23 : index
      %get3A_311 = arith.constant 0 : index
      %get3A_312 = vector.load %arg16[%get3A_310, %get3A_311] : memref<32x256xf32, #tpu.memory_space<vmem>>, vector<1x256xf32>
      %max3A = arith.maximumf %get3A_312, %broadcast_in_dim3A_309 : vector<1x256xf32>
      %swap3A = arith.constant 23 : index
      %swap3A_313 = arith.constant 0 : index
      %swap3A_314 = vector.load %arg16[%swap3A, %swap3A_313] : memref<32x256xf32, #tpu.memory_space<vmem>>, vector<1x256xf32>
      tpu.vector_store %arg16[%swap3A, %swap3A_313], %max3A {strides = array<i32>} : memref<32x256xf32, #tpu.memory_space<vmem>>, vector<1x256xf32>,
    } else {
    }
    %le3A_233 = arith.constant 24 : i32
    %le3A_234 = arith.cmpi sle, %reduce_min3A_39, %le3A_233 : i32
    %ge3A_235 = arith.constant 24 : i32
    %ge3A_236 = arith.cmpi sge, %reduce_max3A_43, %ge3A_235 : i32
    %and3A_237 = arith.andi %le3A_234, %ge3A_236 : i1
    %convert_element_type3A_238 = arith.extui %and3A_237 : i1 to i32
    %cond3A_239 = arith.constant 0 : i32
    %cond3A_240 = arith.cmpi ne, %convert_element_type3A_238, %cond3A_239 : i32
    scf.if %cond3A_240 {
      %eq3A_302 = arith.constant 24 : i32
      %eq3A_303 = vector.broadcast %eq3A_302 : i32 to vector<1024x1xi32>
      %eq3A_304 = arith.cmpi eq, %get3A_35, %eq3A_303 : vector<1024x1xi32>
      %jit3A = arith.constant -1.000000e+30 : f32
      %broadcast_in_dim3A = vector.shape_cast %eq3A_304 : vector<1024x1xi1> to vector<1024x1xi1>
      %broadcast_in_dim3A_305 = vector.broadcast %broadcast_in_dim3A : vector<1024x1xi1> to vector<1024x256xi1>
      %broadcast_in_dim3A_306 = vector.broadcast %jit3A : f32 to vector<1024x256xf32>
      %select_n3A = arith.select %broadcast_in_dim3A_305, %add3A_30, %broadcast_in_dim3A_306 : vector<1024x256xi1>, vector<1024x256xf32>
      %reduce_max3A_307 = arith.constant dense<0xFF800000> : vector<256xf32>
      %reduce_max3A_308 = vector.multi_reduction <maximumf>, %select_n3A, %reduce_max3A_307 [0] : vector<1024x256xf32> to vector<256xf32>
      %broadcast_in_dim3A_309 = vector.shape_cast %reduce_max3A_308 : vector<256xf32> to vector<1x256xf32>
      %get3A_310 = arith.constant 24 : index
      %get3A_311 = arith.constant 0 : index
      %get3A_312 = vector.load %arg16[%get3A_310, %get3A_311] : memref<32x256xf32, #tpu.memory_space<vmem>>, vector<1x256xf32>
      %max3A = arith.maximumf %get3A_312, %broadcast_in_dim3A_309 : vector<1x256xf32>
      %swap3A = arith.constant 24 : index
      %swap3A_313 = arith.constant 0 : index
      %swap3A_314 = vector.load %arg16[%swap3A, %swap3A_313] : memref<32x256xf32, #tpu.memory_space<vmem>>, vector<1x256xf32>
      tpu.vector_store %arg16[%swap3A, %swap3A_313], %max3A {strides = array<i32>} : memref<32x256xf32, #tpu.memory_space<vmem>>, vector<1x256xf32>,
    } else {
    }
    %le3A_241 = arith.constant 25 : i32
    %le3A_242 = arith.cmpi sle, %reduce_min3A_39, %le3A_241 : i32
    %ge3A_243 = arith.constant 25 : i32
    %ge3A_244 = arith.cmpi sge, %reduce_max3A_43, %ge3A_243 : i32
    %and3A_245 = arith.andi %le3A_242, %ge3A_244 : i1
    %convert_element_type3A_246 = arith.extui %and3A_245 : i1 to i32
    %cond3A_247 = arith.constant 0 : i32
    %cond3A_248 = arith.cmpi ne, %convert_element_type3A_246, %cond3A_247 : i32
    scf.if %cond3A_248 {
      %eq3A_302 = arith.constant 25 : i32
      %eq3A_303 = vector.broadcast %eq3A_302 : i32 to vector<1024x1xi32>
      %eq3A_304 = arith.cmpi eq, %get3A_35, %eq3A_303 : vector<1024x1xi32>
      %jit3A = arith.constant -1.000000e+30 : f32
      %broadcast_in_dim3A = vector.shape_cast %eq3A_304 : vector<1024x1xi1> to vector<1024x1xi1>
      %broadcast_in_dim3A_305 = vector.broadcast %broadcast_in_dim3A : vector<1024x1xi1> to vector<1024x256xi1>
      %broadcast_in_dim3A_306 = vector.broadcast %jit3A : f32 to vector<1024x256xf32>
      %select_n3A = arith.select %broadcast_in_dim3A_305, %add3A_30, %broadcast_in_dim3A_306 : vector<1024x256xi1>, vector<1024x256xf32>
      %reduce_max3A_307 = arith.constant dense<0xFF800000> : vector<256xf32>
      %reduce_max3A_308 = vector.multi_reduction <maximumf>, %select_n3A, %reduce_max3A_307 [0] : vector<1024x256xf32> to vector<256xf32>
      %broadcast_in_dim3A_309 = vector.shape_cast %reduce_max3A_308 : vector<256xf32> to vector<1x256xf32>
      %get3A_310 = arith.constant 25 : index
      %get3A_311 = arith.constant 0 : index
      %get3A_312 = vector.load %arg16[%get3A_310, %get3A_311] : memref<32x256xf32, #tpu.memory_space<vmem>>, vector<1x256xf32>
      %max3A = arith.maximumf %get3A_312, %broadcast_in_dim3A_309 : vector<1x256xf32>
      %swap3A = arith.constant 25 : index
      %swap3A_313 = arith.constant 0 : index
      %swap3A_314 = vector.load %arg16[%swap3A, %swap3A_313] : memref<32x256xf32, #tpu.memory_space<vmem>>, vector<1x256xf32>
      tpu.vector_store %arg16[%swap3A, %swap3A_313], %max3A {strides = array<i32>} : memref<32x256xf32, #tpu.memory_space<vmem>>, vector<1x256xf32>,
    } else {
    }
    %le3A_249 = arith.constant 26 : i32
    %le3A_250 = arith.cmpi sle, %reduce_min3A_39, %le3A_249 : i32
    %ge3A_251 = arith.constant 26 : i32
    %ge3A_252 = arith.cmpi sge, %reduce_max3A_43, %ge3A_251 : i32
    %and3A_253 = arith.andi %le3A_250, %ge3A_252 : i1
    %convert_element_type3A_254 = arith.extui %and3A_253 : i1 to i32
    %cond3A_255 = arith.constant 0 : i32
    %cond3A_256 = arith.cmpi ne, %convert_element_type3A_254, %cond3A_255 : i32
    scf.if %cond3A_256 {
      %eq3A_302 = arith.constant 26 : i32
      %eq3A_303 = vector.broadcast %eq3A_302 : i32 to vector<1024x1xi32>
      %eq3A_304 = arith.cmpi eq, %get3A_35, %eq3A_303 : vector<1024x1xi32>
      %jit3A = arith.constant -1.000000e+30 : f32
      %broadcast_in_dim3A = vector.shape_cast %eq3A_304 : vector<1024x1xi1> to vector<1024x1xi1>
      %broadcast_in_dim3A_305 = vector.broadcast %broadcast_in_dim3A : vector<1024x1xi1> to vector<1024x256xi1>
      %broadcast_in_dim3A_306 = vector.broadcast %jit3A : f32 to vector<1024x256xf32>
      %select_n3A = arith.select %broadcast_in_dim3A_305, %add3A_30, %broadcast_in_dim3A_306 : vector<1024x256xi1>, vector<1024x256xf32>
      %reduce_max3A_307 = arith.constant dense<0xFF800000> : vector<256xf32>
      %reduce_max3A_308 = vector.multi_reduction <maximumf>, %select_n3A, %reduce_max3A_307 [0] : vector<1024x256xf32> to vector<256xf32>
      %broadcast_in_dim3A_309 = vector.shape_cast %reduce_max3A_308 : vector<256xf32> to vector<1x256xf32>
      %get3A_310 = arith.constant 26 : index
      %get3A_311 = arith.constant 0 : index
      %get3A_312 = vector.load %arg16[%get3A_310, %get3A_311] : memref<32x256xf32, #tpu.memory_space<vmem>>, vector<1x256xf32>
      %max3A = arith.maximumf %get3A_312, %broadcast_in_dim3A_309 : vector<1x256xf32>
      %swap3A = arith.constant 26 : index
      %swap3A_313 = arith.constant 0 : index
      %swap3A_314 = vector.load %arg16[%swap3A, %swap3A_313] : memref<32x256xf32, #tpu.memory_space<vmem>>, vector<1x256xf32>
      tpu.vector_store %arg16[%swap3A, %swap3A_313], %max3A {strides = array<i32>} : memref<32x256xf32, #tpu.memory_space<vmem>>, vector<1x256xf32>,
    } else {
    }
    %le3A_257 = arith.constant 27 : i32
    %le3A_258 = arith.cmpi sle, %reduce_min3A_39, %le3A_257 : i32
    %ge3A_259 = arith.constant 27 : i32
    %ge3A_260 = arith.cmpi sge, %reduce_max3A_43, %ge3A_259 : i32
    %and3A_261 = arith.andi %le3A_258, %ge3A_260 : i1
    %convert_element_type3A_262 = arith.extui %and3A_261 : i1 to i32
    %cond3A_263 = arith.constant 0 : i32
    %cond3A_264 = arith.cmpi ne, %convert_element_type3A_262, %cond3A_263 : i32
    scf.if %cond3A_264 {
      %eq3A_302 = arith.constant 27 : i32
      %eq3A_303 = vector.broadcast %eq3A_302 : i32 to vector<1024x1xi32>
      %eq3A_304 = arith.cmpi eq, %get3A_35, %eq3A_303 : vector<1024x1xi32>
      %jit3A = arith.constant -1.000000e+30 : f32
      %broadcast_in_dim3A = vector.shape_cast %eq3A_304 : vector<1024x1xi1> to vector<1024x1xi1>
      %broadcast_in_dim3A_305 = vector.broadcast %broadcast_in_dim3A : vector<1024x1xi1> to vector<1024x256xi1>
      %broadcast_in_dim3A_306 = vector.broadcast %jit3A : f32 to vector<1024x256xf32>
      %select_n3A = arith.select %broadcast_in_dim3A_305, %add3A_30, %broadcast_in_dim3A_306 : vector<1024x256xi1>, vector<1024x256xf32>
      %reduce_max3A_307 = arith.constant dense<0xFF800000> : vector<256xf32>
      %reduce_max3A_308 = vector.multi_reduction <maximumf>, %select_n3A, %reduce_max3A_307 [0] : vector<1024x256xf32> to vector<256xf32>
      %broadcast_in_dim3A_309 = vector.shape_cast %reduce_max3A_308 : vector<256xf32> to vector<1x256xf32>
      %get3A_310 = arith.constant 27 : index
      %get3A_311 = arith.constant 0 : index
      %get3A_312 = vector.load %arg16[%get3A_310, %get3A_311] : memref<32x256xf32, #tpu.memory_space<vmem>>, vector<1x256xf32>
      %max3A = arith.maximumf %get3A_312, %broadcast_in_dim3A_309 : vector<1x256xf32>
      %swap3A = arith.constant 27 : index
      %swap3A_313 = arith.constant 0 : index
      %swap3A_314 = vector.load %arg16[%swap3A, %swap3A_313] : memref<32x256xf32, #tpu.memory_space<vmem>>, vector<1x256xf32>
      tpu.vector_store %arg16[%swap3A, %swap3A_313], %max3A {strides = array<i32>} : memref<32x256xf32, #tpu.memory_space<vmem>>, vector<1x256xf32>,
    } else {
    }
    %le3A_265 = arith.constant 28 : i32
    %le3A_266 = arith.cmpi sle, %reduce_min3A_39, %le3A_265 : i32
    %ge3A_267 = arith.constant 28 : i32
    %ge3A_268 = arith.cmpi sge, %reduce_max3A_43, %ge3A_267 : i32
    %and3A_269 = arith.andi %le3A_266, %ge3A_268 : i1
    %convert_element_type3A_270 = arith.extui %and3A_269 : i1 to i32
    %cond3A_271 = arith.constant 0 : i32
    %cond3A_272 = arith.cmpi ne, %convert_element_type3A_270, %cond3A_271 : i32
    scf.if %cond3A_272 {
      %eq3A_302 = arith.constant 28 : i32
      %eq3A_303 = vector.broadcast %eq3A_302 : i32 to vector<1024x1xi32>
      %eq3A_304 = arith.cmpi eq, %get3A_35, %eq3A_303 : vector<1024x1xi32>
      %jit3A = arith.constant -1.000000e+30 : f32
      %broadcast_in_dim3A = vector.shape_cast %eq3A_304 : vector<1024x1xi1> to vector<1024x1xi1>
      %broadcast_in_dim3A_305 = vector.broadcast %broadcast_in_dim3A : vector<1024x1xi1> to vector<1024x256xi1>
      %broadcast_in_dim3A_306 = vector.broadcast %jit3A : f32 to vector<1024x256xf32>
      %select_n3A = arith.select %broadcast_in_dim3A_305, %add3A_30, %broadcast_in_dim3A_306 : vector<1024x256xi1>, vector<1024x256xf32>
      %reduce_max3A_307 = arith.constant dense<0xFF800000> : vector<256xf32>
      %reduce_max3A_308 = vector.multi_reduction <maximumf>, %select_n3A, %reduce_max3A_307 [0] : vector<1024x256xf32> to vector<256xf32>
      %broadcast_in_dim3A_309 = vector.shape_cast %reduce_max3A_308 : vector<256xf32> to vector<1x256xf32>
      %get3A_310 = arith.constant 28 : index
      %get3A_311 = arith.constant 0 : index
      %get3A_312 = vector.load %arg16[%get3A_310, %get3A_311] : memref<32x256xf32, #tpu.memory_space<vmem>>, vector<1x256xf32>
      %max3A = arith.maximumf %get3A_312, %broadcast_in_dim3A_309 : vector<1x256xf32>
      %swap3A = arith.constant 28 : index
      %swap3A_313 = arith.constant 0 : index
      %swap3A_314 = vector.load %arg16[%swap3A, %swap3A_313] : memref<32x256xf32, #tpu.memory_space<vmem>>, vector<1x256xf32>
      tpu.vector_store %arg16[%swap3A, %swap3A_313], %max3A {strides = array<i32>} : memref<32x256xf32, #tpu.memory_space<vmem>>, vector<1x256xf32>,
    } else {
    }
    %le3A_273 = arith.constant 29 : i32
    %le3A_274 = arith.cmpi sle, %reduce_min3A_39, %le3A_273 : i32
    %ge3A_275 = arith.constant 29 : i32
    %ge3A_276 = arith.cmpi sge, %reduce_max3A_43, %ge3A_275 : i32
    %and3A_277 = arith.andi %le3A_274, %ge3A_276 : i1
    %convert_element_type3A_278 = arith.extui %and3A_277 : i1 to i32
    %cond3A_279 = arith.constant 0 : i32
    %cond3A_280 = arith.cmpi ne, %convert_element_type3A_278, %cond3A_279 : i32
    scf.if %cond3A_280 {
      %eq3A_302 = arith.constant 29 : i32
      %eq3A_303 = vector.broadcast %eq3A_302 : i32 to vector<1024x1xi32>
      %eq3A_304 = arith.cmpi eq, %get3A_35, %eq3A_303 : vector<1024x1xi32>
      %jit3A = arith.constant -1.000000e+30 : f32
      %broadcast_in_dim3A = vector.shape_cast %eq3A_304 : vector<1024x1xi1> to vector<1024x1xi1>
      %broadcast_in_dim3A_305 = vector.broadcast %broadcast_in_dim3A : vector<1024x1xi1> to vector<1024x256xi1>
      %broadcast_in_dim3A_306 = vector.broadcast %jit3A : f32 to vector<1024x256xf32>
      %select_n3A = arith.select %broadcast_in_dim3A_305, %add3A_30, %broadcast_in_dim3A_306 : vector<1024x256xi1>, vector<1024x256xf32>
      %reduce_max3A_307 = arith.constant dense<0xFF800000> : vector<256xf32>
      %reduce_max3A_308 = vector.multi_reduction <maximumf>, %select_n3A, %reduce_max3A_307 [0] : vector<1024x256xf32> to vector<256xf32>
      %broadcast_in_dim3A_309 = vector.shape_cast %reduce_max3A_308 : vector<256xf32> to vector<1x256xf32>
      %get3A_310 = arith.constant 29 : index
      %get3A_311 = arith.constant 0 : index
      %get3A_312 = vector.load %arg16[%get3A_310, %get3A_311] : memref<32x256xf32, #tpu.memory_space<vmem>>, vector<1x256xf32>
      %max3A = arith.maximumf %get3A_312, %broadcast_in_dim3A_309 : vector<1x256xf32>
      %swap3A = arith.constant 29 : index
      %swap3A_313 = arith.constant 0 : index
      %swap3A_314 = vector.load %arg16[%swap3A, %swap3A_313] : memref<32x256xf32, #tpu.memory_space<vmem>>, vector<1x256xf32>
      tpu.vector_store %arg16[%swap3A, %swap3A_313], %max3A {strides = array<i32>} : memref<32x256xf32, #tpu.memory_space<vmem>>, vector<1x256xf32>,
    } else {
    }
    %le3A_281 = arith.constant 30 : i32
    %le3A_282 = arith.cmpi sle, %reduce_min3A_39, %le3A_281 : i32
    %ge3A_283 = arith.constant 30 : i32
    %ge3A_284 = arith.cmpi sge, %reduce_max3A_43, %ge3A_283 : i32
    %and3A_285 = arith.andi %le3A_282, %ge3A_284 : i1
    %convert_element_type3A_286 = arith.extui %and3A_285 : i1 to i32
    %cond3A_287 = arith.constant 0 : i32
    %cond3A_288 = arith.cmpi ne, %convert_element_type3A_286, %cond3A_287 : i32
    scf.if %cond3A_288 {
      %eq3A_302 = arith.constant 30 : i32
      %eq3A_303 = vector.broadcast %eq3A_302 : i32 to vector<1024x1xi32>
      %eq3A_304 = arith.cmpi eq, %get3A_35, %eq3A_303 : vector<1024x1xi32>
      %jit3A = arith.constant -1.000000e+30 : f32
      %broadcast_in_dim3A = vector.shape_cast %eq3A_304 : vector<1024x1xi1> to vector<1024x1xi1>
      %broadcast_in_dim3A_305 = vector.broadcast %broadcast_in_dim3A : vector<1024x1xi1> to vector<1024x256xi1>
      %broadcast_in_dim3A_306 = vector.broadcast %jit3A : f32 to vector<1024x256xf32>
      %select_n3A = arith.select %broadcast_in_dim3A_305, %add3A_30, %broadcast_in_dim3A_306 : vector<1024x256xi1>, vector<1024x256xf32>
      %reduce_max3A_307 = arith.constant dense<0xFF800000> : vector<256xf32>
      %reduce_max3A_308 = vector.multi_reduction <maximumf>, %select_n3A, %reduce_max3A_307 [0] : vector<1024x256xf32> to vector<256xf32>
      %broadcast_in_dim3A_309 = vector.shape_cast %reduce_max3A_308 : vector<256xf32> to vector<1x256xf32>
      %get3A_310 = arith.constant 30 : index
      %get3A_311 = arith.constant 0 : index
      %get3A_312 = vector.load %arg16[%get3A_310, %get3A_311] : memref<32x256xf32, #tpu.memory_space<vmem>>, vector<1x256xf32>
      %max3A = arith.maximumf %get3A_312, %broadcast_in_dim3A_309 : vector<1x256xf32>
      %swap3A = arith.constant 30 : index
      %swap3A_313 = arith.constant 0 : index
      %swap3A_314 = vector.load %arg16[%swap3A, %swap3A_313] : memref<32x256xf32, #tpu.memory_space<vmem>>, vector<1x256xf32>
      tpu.vector_store %arg16[%swap3A, %swap3A_313], %max3A {strides = array<i32>} : memref<32x256xf32, #tpu.memory_space<vmem>>, vector<1x256xf32>,
    } else {
    }
    %le3A_289 = arith.constant 31 : i32
    %le3A_290 = arith.cmpi sle, %reduce_min3A_39, %le3A_289 : i32
    %ge3A_291 = arith.constant 31 : i32
    %ge3A_292 = arith.cmpi sge, %reduce_max3A_43, %ge3A_291 : i32
    %and3A_293 = arith.andi %le3A_290, %ge3A_292 : i1
    %convert_element_type3A_294 = arith.extui %and3A_293 : i1 to i32
    %cond3A_295 = arith.constant 0 : i32
    %cond3A_296 = arith.cmpi ne, %convert_element_type3A_294, %cond3A_295 : i32
    scf.if %cond3A_296 {
      %eq3A_302 = arith.constant 31 : i32
      %eq3A_303 = vector.broadcast %eq3A_302 : i32 to vector<1024x1xi32>
      %eq3A_304 = arith.cmpi eq, %get3A_35, %eq3A_303 : vector<1024x1xi32>
      %jit3A = arith.constant -1.000000e+30 : f32
      %broadcast_in_dim3A = vector.shape_cast %eq3A_304 : vector<1024x1xi1> to vector<1024x1xi1>
      %broadcast_in_dim3A_305 = vector.broadcast %broadcast_in_dim3A : vector<1024x1xi1> to vector<1024x256xi1>
      %broadcast_in_dim3A_306 = vector.broadcast %jit3A : f32 to vector<1024x256xf32>
      %select_n3A = arith.select %broadcast_in_dim3A_305, %add3A_30, %broadcast_in_dim3A_306 : vector<1024x256xi1>, vector<1024x256xf32>
      %reduce_max3A_307 = arith.constant dense<0xFF800000> : vector<256xf32>
      %reduce_max3A_308 = vector.multi_reduction <maximumf>, %select_n3A, %reduce_max3A_307 [0] : vector<1024x256xf32> to vector<256xf32>
      %broadcast_in_dim3A_309 = vector.shape_cast %reduce_max3A_308 : vector<256xf32> to vector<1x256xf32>
      %get3A_310 = arith.constant 31 : index
      %get3A_311 = arith.constant 0 : index
      %get3A_312 = vector.load %arg16[%get3A_310, %get3A_311] : memref<32x256xf32, #tpu.memory_space<vmem>>, vector<1x256xf32>
      %max3A = arith.maximumf %get3A_312, %broadcast_in_dim3A_309 : vector<1x256xf32>
      %swap3A = arith.constant 31 : index
      %swap3A_313 = arith.constant 0 : index
      %swap3A_314 = vector.load %arg16[%swap3A, %swap3A_313] : memref<32x256xf32, #tpu.memory_space<vmem>>, vector<1x256xf32>
      tpu.vector_store %arg16[%swap3A, %swap3A_313], %max3A {strides = array<i32>} : memref<32x256xf32, #tpu.memory_space<vmem>>, vector<1x256xf32>,
    } else {
    }
    %eq3A_297 = arith.constant 9 : i32
    %eq3A_298 = arith.cmpi eq, %arg0, %eq3A_297 : i32
    %convert_element_type3A_299 = arith.extui %eq3A_298 : i1 to i32
    %cond3A_300 = arith.constant 0 : i32
    %cond3A_301 = arith.cmpi ne, %convert_element_type3A_299, %cond3A_300 : i32
    scf.if %cond3A_301 {
      %get3A_302 = arith.constant 0 : index
      %get3A_303 = arith.constant 0 : index
      %get3A_304 = vector.load %arg16[%get3A_302, %get3A_303] : memref<32x256xf32, #tpu.memory_space<vmem>>, vector<32x256xf32>
      %concatenate3A = tpu.concatenate %get3A_304, %get3A_304 in 1 : vector<32x256xf32>, vector<32x256xf32> -> vector<32x512xf32>
      %get3A_305 = arith.constant 0 : index
      %get3A_306 = arith.constant 0 : index
      %get3A_307 = vector.load %arg9[%get3A_305, %get3A_306] : memref<512x1024xf32, #tpu.memory_space<vmem>>, vector<512x1024xf32>
      %dot_general3A_308 = arith.constant dense<0.000000e+00> : vector<32x1024xf32>
      %dot_general3A_309 = tpu.matmul %concatenate3A, %get3A_307, %dot_general3A_308 {dimension_numbers = #tpu.dot_dimension_numbers<[1], [0], [0], [1], [0, 0, 1, 1], [], []>, transpose_lhs_hint = false} : vector<32x512xf32>, vector<512x1024xf32>, vector<32x1024xf32> -> vector<32x1024xf32>
      %get3A_310 = arith.constant 0 : index
      %get3A_311 = arith.constant 0 : index
      %get3A_312 = vector.load %arg10[%get3A_310, %get3A_311] : memref<1x1024xf32, #tpu.memory_space<vmem>>, vector<1x1024xf32>
      %add3A_313 = vector.broadcast %get3A_312 : vector<1x1024xf32> to vector<32x1024xf32>
      %add3A_314 = arith.addf %dot_general3A_309, %add3A_313 : vector<32x1024xf32>
      %max3A = arith.constant 0.000000e+00 : f32
      %max3A_315 = vector.broadcast %max3A : f32 to vector<32x1024xf32>
      %max3A_316 = arith.maximumf %add3A_314, %max3A_315 : vector<32x1024xf32>
      %get3A_317 = arith.constant 0 : index
      %get3A_318 = arith.constant 0 : index
      %get3A_319 = vector.load %arg11[%get3A_317, %get3A_318] : memref<1024x512xf32, #tpu.memory_space<vmem>>, vector<1024x512xf32>
      %dot_general3A_320 = arith.constant dense<0.000000e+00> : vector<32x512xf32>
      %dot_general3A_321 = tpu.matmul %max3A_316, %get3A_319, %dot_general3A_320 {dimension_numbers = #tpu.dot_dimension_numbers<[1], [0], [0], [1], [0, 0, 1, 1], [], []>, transpose_lhs_hint = false} : vector<32x1024xf32>, vector<1024x512xf32>, vector<32x512xf32> -> vector<32x512xf32>
      %get3A_322 = arith.constant 0 : index
      %get3A_323 = arith.constant 0 : index
      %get3A_324 = vector.load %arg12[%get3A_322, %get3A_323] : memref<1x512xf32, #tpu.memory_space<vmem>>, vector<1x512xf32>
      %add3A_325 = vector.broadcast %get3A_324 : vector<1x512xf32> to vector<32x512xf32>
      %add3A_326 = arith.addf %dot_general3A_321, %add3A_325 : vector<32x512xf32>
      %max3A_327 = arith.constant 0.000000e+00 : f32
      %max3A_328 = vector.broadcast %max3A_327 : f32 to vector<32x512xf32>
      %max3A_329 = arith.maximumf %add3A_326, %max3A_328 : vector<32x512xf32>
      %get3A_330 = arith.constant 0 : index
      %get3A_331 = arith.constant 0 : index
      %get3A_332 = vector.load %arg13[%get3A_330, %get3A_331] : memref<512x4xf32, #tpu.memory_space<vmem>>, vector<512x4xf32>
      %dot_general3A_333 = arith.constant dense<0.000000e+00> : vector<32x4xf32>
      %dot_general3A_334 = tpu.matmul %max3A_329, %get3A_332, %dot_general3A_333 {dimension_numbers = #tpu.dot_dimension_numbers<[1], [0], [0], [1], [0, 0, 1, 1], [], []>, transpose_lhs_hint = false} : vector<32x512xf32>, vector<512x4xf32>, vector<32x4xf32> -> vector<32x4xf32>
      %get3A_335 = arith.constant 0 : index
      %get3A_336 = arith.constant 0 : index
      %get3A_337 = vector.load %arg14[%get3A_335, %get3A_336] : memref<1x4xf32, #tpu.memory_space<vmem>>, vector<1x4xf32>
      %add3A_338 = vector.broadcast %get3A_337 : vector<1x4xf32> to vector<32x4xf32>
      %add3A_339 = arith.addf %dot_general3A_334, %add3A_338 : vector<32x4xf32>
      %swap3A = arith.constant 0 : index
      %swap3A_340 = arith.constant 0 : index
      %swap3A_341 = vector.load %arg15[%swap3A, %swap3A_340] : memref<32x4xf32, #tpu.memory_space<vmem>>, vector<32x4xf32>
      tpu.vector_store %arg15[%swap3A, %swap3A_340], %add3A_339 {strides = array<i32>} : memref<32x4xf32, #tpu.memory_space<vmem>>, vector<32x4xf32>,
    } else {
    }
    return
  }
  func.func @transform_0(%arg0: i32) -> (i32, i32) {
    %c0_i32 = arith.constant 0 : i32
    %c0_i32_0 = arith.constant 0 : i32
    return %arg0, %c0_i32 : i32, i32
  }
  func.func @transform_1(%arg0: i32) -> (i32, i32) {
    %add3A = arith.constant 10 : i32
    %add3A_0 = arith.addi %arg0, %add3A : i32
    %c0_i32 = arith.constant 0 : i32
    %c0_i32_1 = arith.constant 0 : i32
    return %add3A_0, %c0_i32 : i32, i32
  }
  func.func @transform_2(%arg0: i32) -> (i32, i32) {
    %c0_i32 = arith.constant 0 : i32
    %c0_i32_0 = arith.constant 0 : i32
    return %arg0, %c0_i32 : i32, i32
  }
  func.func @transform_3(%arg0: i32) -> (i32, i32) {
    %c0_i32 = arith.constant 0 : i32
    %c0_i32_0 = arith.constant 0 : i32
    return %arg0, %c0_i32 : i32, i32
  }
  func.func @transform_4(%arg0: i32) -> (i32, i32) {
    %add3A = arith.constant 10 : i32
    %add3A_0 = arith.addi %arg0, %add3A : i32
    %c0_i32 = arith.constant 0 : i32
    %c0_i32_1 = arith.constant 0 : i32
    return %add3A_0, %c0_i32 : i32, i32
  }
  func.func @transform_5(%arg0: i32) -> (i32, i32) {
    %c0_i32 = arith.constant 0 : i32
    %c0_i32_0 = arith.constant 0 : i32
    %c0_i32_1 = arith.constant 0 : i32
    return %c0_i32, %c0_i32_0 : i32, i32
  }
  func.func @transform_6(%arg0: i32) -> (i32, i32) {
    %c0_i32 = arith.constant 0 : i32
    %c0_i32_0 = arith.constant 0 : i32
    %c0_i32_1 = arith.constant 0 : i32
    return %c0_i32, %c0_i32_0 : i32, i32
  }
  func.func @transform_7(%arg0: i32) -> (i32, i32, i32) {
    %c0_i32 = arith.constant 0 : i32
    %c0_i32_0 = arith.constant 0 : i32
    %c0_i32_1 = arith.constant 0 : i32
    return %arg0, %c0_i32, %c0_i32_0 : i32, i32, i32
  }
  func.func @transform_8(%arg0: i32) -> (i32, i32) {
    %c0_i32 = arith.constant 0 : i32
    %c0_i32_0 = arith.constant 0 : i32
    %c0_i32_1 = arith.constant 0 : i32
    return %c0_i32, %c0_i32_0 : i32, i32
  }
  func.func @transform_9(%arg0: i32) -> (i32, i32) {
    %c0_i32 = arith.constant 0 : i32
    %c0_i32_0 = arith.constant 0 : i32
    %c0_i32_1 = arith.constant 0 : i32
    return %c0_i32, %c0_i32_0 : i32, i32
  }
  func.func @transform_10(%arg0: i32) -> (i32, i32) {
    %c0_i32 = arith.constant 0 : i32
    %c0_i32_0 = arith.constant 0 : i32
    %c0_i32_1 = arith.constant 0 : i32
    return %c0_i32, %c0_i32_0 : i32, i32
  }
  func.func @transform_11(%arg0: i32) -> (i32, i32) {
    %c0_i32 = arith.constant 0 : i32
    %c0_i32_0 = arith.constant 0 : i32
    %c0_i32_1 = arith.constant 0 : i32
    return %c0_i32, %c0_i32_0 : i32, i32
  }
  func.func @transform_12(%arg0: i32) -> (i32, i32) {
    %c0_i32 = arith.constant 0 : i32
    %c0_i32_0 = arith.constant 0 : i32
    %c0_i32_1 = arith.constant 0 : i32
    return %c0_i32, %c0_i32_0 : i32, i32
  }
  func.func @transform_13(%arg0: i32) -> (i32, i32) {
    %c0_i32 = arith.constant 0 : i32
    %c0_i32_0 = arith.constant 0 : i32
    %c0_i32_1 = arith.constant 0 : i32
    return %c0_i32, %c0_i32_0 : i32, i32
  }
  func.func @transform_14(%arg0: i32) -> (i32, i32) {
    %c0_i32 = arith.constant 0 : i32
    %c0_i32_0 = arith.constant 0 : i32
    %c0_i32_1 = arith.constant 0 : i32
    return %c0_i32, %c0_i32_0 : i32, i32
  }
}

</mosaic_0001>

<sc_bundles>
// kernel: kernel.10.cloned.1.call-start
scs
__scs_entry_jumppad:
0x0: {  	(pc) =	sbr.rel $0x88, $3  }
0x1: {  	(tag) =	ssettag $0x0;
	lr =	simm.s32 $0x1  }
0x2: {  	[smem:$0x3F92] =	sst lr;
	_ =	strace $0xD0000000  }
0x3: {  	_ = 	snop  }
0x4: {  	_ = 	snop  }
0x5: {  	_ = 	snop  }
0x6: {  	_ = 	snop  }
0x7: {  	_ = 	snop  }
__scs_overlays_trampoline_lowered:
0x8: {  	[smem:$0x3FA1] =	sst s0  }
0x9: {  	[smem:$0x3FA2] =	sst s1  }
0xa: {  	[smem:$0x3FA3] =	sst s2  }
0xb: {  	[smem:$0x3FA4] =	sst s3  }
0xc: {  	[smem:$0x3FA5] =	sst s4  }
0xd: {  	[smem:$0x3FA6] =	sst s5  }
0xe: {  	[smem:$0x3FA7] =	sst s6  }
0xf: {  	[smem:$0x3FA8] =	sst s7  }
0x10: {  	[smem:$0x3FA9] =	sst s8  }
0x11: {  	[smem:$0x3FAA] =	sst s9;
	s0 =	simm.s32 @!p0 $0x0  }
0x12: {  	s1 =	sld [smem:$0x3F90];
	s0 =	simm.s32 @p0 $0x1  }
0x13: {  	[smem:$0x3FAB] =	sst s0;
	s0 =	simm.s32 @!p1 $0x0  }
0x14: {  	s2 =	sld [smem:$0x3F8F];
	s0 =	simm.s32 @p1 $0x1  }
0x15: {  	[smem:$0x3FAC] =	sst s0;
	s0 =	simm.s32 @!p2 $0x0  }
0x16: {  	s3 =	sld [smem:$0x3FDB];
	s0 =	simm.s32 @p2 $0x1  }
0x17: {  	s4 =	simm.s32 $0x1BF5;
	[smem:$0x3FAE] =	sst s0  }
0x18: {  	s0 =	sld [smem:$0x3F91];
	_ =	swait.ge [sflag:s4], $0x0  }
0x19: {  	s7 =	sld [smem:$0x3F92]  }
0x1a: {  	s8 =	sadd.s32 $0xFFFFE003, lr  }
0x1b: {  	s9 =	sadd.s32 $0xFFFFFEF7, lr;
	s5 =	simm.s32 $0xFFFFFFFF;
	p2 =	slt.u32 s8, $0xFFFFF086  }
0x1c: {  	p1 =	slt.u32 s9, $0xF7A;
	s5 =	simm.s32 @!p2 $0x0  }
0x1d: {  	s5 =	simm.s32 @p1 $0x1;
	p0 =	seq.s32 s7, s2  }
0x1e: {  	s7 =	smul.u32 @!p0 $0xF7A, s2;
	p2 =	seq.s32 @!p0 s5, $0x0  }
0x1f: {  	s9 =	smul.u32 $0xF7A, s1;
	s8 =	simm.s32 @!p0 $0x1BF5;
	p2 =	por !p2, p0  }
0x20: {  	[sflag:s8] =	ssyncset.s32 @!p0 $0xFFFFF086;
	s6 =	sadd.s32 @!p0 s3, s7;
	s7 =	simm.s32 @!p0 $0x108  }
0x21: {  	s3 =	sadd.s32 s3, s9;
	s6 =	sadd.s32 @!p0 $0x88, s6;
	s7 =	simm.s32 @p2 $0x1082  }
0x22: {  	[simem:s7], [sflag:s8] =	dma.local @!p0 [hbm:s6], $0xF7A  }
0x23: {  	s9 =	sor.u32 $0xD0000000, s2;
	s6 =	simm.s32 $0x108;
	_ =	swait.ge @!p0 [sflag:s8], $0x0  }
0x24: {  	s3 =	sadd.s32 $0x88, s3;
	s6 =	simm.s32 @!p1 $0x1082;
	[sflag:s4] =	ssyncset.s32 $0xFFFFF086  }
0x25: {  	[simem:s6], [sflag:s4] =	dma.local [hbm:s3], $0xF7A  }
0x26: {  	[smem:$0x3F92] =	sst s1;
	(tag) =	ssettag s2;
	_ =	strace s9  }
0x27: {  	s1 =	sld [smem:$0x3FA2]  }
0x28: {  	s2 =	sld [smem:$0x3FA3]  }
0x29: {  	s4 =	sld [smem:$0x3FA5]  }
0x2a: {  	p0 =	seq.s32 s5, $0x0;
	s5 =	sld [smem:$0x3FA6]  }
0x2b: {  	s6 =	sld [smem:$0x3FA7]  }
0x2c: {  	s7 =	sld [smem:$0x3FA8]  }
0x2d: {  	s3 =	simm.s32 $0x108;
	s8 =	sld [smem:$0x3FA9]  }
0x2e: {  	s3 =	simm.s32 @!p0 $0x1082;
	s9 =	sld [smem:$0x3FAA]  }
0x2f: {  	lr =	sadd.s32 s0, s3;
	s0 =	sld [smem:$0x3FA1]  }
0x30: {  	s3 =	sld [smem:$0x3FA4]  }
0x31: {  	[smem:$0x3FAD] =	sst s10  }
0x32: {  	s10 =	sld [smem:$0x3FAB];
	_ =	sdelay $0x3  }
0x33: {  	p0 =	seq.s32 s10, $0x1;
	s10 =	sld [smem:$0x3FAD];
	_ =	sdelay $0x3  }
0x34: {  	[smem:$0x3FAD] =	sst s10  }
0x35: {  	s10 =	sld [smem:$0x3FAC];
	_ =	sdelay $0x3  }
0x36: {  	p1 =	seq.s32 s10, $0x1;
	s10 =	sld [smem:$0x3FAD];
	_ =	sdelay $0x3  }
0x37: {  	[smem:$0x3FAD] =	sst s10  }
0x38: {  	s10 =	sld [smem:$0x3FAE]  }
0x39: {  	_ = 	snop;
	(pc) =	sbr.ind lr, $3  }
0x3a: {  	_ = 	snop  }
0x3b: {  	_ = 	snop  }
0x3c: {  	p2 =	seq.s32 s10, $0x1;
	s10 =	sld [smem:$0x3FAD]  }
0x3d: {  	_ =	shalt  }
0x3e: {  	_ =	shalt  }
0x3f: {  	_ =	shalt  }
0x40: {  	_ =	shalt  }
0x41: {  	_ =	shalt  }
0x42: {  	_ =	shalt  }
0x43: {  	_ =	shalt  }
0x44: {  	_ =	shalt  }
0x45: {  	_ =	shalt  }
0x46: {  	_ =	shalt  }
0x47: {  	_ =	shalt  }
0x48: {  	_ =	shalt  }
0x49: {  	_ =	shalt  }
0x4a: {  	_ =	shalt  }
0x4b: {  	_ =	shalt  }
0x4c: {  	_ =	shalt  }
0x4d: {  	_ =	shalt  }
0x4e: {  	_ =	shalt  }
0x4f: {  	_ =	shalt  }
0x50: {  	_ =	shalt  }
0x51: {  	_ =	shalt  }
0x52: {  	_ =	shalt  }
0x53: {  	_ =	shalt  }
0x54: {  	_ =	shalt  }
0x55: {  	_ =	shalt  }
0x56: {  	_ =	shalt  }
0x57: {  	_ =	shalt  }
0x58: {  	_ =	shalt  }
0x59: {  	_ =	shalt  }
0x5a: {  	_ =	shalt  }
0x5b: {  	_ =	shalt  }
0x5c: {  	_ =	shalt  }
0x5d: {  	_ =	shalt  }
0x5e: {  	_ =	shalt  }
0x5f: {  	_ =	shalt  }
0x60: {  	_ =	shalt  }
0x61: {  	_ =	shalt  }
0x62: {  	_ =	shalt  }
0x63: {  	_ =	shalt  }
0x64: {  	_ =	shalt  }
0x65: {  	_ =	shalt  }
0x66: {  	_ =	shalt  }
0x67: {  	_ =	shalt  }
0x68: {  	_ =	shalt  }
0x69: {  	_ =	shalt  }
0x6a: {  	_ =	shalt  }
0x6b: {  	_ =	shalt  }
0x6c: {  	_ =	shalt  }
0x6d: {  	_ =	shalt  }
0x6e: {  	_ =	shalt  }
0x6f: {  	_ =	shalt  }
0x70: {  	_ =	shalt  }
0x71: {  	_ =	shalt  }
0x72: {  	_ =	shalt  }
0x73: {  	_ =	shalt  }
0x74: {  	_ =	shalt  }
0x75: {  	_ =	shalt  }
0x76: {  	_ =	shalt  }
0x77: {  	_ =	shalt  }
0x78: {  	_ =	shalt  }
0x79: {  	_ =	shalt  }
0x7a: {  	_ =	shalt  }
0x7b: {  	_ =	shalt  }
0x7c: {  	_ =	shalt  }
0x7d: {  	_ =	shalt  }
0x7e: {  	_ =	shalt  }
0x7f: {  	_ =	shalt  }
0x80: {  	_ =	shalt  }
0x81: {  	_ =	shalt  }
0x82: {  	_ =	shalt  }
0x83: {  	_ =	shalt  }
0x84: {  	_ =	shalt  }
0x85: {  	_ =	shalt  }
0x86: {  	_ =	shalt  }
0x87: {  	_ =	shalt  }
.Lfunc_end0:
.L_simem_size_0:
called_computation_lowered:
.L_overlay_start_0:
0x88: {  	s2 =	sld [smem:$0x3FD9]  }
0x89: {  	s3 =	sld [smem:$0x3FFE];
	_ =	sdelay $0x1  }
0x8a: {  	s1 =	srdreg.scid  }
0x8b: {  	s0 =	sand.u32 $0x1, s1  }
0x8c: {  	s16 =	sshll.u32 s0, $0xA;
	s2 =	sadd.s32 s3, s2  }
0x8d: {  	s2 =	sadd.s32 s2, s16  }
0x8e: {  	[smem:$0x3FB9] =	sst s2  }
0x8f: {  	_ = 	snop  }
0x90: {  	(tm) =	ssettm $0x1  }
0x91: {  	s17 =	sld [smem:$0x3FFB];
	_ =	sdelay $0x3  }
0x92: {  	_ =	strace s17  }
0x93: {  	s2 =	sld [smem:$0x3FFC];
	_ =	sdelay $0x3  }
0x94: {  	_ =	strace s2  }
0x95: {  	s2 =	sld [smem:$0x3FFD];
	_ =	sdelay $0x3  }
0x96: {  	_ =	strace s2  }
0x97: {  	_ =	strace $0x8FFFFFFF  }
0x98: {  	s18 =	sld [smem:$0x3FDB];
	_ =	sdelay $0x1  }
0x99: {  	s19 =	simm.s32 $_scs_section_size  }
0x9a: {  	s4 =	simm.s32 $_size__tile_overlayer_lowered;
	s5 =	simm.s32 $_tile_overlayer_lowered  }
0x9b: {  	s22 =	simm.s32 $0x1BFF;
	s21 =	sshll.u32 s5, $0x1;
	s2 =	sadd.s32 s19, s18  }
0x9c: {  	s6 =	simm.s32 $0x0;
	s20 =	sshll.u32 s4, $0x1;
	s4 =	sadd.s32 s21, s2  }
0x9d: {  	[timem:s6], [sflag:s22] =	dma.local [hbm:s4], s20  }
0x9e: {  	_ =	swait.ge [sflag:s22], s20  }
0x9f: {  	s3 =	ssub.s32 $0x0, s20;
	[sflag:s22] =	ssyncset.done $0x0  }
0xa0: {  	[sflag:s22] =	ssyncadd.s32 s3;
	_ =	sdelay $0x1  }
0xa1: {  	s23 =	simm.s32 $0x1B8B  }
0xa2: {  	_ =	swait.ge [sflag:s23], $0x1  }
0xa3: {  	[sflag:s23] =	ssyncset.done $0x0  }
0xa4: {  	s25 =	simm.s32 $0x1B8E;
	s24 =	sld [smem:$0x3FFE];
	[sflag:s23] =	ssyncadd.s32 $0xFFFFFFFF  }
0xa5: {  	s26 =	simm.s32 $execute0_lowered;
	[smem:$0x3FD2] =	sst s25  }
0xa6: {  	s4 =	sshll.u32 s26, $0x1;
	_ =	strace $0x80000046;
	[dreg:$0x1] =	wrdreg $0xFFFFFFFF  }
0xa7: {  	s28 =	simm.s32 $_size_execute0_lowered;
	s2 =	sadd.s32 s2, s4;
	[dreg:$0x0] =	wrdreg $0x0  }
0xa8: {  	s4 =	sshll.u32 s28, $0x1;
	[dreg:$0x2] =	wrdreg s2  }
0xa9: {  	[dreg:$0x3] =	wrdreg s4  }
0xaa: {  	[dreg:$0x4] =	wrdreg $0xC0  }
0xab: {  	_ =	task [dreg:s6], $0x5FFFF  }
0xac: {  	[dreg:$0x1] =	wrdreg $0xFFFFFFFF  }
0xad: {  	[dreg:$0x0] =	wrdreg $0x60  }
0xae: {  	[dreg:$0x2] =	wrdreg s24  }
0xaf: {  	[dreg:$0x3] =	wrdreg $0x24000  }
0xb0: {  	[dreg:$0x4] =	wrdreg $0x9  }
0xb1: {  	_ =	task.clear_ibuf [dreg:s6], $0x5FFFF;
	_ =	strace $0x90000046  }
0xb2: {  	s29 =	simm.s32 $0x9;
	_ =	strace $0x80000048  }
0xb3: {  	_ =	swait.ge [sflag:s29], $0x1  }
0xb4: {  	[sflag:s29] =	ssyncadd.s32 $0xFFFFFFFF  }
0xb5: {  	_ =	strace $0x90000048  }
0xb6: {  	_ =	sfence  }
0xb7: {  	s30 =	sld [smem:$0x0];
	_ =	sdelay $0x2  }
0xb8: {  	s31 =	sshll.u32 s1, $0xD;
	s1 =	sshrl.u32 s1, $0x2  }
0xb9: {  	s3 =	sand.u32 $0x4000, s31;
	s1 =	sadd.s32 s1, s30  }
0xba: {  	s0 =	sor.u32 s3, s0;
	s1 =	sshll.u32 s1, $0x11  }
0xbb: {  	s0 =	sor.u32 s1, s0  }
0xbc: {  	s0 =	sadd.s32 $0x8F2B, s0  }
0xbd: {  	[sflag:s0] =	ssyncadd.remote.s32 $0x1  }
0xbe: {  	_ =	sfence.sel $0xFFFF  }
0xbf: {  	[dreg:$0x0] =	wrdreg $0xFFFFFFFF;
	(pc) =	sbr.abs _section_cstart, $3  }
0xc0: {  	[dreg:$0x1] =	wrdreg $0xFFFFFFFF  }
0xc1: {  	_ =	task.clear_ibuf [dreg:s6], $0x2FFFF;
	_ =	strace $0x9FFFFFFF  }
0xc2: {  	(tm) =	ssettm $0x7FFFFFFF  }
0xc3: {  	_ =	shalt  }
tec
execute0_lowered:
.L_overlay_start_1:
0x0: {  	(tag) =	ssettag $0x1  }
0x1: {  	s7 =	rddreg [dreg:$0x0]  }
0x2: {  	s0 =	srdreg.scid;
	s2 =	rddreg [dreg:$0x1];
	s3 =	simm.s32 $0x0  }
0x3: {  	s19 =	simm.s32 $0x1400;
	s20 =	simm.s32 $0x1;
	s21 =	simm.s32 $0x1C00  }
0x4: {  	s22 =	simm.s32 $0x80;
	s6 =	sand.u32 $0x1, s0;
	s0 =	stileid.u32  }
0x5: {  	s23 =	simm.s32 $0x0;
	[smem:$0x7FF] =	sst s3;
	s8 =	smul.u32 $0x280, s0  }
0x6: {  	s5 =	sadd.s32 $0x21A00, s7;
	s1 =	sshll.u32 s6, $0x4;
	s9 =	smul.u32 $0x2800, s6  }
0x7: {  	s10 =	smul.u32 $0xA000, s0;
	s29 =	ssub.s32 $0x2, s6;
	s1 =	sor.u32 s0, s1  }
0x8: {  	s31 =	sshrl.u32 s29, $0x1;
	s4 =	smul.u32 $0x500, s1;
	s1 =	rddreg [dreg:$0x2]  }
0x9: {  	_ =	strace $0x80000047;
	s8 =	sadd.s32 s8, s9;
	s30 =	sshrl.u32 s10, $0x2  }
0xa: {  	s16 =	ssub.s32 s29, s31;
	s8 =	sshll.u32 s8, $0x1;
	s6 =	sadd.s32 s30, s2  }
0xb: {  	s16 =	smax.u32 s16, $0x1;
	s18 =	sadd.s32 s4, s7;
	s4 =	sadd.s32 $0x21C00, s7  }
0xc: {  	s15 =	sadd.s32 s8, s7;
	s7 =	sadd.s32 $0x800, s6;
	s8 =	sadd.s32 $0x1000, s6  }
0xd: {  	s9 =	sadd.s32 $0x1800, s6;
	s10 =	sadd.s32 $0x2000, s6;
	s11 =	sadd.s32 $0x21E00, s15  }
0xe: {  	s12 =	sadd.s32 $0x21F00, s15;
	s13 =	sadd.s32 $0x22000, s15;
	s14 =	sadd.s32 $0x22100, s15  }
0xf: {  	s15 =	sadd.s32 $0x22200, s15;
	s17 =	sadd.s32 $0x3A00, s18;
	s18 =	sadd.s32 $0x3C80, s18  }
.LBB2_1:
0x10: {  	[tilespmem:s19], [sflag:$0x1] =	stream.linear.gather [hbm4b:s4+s3], $0x800, $0x38;
	[tilespmem:$0x4C00] =	vst v63  }
0x11: {  	_ =	swait.ge [sflag:s20], $0x800  }
0x12: {  	[sflag:s20] =	ssyncset.done $0x0  }
0x13: {  	[sflag:s20] =	ssyncadd.s32 $0xFFFFF800  }
0x14: {  	[tilespmem:s21], [sflag:$0x1] =	stream.linear.gather [hbm4b:s5+s3], $0x800, $0x38;
	[tilespmem:$0x4C00] =	vst v63  }
0x15: {  	_ =	swait.ge [sflag:s20], $0x800  }
0x16: {  	[sflag:s20] =	ssyncset.done $0x0  }
0x17: {  	[sflag:s20] =	ssyncadd.s32 $0xFFFFF800  }
0x18: {  	[spmem:s6] =	stream.linear.scatter [tilespmem:s21], [sflag:$0x1], $0x800, $0x38;
	[tilespmem:$0x4C00] =	vst v63  }
0x19: {  	_ =	swait.ge [sflag:s20], $0x800  }
0x1a: {  	[sflag:s20] =	ssyncset.done $0x0  }
0x1b: {  	[sflag:s20] =	ssyncadd.s32 $0xFFFFF800  }
0x1c: {  	[spmem:s7] =	stream.linear.scatter [tilespmem:s21], [sflag:$0x1], $0x800, $0x38;
	[tilespmem:$0x4C00] =	vst v63  }
0x1d: {  	_ =	swait.ge [sflag:s20], $0x800  }
0x1e: {  	[sflag:s20] =	ssyncset.done $0x0  }
0x1f: {  	[sflag:s20] =	ssyncadd.s32 $0xFFFFF800  }
0x20: {  	[spmem:s8] =	stream.linear.scatter [tilespmem:s21], [sflag:$0x1], $0x800, $0x38;
	[tilespmem:$0x4C00] =	vst v63  }
0x21: {  	_ =	swait.ge [sflag:s20], $0x800  }
0x22: {  	[sflag:s20] =	ssyncset.done $0x0  }
0x23: {  	[sflag:s20] =	ssyncadd.s32 $0xFFFFF800  }
0x24: {  	[spmem:s9] =	stream.linear.scatter [tilespmem:s21], [sflag:$0x1], $0x800, $0x38;
	[tilespmem:$0x4C00] =	vst v63  }
0x25: {  	_ =	swait.ge [sflag:s20], $0x800  }
0x26: {  	[sflag:s20] =	ssyncset.done $0x0  }
0x27: {  	[sflag:s20] =	ssyncadd.s32 $0xFFFFF800  }
0x28: {  	[spmem:s10] =	stream.linear.scatter [tilespmem:s21], [sflag:$0x1], $0x800, $0x38;
	[tilespmem:$0x4C00] =	vst v63  }
0x29: {  	_ =	swait.ge [sflag:s20], $0x800  }
0x2a: {  	[sflag:s20] =	ssyncset.done $0x0  }
0x2b: {  	[sflag:s20] =	ssyncadd.s32 $0xFFFFF800  }
0x2c: {  	[bflag:$0x0] =	sbarrier.arrive $0xFFFF  }
0x2d: {  	[tilespmem:s3], [sflag:$0x1] =	stream.linear.gather [hbm4b:s17+s3], $0x1400, $0x38;
	[tilespmem:$0x4C00] =	vst v63  }
0x2e: {  	_ =	swait.ge [sflag:s20], $0x1400  }
0x2f: {  	[sflag:s20] =	ssyncset.done $0x0  }
0x30: {  	s24 =	simm.s32 $0x0;
	[sflag:s20] =	ssyncadd.s32 $0xFFFFEC00  }
0x31: {  	[spmem:s2] =	stream.indirect.scatter.add.f32 [tilespmem:s19], [sflag:$0x1], $0x10, s24, s22, $0xb8;
	[tilespmem:$0x4C00] =	vst v63  }
0x32: {  	_ =	swait.ge [sflag:s20], $0x800  }
0x33: {  	s24 =	simm.s32 $0x200;
	[sflag:s20] =	ssyncset.done $0x0  }
.LBB2_2:
0x34: {  	s25 =	sshra.s32 s24, $0x2;
	[sflag:s20] =	ssyncadd.s32 $0xFFFFF800;
	p0 =	sne.s32 s24, $0x4E00  }
0x35: {  	[spmem:s2] =	stream.indirect.scatter.add.f32 [tilespmem:s19], [sflag:$0x1], $0x10, s25, s22, $0xb8;
	[tilespmem:$0x4C00] =	vst v63  }
.Ltmp0:
0x36: {  	_ = 	snop;
	(pc) =	sbr.rel @p0 .LBB2_2-.Ltmp0, $4  }
0x37: {  	_ = 	snop  }
0x38: {  	s24 =	sadd.s32 $0x200, s24  }
0x39: {  	_ =	swait.ge [sflag:s20], $0x800  }
0x3a: {  	[sflag:s20] =	ssyncset.done $0x0  }
0x3b: {  	[sflag:s20] =	ssyncadd.s32 $0xFFFFF800;
	s24 =	simm.s32 $0x0  }
0x3c: {  	[tilespmem:s24], [sflag:$0x1] =	stream.linear.gather [hbm4b:s18+s24], $0x1400, $0x38;
	[tilespmem:$0x4C00] =	vst v63  }
0x3d: {  	_ =	swait.ge [sflag:s20], $0x1400  }
0x3e: {  	[sflag:s20] =	ssyncset.done $0x0  }
0x3f: {  	s31 =	simm.s32 $0x0;
	[sflag:s20] =	ssyncadd.s32 $0xFFFFEC00  }
0x40: {  	[spmem:s2] =	stream.indirect.scatter.add.f32 [tilespmem:s19], [sflag:$0x1], $0x10, s31, s22, $0xb8;
	[tilespmem:$0x4C00] =	vst v63  }
0x41: {  	_ =	swait.ge [sflag:s20], $0x800  }
0x42: {  	s24 =	simm.s32 $0x200;
	[sflag:s20] =	ssyncset.done $0x0  }
.LBB2_4:
0x43: {  	s25 =	sshra.s32 s24, $0x2;
	[sflag:s20] =	ssyncadd.s32 $0xFFFFF800;
	p0 =	sne.s32 s24, $0x4E00  }
0x44: {  	[spmem:s2] =	stream.indirect.scatter.add.f32 [tilespmem:s19], [sflag:$0x1], $0x10, s25, s22, $0xb8;
	[tilespmem:$0x4C00] =	vst v63  }
.Ltmp1:
0x45: {  	_ = 	snop;
	(pc) =	sbr.rel @p0 .LBB2_4-.Ltmp1, $4  }
0x46: {  	_ = 	snop  }
0x47: {  	s24 =	sadd.s32 $0x200, s24  }
0x48: {  	_ =	swait.ge [sflag:s20], $0x800  }
0x49: {  	[sflag:s20] =	ssyncset.done $0x0  }
0x4a: {  	[sflag:s20] =	ssyncadd.s32 $0xFFFFF800  }
0x4b: {  	[bflag:$0x0] =	sbarrier.arrive $0xFFFF  }
0x4c: {  	[tilespmem:s21], [sflag:$0x1] =	stream.linear.gather [spmem:s6], $0x800, $0x38;
	[tilespmem:$0x4C00] =	vst v63  }
0x4d: {  	_ =	swait.ge [sflag:s20], $0x800  }
0x4e: {  	[sflag:s20] =	ssyncset.done $0x0  }
0x4f: {  	[sflag:s20] =	ssyncadd.s32 $0xFFFFF800  }
0x50: {  	[hbm4b:s11+s3] =	stream.linear.scatter [tilespmem:s21], [sflag:$0x1], $0x800, $0x38;
	[tilespmem:$0x4C00] =	vst v63  }
0x51: {  	_ =	swait.ge [sflag:s20], $0x800  }
0x52: {  	[sflag:s20] =	ssyncset.done $0x0  }
0x53: {  	[sflag:s20] =	ssyncadd.s32 $0xFFFFF800  }
0x54: {  	[tilespmem:s21], [sflag:$0x1] =	stream.linear.gather [spmem:s7], $0x800, $0x38;
	[tilespmem:$0x4C00] =	vst v63  }
0x55: {  	_ =	swait.ge [sflag:s20], $0x800  }
0x56: {  	[sflag:s20] =	ssyncset.done $0x0  }
0x57: {  	[sflag:s20] =	ssyncadd.s32 $0xFFFFF800  }
0x58: {  	[hbm4b:s12+s3] =	stream.linear.scatter [tilespmem:s21], [sflag:$0x1], $0x800, $0x38;
	[tilespmem:$0x4C00] =	vst v63  }
0x59: {  	_ =	swait.ge [sflag:s20], $0x800  }
0x5a: {  	[sflag:s20] =	ssyncset.done $0x0  }
0x5b: {  	[sflag:s20] =	ssyncadd.s32 $0xFFFFF800  }
0x5c: {  	[tilespmem:s21], [sflag:$0x1] =	stream.linear.gather [spmem:s8], $0x800, $0x38;
	[tilespmem:$0x4C00] =	vst v63  }
0x5d: {  	_ =	swait.ge [sflag:s20], $0x800  }
0x5e: {  	[sflag:s20] =	ssyncset.done $0x0  }
0x5f: {  	[sflag:s20] =	ssyncadd.s32 $0xFFFFF800  }
0x60: {  	[hbm4b:s13+s3] =	stream.linear.scatter [tilespmem:s21], [sflag:$0x1], $0x800, $0x38;
	[tilespmem:$0x4C00] =	vst v63  }
0x61: {  	_ =	swait.ge [sflag:s20], $0x800  }
0x62: {  	[sflag:s20] =	ssyncset.done $0x0  }
0x63: {  	[sflag:s20] =	ssyncadd.s32 $0xFFFFF800  }
0x64: {  	[tilespmem:s21], [sflag:$0x1] =	stream.linear.gather [spmem:s9], $0x800, $0x38;
	[tilespmem:$0x4C00] =	vst v63  }
0x65: {  	_ =	swait.ge [sflag:s20], $0x800  }
0x66: {  	[sflag:s20] =	ssyncset.done $0x0  }
0x67: {  	[sflag:s20] =	ssyncadd.s32 $0xFFFFF800  }
0x68: {  	[hbm4b:s14+s3] =	stream.linear.scatter [tilespmem:s21], [sflag:$0x1], $0x800, $0x38;
	[tilespmem:$0x4C00] =	vst v63  }
0x69: {  	_ =	swait.ge [sflag:s20], $0x800  }
0x6a: {  	[sflag:s20] =	ssyncset.done $0x0  }
0x6b: {  	[sflag:s20] =	ssyncadd.s32 $0xFFFFF800  }
0x6c: {  	[tilespmem:s21], [sflag:$0x1] =	stream.linear.gather [spmem:s10], $0x800, $0x38;
	[tilespmem:$0x4C00] =	vst v63  }
0x6d: {  	s23 =	sadd.s32 $0x1, s23;
	_ =	swait.ge [sflag:s20], $0x800  }
0x6e: {  	p0 =	sne.s32 s23, s16;
	[sflag:s20] =	ssyncset.done $0x0  }
.Ltmp2:
0x6f: {  	[sflag:s20] =	ssyncadd.s32 $0xFFFFF800;
	(pc) =	sbr.rel @p0 .LBB2_1-.Ltmp2, $4  }
0x70: {  	[hbm4b:s15+s3] =	stream.linear.scatter [tilespmem:s21], [sflag:$0x1], $0x800, $0x38;
	[tilespmem:$0x4C00] =	vst v63  }
0x71: {  	_ =	swait.ge [sflag:s20], $0x800  }
0x72: {  	[sflag:s20] =	ssyncset.done $0x0  }
0x73: {  	[sflag:s20] =	ssyncadd.s32 $0xFFFFF800  }
0x74: {  	_ =	sfence.sel $0x180000  }
0x75: {  	[bflag:$0x0] =	sbarrier.arrive $0xFFFF  }
0x76: {  	p0 =	sne.s32 s0, $0x0;
	_ =	strace $0x90000047  }
0x77: {  	s0 =	sadd.s32 @!p0 $0x100000, s1;
	[bflag:$0x2] =	sbarrier.arrive $0xFFFF  }
0x78: {  	[sflag:s0] =	ssyncadd.tile.s32 @!p0 $0x1;
	_ =	shalt  }
.Lfunc_end2:
_tile_overlayer_lowered:
.L_overlay_start_2:
0x79: {  	(tag) =	ssettag $0x2  }
0x7a: {  	s0 =	rddreg [dreg:$0x0];
	s2 =	stileid.u32  }
0x7b: {  	s1 =	rddreg [dreg:$0x1];
	p0 =	sne.s32 s2, $0x0  }
0x7c: {  	s3 =	rddreg [dreg:$0x2];
	[bflag:$0x3] =	sbarrier.arrive $0xFFFF;
	s2 =	simm.s32 @!p0 $0x1C01  }
0x7d: {  	[timem:s3], [sflag:s2] =	dma.local @!p0 [hbm:s0], s1  }
0x7e: {  	s0 =	simm.s32 @!p0 $0x1  }
0x7f: {  	_ =	swait.ge @!p0 [sflag:s0], s1  }
0x80: {  	s1 =	ssub.s32 @!p0 $0x0, s1;
	[sflag:s0] =	ssyncset.done @!p0 $0x0  }
0x81: {  	[sflag:s0] =	ssyncadd.s32 @!p0 s1  }
0x82: {  	[bflag:$0x3] =	sbarrier.arrive $0xFFFF  }
0x83: {  	_ =	shalt  }

// kernel: kernel.13.cloned.1.call-start
scs
__scs_entry_jumppad:
0x0: {  	(pc) =	sbr.rel $0x88, $3  }
0x1: {  	(tag) =	ssettag $0x0;
	lr =	simm.s32 $0x1  }
0x2: {  	[smem:$0x3F92] =	sst lr;
	_ =	strace $0xD0000000  }
0x3: {  	_ = 	snop  }
0x4: {  	_ = 	snop  }
0x5: {  	_ = 	snop  }
0x6: {  	_ = 	snop  }
0x7: {  	_ = 	snop  }
__scs_overlays_trampoline_lowered:
0x8: {  	[smem:$0x3FA1] =	sst s0  }
0x9: {  	[smem:$0x3FA2] =	sst s1  }
0xa: {  	[smem:$0x3FA3] =	sst s2  }
0xb: {  	[smem:$0x3FA4] =	sst s3  }
0xc: {  	[smem:$0x3FA5] =	sst s4  }
0xd: {  	[smem:$0x3FA6] =	sst s5  }
0xe: {  	[smem:$0x3FA7] =	sst s6  }
0xf: {  	[smem:$0x3FA8] =	sst s7  }
0x10: {  	[smem:$0x3FA9] =	sst s8  }
0x11: {  	[smem:$0x3FAA] =	sst s9;
	s0 =	simm.s32 @!p0 $0x0  }
0x12: {  	s1 =	sld [smem:$0x3F90];
	s0 =	simm.s32 @p0 $0x1  }
0x13: {  	[smem:$0x3FAB] =	sst s0;
	s0 =	simm.s32 @!p1 $0x0  }
0x14: {  	s2 =	sld [smem:$0x3F8F];
	s0 =	simm.s32 @p1 $0x1  }
0x15: {  	[smem:$0x3FAC] =	sst s0;
	s0 =	simm.s32 @!p2 $0x0  }
0x16: {  	s3 =	sld [smem:$0x3FDB];
	s0 =	simm.s32 @p2 $0x1  }
0x17: {  	s4 =	simm.s32 $0x1BF5;
	[smem:$0x3FAE] =	sst s0  }
0x18: {  	s0 =	sld [smem:$0x3F91];
	_ =	swait.ge [sflag:s4], $0x0  }
0x19: {  	s7 =	sld [smem:$0x3F92]  }
0x1a: {  	s8 =	sadd.s32 $0xFFFFE003, lr  }
0x1b: {  	s9 =	sadd.s32 $0xFFFFFEF7, lr;
	s5 =	simm.s32 $0xFFFFFFFF;
	p2 =	slt.u32 s8, $0xFFFFF086  }
0x1c: {  	p1 =	slt.u32 s9, $0xF7A;
	s5 =	simm.s32 @!p2 $0x0  }
0x1d: {  	s5 =	simm.s32 @p1 $0x1;
	p0 =	seq.s32 s7, s2  }
0x1e: {  	s7 =	smul.u32 @!p0 $0xF7A, s2;
	p2 =	seq.s32 @!p0 s5, $0x0  }
0x1f: {  	s9 =	smul.u32 $0xF7A, s1;
	s8 =	simm.s32 @!p0 $0x1BF5;
	p2 =	por !p2, p0  }
0x20: {  	[sflag:s8] =	ssyncset.s32 @!p0 $0xFFFFF086;
	s6 =	sadd.s32 @!p0 s3, s7;
	s7 =	simm.s32 @!p0 $0x108  }
0x21: {  	s3 =	sadd.s32 s3, s9;
	s6 =	sadd.s32 @!p0 $0x88, s6;
	s7 =	simm.s32 @p2 $0x1082  }
0x22: {  	[simem:s7], [sflag:s8] =	dma.local @!p0 [hbm:s6], $0xF7A  }
0x23: {  	s9 =	sor.u32 $0xD0000000, s2;
	s6 =	simm.s32 $0x108;
	_ =	swait.ge @!p0 [sflag:s8], $0x0  }
0x24: {  	s3 =	sadd.s32 $0x88, s3;
	s6 =	simm.s32 @!p1 $0x1082;
	[sflag:s4] =	ssyncset.s32 $0xFFFFF086  }
0x25: {  	[simem:s6], [sflag:s4] =	dma.local [hbm:s3], $0xF7A  }
0x26: {  	[smem:$0x3F92] =	sst s1;
	(tag) =	ssettag s2;
	_ =	strace s9  }
0x27: {  	s1 =	sld [smem:$0x3FA2]  }
0x28: {  	s2 =	sld [smem:$0x3FA3]  }
0x29: {  	s4 =	sld [smem:$0x3FA5]  }
0x2a: {  	p0 =	seq.s32 s5, $0x0;
	s5 =	sld [smem:$0x3FA6]  }
0x2b: {  	s6 =	sld [smem:$0x3FA7]  }
0x2c: {  	s7 =	sld [smem:$0x3FA8]  }
0x2d: {  	s3 =	simm.s32 $0x108;
	s8 =	sld [smem:$0x3FA9]  }
0x2e: {  	s3 =	simm.s32 @!p0 $0x1082;
	s9 =	sld [smem:$0x3FAA]  }
0x2f: {  	lr =	sadd.s32 s0, s3;
	s0 =	sld [smem:$0x3FA1]  }
0x30: {  	s3 =	sld [smem:$0x3FA4]  }
0x31: {  	[smem:$0x3FAD] =	sst s10  }
0x32: {  	s10 =	sld [smem:$0x3FAB];
	_ =	sdelay $0x3  }
0x33: {  	p0 =	seq.s32 s10, $0x1;
	s10 =	sld [smem:$0x3FAD];
	_ =	sdelay $0x3  }
0x34: {  	[smem:$0x3FAD] =	sst s10  }
0x35: {  	s10 =	sld [smem:$0x3FAC];
	_ =	sdelay $0x3  }
0x36: {  	p1 =	seq.s32 s10, $0x1;
	s10 =	sld [smem:$0x3FAD];
	_ =	sdelay $0x3  }
0x37: {  	[smem:$0x3FAD] =	sst s10  }
0x38: {  	s10 =	sld [smem:$0x3FAE]  }
0x39: {  	_ = 	snop;
	(pc) =	sbr.ind lr, $3  }
0x3a: {  	_ = 	snop  }
0x3b: {  	_ = 	snop  }
0x3c: {  	p2 =	seq.s32 s10, $0x1;
	s10 =	sld [smem:$0x3FAD]  }
0x3d: {  	_ =	shalt  }
0x3e: {  	_ =	shalt  }
0x3f: {  	_ =	shalt  }
0x40: {  	_ =	shalt  }
0x41: {  	_ =	shalt  }
0x42: {  	_ =	shalt  }
0x43: {  	_ =	shalt  }
0x44: {  	_ =	shalt  }
0x45: {  	_ =	shalt  }
0x46: {  	_ =	shalt  }
0x47: {  	_ =	shalt  }
0x48: {  	_ =	shalt  }
0x49: {  	_ =	shalt  }
0x4a: {  	_ =	shalt  }
0x4b: {  	_ =	shalt  }
0x4c: {  	_ =	shalt  }
0x4d: {  	_ =	shalt  }
0x4e: {  	_ =	shalt  }
0x4f: {  	_ =	shalt  }
0x50: {  	_ =	shalt  }
0x51: {  	_ =	shalt  }
0x52: {  	_ =	shalt  }
0x53: {  	_ =	shalt  }
0x54: {  	_ =	shalt  }
0x55: {  	_ =	shalt  }
0x56: {  	_ =	shalt  }
0x57: {  	_ =	shalt  }
0x58: {  	_ =	shalt  }
0x59: {  	_ =	shalt  }
0x5a: {  	_ =	shalt  }
0x5b: {  	_ =	shalt  }
0x5c: {  	_ =	shalt  }
0x5d: {  	_ =	shalt  }
0x5e: {  	_ =	shalt  }
0x5f: {  	_ =	shalt  }
0x60: {  	_ =	shalt  }
0x61: {  	_ =	shalt  }
0x62: {  	_ =	shalt  }
0x63: {  	_ =	shalt  }
0x64: {  	_ =	shalt  }
0x65: {  	_ =	shalt  }
0x66: {  	_ =	shalt  }
0x67: {  	_ =	shalt  }
0x68: {  	_ =	shalt  }
0x69: {  	_ =	shalt  }
0x6a: {  	_ =	shalt  }
0x6b: {  	_ =	shalt  }
0x6c: {  	_ =	shalt  }
0x6d: {  	_ =	shalt  }
0x6e: {  	_ =	shalt  }
0x6f: {  	_ =	shalt  }
0x70: {  	_ =	shalt  }
0x71: {  	_ =	shalt  }
0x72: {  	_ =	shalt  }
0x73: {  	_ =	shalt  }
0x74: {  	_ =	shalt  }
0x75: {  	_ =	shalt  }
0x76: {  	_ =	shalt  }
0x77: {  	_ =	shalt  }
0x78: {  	_ =	shalt  }
0x79: {  	_ =	shalt  }
0x7a: {  	_ =	shalt  }
0x7b: {  	_ =	shalt  }
0x7c: {  	_ =	shalt  }
0x7d: {  	_ =	shalt  }
0x7e: {  	_ =	shalt  }
0x7f: {  	_ =	shalt  }
0x80: {  	_ =	shalt  }
0x81: {  	_ =	shalt  }
0x82: {  	_ =	shalt  }
0x83: {  	_ =	shalt  }
0x84: {  	_ =	shalt  }
0x85: {  	_ =	shalt  }
0x86: {  	_ =	shalt  }
0x87: {  	_ =	shalt  }
.Lfunc_end0:
.L_simem_size_0:
called_computation.1_lowered:
.L_overlay_start_0:
0x88: {  	s2 =	sld [smem:$0x3FD9]  }
0x89: {  	s3 =	sld [smem:$0x3FFE];
	_ =	sdelay $0x1  }
0x8a: {  	s1 =	srdreg.scid  }
0x8b: {  	s0 =	sand.u32 $0x1, s1  }
0x8c: {  	s16 =	sshll.u32 s0, $0xA;
	s2 =	sadd.s32 s3, s2  }
0x8d: {  	s2 =	sadd.s32 s2, s16  }
0x8e: {  	[smem:$0x3FB9] =	sst s2  }
0x8f: {  	_ = 	snop  }
0x90: {  	(tm) =	ssettm $0x1  }
0x91: {  	s17 =	sld [smem:$0x3FFB];
	_ =	sdelay $0x3  }
0x92: {  	_ =	strace s17  }
0x93: {  	s2 =	sld [smem:$0x3FFC];
	_ =	sdelay $0x3  }
0x94: {  	_ =	strace s2  }
0x95: {  	s2 =	sld [smem:$0x3FFD];
	_ =	sdelay $0x3  }
0x96: {  	_ =	strace s2  }
0x97: {  	_ =	strace $0x8FFFFFFF  }
0x98: {  	s18 =	sld [smem:$0x3FDB];
	_ =	sdelay $0x1  }
0x99: {  	s19 =	simm.s32 $_scs_section_size  }
0x9a: {  	s4 =	simm.s32 $_size__tile_overlayer_lowered;
	s5 =	simm.s32 $_tile_overlayer_lowered  }
0x9b: {  	s22 =	simm.s32 $0x1BFF;
	s21 =	sshll.u32 s5, $0x1;
	s2 =	sadd.s32 s19, s18  }
0x9c: {  	s6 =	simm.s32 $0x0;
	s20 =	sshll.u32 s4, $0x1;
	s4 =	sadd.s32 s21, s2  }
0x9d: {  	[timem:s6], [sflag:s22] =	dma.local [hbm:s4], s20  }
0x9e: {  	_ =	swait.ge [sflag:s22], s20  }
0x9f: {  	s3 =	ssub.s32 $0x0, s20;
	[sflag:s22] =	ssyncset.done $0x0  }
0xa0: {  	[sflag:s22] =	ssyncadd.s32 s3;
	_ =	sdelay $0x1  }
0xa1: {  	s23 =	simm.s32 $0x1B8B  }
0xa2: {  	_ =	swait.ge [sflag:s23], $0x1  }
0xa3: {  	[sflag:s23] =	ssyncset.done $0x0  }
0xa4: {  	s25 =	simm.s32 $0x1B8E;
	s24 =	sld [smem:$0x3FFE];
	[sflag:s23] =	ssyncadd.s32 $0xFFFFFFFF  }
0xa5: {  	s26 =	simm.s32 $execute0_lowered;
	[smem:$0x3FD2] =	sst s25  }
0xa6: {  	s4 =	sshll.u32 s26, $0x1;
	_ =	strace $0x80000049;
	[dreg:$0x1] =	wrdreg $0xFFFFFFFF  }
0xa7: {  	s28 =	simm.s32 $_size_execute0_lowered;
	s2 =	sadd.s32 s2, s4;
	[dreg:$0x0] =	wrdreg $0x0  }
0xa8: {  	s4 =	sshll.u32 s28, $0x1;
	[dreg:$0x2] =	wrdreg s2  }
0xa9: {  	[dreg:$0x3] =	wrdreg s4  }
0xaa: {  	[dreg:$0x4] =	wrdreg $0xC0  }
0xab: {  	_ =	task [dreg:s6], $0x5FFFF  }
0xac: {  	[dreg:$0x1] =	wrdreg $0xFFFFFFFF  }
0xad: {  	[dreg:$0x0] =	wrdreg $0x60  }
0xae: {  	[dreg:$0x2] =	wrdreg s24  }
0xaf: {  	[dreg:$0x3] =	wrdreg $0x68000  }
0xb0: {  	[dreg:$0x4] =	wrdreg $0x9  }
0xb1: {  	_ =	task.clear_ibuf [dreg:s6], $0x5FFFF;
	_ =	strace $0x90000049  }
0xb2: {  	s29 =	simm.s32 $0x9;
	_ =	strace $0x8000004B  }
0xb3: {  	_ =	swait.ge [sflag:s29], $0x1  }
0xb4: {  	[sflag:s29] =	ssyncadd.s32 $0xFFFFFFFF  }
0xb5: {  	_ =	strace $0x9000004B  }
0xb6: {  	_ =	sfence  }
0xb7: {  	s30 =	sld [smem:$0x0];
	_ =	sdelay $0x2  }
0xb8: {  	s31 =	sshll.u32 s1, $0xD;
	s1 =	sshrl.u32 s1, $0x2  }
0xb9: {  	s3 =	sand.u32 $0x4000, s31;
	s1 =	sadd.s32 s1, s30  }
0xba: {  	s0 =	sor.u32 s3, s0;
	s1 =	sshll.u32 s1, $0x11  }
0xbb: {  	s0 =	sor.u32 s1, s0  }
0xbc: {  	s0 =	sadd.s32 $0x8F2B, s0  }
0xbd: {  	[sflag:s0] =	ssyncadd.remote.s32 $0x1  }
0xbe: {  	_ =	sfence.sel $0xFFFF  }
0xbf: {  	[dreg:$0x0] =	wrdreg $0xFFFFFFFF;
	(pc) =	sbr.abs _section_cstart, $3  }
0xc0: {  	[dreg:$0x1] =	wrdreg $0xFFFFFFFF  }
0xc1: {  	_ =	task.clear_ibuf [dreg:s6], $0x2FFFF;
	_ =	strace $0x9FFFFFFF  }
0xc2: {  	(tm) =	ssettm $0x7FFFFFFF  }
0xc3: {  	_ =	shalt  }
tec
execute0_lowered:
.L_overlay_start_1:
0x0: {  	(tag) =	ssettag $0x1  }
0x1: {  	s0 =	rddreg [dreg:$0x0]  }
0x2: {  	s2 =	rddreg [dreg:$0x1]  }
0x3: {  	s1 =	srdreg.scid;
	s9 =	stileid.u32  }
0x4: {  	s3 =	simm.s32 $0x0;
	s21 =	simm.s32 $0x2800;
	s22 =	simm.s32 $0x3  }
0x5: {  	s23 =	simm.s32 $0x1400;
	s28 =	simm.s32 $0x2;
	s29 =	simm.s32 $0x2700  }
0x6: {  	s30 =	simm.s32 $0x2780;
	s31 =	simm.s32 $0x0;
	s1 =	sand.u32 $0x1, s1  }
0x7: {  	s5 =	smul.u32 $0x280, s9;
	[smem:$0x7FF] =	sst s3;
	s4 =	sadd.s32 $0x71A00, s0  }
0x8: {  	s19 =	sadd.s32 $0x17A00, s0;
	s20 =	sadd.s32 $0xDA00, s0;
	s7 =	smul.u32 $0x28000, s9  }
0x9: {  	s24 =	sadd.s32 $0x3A00, s0;
	s6 =	smul.u32 $0x2800, s1;
	_ =	strace $0x8000004A  }
0xa: {  	[dreg:$0x3] =	wrdreg s24;
	s8 =	ssub.s32 $0x2, s1;
	s1 =	sshll.u32 s1, $0x4  }
0xb: {  	s24 =	simm.s32 $0x80;
	s25 =	sshrl.u32 s8, $0x1;
	s7 =	sshrl.u32 s7, $0x2  }
0xc: {  	s1 =	sor.u32 s9, s1;
	s6 =	sadd.s32 s5, s6;
	s16 =	ssub.s32 s8, s25  }
0xd: {  	s1 =	smul.u32 $0x500, s1;
	s25 =	simm.s32 $0x4800;
	s6 =	sshll.u32 s6, $0x3  }
0xe: {  	s16 =	smax.u32 s16, $0x1;
	s0 =	sadd.s32 s6, s0;
	s6 =	sadd.s32 s7, s2  }
0xf: {  	s17 =	sadd.s32 s19, s1;
	s18 =	sadd.s32 s20, s1;
	s26 =	sadd.s32 $0x280, s1  }
0x10: {  	s7 =	sadd.s32 $0x2000, s6;
	s8 =	sadd.s32 $0x4000, s6;
	s9 =	sadd.s32 $0x6000, s6  }
0x11: {  	s10 =	sadd.s32 $0x8000, s6;
	s11 =	sadd.s32 $0x85A00, s0;
	s12 =	sadd.s32 $0x85E00, s0  }
0x12: {  	s13 =	sadd.s32 $0x86200, s0;
	s14 =	sadd.s32 $0x86600, s0;
	s15 =	sadd.s32 $0x86A00, s0  }
0x13: {  	s19 =	sadd.s32 s19, s26;
	s20 =	sadd.s32 s20, s26;
	s26 =	simm.s32 $0x1  }
.LBB2_1:
0x14: {  	s0 =	rddreg [dreg:$0x3]  }
0x15: {  	[tilespmem:s21], [sflag:$0x3] =	stream.linear.gather [hbm4b:s0+s3], $0x2000, $0x38;
	[tilespmem:$0x10800] =	vst v63  }
0x16: {  	_ =	swait.ge [sflag:s22], $0x2000  }
0x17: {  	[sflag:s22] =	ssyncset.done $0x0  }
0x18: {  	[sflag:s22] =	ssyncadd.s32 $0xFFFFE000  }
0x19: {  	[spmem:s6] =	stream.linear.scatter [tilespmem:s21], [sflag:$0x3], $0x2000, $0x38;
	[tilespmem:$0x10800] =	vst v63  }
0x1a: {  	_ =	swait.ge [sflag:s22], $0x2000  }
0x1b: {  	[sflag:s22] =	ssyncset.done $0x0  }
0x1c: {  	[sflag:s22] =	ssyncadd.s32 $0xFFFFE000  }
0x1d: {  	[spmem:s7] =	stream.linear.scatter [tilespmem:s21], [sflag:$0x3], $0x2000, $0x38;
	[tilespmem:$0x10800] =	vst v63  }
0x1e: {  	_ =	swait.ge [sflag:s22], $0x2000  }
0x1f: {  	[sflag:s22] =	ssyncset.done $0x0  }
0x20: {  	[sflag:s22] =	ssyncadd.s32 $0xFFFFE000  }
0x21: {  	[spmem:s8] =	stream.linear.scatter [tilespmem:s21], [sflag:$0x3], $0x2000, $0x38;
	[tilespmem:$0x10800] =	vst v63  }
0x22: {  	_ =	swait.ge [sflag:s22], $0x2000  }
0x23: {  	[sflag:s22] =	ssyncset.done $0x0  }
0x24: {  	[sflag:s22] =	ssyncadd.s32 $0xFFFFE000  }
0x25: {  	[spmem:s9] =	stream.linear.scatter [tilespmem:s21], [sflag:$0x3], $0x2000, $0x38;
	[tilespmem:$0x10800] =	vst v63  }
0x26: {  	_ =	swait.ge [sflag:s22], $0x2000  }
0x27: {  	[sflag:s22] =	ssyncset.done $0x0  }
0x28: {  	[sflag:s22] =	ssyncadd.s32 $0xFFFFE000  }
0x29: {  	[spmem:s10] =	stream.linear.scatter [tilespmem:s21], [sflag:$0x3], $0x2000, $0x38;
	[tilespmem:$0x10800] =	vst v63  }
0x2a: {  	_ =	swait.ge [sflag:s22], $0x2000  }
0x2b: {  	[sflag:s22] =	ssyncset.done $0x0  }
0x2c: {  	[sflag:s22] =	ssyncadd.s32 $0xFFFFE000  }
0x2d: {  	[bflag:$0x0] =	sbarrier.arrive $0xFFFF  }
0x2e: {  	[tilespmem:s3], [sflag:$0x3] =	stream.linear.gather [hbm4b:s17+s3], $0x1400, $0x38;
	[tilespmem:$0x10800] =	vst v63  }
0x2f: {  	_ =	swait.ge [sflag:s22], $0x1400  }
0x30: {  	[sflag:s22] =	ssyncset.done $0x0  }
0x31: {  	[sflag:s22] =	ssyncadd.s32 $0xFFFFEC00  }
0x32: {  	[tilespmem:s23], [sflag:$0x3] =	stream.linear.gather [hbm4b:s18+s3], $0x1400, $0x38;
	[tilespmem:$0x10800] =	vst v63  }
0x33: {  	_ =	swait.ge [sflag:s22], $0x1400  }
0x34: {  	[sflag:s22] =	ssyncset.done $0x0  }
0x35: {  	[sflag:s22] =	ssyncadd.s32 $0xFFFFEC00  }
0x36: {  	[tilespmem:s21], [sflag:$0x1] =	stream.indirect.gather [hbm4b:s4+s24], $0x40, s3, s24, $0xb8;
	[tilespmem:$0x10800] =	vst v63  }
0x37: {  	_ = 	snop  }
0x38: {  	[tilespmem:s25], [sflag:$0x2] =	stream.indirect.gather [hbm4b:s4+s24], $0x40, s24, s24, $0xb8;
	[tilespmem:$0x10800] =	vst v63  }
0x39: {  	_ =	swait.ge [sflag:s26], $0x2000  }
0x3a: {  	[sflag:s26] =	ssyncset.done $0x0  }
0x3b: {  	s5 =	simm.s32 $0x1400;
	[sflag:s26] =	ssyncadd.s32 $0xFFFFE000  }
0x3c: {  	[spmem:s2] =	stream.indirect.scatter.add.f32 [tilespmem:s21], [sflag:$0x3], $0x40, s5, s24, $0xb8;
	[tilespmem:$0x10800] =	vst v63  }
0x3d: {  	_ =	swait.ge [sflag:s22], $0x2000  }
0x3e: {  	[sflag:s22] =	ssyncset.done $0x0  }
0x3f: {  	s1 =	simm.s32 $0x100;
	[sflag:s22] =	ssyncadd.s32 $0xFFFFE000  }
0x40: {  	[tilespmem:s21], [sflag:$0x1] =	stream.indirect.gather [hbm4b:s4+s24], $0x40, s1, s24, $0xb8;
	[tilespmem:$0x10800] =	vst v63  }
0x41: {  	_ =	swait.ge [sflag:s28], $0x2000  }
0x42: {  	[sflag:s28] =	ssyncset.done $0x0  }
0x43: {  	s5 =	simm.s32 $0x1480;
	[sflag:s28] =	ssyncadd.s32 $0xFFFFE000  }
0x44: {  	[spmem:s2] =	stream.indirect.scatter.add.f32 [tilespmem:s25], [sflag:$0x3], $0x40, s5, s24, $0xb8;
	[tilespmem:$0x10800] =	vst v63  }
0x45: {  	_ =	swait.ge [sflag:s22], $0x2000  }
0x46: {  	[sflag:s22] =	ssyncset.done $0x0  }
0x47: {  	s0 =	simm.s32 $0x400;
	s1 =	simm.s32 $0x180;
	[sflag:s22] =	ssyncadd.s32 $0xFFFFE000  }
.LBB2_2:
0x48: {  	[tilespmem:s25], [sflag:$0x2] =	stream.indirect.gather [hbm4b:s4+s24], $0x40, s1, s24, $0xb8;
	[tilespmem:$0x10800] =	vst v63  }
0x49: {  	s1 =	smov.u32 s0  }
0x4a: {  	p0 =	sne.s32 s0, $0x4800;
	s0 =	sadd.s32 $0x400, s0;
	_ =	swait.ge [sflag:s26], $0x2000  }
0x4b: {  	s1 =	sshra.s32 s1, $0x2;
	[sflag:s26] =	ssyncset.done $0x0  }
0x4c: {  	s5 =	sadd.s32 $0x1400, s1;
	[sflag:s26] =	ssyncadd.s32 $0xFFFFE000  }
0x4d: {  	[spmem:s2] =	stream.indirect.scatter.add.f32 [tilespmem:s21], [sflag:$0x3], $0x40, s5, s24, $0xb8;
	[tilespmem:$0x10800] =	vst v63  }
0x4e: {  	_ =	swait.ge [sflag:s22], $0x2000  }
0x4f: {  	[sflag:s22] =	ssyncset.done $0x0  }
0x50: {  	s5 =	sadd.s32 $0x100, s1;
	[sflag:s22] =	ssyncadd.s32 $0xFFFFE000  }
0x51: {  	[tilespmem:s21], [sflag:$0x1] =	stream.indirect.gather [hbm4b:s4+s24], $0x40, s5, s24, $0xb8;
	[tilespmem:$0x10800] =	vst v63  }
0x52: {  	_ =	swait.ge [sflag:s28], $0x2000  }
0x53: {  	[sflag:s28] =	ssyncset.done $0x0  }
.Ltmp0:
0x54: {  	s5 =	sadd.s32 $0x1480, s1;
	[sflag:s28] =	ssyncadd.s32 $0xFFFFE000;
	(pc) =	sbr.rel @p0 .LBB2_2-.Ltmp0, $4  }
0x55: {  	[spmem:s2] =	stream.indirect.scatter.add.f32 [tilespmem:s25], [sflag:$0x3], $0x40, s5, s24, $0xb8;
	[tilespmem:$0x10800] =	vst v63  }
0x56: {  	_ =	swait.ge [sflag:s22], $0x2000  }
0x57: {  	[sflag:s22] =	ssyncset.done $0x0  }
0x58: {  	s1 =	sadd.s32 $0x180, s1;
	[sflag:s22] =	ssyncadd.s32 $0xFFFFE000  }
0x59: {  	[tilespmem:s25], [sflag:$0x2] =	stream.indirect.gather [hbm4b:s4+s24], $0x40, s1, s24, $0xb8;
	[tilespmem:$0x10800] =	vst v63  }
0x5a: {  	_ =	swait.ge [sflag:s26], $0x2000  }
0x5b: {  	[sflag:s26] =	ssyncset.done $0x0  }
0x5c: {  	[sflag:s26] =	ssyncadd.s32 $0xFFFFE000  }
0x5d: {  	[spmem:s2] =	stream.indirect.scatter.add.f32 [tilespmem:s21], [sflag:$0x3], $0x40, s29, s24, $0xb8;
	[tilespmem:$0x10800] =	vst v63  }
0x5e: {  	_ =	swait.ge [sflag:s22], $0x2000  }
0x5f: {  	[sflag:s22] =	ssyncset.done $0x0  }
0x60: {  	[sflag:s22] =	ssyncadd.s32 $0xFFFFE000  }
0x61: {  	_ =	swait.ge [sflag:s28], $0x2000  }
0x62: {  	[sflag:s28] =	ssyncset.done $0x0  }
0x63: {  	[sflag:s28] =	ssyncadd.s32 $0xFFFFE000  }
0x64: {  	[spmem:s2] =	stream.indirect.scatter.add.f32 [tilespmem:s25], [sflag:$0x3], $0x40, s30, s24, $0xb8;
	[tilespmem:$0x10800] =	vst v63  }
0x65: {  	_ =	swait.ge [sflag:s22], $0x2000  }
0x66: {  	[sflag:s22] =	ssyncset.done $0x0  }
0x67: {  	s0 =	simm.s32 $0x0;
	[sflag:s22] =	ssyncadd.s32 $0xFFFFE000  }
0x68: {  	[tilespmem:s0], [sflag:$0x3] =	stream.linear.gather [hbm4b:s19+s0], $0x1400, $0x38;
	[tilespmem:$0x10800] =	vst v63  }
0x69: {  	_ =	swait.ge [sflag:s22], $0x1400  }
0x6a: {  	[sflag:s22] =	ssyncset.done $0x0  }
0x6b: {  	[sflag:s22] =	ssyncadd.s32 $0xFFFFEC00  }
0x6c: {  	[tilespmem:s23], [sflag:$0x3] =	stream.linear.gather [hbm4b:s20+s0], $0x1400, $0x38;
	[tilespmem:$0x10800] =	vst v63  }
0x6d: {  	_ =	swait.ge [sflag:s22], $0x1400  }
0x6e: {  	[sflag:s22] =	ssyncset.done $0x0  }
0x6f: {  	[sflag:s22] =	ssyncadd.s32 $0xFFFFEC00  }
0x70: {  	[tilespmem:s21], [sflag:$0x1] =	stream.indirect.gather [hbm4b:s4+s24], $0x40, s0, s24, $0xb8;
	[tilespmem:$0x10800] =	vst v63  }
0x71: {  	_ = 	snop  }
0x72: {  	[tilespmem:s25], [sflag:$0x2] =	stream.indirect.gather [hbm4b:s4+s24], $0x40, s24, s24, $0xb8;
	[tilespmem:$0x10800] =	vst v63  }
0x73: {  	_ =	swait.ge [sflag:s26], $0x2000  }
0x74: {  	[sflag:s26] =	ssyncset.done $0x0  }
0x75: {  	s5 =	simm.s32 $0x1400;
	[sflag:s26] =	ssyncadd.s32 $0xFFFFE000  }
0x76: {  	[spmem:s2] =	stream.indirect.scatter.add.f32 [tilespmem:s21], [sflag:$0x3], $0x40, s5, s24, $0xb8;
	[tilespmem:$0x10800] =	vst v63  }
0x77: {  	_ =	swait.ge [sflag:s22], $0x2000  }
0x78: {  	[sflag:s22] =	ssyncset.done $0x0  }
0x79: {  	s1 =	simm.s32 $0x100;
	[sflag:s22] =	ssyncadd.s32 $0xFFFFE000  }
0x7a: {  	[tilespmem:s21], [sflag:$0x1] =	stream.indirect.gather [hbm4b:s4+s24], $0x40, s1, s24, $0xb8;
	[tilespmem:$0x10800] =	vst v63  }
0x7b: {  	_ =	swait.ge [sflag:s28], $0x2000  }
0x7c: {  	[sflag:s28] =	ssyncset.done $0x0  }
0x7d: {  	s5 =	simm.s32 $0x1480;
	[sflag:s28] =	ssyncadd.s32 $0xFFFFE000  }
0x7e: {  	[spmem:s2] =	stream.indirect.scatter.add.f32 [tilespmem:s25], [sflag:$0x3], $0x40, s5, s24, $0xb8;
	[tilespmem:$0x10800] =	vst v63  }
0x7f: {  	_ =	swait.ge [sflag:s22], $0x2000  }
0x80: {  	[sflag:s22] =	ssyncset.done $0x0  }
0x81: {  	s0 =	simm.s32 $0x400;
	s1 =	simm.s32 $0x180;
	[sflag:s22] =	ssyncadd.s32 $0xFFFFE000  }
.LBB2_4:
0x82: {  	[tilespmem:s25], [sflag:$0x2] =	stream.indirect.gather [hbm4b:s4+s24], $0x40, s1, s24, $0xb8;
	[tilespmem:$0x10800] =	vst v63  }
0x83: {  	s1 =	smov.u32 s0  }
0x84: {  	p0 =	sne.s32 s0, $0x4800;
	s0 =	sadd.s32 $0x400, s0;
	_ =	swait.ge [sflag:s26], $0x2000  }
0x85: {  	s1 =	sshra.s32 s1, $0x2;
	[sflag:s26] =	ssyncset.done $0x0  }
0x86: {  	s5 =	sadd.s32 $0x1400, s1;
	[sflag:s26] =	ssyncadd.s32 $0xFFFFE000  }
0x87: {  	[spmem:s2] =	stream.indirect.scatter.add.f32 [tilespmem:s21], [sflag:$0x3], $0x40, s5, s24, $0xb8;
	[tilespmem:$0x10800] =	vst v63  }
0x88: {  	_ =	swait.ge [sflag:s22], $0x2000  }
0x89: {  	[sflag:s22] =	ssyncset.done $0x0  }
0x8a: {  	s5 =	sadd.s32 $0x100, s1;
	[sflag:s22] =	ssyncadd.s32 $0xFFFFE000  }
0x8b: {  	[tilespmem:s21], [sflag:$0x1] =	stream.indirect.gather [hbm4b:s4+s24], $0x40, s5, s24, $0xb8;
	[tilespmem:$0x10800] =	vst v63  }
0x8c: {  	_ =	swait.ge [sflag:s28], $0x2000  }
0x8d: {  	[sflag:s28] =	ssyncset.done $0x0  }
.Ltmp1:
0x8e: {  	s5 =	sadd.s32 $0x1480, s1;
	[sflag:s28] =	ssyncadd.s32 $0xFFFFE000;
	(pc) =	sbr.rel @p0 .LBB2_4-.Ltmp1, $4  }
0x8f: {  	[spmem:s2] =	stream.indirect.scatter.add.f32 [tilespmem:s25], [sflag:$0x3], $0x40, s5, s24, $0xb8;
	[tilespmem:$0x10800] =	vst v63  }
0x90: {  	_ =	swait.ge [sflag:s22], $0x2000  }
0x91: {  	[sflag:s22] =	ssyncset.done $0x0  }
0x92: {  	s1 =	sadd.s32 $0x180, s1;
	[sflag:s22] =	ssyncadd.s32 $0xFFFFE000  }
0x93: {  	[tilespmem:s25], [sflag:$0x2] =	stream.indirect.gather [hbm4b:s4+s24], $0x40, s1, s24, $0xb8;
	[tilespmem:$0x10800] =	vst v63  }
0x94: {  	_ =	swait.ge [sflag:s26], $0x2000  }
0x95: {  	[sflag:s26] =	ssyncset.done $0x0  }
0x96: {  	[sflag:s26] =	ssyncadd.s32 $0xFFFFE000  }
0x97: {  	[spmem:s2] =	stream.indirect.scatter.add.f32 [tilespmem:s21], [sflag:$0x3], $0x40, s29, s24, $0xb8;
	[tilespmem:$0x10800] =	vst v63  }
0x98: {  	_ =	swait.ge [sflag:s22], $0x2000  }
0x99: {  	[sflag:s22] =	ssyncset.done $0x0  }
0x9a: {  	[sflag:s22] =	ssyncadd.s32 $0xFFFFE000  }
0x9b: {  	_ =	swait.ge [sflag:s28], $0x2000  }
0x9c: {  	[sflag:s28] =	ssyncset.done $0x0  }
0x9d: {  	[sflag:s28] =	ssyncadd.s32 $0xFFFFE000  }
0x9e: {  	[spmem:s2] =	stream.indirect.scatter.add.f32 [tilespmem:s25], [sflag:$0x3], $0x40, s30, s24, $0xb8;
	[tilespmem:$0x10800] =	vst v63  }
0x9f: {  	_ =	swait.ge [sflag:s22], $0x2000  }
0xa0: {  	[sflag:s22] =	ssyncset.done $0x0  }
0xa1: {  	[sflag:s22] =	ssyncadd.s32 $0xFFFFE000  }
0xa2: {  	[bflag:$0x0] =	sbarrier.arrive $0xFFFF  }
0xa3: {  	[tilespmem:s21], [sflag:$0x3] =	stream.linear.gather [spmem:s6], $0x2000, $0x38;
	[tilespmem:$0x10800] =	vst v63  }
0xa4: {  	_ =	swait.ge [sflag:s22], $0x2000  }
0xa5: {  	[sflag:s22] =	ssyncset.done $0x0  }
0xa6: {  	[sflag:s22] =	ssyncadd.s32 $0xFFFFE000  }
0xa7: {  	[hbm4b:s11+s3] =	stream.linear.scatter [tilespmem:s21], [sflag:$0x3], $0x2000, $0x38;
	[tilespmem:$0x10800] =	vst v63  }
0xa8: {  	_ =	swait.ge [sflag:s22], $0x2000  }
0xa9: {  	[sflag:s22] =	ssyncset.done $0x0  }
0xaa: {  	[sflag:s22] =	ssyncadd.s32 $0xFFFFE000  }
0xab: {  	[tilespmem:s21], [sflag:$0x3] =	stream.linear.gather [spmem:s7], $0x2000, $0x38;
	[tilespmem:$0x10800] =	vst v63  }
0xac: {  	_ =	swait.ge [sflag:s22], $0x2000  }
0xad: {  	[sflag:s22] =	ssyncset.done $0x0  }
0xae: {  	[sflag:s22] =	ssyncadd.s32 $0xFFFFE000  }
0xaf: {  	[hbm4b:s12+s3] =	stream.linear.scatter [tilespmem:s21], [sflag:$0x3], $0x2000, $0x38;
	[tilespmem:$0x10800] =	vst v63  }
0xb0: {  	_ =	swait.ge [sflag:s22], $0x2000  }
0xb1: {  	[sflag:s22] =	ssyncset.done $0x0  }
0xb2: {  	[sflag:s22] =	ssyncadd.s32 $0xFFFFE000  }
0xb3: {  	[tilespmem:s21], [sflag:$0x3] =	stream.linear.gather [spmem:s8], $0x2000, $0x38;
	[tilespmem:$0x10800] =	vst v63  }
0xb4: {  	_ =	swait.ge [sflag:s22], $0x2000  }
0xb5: {  	[sflag:s22] =	ssyncset.done $0x0  }
0xb6: {  	[sflag:s22] =	ssyncadd.s32 $0xFFFFE000  }
0xb7: {  	[hbm4b:s13+s3] =	stream.linear.scatter [tilespmem:s21], [sflag:$0x3], $0x2000, $0x38;
	[tilespmem:$0x10800] =	vst v63  }
0xb8: {  	_ =	swait.ge [sflag:s22], $0x2000  }
0xb9: {  	[sflag:s22] =	ssyncset.done $0x0  }
0xba: {  	[sflag:s22] =	ssyncadd.s32 $0xFFFFE000  }
0xbb: {  	[tilespmem:s21], [sflag:$0x3] =	stream.linear.gather [spmem:s9], $0x2000, $0x38;
	[tilespmem:$0x10800] =	vst v63  }
0xbc: {  	_ =	swait.ge [sflag:s22], $0x2000  }
0xbd: {  	[sflag:s22] =	ssyncset.done $0x0  }
0xbe: {  	[sflag:s22] =	ssyncadd.s32 $0xFFFFE000  }
0xbf: {  	[hbm4b:s14+s3] =	stream.linear.scatter [tilespmem:s21], [sflag:$0x3], $0x2000, $0x38;
	[tilespmem:$0x10800] =	vst v63  }
0xc0: {  	_ =	swait.ge [sflag:s22], $0x2000  }
0xc1: {  	[sflag:s22] =	ssyncset.done $0x0  }
0xc2: {  	[sflag:s22] =	ssyncadd.s32 $0xFFFFE000  }
0xc3: {  	[tilespmem:s21], [sflag:$0x3] =	stream.linear.gather [spmem:s10], $0x2000, $0x38;
	[tilespmem:$0x10800] =	vst v63  }
0xc4: {  	s31 =	sadd.s32 $0x1, s31;
	_ =	swait.ge [sflag:s22], $0x2000  }
0xc5: {  	p0 =	sne.s32 s31, s16;
	[sflag:s22] =	ssyncset.done $0x0  }
.Ltmp2:
0xc6: {  	[sflag:s22] =	ssyncadd.s32 $0xFFFFE000;
	(pc) =	sbr.rel @p0 .LBB2_1-.Ltmp2, $4  }
0xc7: {  	[hbm4b:s15+s3] =	stream.linear.scatter [tilespmem:s21], [sflag:$0x3], $0x2000, $0x38;
	[tilespmem:$0x10800] =	vst v63  }
0xc8: {  	_ =	swait.ge [sflag:s22], $0x2000  }
0xc9: {  	[sflag:s22] =	ssyncset.done $0x0  }
0xca: {  	[sflag:s22] =	ssyncadd.s32 $0xFFFFE000  }
0xcb: {  	_ =	sfence.sel $0x180000  }
0xcc: {  	[bflag:$0x0] =	sbarrier.arrive $0xFFFF  }
0xcd: {  	_ =	strace $0x9000004A  }
0xce: {  	s0 =	stileid.u32;
	[bflag:$0x2] =	sbarrier.arrive $0xFFFF  }
0xcf: {  	p0 =	sne.s32 s0, $0x0;
	s0 =	rddreg [dreg:$0x2]  }
0xd0: {  	s0 =	sadd.s32 @!p0 $0x100000, s0  }
0xd1: {  	[sflag:s0] =	ssyncadd.tile.s32 @!p0 $0x1;
	_ =	shalt  }
.Lfunc_end2:
_tile_overlayer_lowered:
.L_overlay_start_2:
0xd2: {  	(tag) =	ssettag $0x2  }
0xd3: {  	s0 =	rddreg [dreg:$0x0];
	s2 =	stileid.u32  }
0xd4: {  	s1 =	rddreg [dreg:$0x1];
	p0 =	sne.s32 s2, $0x0  }
0xd5: {  	s3 =	rddreg [dreg:$0x2];
	[bflag:$0x3] =	sbarrier.arrive $0xFFFF;
	s2 =	simm.s32 @!p0 $0x1C03  }
0xd6: {  	[timem:s3], [sflag:s2] =	dma.local @!p0 [hbm:s0], s1  }
0xd7: {  	s0 =	simm.s32 @!p0 $0x3  }
0xd8: {  	_ =	swait.ge @!p0 [sflag:s0], s1  }
0xd9: {  	s1 =	ssub.s32 @!p0 $0x0, s1;
	[sflag:s0] =	ssyncset.done @!p0 $0x0  }
0xda: {  	[sflag:s0] =	ssyncadd.s32 @!p0 s1  }
0xdb: {  	[bflag:$0x3] =	sbarrier.arrive $0xFFFF  }
0xdc: {  	_ =	shalt  }

// kernel: kernel.16.cloned.1.call-start
scs
__scs_entry_jumppad:
0x0: {  	(pc) =	sbr.rel $0x88, $3  }
0x1: {  	(tag) =	ssettag $0x0;
	lr =	simm.s32 $0x1  }
0x2: {  	[smem:$0x3F92] =	sst lr;
	_ =	strace $0xD0000000  }
0x3: {  	_ = 	snop  }
0x4: {  	_ = 	snop  }
0x5: {  	_ = 	snop  }
0x6: {  	_ = 	snop  }
0x7: {  	_ = 	snop  }
__scs_overlays_trampoline_lowered:
0x8: {  	[smem:$0x3FA1] =	sst s0  }
0x9: {  	[smem:$0x3FA2] =	sst s1  }
0xa: {  	[smem:$0x3FA3] =	sst s2  }
0xb: {  	[smem:$0x3FA4] =	sst s3  }
0xc: {  	[smem:$0x3FA5] =	sst s4  }
0xd: {  	[smem:$0x3FA6] =	sst s5  }
0xe: {  	[smem:$0x3FA7] =	sst s6  }
0xf: {  	[smem:$0x3FA8] =	sst s7  }
0x10: {  	[smem:$0x3FA9] =	sst s8  }
0x11: {  	[smem:$0x3FAA] =	sst s9;
	s0 =	simm.s32 @!p0 $0x0  }
0x12: {  	s1 =	sld [smem:$0x3F90];
	s0 =	simm.s32 @p0 $0x1  }
0x13: {  	[smem:$0x3FAB] =	sst s0;
	s0 =	simm.s32 @!p1 $0x0  }
0x14: {  	s2 =	sld [smem:$0x3F8F];
	s0 =	simm.s32 @p1 $0x1  }
0x15: {  	[smem:$0x3FAC] =	sst s0;
	s0 =	simm.s32 @!p2 $0x0  }
0x16: {  	s3 =	sld [smem:$0x3FDB];
	s0 =	simm.s32 @p2 $0x1  }
0x17: {  	s4 =	simm.s32 $0x1BF5;
	[smem:$0x3FAE] =	sst s0  }
0x18: {  	s0 =	sld [smem:$0x3F91];
	_ =	swait.ge [sflag:s4], $0x0  }
0x19: {  	s7 =	sld [smem:$0x3F92]  }
0x1a: {  	s8 =	sadd.s32 $0xFFFFE003, lr  }
0x1b: {  	s9 =	sadd.s32 $0xFFFFFEF7, lr;
	s5 =	simm.s32 $0xFFFFFFFF;
	p2 =	slt.u32 s8, $0xFFFFF086  }
0x1c: {  	p1 =	slt.u32 s9, $0xF7A;
	s5 =	simm.s32 @!p2 $0x0  }
0x1d: {  	s5 =	simm.s32 @p1 $0x1;
	p0 =	seq.s32 s7, s2  }
0x1e: {  	s7 =	smul.u32 @!p0 $0xF7A, s2;
	p2 =	seq.s32 @!p0 s5, $0x0  }
0x1f: {  	s9 =	smul.u32 $0xF7A, s1;
	s8 =	simm.s32 @!p0 $0x1BF5;
	p2 =	por !p2, p0  }
0x20: {  	[sflag:s8] =	ssyncset.s32 @!p0 $0xFFFFF086;
	s6 =	sadd.s32 @!p0 s3, s7;
	s7 =	simm.s32 @!p0 $0x108  }
0x21: {  	s3 =	sadd.s32 s3, s9;
	s6 =	sadd.s32 @!p0 $0x88, s6;
	s7 =	simm.s32 @p2 $0x1082  }
0x22: {  	[simem:s7], [sflag:s8] =	dma.local @!p0 [hbm:s6], $0xF7A  }
0x23: {  	s9 =	sor.u32 $0xD0000000, s2;
	s6 =	simm.s32 $0x108;
	_ =	swait.ge @!p0 [sflag:s8], $0x0  }
0x24: {  	s3 =	sadd.s32 $0x88, s3;
	s6 =	simm.s32 @!p1 $0x1082;
	[sflag:s4] =	ssyncset.s32 $0xFFFFF086  }
0x25: {  	[simem:s6], [sflag:s4] =	dma.local [hbm:s3], $0xF7A  }
0x26: {  	[smem:$0x3F92] =	sst s1;
	(tag) =	ssettag s2;
	_ =	strace s9  }
0x27: {  	s1 =	sld [smem:$0x3FA2]  }
0x28: {  	s2 =	sld [smem:$0x3FA3]  }
0x29: {  	s4 =	sld [smem:$0x3FA5]  }
0x2a: {  	p0 =	seq.s32 s5, $0x0;
	s5 =	sld [smem:$0x3FA6]  }
0x2b: {  	s6 =	sld [smem:$0x3FA7]  }
0x2c: {  	s7 =	sld [smem:$0x3FA8]  }
0x2d: {  	s3 =	simm.s32 $0x108;
	s8 =	sld [smem:$0x3FA9]  }
0x2e: {  	s3 =	simm.s32 @!p0 $0x1082;
	s9 =	sld [smem:$0x3FAA]  }
0x2f: {  	lr =	sadd.s32 s0, s3;
	s0 =	sld [smem:$0x3FA1]  }
0x30: {  	s3 =	sld [smem:$0x3FA4]  }
0x31: {  	[smem:$0x3FAD] =	sst s10  }
0x32: {  	s10 =	sld [smem:$0x3FAB];
	_ =	sdelay $0x3  }
0x33: {  	p0 =	seq.s32 s10, $0x1;
	s10 =	sld [smem:$0x3FAD];
	_ =	sdelay $0x3  }
0x34: {  	[smem:$0x3FAD] =	sst s10  }
0x35: {  	s10 =	sld [smem:$0x3FAC];
	_ =	sdelay $0x3  }
0x36: {  	p1 =	seq.s32 s10, $0x1;
	s10 =	sld [smem:$0x3FAD];
	_ =	sdelay $0x3  }
0x37: {  	[smem:$0x3FAD] =	sst s10  }
0x38: {  	s10 =	sld [smem:$0x3FAE]  }
0x39: {  	_ = 	snop;
	(pc) =	sbr.ind lr, $3  }
0x3a: {  	_ = 	snop  }
0x3b: {  	_ = 	snop  }
0x3c: {  	p2 =	seq.s32 s10, $0x1;
	s10 =	sld [smem:$0x3FAD]  }
0x3d: {  	_ =	shalt  }
0x3e: {  	_ =	shalt  }
0x3f: {  	_ =	shalt  }
0x40: {  	_ =	shalt  }
0x41: {  	_ =	shalt  }
0x42: {  	_ =	shalt  }
0x43: {  	_ =	shalt  }
0x44: {  	_ =	shalt  }
0x45: {  	_ =	shalt  }
0x46: {  	_ =	shalt  }
0x47: {  	_ =	shalt  }
0x48: {  	_ =	shalt  }
0x49: {  	_ =	shalt  }
0x4a: {  	_ =	shalt  }
0x4b: {  	_ =	shalt  }
0x4c: {  	_ =	shalt  }
0x4d: {  	_ =	shalt  }
0x4e: {  	_ =	shalt  }
0x4f: {  	_ =	shalt  }
0x50: {  	_ =	shalt  }
0x51: {  	_ =	shalt  }
0x52: {  	_ =	shalt  }
0x53: {  	_ =	shalt  }
0x54: {  	_ =	shalt  }
0x55: {  	_ =	shalt  }
0x56: {  	_ =	shalt  }
0x57: {  	_ =	shalt  }
0x58: {  	_ =	shalt  }
0x59: {  	_ =	shalt  }
0x5a: {  	_ =	shalt  }
0x5b: {  	_ =	shalt  }
0x5c: {  	_ =	shalt  }
0x5d: {  	_ =	shalt  }
0x5e: {  	_ =	shalt  }
0x5f: {  	_ =	shalt  }
0x60: {  	_ =	shalt  }
0x61: {  	_ =	shalt  }
0x62: {  	_ =	shalt  }
0x63: {  	_ =	shalt  }
0x64: {  	_ =	shalt  }
0x65: {  	_ =	shalt  }
0x66: {  	_ =	shalt  }
0x67: {  	_ =	shalt  }
0x68: {  	_ =	shalt  }
0x69: {  	_ =	shalt  }
0x6a: {  	_ =	shalt  }
0x6b: {  	_ =	shalt  }
0x6c: {  	_ =	shalt  }
0x6d: {  	_ =	shalt  }
0x6e: {  	_ =	shalt  }
0x6f: {  	_ =	shalt  }
0x70: {  	_ =	shalt  }
0x71: {  	_ =	shalt  }
0x72: {  	_ =	shalt  }
0x73: {  	_ =	shalt  }
0x74: {  	_ =	shalt  }
0x75: {  	_ =	shalt  }
0x76: {  	_ =	shalt  }
0x77: {  	_ =	shalt  }
0x78: {  	_ =	shalt  }
0x79: {  	_ =	shalt  }
0x7a: {  	_ =	shalt  }
0x7b: {  	_ =	shalt  }
0x7c: {  	_ =	shalt  }
0x7d: {  	_ =	shalt  }
0x7e: {  	_ =	shalt  }
0x7f: {  	_ =	shalt  }
0x80: {  	_ =	shalt  }
0x81: {  	_ =	shalt  }
0x82: {  	_ =	shalt  }
0x83: {  	_ =	shalt  }
0x84: {  	_ =	shalt  }
0x85: {  	_ =	shalt  }
0x86: {  	_ =	shalt  }
0x87: {  	_ =	shalt  }
.Lfunc_end0:
.L_simem_size_0:
called_computation.2_lowered:
.L_overlay_start_0:
0x88: {  	s2 =	sld [smem:$0x3FD9]  }
0x89: {  	s3 =	sld [smem:$0x3FFE];
	_ =	sdelay $0x1  }
0x8a: {  	s1 =	srdreg.scid  }
0x8b: {  	s0 =	sand.u32 $0x1, s1  }
0x8c: {  	s16 =	sshll.u32 s0, $0xA;
	s2 =	sadd.s32 s3, s2  }
0x8d: {  	s2 =	sadd.s32 s2, s16  }
0x8e: {  	[smem:$0x3FB9] =	sst s2  }
0x8f: {  	_ = 	snop  }
0x90: {  	(tm) =	ssettm $0x1  }
0x91: {  	s17 =	sld [smem:$0x3FFB];
	_ =	sdelay $0x3  }
0x92: {  	_ =	strace s17  }
0x93: {  	s2 =	sld [smem:$0x3FFC];
	_ =	sdelay $0x3  }
0x94: {  	_ =	strace s2  }
0x95: {  	s2 =	sld [smem:$0x3FFD];
	_ =	sdelay $0x3  }
0x96: {  	_ =	strace s2  }
0x97: {  	_ =	strace $0x8FFFFFFF  }
0x98: {  	s18 =	sld [smem:$0x3FDB];
	_ =	sdelay $0x1  }
0x99: {  	s19 =	simm.s32 $_scs_section_size  }
0x9a: {  	s4 =	simm.s32 $_size__tile_overlayer_lowered;
	s5 =	simm.s32 $_tile_overlayer_lowered  }
0x9b: {  	s22 =	simm.s32 $0x1BFF;
	s21 =	sshll.u32 s5, $0x1;
	s2 =	sadd.s32 s19, s18  }
0x9c: {  	s6 =	simm.s32 $0x0;
	s20 =	sshll.u32 s4, $0x1;
	s4 =	sadd.s32 s21, s2  }
0x9d: {  	[timem:s6], [sflag:s22] =	dma.local [hbm:s4], s20  }
0x9e: {  	_ =	swait.ge [sflag:s22], s20  }
0x9f: {  	s3 =	ssub.s32 $0x0, s20;
	[sflag:s22] =	ssyncset.done $0x0  }
0xa0: {  	[sflag:s22] =	ssyncadd.s32 s3;
	_ =	sdelay $0x1  }
0xa1: {  	s23 =	simm.s32 $0x1B8B  }
0xa2: {  	_ =	swait.ge [sflag:s23], $0x1  }
0xa3: {  	[sflag:s23] =	ssyncset.done $0x0  }
0xa4: {  	s25 =	simm.s32 $0x1B8E;
	s24 =	sld [smem:$0x3FFE];
	[sflag:s23] =	ssyncadd.s32 $0xFFFFFFFF  }
0xa5: {  	s26 =	simm.s32 $execute0_lowered;
	[smem:$0x3FD2] =	sst s25  }
0xa6: {  	s4 =	sshll.u32 s26, $0x1;
	_ =	strace $0x8000004C;
	[dreg:$0x1] =	wrdreg $0xFFFFFFFF  }
0xa7: {  	s28 =	simm.s32 $_size_execute0_lowered;
	s2 =	sadd.s32 s2, s4;
	[dreg:$0x0] =	wrdreg $0x0  }
0xa8: {  	s4 =	sshll.u32 s28, $0x1;
	[dreg:$0x2] =	wrdreg s2  }
0xa9: {  	[dreg:$0x3] =	wrdreg s4  }
0xaa: {  	[dreg:$0x4] =	wrdreg $0xC0  }
0xab: {  	_ =	task [dreg:s6], $0x5FFFF  }
0xac: {  	[dreg:$0x1] =	wrdreg $0xFFFFFFFF  }
0xad: {  	[dreg:$0x0] =	wrdreg $0x60  }
0xae: {  	[dreg:$0x2] =	wrdreg s24  }
0xaf: {  	[dreg:$0x3] =	wrdreg $0x68000  }
0xb0: {  	[dreg:$0x4] =	wrdreg $0x9  }
0xb1: {  	_ =	task.clear_ibuf [dreg:s6], $0x5FFFF;
	_ =	strace $0x9000004C  }
0xb2: {  	s29 =	simm.s32 $0x9;
	_ =	strace $0x8000004E  }
0xb3: {  	_ =	swait.ge [sflag:s29], $0x1  }
0xb4: {  	[sflag:s29] =	ssyncadd.s32 $0xFFFFFFFF  }
0xb5: {  	_ =	strace $0x9000004E  }
0xb6: {  	_ =	sfence  }
0xb7: {  	s30 =	sld [smem:$0x0];
	_ =	sdelay $0x2  }
0xb8: {  	s31 =	sshll.u32 s1, $0xD;
	s1 =	sshrl.u32 s1, $0x2  }
0xb9: {  	s3 =	sand.u32 $0x4000, s31;
	s1 =	sadd.s32 s1, s30  }
0xba: {  	s0 =	sor.u32 s3, s0;
	s1 =	sshll.u32 s1, $0x11  }
0xbb: {  	s0 =	sor.u32 s1, s0  }
0xbc: {  	s0 =	sadd.s32 $0x8F2B, s0  }
0xbd: {  	[sflag:s0] =	ssyncadd.remote.s32 $0x1  }
0xbe: {  	_ =	sfence.sel $0xFFFF  }
0xbf: {  	[dreg:$0x0] =	wrdreg $0xFFFFFFFF;
	(pc) =	sbr.abs _section_cstart, $3  }
0xc0: {  	[dreg:$0x1] =	wrdreg $0xFFFFFFFF  }
0xc1: {  	_ =	task.clear_ibuf [dreg:s6], $0x2FFFF;
	_ =	strace $0x9FFFFFFF  }
0xc2: {  	(tm) =	ssettm $0x7FFFFFFF  }
0xc3: {  	_ =	shalt  }
tec
execute0_lowered:
.L_overlay_start_1:
0x0: {  	(tag) =	ssettag $0x1  }
0x1: {  	s0 =	rddreg [dreg:$0x0]  }
0x2: {  	s2 =	rddreg [dreg:$0x1]  }
0x3: {  	s1 =	srdreg.scid;
	s9 =	stileid.u32  }
0x4: {  	s3 =	simm.s32 $0x0;
	s21 =	simm.s32 $0x2800;
	s22 =	simm.s32 $0x3  }
0x5: {  	s23 =	simm.s32 $0x1400;
	s28 =	simm.s32 $0x2;
	s29 =	simm.s32 $0x2700  }
0x6: {  	s30 =	simm.s32 $0x2780;
	s31 =	simm.s32 $0x0;
	s1 =	sand.u32 $0x1, s1  }
0x7: {  	s5 =	smul.u32 $0x280, s9;
	[smem:$0x7FF] =	sst s3;
	s4 =	sadd.s32 $0x71A00, s0  }
0x8: {  	s19 =	sadd.s32 $0x17A00, s0;
	s20 =	sadd.s32 $0xDA00, s0;
	s7 =	smul.u32 $0x28000, s9  }
0x9: {  	s24 =	sadd.s32 $0x3A00, s0;
	s6 =	smul.u32 $0x2800, s1;
	_ =	strace $0x8000004D  }
0xa: {  	[dreg:$0x3] =	wrdreg s24;
	s8 =	ssub.s32 $0x2, s1;
	s1 =	sshll.u32 s1, $0x4  }
0xb: {  	s24 =	simm.s32 $0x80;
	s25 =	sshrl.u32 s8, $0x1;
	s7 =	sshrl.u32 s7, $0x2  }
0xc: {  	s1 =	sor.u32 s9, s1;
	s6 =	sadd.s32 s5, s6;
	s16 =	ssub.s32 s8, s25  }
0xd: {  	s1 =	smul.u32 $0x500, s1;
	s25 =	simm.s32 $0x4800;
	s6 =	sshll.u32 s6, $0x3  }
0xe: {  	s16 =	smax.u32 s16, $0x1;
	s0 =	sadd.s32 s6, s0;
	s6 =	sadd.s32 s7, s2  }
0xf: {  	s17 =	sadd.s32 s19, s1;
	s18 =	sadd.s32 s20, s1;
	s26 =	sadd.s32 $0x280, s1  }
0x10: {  	s7 =	sadd.s32 $0x2000, s6;
	s8 =	sadd.s32 $0x4000, s6;
	s9 =	sadd.s32 $0x6000, s6  }
0x11: {  	s10 =	sadd.s32 $0x8000, s6;
	s11 =	sadd.s32 $0x85A00, s0;
	s12 =	sadd.s32 $0x85E00, s0  }
0x12: {  	s13 =	sadd.s32 $0x86200, s0;
	s14 =	sadd.s32 $0x86600, s0;
	s15 =	sadd.s32 $0x86A00, s0  }
0x13: {  	s19 =	sadd.s32 s19, s26;
	s20 =	sadd.s32 s20, s26;
	s26 =	simm.s32 $0x1  }
.LBB2_1:
0x14: {  	s0 =	rddreg [dreg:$0x3]  }
0x15: {  	[tilespmem:s21], [sflag:$0x3] =	stream.linear.gather [hbm4b:s0+s3], $0x2000, $0x38;
	[tilespmem:$0x10800] =	vst v63  }
0x16: {  	_ =	swait.ge [sflag:s22], $0x2000  }
0x17: {  	[sflag:s22] =	ssyncset.done $0x0  }
0x18: {  	[sflag:s22] =	ssyncadd.s32 $0xFFFFE000  }
0x19: {  	[spmem:s6] =	stream.linear.scatter [tilespmem:s21], [sflag:$0x3], $0x2000, $0x38;
	[tilespmem:$0x10800] =	vst v63  }
0x1a: {  	_ =	swait.ge [sflag:s22], $0x2000  }
0x1b: {  	[sflag:s22] =	ssyncset.done $0x0  }
0x1c: {  	[sflag:s22] =	ssyncadd.s32 $0xFFFFE000  }
0x1d: {  	[spmem:s7] =	stream.linear.scatter [tilespmem:s21], [sflag:$0x3], $0x2000, $0x38;
	[tilespmem:$0x10800] =	vst v63  }
0x1e: {  	_ =	swait.ge [sflag:s22], $0x2000  }
0x1f: {  	[sflag:s22] =	ssyncset.done $0x0  }
0x20: {  	[sflag:s22] =	ssyncadd.s32 $0xFFFFE000  }
0x21: {  	[spmem:s8] =	stream.linear.scatter [tilespmem:s21], [sflag:$0x3], $0x2000, $0x38;
	[tilespmem:$0x10800] =	vst v63  }
0x22: {  	_ =	swait.ge [sflag:s22], $0x2000  }
0x23: {  	[sflag:s22] =	ssyncset.done $0x0  }
0x24: {  	[sflag:s22] =	ssyncadd.s32 $0xFFFFE000  }
0x25: {  	[spmem:s9] =	stream.linear.scatter [tilespmem:s21], [sflag:$0x3], $0x2000, $0x38;
	[tilespmem:$0x10800] =	vst v63  }
0x26: {  	_ =	swait.ge [sflag:s22], $0x2000  }
0x27: {  	[sflag:s22] =	ssyncset.done $0x0  }
0x28: {  	[sflag:s22] =	ssyncadd.s32 $0xFFFFE000  }
0x29: {  	[spmem:s10] =	stream.linear.scatter [tilespmem:s21], [sflag:$0x3], $0x2000, $0x38;
	[tilespmem:$0x10800] =	vst v63  }
0x2a: {  	_ =	swait.ge [sflag:s22], $0x2000  }
0x2b: {  	[sflag:s22] =	ssyncset.done $0x0  }
0x2c: {  	[sflag:s22] =	ssyncadd.s32 $0xFFFFE000  }
0x2d: {  	[bflag:$0x0] =	sbarrier.arrive $0xFFFF  }
0x2e: {  	[tilespmem:s3], [sflag:$0x3] =	stream.linear.gather [hbm4b:s17+s3], $0x1400, $0x38;
	[tilespmem:$0x10800] =	vst v63  }
0x2f: {  	_ =	swait.ge [sflag:s22], $0x1400  }
0x30: {  	[sflag:s22] =	ssyncset.done $0x0  }
0x31: {  	[sflag:s22] =	ssyncadd.s32 $0xFFFFEC00  }
0x32: {  	[tilespmem:s23], [sflag:$0x3] =	stream.linear.gather [hbm4b:s18+s3], $0x1400, $0x38;
	[tilespmem:$0x10800] =	vst v63  }
0x33: {  	_ =	swait.ge [sflag:s22], $0x1400  }
0x34: {  	[sflag:s22] =	ssyncset.done $0x0  }
0x35: {  	[sflag:s22] =	ssyncadd.s32 $0xFFFFEC00  }
0x36: {  	[tilespmem:s21], [sflag:$0x1] =	stream.indirect.gather [hbm4b:s4+s24], $0x40, s3, s24, $0xb8;
	[tilespmem:$0x10800] =	vst v63  }
0x37: {  	_ = 	snop  }
0x38: {  	[tilespmem:s25], [sflag:$0x2] =	stream.indirect.gather [hbm4b:s4+s24], $0x40, s24, s24, $0xb8;
	[tilespmem:$0x10800] =	vst v63  }
0x39: {  	_ =	swait.ge [sflag:s26], $0x2000  }
0x3a: {  	[sflag:s26] =	ssyncset.done $0x0  }
0x3b: {  	s5 =	simm.s32 $0x1400;
	[sflag:s26] =	ssyncadd.s32 $0xFFFFE000  }
0x3c: {  	[spmem:s2] =	stream.indirect.scatter.add.f32 [tilespmem:s21], [sflag:$0x3], $0x40, s5, s24, $0xb8;
	[tilespmem:$0x10800] =	vst v63  }
0x3d: {  	_ =	swait.ge [sflag:s22], $0x2000  }
0x3e: {  	[sflag:s22] =	ssyncset.done $0x0  }
0x3f: {  	s1 =	simm.s32 $0x100;
	[sflag:s22] =	ssyncadd.s32 $0xFFFFE000  }
0x40: {  	[tilespmem:s21], [sflag:$0x1] =	stream.indirect.gather [hbm4b:s4+s24], $0x40, s1, s24, $0xb8;
	[tilespmem:$0x10800] =	vst v63  }
0x41: {  	_ =	swait.ge [sflag:s28], $0x2000  }
0x42: {  	[sflag:s28] =	ssyncset.done $0x0  }
0x43: {  	s5 =	simm.s32 $0x1480;
	[sflag:s28] =	ssyncadd.s32 $0xFFFFE000  }
0x44: {  	[spmem:s2] =	stream.indirect.scatter.add.f32 [tilespmem:s25], [sflag:$0x3], $0x40, s5, s24, $0xb8;
	[tilespmem:$0x10800] =	vst v63  }
0x45: {  	_ =	swait.ge [sflag:s22], $0x2000  }
0x46: {  	[sflag:s22] =	ssyncset.done $0x0  }
0x47: {  	s0 =	simm.s32 $0x400;
	s1 =	simm.s32 $0x180;
	[sflag:s22] =	ssyncadd.s32 $0xFFFFE000  }
.LBB2_2:
0x48: {  	[tilespmem:s25], [sflag:$0x2] =	stream.indirect.gather [hbm4b:s4+s24], $0x40, s1, s24, $0xb8;
	[tilespmem:$0x10800] =	vst v63  }
0x49: {  	s1 =	smov.u32 s0  }
0x4a: {  	p0 =	sne.s32 s0, $0x4800;
	s0 =	sadd.s32 $0x400, s0;
	_ =	swait.ge [sflag:s26], $0x2000  }
0x4b: {  	s1 =	sshra.s32 s1, $0x2;
	[sflag:s26] =	ssyncset.done $0x0  }
0x4c: {  	s5 =	sadd.s32 $0x1400, s1;
	[sflag:s26] =	ssyncadd.s32 $0xFFFFE000  }
0x4d: {  	[spmem:s2] =	stream.indirect.scatter.add.f32 [tilespmem:s21], [sflag:$0x3], $0x40, s5, s24, $0xb8;
	[tilespmem:$0x10800] =	vst v63  }
0x4e: {  	_ =	swait.ge [sflag:s22], $0x2000  }
0x4f: {  	[sflag:s22] =	ssyncset.done $0x0  }
0x50: {  	s5 =	sadd.s32 $0x100, s1;
	[sflag:s22] =	ssyncadd.s32 $0xFFFFE000  }
0x51: {  	[tilespmem:s21], [sflag:$0x1] =	stream.indirect.gather [hbm4b:s4+s24], $0x40, s5, s24, $0xb8;
	[tilespmem:$0x10800] =	vst v63  }
0x52: {  	_ =	swait.ge [sflag:s28], $0x2000  }
0x53: {  	[sflag:s28] =	ssyncset.done $0x0  }
.Ltmp0:
0x54: {  	s5 =	sadd.s32 $0x1480, s1;
	[sflag:s28] =	ssyncadd.s32 $0xFFFFE000;
	(pc) =	sbr.rel @p0 .LBB2_2-.Ltmp0, $4  }
0x55: {  	[spmem:s2] =	stream.indirect.scatter.add.f32 [tilespmem:s25], [sflag:$0x3], $0x40, s5, s24, $0xb8;
	[tilespmem:$0x10800] =	vst v63  }
0x56: {  	_ =	swait.ge [sflag:s22], $0x2000  }
0x57: {  	[sflag:s22] =	ssyncset.done $0x0  }
0x58: {  	s1 =	sadd.s32 $0x180, s1;
	[sflag:s22] =	ssyncadd.s32 $0xFFFFE000  }
0x59: {  	[tilespmem:s25], [sflag:$0x2] =	stream.indirect.gather [hbm4b:s4+s24], $0x40, s1, s24, $0xb8;
	[tilespmem:$0x10800] =	vst v63  }
0x5a: {  	_ =	swait.ge [sflag:s26], $0x2000  }
0x5b: {  	[sflag:s26] =	ssyncset.done $0x0  }
0x5c: {  	[sflag:s26] =	ssyncadd.s32 $0xFFFFE000  }
0x5d: {  	[spmem:s2] =	stream.indirect.scatter.add.f32 [tilespmem:s21], [sflag:$0x3], $0x40, s29, s24, $0xb8;
	[tilespmem:$0x10800] =	vst v63  }
0x5e: {  	_ =	swait.ge [sflag:s22], $0x2000  }
0x5f: {  	[sflag:s22] =	ssyncset.done $0x0  }
0x60: {  	[sflag:s22] =	ssyncadd.s32 $0xFFFFE000  }
0x61: {  	_ =	swait.ge [sflag:s28], $0x2000  }
0x62: {  	[sflag:s28] =	ssyncset.done $0x0  }
0x63: {  	[sflag:s28] =	ssyncadd.s32 $0xFFFFE000  }
0x64: {  	[spmem:s2] =	stream.indirect.scatter.add.f32 [tilespmem:s25], [sflag:$0x3], $0x40, s30, s24, $0xb8;
	[tilespmem:$0x10800] =	vst v63  }
0x65: {  	_ =	swait.ge [sflag:s22], $0x2000  }
0x66: {  	[sflag:s22] =	ssyncset.done $0x0  }
0x67: {  	s0 =	simm.s32 $0x0;
	[sflag:s22] =	ssyncadd.s32 $0xFFFFE000  }
0x68: {  	[tilespmem:s0], [sflag:$0x3] =	stream.linear.gather [hbm4b:s19+s0], $0x1400, $0x38;
	[tilespmem:$0x10800] =	vst v63  }
0x69: {  	_ =	swait.ge [sflag:s22], $0x1400  }
0x6a: {  	[sflag:s22] =	ssyncset.done $0x0  }
0x6b: {  	[sflag:s22] =	ssyncadd.s32 $0xFFFFEC00  }
0x6c: {  	[tilespmem:s23], [sflag:$0x3] =	stream.linear.gather [hbm4b:s20+s0], $0x1400, $0x38;
	[tilespmem:$0x10800] =	vst v63  }
0x6d: {  	_ =	swait.ge [sflag:s22], $0x1400  }
0x6e: {  	[sflag:s22] =	ssyncset.done $0x0  }
0x6f: {  	[sflag:s22] =	ssyncadd.s32 $0xFFFFEC00  }
0x70: {  	[tilespmem:s21], [sflag:$0x1] =	stream.indirect.gather [hbm4b:s4+s24], $0x40, s0, s24, $0xb8;
	[tilespmem:$0x10800] =	vst v63  }
0x71: {  	_ = 	snop  }
0x72: {  	[tilespmem:s25], [sflag:$0x2] =	stream.indirect.gather [hbm4b:s4+s24], $0x40, s24, s24, $0xb8;
	[tilespmem:$0x10800] =	vst v63  }
0x73: {  	_ =	swait.ge [sflag:s26], $0x2000  }
0x74: {  	[sflag:s26] =	ssyncset.done $0x0  }
0x75: {  	s5 =	simm.s32 $0x1400;
	[sflag:s26] =	ssyncadd.s32 $0xFFFFE000  }
0x76: {  	[spmem:s2] =	stream.indirect.scatter.add.f32 [tilespmem:s21], [sflag:$0x3], $0x40, s5, s24, $0xb8;
	[tilespmem:$0x10800] =	vst v63  }
0x77: {  	_ =	swait.ge [sflag:s22], $0x2000  }
0x78: {  	[sflag:s22] =	ssyncset.done $0x0  }
0x79: {  	s1 =	simm.s32 $0x100;
	[sflag:s22] =	ssyncadd.s32 $0xFFFFE000  }
0x7a: {  	[tilespmem:s21], [sflag:$0x1] =	stream.indirect.gather [hbm4b:s4+s24], $0x40, s1, s24, $0xb8;
	[tilespmem:$0x10800] =	vst v63  }
0x7b: {  	_ =	swait.ge [sflag:s28], $0x2000  }
0x7c: {  	[sflag:s28] =	ssyncset.done $0x0  }
0x7d: {  	s5 =	simm.s32 $0x1480;
	[sflag:s28] =	ssyncadd.s32 $0xFFFFE000  }
0x7e: {  	[spmem:s2] =	stream.indirect.scatter.add.f32 [tilespmem:s25], [sflag:$0x3], $0x40, s5, s24, $0xb8;
	[tilespmem:$0x10800] =	vst v63  }
0x7f: {  	_ =	swait.ge [sflag:s22], $0x2000  }
0x80: {  	[sflag:s22] =	ssyncset.done $0x0  }
0x81: {  	s0 =	simm.s32 $0x400;
	s1 =	simm.s32 $0x180;
	[sflag:s22] =	ssyncadd.s32 $0xFFFFE000  }
.LBB2_4:
0x82: {  	[tilespmem:s25], [sflag:$0x2] =	stream.indirect.gather [hbm4b:s4+s24], $0x40, s1, s24, $0xb8;
	[tilespmem:$0x10800] =	vst v63  }
0x83: {  	s1 =	smov.u32 s0  }
0x84: {  	p0 =	sne.s32 s0, $0x4800;
	s0 =	sadd.s32 $0x400, s0;
	_ =	swait.ge [sflag:s26], $0x2000  }
0x85: {  	s1 =	sshra.s32 s1, $0x2;
	[sflag:s26] =	ssyncset.done $0x0  }
0x86: {  	s5 =	sadd.s32 $0x1400, s1;
	[sflag:s26] =	ssyncadd.s32 $0xFFFFE000  }
0x87: {  	[spmem:s2] =	stream.indirect.scatter.add.f32 [tilespmem:s21], [sflag:$0x3], $0x40, s5, s24, $0xb8;
	[tilespmem:$0x10800] =	vst v63  }
0x88: {  	_ =	swait.ge [sflag:s22], $0x2000  }
0x89: {  	[sflag:s22] =	ssyncset.done $0x0  }
0x8a: {  	s5 =	sadd.s32 $0x100, s1;
	[sflag:s22] =	ssyncadd.s32 $0xFFFFE000  }
0x8b: {  	[tilespmem:s21], [sflag:$0x1] =	stream.indirect.gather [hbm4b:s4+s24], $0x40, s5, s24, $0xb8;
	[tilespmem:$0x10800] =	vst v63  }
0x8c: {  	_ =	swait.ge [sflag:s28], $0x2000  }
0x8d: {  	[sflag:s28] =	ssyncset.done $0x0  }
.Ltmp1:
0x8e: {  	s5 =	sadd.s32 $0x1480, s1;
	[sflag:s28] =	ssyncadd.s32 $0xFFFFE000;
	(pc) =	sbr.rel @p0 .LBB2_4-.Ltmp1, $4  }
0x8f: {  	[spmem:s2] =	stream.indirect.scatter.add.f32 [tilespmem:s25], [sflag:$0x3], $0x40, s5, s24, $0xb8;
	[tilespmem:$0x10800] =	vst v63  }
0x90: {  	_ =	swait.ge [sflag:s22], $0x2000  }
0x91: {  	[sflag:s22] =	ssyncset.done $0x0  }
0x92: {  	s1 =	sadd.s32 $0x180, s1;
	[sflag:s22] =	ssyncadd.s32 $0xFFFFE000  }
0x93: {  	[tilespmem:s25], [sflag:$0x2] =	stream.indirect.gather [hbm4b:s4+s24], $0x40, s1, s24, $0xb8;
	[tilespmem:$0x10800] =	vst v63  }
0x94: {  	_ =	swait.ge [sflag:s26], $0x2000  }
0x95: {  	[sflag:s26] =	ssyncset.done $0x0  }
0x96: {  	[sflag:s26] =	ssyncadd.s32 $0xFFFFE000  }
0x97: {  	[spmem:s2] =	stream.indirect.scatter.add.f32 [tilespmem:s21], [sflag:$0x3], $0x40, s29, s24, $0xb8;
	[tilespmem:$0x10800] =	vst v63  }
0x98: {  	_ =	swait.ge [sflag:s22], $0x2000  }
0x99: {  	[sflag:s22] =	ssyncset.done $0x0  }
0x9a: {  	[sflag:s22] =	ssyncadd.s32 $0xFFFFE000  }
0x9b: {  	_ =	swait.ge [sflag:s28], $0x2000  }
0x9c: {  	[sflag:s28] =	ssyncset.done $0x0  }
0x9d: {  	[sflag:s28] =	ssyncadd.s32 $0xFFFFE000  }
0x9e: {  	[spmem:s2] =	stream.indirect.scatter.add.f32 [tilespmem:s25], [sflag:$0x3], $0x40, s30, s24, $0xb8;
	[tilespmem:$0x10800] =	vst v63  }
0x9f: {  	_ =	swait.ge [sflag:s22], $0x2000  }
0xa0: {  	[sflag:s22] =	ssyncset.done $0x0  }
0xa1: {  	[sflag:s22] =	ssyncadd.s32 $0xFFFFE000  }
0xa2: {  	[bflag:$0x0] =	sbarrier.arrive $0xFFFF  }
0xa3: {  	[tilespmem:s21], [sflag:$0x3] =	stream.linear.gather [spmem:s6], $0x2000, $0x38;
	[tilespmem:$0x10800] =	vst v63  }
0xa4: {  	_ =	swait.ge [sflag:s22], $0x2000  }
0xa5: {  	[sflag:s22] =	ssyncset.done $0x0  }
0xa6: {  	[sflag:s22] =	ssyncadd.s32 $0xFFFFE000  }
0xa7: {  	[hbm4b:s11+s3] =	stream.linear.scatter [tilespmem:s21], [sflag:$0x3], $0x2000, $0x38;
	[tilespmem:$0x10800] =	vst v63  }
0xa8: {  	_ =	swait.ge [sflag:s22], $0x2000  }
0xa9: {  	[sflag:s22] =	ssyncset.done $0x0  }
0xaa: {  	[sflag:s22] =	ssyncadd.s32 $0xFFFFE000  }
0xab: {  	[tilespmem:s21], [sflag:$0x3] =	stream.linear.gather [spmem:s7], $0x2000, $0x38;
	[tilespmem:$0x10800] =	vst v63  }
0xac: {  	_ =	swait.ge [sflag:s22], $0x2000  }
0xad: {  	[sflag:s22] =	ssyncset.done $0x0  }
0xae: {  	[sflag:s22] =	ssyncadd.s32 $0xFFFFE000  }
0xaf: {  	[hbm4b:s12+s3] =	stream.linear.scatter [tilespmem:s21], [sflag:$0x3], $0x2000, $0x38;
	[tilespmem:$0x10800] =	vst v63  }
0xb0: {  	_ =	swait.ge [sflag:s22], $0x2000  }
0xb1: {  	[sflag:s22] =	ssyncset.done $0x0  }
0xb2: {  	[sflag:s22] =	ssyncadd.s32 $0xFFFFE000  }
0xb3: {  	[tilespmem:s21], [sflag:$0x3] =	stream.linear.gather [spmem:s8], $0x2000, $0x38;
	[tilespmem:$0x10800] =	vst v63  }
0xb4: {  	_ =	swait.ge [sflag:s22], $0x2000  }
0xb5: {  	[sflag:s22] =	ssyncset.done $0x0  }
0xb6: {  	[sflag:s22] =	ssyncadd.s32 $0xFFFFE000  }
0xb7: {  	[hbm4b:s13+s3] =	stream.linear.scatter [tilespmem:s21], [sflag:$0x3], $0x2000, $0x38;
	[tilespmem:$0x10800] =	vst v63  }
0xb8: {  	_ =	swait.ge [sflag:s22], $0x2000  }
0xb9: {  	[sflag:s22] =	ssyncset.done $0x0  }
0xba: {  	[sflag:s22] =	ssyncadd.s32 $0xFFFFE000  }
0xbb: {  	[tilespmem:s21], [sflag:$0x3] =	stream.linear.gather [spmem:s9], $0x2000, $0x38;
	[tilespmem:$0x10800] =	vst v63  }
0xbc: {  	_ =	swait.ge [sflag:s22], $0x2000  }
0xbd: {  	[sflag:s22] =	ssyncset.done $0x0  }
0xbe: {  	[sflag:s22] =	ssyncadd.s32 $0xFFFFE000  }
0xbf: {  	[hbm4b:s14+s3] =	stream.linear.scatter [tilespmem:s21], [sflag:$0x3], $0x2000, $0x38;
	[tilespmem:$0x10800] =	vst v63  }
0xc0: {  	_ =	swait.ge [sflag:s22], $0x2000  }
0xc1: {  	[sflag:s22] =	ssyncset.done $0x0  }
0xc2: {  	[sflag:s22] =	ssyncadd.s32 $0xFFFFE000  }
0xc3: {  	[tilespmem:s21], [sflag:$0x3] =	stream.linear.gather [spmem:s10], $0x2000, $0x38;
	[tilespmem:$0x10800] =	vst v63  }
0xc4: {  	s31 =	sadd.s32 $0x1, s31;
	_ =	swait.ge [sflag:s22], $0x2000  }
0xc5: {  	p0 =	sne.s32 s31, s16;
	[sflag:s22] =	ssyncset.done $0x0  }
.Ltmp2:
0xc6: {  	[sflag:s22] =	ssyncadd.s32 $0xFFFFE000;
	(pc) =	sbr.rel @p0 .LBB2_1-.Ltmp2, $4  }
0xc7: {  	[hbm4b:s15+s3] =	stream.linear.scatter [tilespmem:s21], [sflag:$0x3], $0x2000, $0x38;
	[tilespmem:$0x10800] =	vst v63  }
0xc8: {  	_ =	swait.ge [sflag:s22], $0x2000  }
0xc9: {  	[sflag:s22] =	ssyncset.done $0x0  }
0xca: {  	[sflag:s22] =	ssyncadd.s32 $0xFFFFE000  }
0xcb: {  	_ =	sfence.sel $0x180000  }
0xcc: {  	[bflag:$0x0] =	sbarrier.arrive $0xFFFF  }
0xcd: {  	_ =	strace $0x9000004D  }
0xce: {  	s0 =	stileid.u32;
	[bflag:$0x2] =	sbarrier.arrive $0xFFFF  }
0xcf: {  	p0 =	sne.s32 s0, $0x0;
	s0 =	rddreg [dreg:$0x2]  }
0xd0: {  	s0 =	sadd.s32 @!p0 $0x100000, s0  }
0xd1: {  	[sflag:s0] =	ssyncadd.tile.s32 @!p0 $0x1;
	_ =	shalt  }
.Lfunc_end2:
_tile_overlayer_lowered:
.L_overlay_start_2:
0xd2: {  	(tag) =	ssettag $0x2  }
0xd3: {  	s0 =	rddreg [dreg:$0x0];
	s2 =	stileid.u32  }
0xd4: {  	s1 =	rddreg [dreg:$0x1];
	p0 =	sne.s32 s2, $0x0  }
0xd5: {  	s3 =	rddreg [dreg:$0x2];
	[bflag:$0x3] =	sbarrier.arrive $0xFFFF;
	s2 =	simm.s32 @!p0 $0x1C03  }
0xd6: {  	[timem:s3], [sflag:s2] =	dma.local @!p0 [hbm:s0], s1  }
0xd7: {  	s0 =	simm.s32 @!p0 $0x3  }
0xd8: {  	_ =	swait.ge @!p0 [sflag:s0], s1  }
0xd9: {  	s1 =	ssub.s32 @!p0 $0x0, s1;
	[sflag:s0] =	ssyncset.done @!p0 $0x0  }
0xda: {  	[sflag:s0] =	ssyncadd.s32 @!p0 s1  }
0xdb: {  	[bflag:$0x3] =	sbarrier.arrive $0xFFFF  }
0xdc: {  	_ =	shalt  }

// kernel: kernel.19.cloned.1.call-start
scs
__scs_entry_jumppad:
0x0: {  	(pc) =	sbr.rel $0x88, $3  }
0x1: {  	(tag) =	ssettag $0x0;
	lr =	simm.s32 $0x1  }
0x2: {  	[smem:$0x3F92] =	sst lr;
	_ =	strace $0xD0000000  }
0x3: {  	_ = 	snop  }
0x4: {  	_ = 	snop  }
0x5: {  	_ = 	snop  }
0x6: {  	_ = 	snop  }
0x7: {  	_ = 	snop  }
__scs_overlays_trampoline_lowered:
0x8: {  	[smem:$0x3FA1] =	sst s0  }
0x9: {  	[smem:$0x3FA2] =	sst s1  }
0xa: {  	[smem:$0x3FA3] =	sst s2  }
0xb: {  	[smem:$0x3FA4] =	sst s3  }
0xc: {  	[smem:$0x3FA5] =	sst s4  }
0xd: {  	[smem:$0x3FA6] =	sst s5  }
0xe: {  	[smem:$0x3FA7] =	sst s6  }
0xf: {  	[smem:$0x3FA8] =	sst s7  }
0x10: {  	[smem:$0x3FA9] =	sst s8  }
0x11: {  	[smem:$0x3FAA] =	sst s9;
	s0 =	simm.s32 @!p0 $0x0  }
0x12: {  	s1 =	sld [smem:$0x3F90];
	s0 =	simm.s32 @p0 $0x1  }
0x13: {  	[smem:$0x3FAB] =	sst s0;
	s0 =	simm.s32 @!p1 $0x0  }
0x14: {  	s2 =	sld [smem:$0x3F8F];
	s0 =	simm.s32 @p1 $0x1  }
0x15: {  	[smem:$0x3FAC] =	sst s0;
	s0 =	simm.s32 @!p2 $0x0  }
0x16: {  	s3 =	sld [smem:$0x3FDB];
	s0 =	simm.s32 @p2 $0x1  }
0x17: {  	s4 =	simm.s32 $0x1BF5;
	[smem:$0x3FAE] =	sst s0  }
0x18: {  	s0 =	sld [smem:$0x3F91];
	_ =	swait.ge [sflag:s4], $0x0  }
0x19: {  	s7 =	sld [smem:$0x3F92]  }
0x1a: {  	s8 =	sadd.s32 $0xFFFFE003, lr  }
0x1b: {  	s9 =	sadd.s32 $0xFFFFFEF7, lr;
	s5 =	simm.s32 $0xFFFFFFFF;
	p2 =	slt.u32 s8, $0xFFFFF086  }
0x1c: {  	p1 =	slt.u32 s9, $0xF7A;
	s5 =	simm.s32 @!p2 $0x0  }
0x1d: {  	s5 =	simm.s32 @p1 $0x1;
	p0 =	seq.s32 s7, s2  }
0x1e: {  	s7 =	smul.u32 @!p0 $0xF7A, s2;
	p2 =	seq.s32 @!p0 s5, $0x0  }
0x1f: {  	s9 =	smul.u32 $0xF7A, s1;
	s8 =	simm.s32 @!p0 $0x1BF5;
	p2 =	por !p2, p0  }
0x20: {  	[sflag:s8] =	ssyncset.s32 @!p0 $0xFFFFF086;
	s6 =	sadd.s32 @!p0 s3, s7;
	s7 =	simm.s32 @!p0 $0x108  }
0x21: {  	s3 =	sadd.s32 s3, s9;
	s6 =	sadd.s32 @!p0 $0x88, s6;
	s7 =	simm.s32 @p2 $0x1082  }
0x22: {  	[simem:s7], [sflag:s8] =	dma.local @!p0 [hbm:s6], $0xF7A  }
0x23: {  	s9 =	sor.u32 $0xD0000000, s2;
	s6 =	simm.s32 $0x108;
	_ =	swait.ge @!p0 [sflag:s8], $0x0  }
0x24: {  	s3 =	sadd.s32 $0x88, s3;
	s6 =	simm.s32 @!p1 $0x1082;
	[sflag:s4] =	ssyncset.s32 $0xFFFFF086  }
0x25: {  	[simem:s6], [sflag:s4] =	dma.local [hbm:s3], $0xF7A  }
0x26: {  	[smem:$0x3F92] =	sst s1;
	(tag) =	ssettag s2;
	_ =	strace s9  }
0x27: {  	s1 =	sld [smem:$0x3FA2]  }
0x28: {  	s2 =	sld [smem:$0x3FA3]  }
0x29: {  	s4 =	sld [smem:$0x3FA5]  }
0x2a: {  	p0 =	seq.s32 s5, $0x0;
	s5 =	sld [smem:$0x3FA6]  }
0x2b: {  	s6 =	sld [smem:$0x3FA7]  }
0x2c: {  	s7 =	sld [smem:$0x3FA8]  }
0x2d: {  	s3 =	simm.s32 $0x108;
	s8 =	sld [smem:$0x3FA9]  }
0x2e: {  	s3 =	simm.s32 @!p0 $0x1082;
	s9 =	sld [smem:$0x3FAA]  }
0x2f: {  	lr =	sadd.s32 s0, s3;
	s0 =	sld [smem:$0x3FA1]  }
0x30: {  	s3 =	sld [smem:$0x3FA4]  }
0x31: {  	[smem:$0x3FAD] =	sst s10  }
0x32: {  	s10 =	sld [smem:$0x3FAB];
	_ =	sdelay $0x3  }
0x33: {  	p0 =	seq.s32 s10, $0x1;
	s10 =	sld [smem:$0x3FAD];
	_ =	sdelay $0x3  }
0x34: {  	[smem:$0x3FAD] =	sst s10  }
0x35: {  	s10 =	sld [smem:$0x3FAC];
	_ =	sdelay $0x3  }
0x36: {  	p1 =	seq.s32 s10, $0x1;
	s10 =	sld [smem:$0x3FAD];
	_ =	sdelay $0x3  }
0x37: {  	[smem:$0x3FAD] =	sst s10  }
0x38: {  	s10 =	sld [smem:$0x3FAE]  }
0x39: {  	_ = 	snop;
	(pc) =	sbr.ind lr, $3  }
0x3a: {  	_ = 	snop  }
0x3b: {  	_ = 	snop  }
0x3c: {  	p2 =	seq.s32 s10, $0x1;
	s10 =	sld [smem:$0x3FAD]  }
0x3d: {  	_ =	shalt  }
0x3e: {  	_ =	shalt  }
0x3f: {  	_ =	shalt  }
0x40: {  	_ =	shalt  }
0x41: {  	_ =	shalt  }
0x42: {  	_ =	shalt  }
0x43: {  	_ =	shalt  }
0x44: {  	_ =	shalt  }
0x45: {  	_ =	shalt  }
0x46: {  	_ =	shalt  }
0x47: {  	_ =	shalt  }
0x48: {  	_ =	shalt  }
0x49: {  	_ =	shalt  }
0x4a: {  	_ =	shalt  }
0x4b: {  	_ =	shalt  }
0x4c: {  	_ =	shalt  }
0x4d: {  	_ =	shalt  }
0x4e: {  	_ =	shalt  }
0x4f: {  	_ =	shalt  }
0x50: {  	_ =	shalt  }
0x51: {  	_ =	shalt  }
0x52: {  	_ =	shalt  }
0x53: {  	_ =	shalt  }
0x54: {  	_ =	shalt  }
0x55: {  	_ =	shalt  }
0x56: {  	_ =	shalt  }
0x57: {  	_ =	shalt  }
0x58: {  	_ =	shalt  }
0x59: {  	_ =	shalt  }
0x5a: {  	_ =	shalt  }
0x5b: {  	_ =	shalt  }
0x5c: {  	_ =	shalt  }
0x5d: {  	_ =	shalt  }
0x5e: {  	_ =	shalt  }
0x5f: {  	_ =	shalt  }
0x60: {  	_ =	shalt  }
0x61: {  	_ =	shalt  }
0x62: {  	_ =	shalt  }
0x63: {  	_ =	shalt  }
0x64: {  	_ =	shalt  }
0x65: {  	_ =	shalt  }
0x66: {  	_ =	shalt  }
0x67: {  	_ =	shalt  }
0x68: {  	_ =	shalt  }
0x69: {  	_ =	shalt  }
0x6a: {  	_ =	shalt  }
0x6b: {  	_ =	shalt  }
0x6c: {  	_ =	shalt  }
0x6d: {  	_ =	shalt  }
0x6e: {  	_ =	shalt  }
0x6f: {  	_ =	shalt  }
0x70: {  	_ =	shalt  }
0x71: {  	_ =	shalt  }
0x72: {  	_ =	shalt  }
0x73: {  	_ =	shalt  }
0x74: {  	_ =	shalt  }
0x75: {  	_ =	shalt  }
0x76: {  	_ =	shalt  }
0x77: {  	_ =	shalt  }
0x78: {  	_ =	shalt  }
0x79: {  	_ =	shalt  }
0x7a: {  	_ =	shalt  }
0x7b: {  	_ =	shalt  }
0x7c: {  	_ =	shalt  }
0x7d: {  	_ =	shalt  }
0x7e: {  	_ =	shalt  }
0x7f: {  	_ =	shalt  }
0x80: {  	_ =	shalt  }
0x81: {  	_ =	shalt  }
0x82: {  	_ =	shalt  }
0x83: {  	_ =	shalt  }
0x84: {  	_ =	shalt  }
0x85: {  	_ =	shalt  }
0x86: {  	_ =	shalt  }
0x87: {  	_ =	shalt  }
.Lfunc_end0:
.L_simem_size_0:
called_computation.3_lowered:
.L_overlay_start_0:
0x88: {  	s2 =	sld [smem:$0x3FD9]  }
0x89: {  	s3 =	sld [smem:$0x3FFE];
	_ =	sdelay $0x1  }
0x8a: {  	s1 =	srdreg.scid  }
0x8b: {  	s0 =	sand.u32 $0x1, s1  }
0x8c: {  	s16 =	sshll.u32 s0, $0xA;
	s2 =	sadd.s32 s3, s2  }
0x8d: {  	s2 =	sadd.s32 s2, s16  }
0x8e: {  	[smem:$0x3FB9] =	sst s2  }
0x8f: {  	_ = 	snop  }
0x90: {  	(tm) =	ssettm $0x1  }
0x91: {  	s17 =	sld [smem:$0x3FFB];
	_ =	sdelay $0x3  }
0x92: {  	_ =	strace s17  }
0x93: {  	s2 =	sld [smem:$0x3FFC];
	_ =	sdelay $0x3  }
0x94: {  	_ =	strace s2  }
0x95: {  	s2 =	sld [smem:$0x3FFD];
	_ =	sdelay $0x3  }
0x96: {  	_ =	strace s2  }
0x97: {  	_ =	strace $0x8FFFFFFF  }
0x98: {  	s18 =	sld [smem:$0x3FDB];
	_ =	sdelay $0x1  }
0x99: {  	s19 =	simm.s32 $_scs_section_size  }
0x9a: {  	s4 =	simm.s32 $_size__tile_overlayer_lowered;
	s5 =	simm.s32 $_tile_overlayer_lowered  }
0x9b: {  	s22 =	simm.s32 $0x1BFF;
	s21 =	sshll.u32 s5, $0x1;
	s2 =	sadd.s32 s19, s18  }
0x9c: {  	s6 =	simm.s32 $0x0;
	s20 =	sshll.u32 s4, $0x1;
	s4 =	sadd.s32 s21, s2  }
0x9d: {  	[timem:s6], [sflag:s22] =	dma.local [hbm:s4], s20  }
0x9e: {  	_ =	swait.ge [sflag:s22], s20  }
0x9f: {  	s3 =	ssub.s32 $0x0, s20;
	[sflag:s22] =	ssyncset.done $0x0  }
0xa0: {  	[sflag:s22] =	ssyncadd.s32 s3;
	_ =	sdelay $0x1  }
0xa1: {  	s23 =	simm.s32 $0x1B8B  }
0xa2: {  	_ =	swait.ge [sflag:s23], $0x1  }
0xa3: {  	[sflag:s23] =	ssyncset.done $0x0  }
0xa4: {  	s25 =	simm.s32 $0x1B8E;
	s24 =	sld [smem:$0x3FFE];
	[sflag:s23] =	ssyncadd.s32 $0xFFFFFFFF  }
0xa5: {  	s26 =	simm.s32 $execute0_lowered;
	[smem:$0x3FD2] =	sst s25  }
0xa6: {  	s4 =	sshll.u32 s26, $0x1;
	_ =	strace $0x8000004F;
	[dreg:$0x1] =	wrdreg $0xFFFFFFFF  }
0xa7: {  	s28 =	simm.s32 $_size_execute0_lowered;
	s2 =	sadd.s32 s2, s4;
	[dreg:$0x0] =	wrdreg $0x0  }
0xa8: {  	s4 =	sshll.u32 s28, $0x1;
	[dreg:$0x2] =	wrdreg s2  }
0xa9: {  	[dreg:$0x3] =	wrdreg s4  }
0xaa: {  	[dreg:$0x4] =	wrdreg $0xC0  }
0xab: {  	_ =	task [dreg:s6], $0x5FFFF  }
0xac: {  	[dreg:$0x1] =	wrdreg $0xFFFFFFFF  }
0xad: {  	[dreg:$0x0] =	wrdreg $0x60  }
0xae: {  	[dreg:$0x2] =	wrdreg s24  }
0xaf: {  	[dreg:$0x3] =	wrdreg $0xA8000  }
0xb0: {  	[dreg:$0x4] =	wrdreg $0x9  }
0xb1: {  	_ =	task.clear_ibuf [dreg:s6], $0x5FFFF;
	_ =	strace $0x9000004F  }
0xb2: {  	s29 =	simm.s32 $0x9;
	_ =	strace $0x80000051  }
0xb3: {  	_ =	swait.ge [sflag:s29], $0x1  }
0xb4: {  	[sflag:s29] =	ssyncadd.s32 $0xFFFFFFFF  }
0xb5: {  	_ =	strace $0x90000051  }
0xb6: {  	_ =	sfence  }
0xb7: {  	s30 =	sld [smem:$0x0];
	_ =	sdelay $0x2  }
0xb8: {  	s31 =	sshll.u32 s1, $0xD;
	s1 =	sshrl.u32 s1, $0x2  }
0xb9: {  	s3 =	sand.u32 $0x4000, s31;
	s1 =	sadd.s32 s1, s30  }
0xba: {  	s0 =	sor.u32 s3, s0;
	s1 =	sshll.u32 s1, $0x11  }
0xbb: {  	s0 =	sor.u32 s1, s0  }
0xbc: {  	s0 =	sadd.s32 $0x8F2B, s0  }
0xbd: {  	[sflag:s0] =	ssyncadd.remote.s32 $0x1  }
0xbe: {  	_ =	sfence.sel $0xFFFF  }
0xbf: {  	[dreg:$0x0] =	wrdreg $0xFFFFFFFF;
	(pc) =	sbr.abs _section_cstart, $3  }
0xc0: {  	[dreg:$0x1] =	wrdreg $0xFFFFFFFF  }
0xc1: {  	_ =	task.clear_ibuf [dreg:s6], $0x2FFFF;
	_ =	strace $0x9FFFFFFF  }
0xc2: {  	(tm) =	ssettm $0x7FFFFFFF  }
0xc3: {  	_ =	shalt  }
tec
execute0_lowered:
.L_overlay_start_1:
0x0: {  	(tag) =	ssettag $0x1  }
0x1: {  	s0 =	rddreg [dreg:$0x0]  }
0x2: {  	s2 =	rddreg [dreg:$0x1]  }
0x3: {  	s1 =	srdreg.scid;
	s9 =	stileid.u32  }
0x4: {  	s3 =	simm.s32 $0x0;
	s21 =	simm.s32 $0x2800;
	s22 =	simm.s32 $0x3  }
0x5: {  	s23 =	simm.s32 $0x1400;
	s28 =	simm.s32 $0x2;
	s29 =	simm.s32 $0x2700  }
0x6: {  	s30 =	simm.s32 $0x2780;
	s31 =	simm.s32 $0x0;
	s1 =	sand.u32 $0x1, s1  }
0x7: {  	s5 =	smul.u32 $0x280, s9;
	[smem:$0x7FF] =	sst s3;
	s4 =	sadd.s32 $0x71A00, s0  }
0x8: {  	s19 =	sadd.s32 $0x17A00, s0;
	s20 =	sadd.s32 $0xDA00, s0;
	s7 =	smul.u32 $0x50000, s9  }
0x9: {  	s24 =	sadd.s32 $0x3A00, s0;
	s6 =	smul.u32 $0x2800, s1;
	_ =	strace $0x80000050  }
0xa: {  	[dreg:$0x3] =	wrdreg s24;
	s8 =	ssub.s32 $0x2, s1;
	s1 =	sshll.u32 s1, $0x4  }
0xb: {  	s24 =	simm.s32 $0x80;
	s25 =	sshrl.u32 s8, $0x1;
	s7 =	sshrl.u32 s7, $0x2  }
0xc: {  	s1 =	sor.u32 s9, s1;
	s6 =	sadd.s32 s5, s6;
	s16 =	ssub.s32 s8, s25  }
0xd: {  	s1 =	smul.u32 $0x500, s1;
	s25 =	simm.s32 $0x6800;
	s6 =	sshll.u32 s6, $0x4  }
0xe: {  	s16 =	smax.u32 s16, $0x1;
	s0 =	sadd.s32 s6, s0;
	s6 =	sadd.s32 s7, s2  }
0xf: {  	s17 =	sadd.s32 s19, s1;
	s18 =	sadd.s32 s20, s1;
	s26 =	sadd.s32 $0x280, s1  }
0x10: {  	s7 =	sadd.s32 $0x4000, s6;
	s8 =	sadd.s32 $0x8000, s6;
	s9 =	sadd.s32 $0xC000, s6  }
0x11: {  	s10 =	sadd.s32 $0x10000, s6;
	s11 =	sadd.s32 $0x99A00, s0;
	s12 =	sadd.s32 $0x9A200, s0  }
0x12: {  	s13 =	sadd.s32 $0x9AA00, s0;
	s14 =	sadd.s32 $0x9B200, s0;
	s15 =	sadd.s32 $0x9BA00, s0  }
0x13: {  	s19 =	sadd.s32 s19, s26;
	s20 =	sadd.s32 s20, s26;
	s26 =	simm.s32 $0x1  }
.LBB2_1:
0x14: {  	s0 =	rddreg [dreg:$0x3]  }
0x15: {  	[tilespmem:s21], [sflag:$0x3] =	stream.linear.gather [hbm4b:s0+s3], $0x4000, $0x38;
	[tilespmem:$0x1E800] =	vst v63  }
0x16: {  	_ =	swait.ge [sflag:s22], $0x4000  }
0x17: {  	[sflag:s22] =	ssyncset.done $0x0  }
0x18: {  	[sflag:s22] =	ssyncadd.s32 $0xFFFFC000  }
0x19: {  	[spmem:s6] =	stream.linear.scatter [tilespmem:s21], [sflag:$0x3], $0x4000, $0x38;
	[tilespmem:$0x1E800] =	vst v63  }
0x1a: {  	_ =	swait.ge [sflag:s22], $0x4000  }
0x1b: {  	[sflag:s22] =	ssyncset.done $0x0  }
0x1c: {  	[sflag:s22] =	ssyncadd.s32 $0xFFFFC000  }
0x1d: {  	[spmem:s7] =	stream.linear.scatter [tilespmem:s21], [sflag:$0x3], $0x4000, $0x38;
	[tilespmem:$0x1E800] =	vst v63  }
0x1e: {  	_ =	swait.ge [sflag:s22], $0x4000  }
0x1f: {  	[sflag:s22] =	ssyncset.done $0x0  }
0x20: {  	[sflag:s22] =	ssyncadd.s32 $0xFFFFC000  }
0x21: {  	[spmem:s8] =	stream.linear.scatter [tilespmem:s21], [sflag:$0x3], $0x4000, $0x38;
	[tilespmem:$0x1E800] =	vst v63  }
0x22: {  	_ =	swait.ge [sflag:s22], $0x4000  }
0x23: {  	[sflag:s22] =	ssyncset.done $0x0  }
0x24: {  	[sflag:s22] =	ssyncadd.s32 $0xFFFFC000  }
0x25: {  	[spmem:s9] =	stream.linear.scatter [tilespmem:s21], [sflag:$0x3], $0x4000, $0x38;
	[tilespmem:$0x1E800] =	vst v63  }
0x26: {  	_ =	swait.ge [sflag:s22], $0x4000  }
0x27: {  	[sflag:s22] =	ssyncset.done $0x0  }
0x28: {  	[sflag:s22] =	ssyncadd.s32 $0xFFFFC000  }
0x29: {  	[spmem:s10] =	stream.linear.scatter [tilespmem:s21], [sflag:$0x3], $0x4000, $0x38;
	[tilespmem:$0x1E800] =	vst v63  }
0x2a: {  	_ =	swait.ge [sflag:s22], $0x4000  }
0x2b: {  	[sflag:s22] =	ssyncset.done $0x0  }
0x2c: {  	[sflag:s22] =	ssyncadd.s32 $0xFFFFC000  }
0x2d: {  	[bflag:$0x0] =	sbarrier.arrive $0xFFFF  }
0x2e: {  	[tilespmem:s3], [sflag:$0x3] =	stream.linear.gather [hbm4b:s17+s3], $0x1400, $0x38;
	[tilespmem:$0x1E800] =	vst v63  }
0x2f: {  	_ =	swait.ge [sflag:s22], $0x1400  }
0x30: {  	[sflag:s22] =	ssyncset.done $0x0  }
0x31: {  	[sflag:s22] =	ssyncadd.s32 $0xFFFFEC00  }
0x32: {  	[tilespmem:s23], [sflag:$0x3] =	stream.linear.gather [hbm4b:s18+s3], $0x1400, $0x38;
	[tilespmem:$0x1E800] =	vst v63  }
0x33: {  	_ =	swait.ge [sflag:s22], $0x1400  }
0x34: {  	[sflag:s22] =	ssyncset.done $0x0  }
0x35: {  	[sflag:s22] =	ssyncadd.s32 $0xFFFFEC00  }
0x36: {  	[tilespmem:s21], [sflag:$0x1] =	stream.indirect.gather [hbm4b:s4+s24], $0x80, s3, s24, $0xb8;
	[tilespmem:$0x1E800] =	vst v63  }
0x37: {  	_ = 	snop  }
0x38: {  	[tilespmem:s25], [sflag:$0x2] =	stream.indirect.gather [hbm4b:s4+s24], $0x80, s24, s24, $0xb8;
	[tilespmem:$0x1E800] =	vst v63  }
0x39: {  	_ =	swait.ge [sflag:s26], $0x4000  }
0x3a: {  	[sflag:s26] =	ssyncset.done $0x0  }
0x3b: {  	s5 =	simm.s32 $0x1400;
	[sflag:s26] =	ssyncadd.s32 $0xFFFFC000  }
0x3c: {  	[spmem:s2] =	stream.indirect.scatter.add.f32 [tilespmem:s21], [sflag:$0x3], $0x80, s5, s24, $0xb8;
	[tilespmem:$0x1E800] =	vst v63  }
0x3d: {  	_ =	swait.ge [sflag:s22], $0x4000  }
0x3e: {  	[sflag:s22] =	ssyncset.done $0x0  }
0x3f: {  	s1 =	simm.s32 $0x100;
	[sflag:s22] =	ssyncadd.s32 $0xFFFFC000  }
0x40: {  	[tilespmem:s21], [sflag:$0x1] =	stream.indirect.gather [hbm4b:s4+s24], $0x80, s1, s24, $0xb8;
	[tilespmem:$0x1E800] =	vst v63  }
0x41: {  	_ =	swait.ge [sflag:s28], $0x4000  }
0x42: {  	[sflag:s28] =	ssyncset.done $0x0  }
0x43: {  	s5 =	simm.s32 $0x1480;
	[sflag:s28] =	ssyncadd.s32 $0xFFFFC000  }
0x44: {  	[spmem:s2] =	stream.indirect.scatter.add.f32 [tilespmem:s25], [sflag:$0x3], $0x80, s5, s24, $0xb8;
	[tilespmem:$0x1E800] =	vst v63  }
0x45: {  	_ =	swait.ge [sflag:s22], $0x4000  }
0x46: {  	[sflag:s22] =	ssyncset.done $0x0  }
0x47: {  	s0 =	simm.s32 $0x400;
	s1 =	simm.s32 $0x180;
	[sflag:s22] =	ssyncadd.s32 $0xFFFFC000  }
.LBB2_2:
0x48: {  	[tilespmem:s25], [sflag:$0x2] =	stream.indirect.gather [hbm4b:s4+s24], $0x80, s1, s24, $0xb8;
	[tilespmem:$0x1E800] =	vst v63  }
0x49: {  	s1 =	smov.u32 s0  }
0x4a: {  	p0 =	sne.s32 s0, $0x4800;
	s0 =	sadd.s32 $0x400, s0;
	_ =	swait.ge [sflag:s26], $0x4000  }
0x4b: {  	s1 =	sshra.s32 s1, $0x2;
	[sflag:s26] =	ssyncset.done $0x0  }
0x4c: {  	s5 =	sadd.s32 $0x1400, s1;
	[sflag:s26] =	ssyncadd.s32 $0xFFFFC000  }
0x4d: {  	[spmem:s2] =	stream.indirect.scatter.add.f32 [tilespmem:s21], [sflag:$0x3], $0x80, s5, s24, $0xb8;
	[tilespmem:$0x1E800] =	vst v63  }
0x4e: {  	_ =	swait.ge [sflag:s22], $0x4000  }
0x4f: {  	[sflag:s22] =	ssyncset.done $0x0  }
0x50: {  	s5 =	sadd.s32 $0x100, s1;
	[sflag:s22] =	ssyncadd.s32 $0xFFFFC000  }
0x51: {  	[tilespmem:s21], [sflag:$0x1] =	stream.indirect.gather [hbm4b:s4+s24], $0x80, s5, s24, $0xb8;
	[tilespmem:$0x1E800] =	vst v63  }
0x52: {  	_ =	swait.ge [sflag:s28], $0x4000  }
0x53: {  	[sflag:s28] =	ssyncset.done $0x0  }
.Ltmp0:
0x54: {  	s5 =	sadd.s32 $0x1480, s1;
	[sflag:s28] =	ssyncadd.s32 $0xFFFFC000;
	(pc) =	sbr.rel @p0 .LBB2_2-.Ltmp0, $4  }
0x55: {  	[spmem:s2] =	stream.indirect.scatter.add.f32 [tilespmem:s25], [sflag:$0x3], $0x80, s5, s24, $0xb8;
	[tilespmem:$0x1E800] =	vst v63  }
0x56: {  	_ =	swait.ge [sflag:s22], $0x4000  }
0x57: {  	[sflag:s22] =	ssyncset.done $0x0  }
0x58: {  	s1 =	sadd.s32 $0x180, s1;
	[sflag:s22] =	ssyncadd.s32 $0xFFFFC000  }
0x59: {  	[tilespmem:s25], [sflag:$0x2] =	stream.indirect.gather [hbm4b:s4+s24], $0x80, s1, s24, $0xb8;
	[tilespmem:$0x1E800] =	vst v63  }
0x5a: {  	_ =	swait.ge [sflag:s26], $0x4000  }
0x5b: {  	[sflag:s26] =	ssyncset.done $0x0  }
0x5c: {  	[sflag:s26] =	ssyncadd.s32 $0xFFFFC000  }
0x5d: {  	[spmem:s2] =	stream.indirect.scatter.add.f32 [tilespmem:s21], [sflag:$0x3], $0x80, s29, s24, $0xb8;
	[tilespmem:$0x1E800] =	vst v63  }
0x5e: {  	_ =	swait.ge [sflag:s22], $0x4000  }
0x5f: {  	[sflag:s22] =	ssyncset.done $0x0  }
0x60: {  	[sflag:s22] =	ssyncadd.s32 $0xFFFFC000  }
0x61: {  	_ =	swait.ge [sflag:s28], $0x4000  }
0x62: {  	[sflag:s28] =	ssyncset.done $0x0  }
0x63: {  	[sflag:s28] =	ssyncadd.s32 $0xFFFFC000  }
0x64: {  	[spmem:s2] =	stream.indirect.scatter.add.f32 [tilespmem:s25], [sflag:$0x3], $0x80, s30, s24, $0xb8;
	[tilespmem:$0x1E800] =	vst v63  }
0x65: {  	_ =	swait.ge [sflag:s22], $0x4000  }
0x66: {  	[sflag:s22] =	ssyncset.done $0x0  }
0x67: {  	s0 =	simm.s32 $0x0;
	[sflag:s22] =	ssyncadd.s32 $0xFFFFC000  }
0x68: {  	[tilespmem:s0], [sflag:$0x3] =	stream.linear.gather [hbm4b:s19+s0], $0x1400, $0x38;
	[tilespmem:$0x1E800] =	vst v63  }
0x69: {  	_ =	swait.ge [sflag:s22], $0x1400  }
0x6a: {  	[sflag:s22] =	ssyncset.done $0x0  }
0x6b: {  	[sflag:s22] =	ssyncadd.s32 $0xFFFFEC00  }
0x6c: {  	[tilespmem:s23], [sflag:$0x3] =	stream.linear.gather [hbm4b:s20+s0], $0x1400, $0x38;
	[tilespmem:$0x1E800] =	vst v63  }
0x6d: {  	_ =	swait.ge [sflag:s22], $0x1400  }
0x6e: {  	[sflag:s22] =	ssyncset.done $0x0  }
0x6f: {  	[sflag:s22] =	ssyncadd.s32 $0xFFFFEC00  }
0x70: {  	[tilespmem:s21], [sflag:$0x1] =	stream.indirect.gather [hbm4b:s4+s24], $0x80, s0, s24, $0xb8;
	[tilespmem:$0x1E800] =	vst v63  }
0x71: {  	_ = 	snop  }
0x72: {  	[tilespmem:s25], [sflag:$0x2] =	stream.indirect.gather [hbm4b:s4+s24], $0x80, s24, s24, $0xb8;
	[tilespmem:$0x1E800] =	vst v63  }
0x73: {  	_ =	swait.ge [sflag:s26], $0x4000  }
0x74: {  	[sflag:s26] =	ssyncset.done $0x0  }
0x75: {  	s5 =	simm.s32 $0x1400;
	[sflag:s26] =	ssyncadd.s32 $0xFFFFC000  }
0x76: {  	[spmem:s2] =	stream.indirect.scatter.add.f32 [tilespmem:s21], [sflag:$0x3], $0x80, s5, s24, $0xb8;
	[tilespmem:$0x1E800] =	vst v63  }
0x77: {  	_ =	swait.ge [sflag:s22], $0x4000  }
0x78: {  	[sflag:s22] =	ssyncset.done $0x0  }
0x79: {  	s1 =	simm.s32 $0x100;
	[sflag:s22] =	ssyncadd.s32 $0xFFFFC000  }
0x7a: {  	[tilespmem:s21], [sflag:$0x1] =	stream.indirect.gather [hbm4b:s4+s24], $0x80, s1, s24, $0xb8;
	[tilespmem:$0x1E800] =	vst v63  }
0x7b: {  	_ =	swait.ge [sflag:s28], $0x4000  }
0x7c: {  	[sflag:s28] =	ssyncset.done $0x0  }
0x7d: {  	s5 =	simm.s32 $0x1480;
	[sflag:s28] =	ssyncadd.s32 $0xFFFFC000  }
0x7e: {  	[spmem:s2] =	stream.indirect.scatter.add.f32 [tilespmem:s25], [sflag:$0x3], $0x80, s5, s24, $0xb8;
	[tilespmem:$0x1E800] =	vst v63  }
0x7f: {  	_ =	swait.ge [sflag:s22], $0x4000  }
0x80: {  	[sflag:s22] =	ssyncset.done $0x0  }
0x81: {  	s0 =	simm.s32 $0x400;
	s1 =	simm.s32 $0x180;
	[sflag:s22] =	ssyncadd.s32 $0xFFFFC000  }
.LBB2_4:
0x82: {  	[tilespmem:s25], [sflag:$0x2] =	stream.indirect.gather [hbm4b:s4+s24], $0x80, s1, s24, $0xb8;
	[tilespmem:$0x1E800] =	vst v63  }
0x83: {  	s1 =	smov.u32 s0  }
0x84: {  	p0 =	sne.s32 s0, $0x4800;
	s0 =	sadd.s32 $0x400, s0;
	_ =	swait.ge [sflag:s26], $0x4000  }
0x85: {  	s1 =	sshra.s32 s1, $0x2;
	[sflag:s26] =	ssyncset.done $0x0  }
0x86: {  	s5 =	sadd.s32 $0x1400, s1;
	[sflag:s26] =	ssyncadd.s32 $0xFFFFC000  }
0x87: {  	[spmem:s2] =	stream.indirect.scatter.add.f32 [tilespmem:s21], [sflag:$0x3], $0x80, s5, s24, $0xb8;
	[tilespmem:$0x1E800] =	vst v63  }
0x88: {  	_ =	swait.ge [sflag:s22], $0x4000  }
0x89: {  	[sflag:s22] =	ssyncset.done $0x0  }
0x8a: {  	s5 =	sadd.s32 $0x100, s1;
	[sflag:s22] =	ssyncadd.s32 $0xFFFFC000  }
0x8b: {  	[tilespmem:s21], [sflag:$0x1] =	stream.indirect.gather [hbm4b:s4+s24], $0x80, s5, s24, $0xb8;
	[tilespmem:$0x1E800] =	vst v63  }
0x8c: {  	_ =	swait.ge [sflag:s28], $0x4000  }
0x8d: {  	[sflag:s28] =	ssyncset.done $0x0  }
.Ltmp1:
0x8e: {  	s5 =	sadd.s32 $0x1480, s1;
	[sflag:s28] =	ssyncadd.s32 $0xFFFFC000;
	(pc) =	sbr.rel @p0 .LBB2_4-.Ltmp1, $4  }
0x8f: {  	[spmem:s2] =	stream.indirect.scatter.add.f32 [tilespmem:s25], [sflag:$0x3], $0x80, s5, s24, $0xb8;
	[tilespmem:$0x1E800] =	vst v63  }
0x90: {  	_ =	swait.ge [sflag:s22], $0x4000  }
0x91: {  	[sflag:s22] =	ssyncset.done $0x0  }
0x92: {  	s1 =	sadd.s32 $0x180, s1;
	[sflag:s22] =	ssyncadd.s32 $0xFFFFC000  }
0x93: {  	[tilespmem:s25], [sflag:$0x2] =	stream.indirect.gather [hbm4b:s4+s24], $0x80, s1, s24, $0xb8;
	[tilespmem:$0x1E800] =	vst v63  }
0x94: {  	_ =	swait.ge [sflag:s26], $0x4000  }
0x95: {  	[sflag:s26] =	ssyncset.done $0x0  }
0x96: {  	[sflag:s26] =	ssyncadd.s32 $0xFFFFC000  }
0x97: {  	[spmem:s2] =	stream.indirect.scatter.add.f32 [tilespmem:s21], [sflag:$0x3], $0x80, s29, s24, $0xb8;
	[tilespmem:$0x1E800] =	vst v63  }
0x98: {  	_ =	swait.ge [sflag:s22], $0x4000  }
0x99: {  	[sflag:s22] =	ssyncset.done $0x0  }
0x9a: {  	[sflag:s22] =	ssyncadd.s32 $0xFFFFC000  }
0x9b: {  	_ =	swait.ge [sflag:s28], $0x4000  }
0x9c: {  	[sflag:s28] =	ssyncset.done $0x0  }
0x9d: {  	[sflag:s28] =	ssyncadd.s32 $0xFFFFC000  }
0x9e: {  	[spmem:s2] =	stream.indirect.scatter.add.f32 [tilespmem:s25], [sflag:$0x3], $0x80, s30, s24, $0xb8;
	[tilespmem:$0x1E800] =	vst v63  }
0x9f: {  	_ =	swait.ge [sflag:s22], $0x4000  }
0xa0: {  	[sflag:s22] =	ssyncset.done $0x0  }
0xa1: {  	[sflag:s22] =	ssyncadd.s32 $0xFFFFC000  }
0xa2: {  	[bflag:$0x0] =	sbarrier.arrive $0xFFFF  }
0xa3: {  	[tilespmem:s21], [sflag:$0x3] =	stream.linear.gather [spmem:s6], $0x4000, $0x38;
	[tilespmem:$0x1E800] =	vst v63  }
0xa4: {  	_ =	swait.ge [sflag:s22], $0x4000  }
0xa5: {  	[sflag:s22] =	ssyncset.done $0x0  }
0xa6: {  	[sflag:s22] =	ssyncadd.s32 $0xFFFFC000  }
0xa7: {  	[hbm4b:s11+s3] =	stream.linear.scatter [tilespmem:s21], [sflag:$0x3], $0x4000, $0x38;
	[tilespmem:$0x1E800] =	vst v63  }
0xa8: {  	_ =	swait.ge [sflag:s22], $0x4000  }
0xa9: {  	[sflag:s22] =	ssyncset.done $0x0  }
0xaa: {  	[sflag:s22] =	ssyncadd.s32 $0xFFFFC000  }
0xab: {  	[tilespmem:s21], [sflag:$0x3] =	stream.linear.gather [spmem:s7], $0x4000, $0x38;
	[tilespmem:$0x1E800] =	vst v63  }
0xac: {  	_ =	swait.ge [sflag:s22], $0x4000  }
0xad: {  	[sflag:s22] =	ssyncset.done $0x0  }
0xae: {  	[sflag:s22] =	ssyncadd.s32 $0xFFFFC000  }
0xaf: {  	[hbm4b:s12+s3] =	stream.linear.scatter [tilespmem:s21], [sflag:$0x3], $0x4000, $0x38;
	[tilespmem:$0x1E800] =	vst v63  }
0xb0: {  	_ =	swait.ge [sflag:s22], $0x4000  }
0xb1: {  	[sflag:s22] =	ssyncset.done $0x0  }
0xb2: {  	[sflag:s22] =	ssyncadd.s32 $0xFFFFC000  }
0xb3: {  	[tilespmem:s21], [sflag:$0x3] =	stream.linear.gather [spmem:s8], $0x4000, $0x38;
	[tilespmem:$0x1E800] =	vst v63  }
0xb4: {  	_ =	swait.ge [sflag:s22], $0x4000  }
0xb5: {  	[sflag:s22] =	ssyncset.done $0x0  }
0xb6: {  	[sflag:s22] =	ssyncadd.s32 $0xFFFFC000  }
0xb7: {  	[hbm4b:s13+s3] =	stream.linear.scatter [tilespmem:s21], [sflag:$0x3], $0x4000, $0x38;
	[tilespmem:$0x1E800] =	vst v63  }
0xb8: {  	_ =	swait.ge [sflag:s22], $0x4000  }
0xb9: {  	[sflag:s22] =	ssyncset.done $0x0  }
0xba: {  	[sflag:s22] =	ssyncadd.s32 $0xFFFFC000  }
0xbb: {  	[tilespmem:s21], [sflag:$0x3] =	stream.linear.gather [spmem:s9], $0x4000, $0x38;
	[tilespmem:$0x1E800] =	vst v63  }
0xbc: {  	_ =	swait.ge [sflag:s22], $0x4000  }
0xbd: {  	[sflag:s22] =	ssyncset.done $0x0  }
0xbe: {  	[sflag:s22] =	ssyncadd.s32 $0xFFFFC000  }
0xbf: {  	[hbm4b:s14+s3] =	stream.linear.scatter [tilespmem:s21], [sflag:$0x3], $0x4000, $0x38;
	[tilespmem:$0x1E800] =	vst v63  }
0xc0: {  	_ =	swait.ge [sflag:s22], $0x4000  }
0xc1: {  	[sflag:s22] =	ssyncset.done $0x0  }
0xc2: {  	[sflag:s22] =	ssyncadd.s32 $0xFFFFC000  }
0xc3: {  	[tilespmem:s21], [sflag:$0x3] =	stream.linear.gather [spmem:s10], $0x4000, $0x38;
	[tilespmem:$0x1E800] =	vst v63  }
0xc4: {  	s31 =	sadd.s32 $0x1, s31;
	_ =	swait.ge [sflag:s22], $0x4000  }
0xc5: {  	p0 =	sne.s32 s31, s16;
	[sflag:s22] =	ssyncset.done $0x0  }
.Ltmp2:
0xc6: {  	[sflag:s22] =	ssyncadd.s32 $0xFFFFC000;
	(pc) =	sbr.rel @p0 .LBB2_1-.Ltmp2, $4  }
0xc7: {  	[hbm4b:s15+s3] =	stream.linear.scatter [tilespmem:s21], [sflag:$0x3], $0x4000, $0x38;
	[tilespmem:$0x1E800] =	vst v63  }
0xc8: {  	_ =	swait.ge [sflag:s22], $0x4000  }
0xc9: {  	[sflag:s22] =	ssyncset.done $0x0  }
0xca: {  	[sflag:s22] =	ssyncadd.s32 $0xFFFFC000  }
0xcb: {  	_ =	sfence.sel $0x180000  }
0xcc: {  	[bflag:$0x0] =	sbarrier.arrive $0xFFFF  }
0xcd: {  	_ =	strace $0x90000050  }
0xce: {  	s0 =	stileid.u32;
	[bflag:$0x2] =	sbarrier.arrive $0xFFFF  }
0xcf: {  	p0 =	sne.s32 s0, $0x0;
	s0 =	rddreg [dreg:$0x2]  }
0xd0: {  	s0 =	sadd.s32 @!p0 $0x100000, s0  }
0xd1: {  	[sflag:s0] =	ssyncadd.tile.s32 @!p0 $0x1;
	_ =	shalt  }
.Lfunc_end2:
_tile_overlayer_lowered:
.L_overlay_start_2:
0xd2: {  	(tag) =	ssettag $0x2  }
0xd3: {  	s0 =	rddreg [dreg:$0x0];
	s2 =	stileid.u32  }
0xd4: {  	s1 =	rddreg [dreg:$0x1];
	p0 =	sne.s32 s2, $0x0  }
0xd5: {  	s3 =	rddreg [dreg:$0x2];
	[bflag:$0x3] =	sbarrier.arrive $0xFFFF;
	s2 =	simm.s32 @!p0 $0x1C03  }
0xd6: {  	[timem:s3], [sflag:s2] =	dma.local @!p0 [hbm:s0], s1  }
0xd7: {  	s0 =	simm.s32 @!p0 $0x3  }
0xd8: {  	_ =	swait.ge @!p0 [sflag:s0], s1  }
0xd9: {  	s1 =	ssub.s32 @!p0 $0x0, s1;
	[sflag:s0] =	ssyncset.done @!p0 $0x0  }
0xda: {  	[sflag:s0] =	ssyncadd.s32 @!p0 s1  }
0xdb: {  	[bflag:$0x3] =	sbarrier.arrive $0xFFFF  }
0xdc: {  	_ =	shalt  }

</sc_bundles>
